<compile_context>
chip_gen: v7x
topology: tpu7x:2x2x1
jax: 0.10.2.dev20260603
libtpu: 0.0.44.dev20260713+nightly
codegen_flags: <defaults>
</compile_context>

<pallas_src>
import functools

import jax
import jax.numpy as jnp
import numpy as np
from jax import lax
from jax.experimental import pallas as pl
from jax.experimental.pallas import tpu as pltpu
from jax.experimental.pallas import tpu_sc as plsc

_LANES = 16
_MAGIC = np.int32(0x5F3759DF)
_B = 16384
_SUPER = 8192
_PIECE = 4096


def _tm_body(n, t_hbm, tab_hbm, trans_hbm, quat_hbm,
             tab_v, in0, in1, slab0, slab1, isem0, isem1, osem0, osem1):
    wid = lax.axis_index("s") * 2 + lax.axis_index("c")
    cnt = jnp.where(wid < 16, 13, 12)
    start = 12 * wid + jnp.minimum(wid, 16)
    ins, slabs = (in0, in1), (slab0, slab1)
    isems, osems = (isem0, isem1), (osem0, osem1)

    pltpu.sync_copy(tab_hbm, tab_v)

    def in_copy(i, h):
        k0 = (start + i) * _SUPER + h * _PIECE
        return pltpu.make_async_copy(
            t_hbm.at[pl.ds(k0, _PIECE)], ins[h], isems[h])

    def out_copies(i, o):
        k0 = (start + i) * _SUPER
        lblk = k0 // _B
        qbase = lblk * (4 * _B) + (k0 - lblk * _B)
        cps = []
        for c in range(3):
            cps.append(pltpu.make_async_copy(
                slabs[o].at[pl.ds(c * _SUPER, _SUPER)],
                trans_hbm.at[pl.ds(c * n + k0, _SUPER)], osems[o]))
        for c in range(4):
            cps.append(pltpu.make_async_copy(
                slabs[o].at[pl.ds((3 + c) * _SUPER, _SUPER)],
                quat_hbm.at[pl.ds(qbase + c * _B, _SUPER)], osems[o]))
        return cps

    def compute_half(h, o):
        tf_v, out_v = ins[h], slabs[o]
        off = h * _PIECE

        @plsc.parallel_loop(0, _PIECE // _LANES, unroll=4)
        def vec_body(j):
            tf = tf_v[pl.ds(j * _LANES, _LANES)]
            x = tf * 99.0
            xi = x.astype(jnp.int32)
            im1 = jnp.minimum(jnp.maximum(xi, 0), 98)
            u = x - im1.astype(jnp.float32)
            fl = im1 * 8
            words = [plsc.load_gather(tab_v, [fl + c]) for c in range(7)]
            out = []
            for w in words:
                lo = lax.bitcast_convert_type(
                    lax.shift_left(w, 16), jnp.float32)
                hi = lax.bitcast_convert_type(
                    lax.bitwise_and(w, np.int32(-65536)), jnp.float32)
                out.append(lo + u * (hi - lo))
            q0, q1, q2, q3 = out[3], out[4], out[5], out[6]
            ss = q0 * q0 + q1 * q1 + q2 * q2 + q3 * q3
            ss = jnp.maximum(ss, 1e-24)
            ii = lax.bitcast_convert_type(ss, jnp.int32)
            ii = _MAGIC - lax.shift_right_logical(ii, 1)
            y = lax.bitcast_convert_type(ii, jnp.float32)
            y = y * (1.5 - (0.5 * ss) * y * y)
            for c in range(3):
                out_v[pl.ds(c * _SUPER + off + j * _LANES, _LANES)] = out[c]
            for c in range(4):
                out_v[pl.ds((3 + c) * _SUPER + off + j * _LANES, _LANES)] = (
                    out[3 + c] * y)

    def super_body(i, o):
        @pl.when(i >= 2)
        def _drain_prev():
            for cp in out_copies(i - 2, o):
                cp.wait()

        for h in (0, 1):
            in_copy(i, h).wait()
            compute_half(h, o)

            @pl.when(i + 1 < cnt)
            def _next_in():
                in_copy(i + 1, h).start()

        for cp in out_copies(i, o):
            cp.start()

    in_copy(0, 0).start()
    in_copy(0, 1).start()

    def pair(p, carry):
        for o in (0, 1):
            super_body(2 * p + o, o)
        return carry

    lax.fori_loop(0, 6, pair, 0)

    @pl.when(cnt > 12)
    def _tail():
        super_body(12, 0)

    for cp in out_copies(0, 0):
        cp.wait()
    for cp in out_copies(1, 1):
        cp.wait()


@jax.jit
def kernel(t, translations, quaternions, keyframe_times):
    b, l = t.shape
    tk = t.T.reshape(-1)
    n = tk.shape[0]

    qn = quaternions / jnp.maximum(
        jnp.linalg.norm(quaternions, axis=-1, keepdims=True), 1e-12)
    v = jnp.concatenate([translations, qn], axis=1)
    lo16 = lax.bitcast_convert_type(
        v[:-1].astype(jnp.bfloat16), jnp.uint16).astype(jnp.uint32)
    hi16 = lax.bitcast_convert_type(
        v[1:].astype(jnp.bfloat16), jnp.uint16).astype(jnp.uint32)
    words = ((hi16 << 16) | lo16).astype(jnp.int32)
    tab = jnp.concatenate(
        [words, jnp.zeros((words.shape[0], 1), jnp.int32)], axis=1)
    tab = tab.reshape(-1)

    assert b == _B and (b * l) % (32 * _SUPER) == 8192 * 16

    mesh = plsc.VectorSubcoreMesh(core_axis_name="c", subcore_axis_name="s")
    run = pl.kernel(
        functools.partial(_tm_body, n),
        out_type=[
            jax.ShapeDtypeStruct((3 * n,), jnp.float32),
            jax.ShapeDtypeStruct((4 * n,), jnp.float32),
        ],
        mesh=mesh,
        compiler_params=pltpu.CompilerParams(needs_layout_passes=False),
        scratch_types=[
            pltpu.VMEM((tab.shape[0],), jnp.int32),
            pltpu.VMEM((_PIECE,), jnp.float32),
            pltpu.VMEM((_PIECE,), jnp.float32),
            pltpu.VMEM((7 * _SUPER,), jnp.float32),
            pltpu.VMEM((7 * _SUPER,), jnp.float32),
            pltpu.SemaphoreType.DMA,
            pltpu.SemaphoreType.DMA,
            pltpu.SemaphoreType.DMA,
            pltpu.SemaphoreType.DMA,
        ],
    )
    t3, q4 = run(tk, tab)
    trans = t3.reshape(3, l, b).transpose(2, 1, 0)
    quat = q4.reshape(l, 4, b).transpose(2, 0, 1)
    return trans, quat

# --- scband reference (transcript-rebuilt; emitter-appended) ---
"""Pipeline reference for scband-temporal-motor-67963562492054 (READ-ONLY COPY).

The authoritative reference and input builder live on the scoring server;
editing this copy changes nothing except your own understanding.
"""

import jax, jax.numpy as jnp
import numpy as np

NUM_KEYFRAMES = 100
B, L = 16384, 200


def setup_inputs(seed: int = 0) -> dict:
    key = jax.random.key(seed)
    k1, k2, k3 = jax.random.split(key, 3)
    t = jax.random.uniform(k1, (B, L), dtype=jnp.float32)
    translations = jax.random.normal(k2, (NUM_KEYFRAMES, 3), dtype=jnp.float32)
    quaternions = jax.random.normal(k3, (NUM_KEYFRAMES, 4), dtype=jnp.float32)
    keyframe_times = jnp.linspace(0.0, 1.0, NUM_KEYFRAMES, dtype=jnp.float32)
    return {"t": t, "translations": translations, "quaternions": quaternions, "keyframe_times": keyframe_times}


def _normalize(x, axis=-1, eps=1e-12):
    n = jnp.linalg.norm(x, axis=axis, keepdims=True)
    return x / jnp.maximum(n, eps)


def reference(t, translations, quaternions, keyframe_times):
    # keyframe parameterization with 'nlerp' (non-slerp) interpolation, vectorized
    q = _normalize(quaternions, axis=-1)
    orig_shape = t.shape
    tf = t.reshape(-1)
    K = keyframe_times.shape[0]
    idx = jnp.searchsorted(keyframe_times, tf)  # side='left', matches torch default
    idx = jnp.clip(idx, 1, K - 1)
    idx_prev = idx - 1
    t_prev = keyframe_times[idx_prev]
    t_next = keyframe_times[idx]
    local_t = (tf - t_prev) / (t_next - t_prev + 1e-08)
    lt = local_t[:, None]
    trans = (1.0 - lt) * translations[idx_prev] + lt * translations[idx]
    quat = (1.0 - lt) * q[idx_prev] + lt * q[idx]
    quat = _normalize(quat, axis=-1)
    return (trans.reshape(*orig_shape, 3), quat.reshape(*orig_shape, 4))

if __name__ == "__main__":
    import jax
    _d = setup_inputs()
    print(jax.jit(kernel)(*tuple(_d.values())))

</pallas_src>

<mosaic_0001>
#map = affine_map<(d0, d1) -> (0)>
module attributes {stable_mosaic.version = 14 : i64} {
  func.func @_tm_body(%arg0: i32, %arg1: i32, %arg2: memref<3276800xf32, #tpu.memory_space<hbm>>, %arg3: memref<792xi32, #tpu.memory_space<hbm>>, %arg4: memref<9830400xf32, #tpu.memory_space<hbm>>, %arg5: memref<13107200xf32, #tpu.memory_space<hbm>>, %arg6: memref<792xi32, #tpu.memory_space<vmem>>, %arg7: memref<4096xf32, #tpu.memory_space<vmem>>, %arg8: memref<4096xf32, #tpu.memory_space<vmem>>, %arg9: memref<57344xf32, #tpu.memory_space<vmem>>, %arg10: memref<57344xf32, #tpu.memory_space<vmem>>, %arg11: memref<!tpu.dma_semaphore, #tpu.memory_space<semaphore_mem>>, %arg12: memref<!tpu.dma_semaphore, #tpu.memory_space<semaphore_mem>>, %arg13: memref<!tpu.dma_semaphore, #tpu.memory_space<semaphore_mem>>, %arg14: memref<!tpu.dma_semaphore, #tpu.memory_space<semaphore_mem>>) attributes {dimension_semantics = [#tpu.dimension_semantics<core_parallel>, #tpu.dimension_semantics<subcore_parallel>], iteration_bounds = array<i64: 2, 16>, scalar_prefetch = 0 : i64, scratch_operands = 9 : i64, tpu.core_type = #tpu.core_type<sc_vector_subcore>, window_params = [{transform_indices = #map}, {transform_indices = #map}, {transform_indices = #map}, {transform_indices = #map}]} {
    %mul3A = arith.constant 2 : i32
    %mul3A_0 = arith.muli %arg1, %mul3A : i32
    %add3A = arith.addi %mul3A_0, %arg0 : i32
    %lt3A = arith.constant 16 : i32
    %lt3A_1 = arith.cmpi slt, %add3A, %lt3A : i32
    %jit3A = arith.constant 13 : i32
    %jit3A_2 = arith.constant 12 : i32
    %select_n3A = arith.select %lt3A_1, %jit3A, %jit3A_2 : i32
    %mul3A_3 = arith.constant 12 : i32
    %mul3A_4 = arith.muli %mul3A_3, %add3A : i32
    %min3A = arith.constant 16 : i32
    %min3A_5 = arith.minsi %add3A, %min3A : i32
    %add3A_6 = arith.addi %mul3A_4, %min3A_5 : i32
    "tpu.region"() ({
      %run_scoped3A = tpu.sem_alloc : memref<!tpu.dma_semaphore, #tpu.memory_space<semaphore_mem>>
      tpu.enqueue_dma source(%arg3 : memref<792xi32, #tpu.memory_space<hbm>>) target(%arg6 : memref<792xi32, #tpu.memory_space<vmem>>) target_semaphore(%run_scoped3A : memref<!tpu.dma_semaphore, #tpu.memory_space<semaphore_mem>>)
      tpu.wait_dma2 semaphore(%run_scoped3A : memref<!tpu.dma_semaphore, #tpu.memory_space<semaphore_mem>>) src(%arg3 : memref<792xi32, #tpu.memory_space<hbm>>) dst(%arg6 : memref<792xi32, #tpu.memory_space<vmem>>)
      tpu.yield
    }) : () -> ()
    %add3A_7 = arith.constant 0 : i32
    %add3A_8 = arith.addi %add3A_6, %add3A_7 : i32
    %mul3A_9 = arith.constant 8192 : i32
    %mul3A_10 = arith.muli %add3A_8, %mul3A_9 : i32
    %add3A_11 = arith.constant 0 : i32
    %add3A_12 = arith.addi %mul3A_10, %add3A_11 : i32
    %dma_start3A = tpu.memref_slice %arg2[%add3A_12] : memref<3276800xf32, #tpu.memory_space<hbm>> -> memref<4096xf32, #tpu.memory_space<hbm>>
    %dma_start3A_13 = tpu.memref_slice %arg2[%add3A_12] : memref<3276800xf32, #tpu.memory_space<hbm>> -> memref<4096xf32, #tpu.memory_space<hbm>>
    tpu.enqueue_dma source(%dma_start3A_13 : memref<4096xf32, #tpu.memory_space<hbm>>) target(%arg7 : memref<4096xf32, #tpu.memory_space<vmem>>) target_semaphore(%arg11 : memref<!tpu.dma_semaphore, #tpu.memory_space<semaphore_mem>>)
    %add3A_14 = arith.constant 0 : i32
    %add3A_15 = arith.addi %add3A_6, %add3A_14 : i32
    %mul3A_16 = arith.constant 8192 : i32
    %mul3A_17 = arith.muli %add3A_15, %mul3A_16 : i32
    %add3A_18 = arith.constant 4096 : i32
    %add3A_19 = arith.addi %mul3A_17, %add3A_18 : i32
    %dma_start3A_20 = tpu.memref_slice %arg2[%add3A_19] : memref<3276800xf32, #tpu.memory_space<hbm>> -> memref<4096xf32, #tpu.memory_space<hbm>>
    %dma_start3A_21 = tpu.memref_slice %arg2[%add3A_19] : memref<3276800xf32, #tpu.memory_space<hbm>> -> memref<4096xf32, #tpu.memory_space<hbm>>
    tpu.enqueue_dma source(%dma_start3A_21 : memref<4096xf32, #tpu.memory_space<hbm>>) target(%arg8 : memref<4096xf32, #tpu.memory_space<vmem>>) target_semaphore(%arg12 : memref<!tpu.dma_semaphore, #tpu.memory_space<semaphore_mem>>)
    %scan3A = arith.constant 0 : i32
    %scan3A_22 = arith.constant 0 : i32
    %scan3A_23 = arith.constant 6 : i32
    %scan3A_24 = arith.addi %scan3A_22, %scan3A_23 : i32
    %scan3A_25 = arith.constant 1 : i32
    scf.for %scan3A_202 = %scan3A_22 to %scan3A_24 step %scan3A_25  : i32 {
      %mul3A_203 = arith.constant 2 : i32
      %mul3A_204 = arith.muli %mul3A_203, %scan3A_202 : i32
      %add3A_205 = arith.constant 0 : i32
      %add3A_206 = arith.addi %mul3A_204, %add3A_205 : i32
      %ge3A = arith.constant 2 : i32
      %ge3A_207 = arith.cmpi sge, %add3A_206, %ge3A : i32
      %convert_element_type3A_208 = arith.extui %ge3A_207 : i1 to i32
      %cond3A_209 = arith.constant 0 : i32
      %cond3A_210 = arith.cmpi ne, %convert_element_type3A_208, %cond3A_209 : i32
      scf.if %cond3A_210 {
        %sub3A_461 = arith.constant 2 : i32
        %sub3A_462 = arith.subi %add3A_206, %sub3A_461 : i32
        %add3A_463 = arith.addi %add3A_6, %sub3A_462 : i32
        %mul3A_464 = arith.constant 8192 : i32
        %mul3A_465 = arith.muli %add3A_463, %mul3A_464 : i32
        %jit3A_466 = arith.constant 16384 : i32
        %div3A_467 = arith.divsi %mul3A_465, %jit3A_466 : i32
        %sign3A_468 = arith.constant 0 : i32
        %sign3A_469 = arith.cmpi sgt, %mul3A_465, %sign3A_468 : i32
        %sign3A_470 = arith.extui %sign3A_469 : i1 to i32
        %sign3A_471 = arith.constant 0 : i32
        %sign3A_472 = arith.cmpi slt, %mul3A_465, %sign3A_471 : i32
        %sign3A_473 = arith.extui %sign3A_472 : i1 to i32
        %sign3A_474 = arith.subi %sign3A_470, %sign3A_473 : i32
        %sign3A_475 = arith.constant 0 : i32
        %sign3A_476 = arith.cmpi sgt, %jit3A_466, %sign3A_475 : i32
        %sign3A_477 = arith.extui %sign3A_476 : i1 to i32
        %sign3A_478 = arith.constant 0 : i32
        %sign3A_479 = arith.cmpi slt, %jit3A_466, %sign3A_478 : i32
        %sign3A_480 = arith.extui %sign3A_479 : i1 to i32
        %sign3A_481 = arith.subi %sign3A_477, %sign3A_480 : i32
        %ne3A_482 = arith.cmpi ne, %sign3A_474, %sign3A_481 : i32
        %rem3A_483 = arith.remsi %mul3A_465, %jit3A_466 : i32
        %ne3A_484 = arith.constant 0 : i32
        %ne3A_485 = arith.cmpi ne, %rem3A_483, %ne3A_484 : i32
        %and3A_486 = arith.andi %ne3A_482, %ne3A_485 : i1
        %sub3A_487 = arith.constant 1 : i32
        %sub3A_488 = arith.subi %div3A_467, %sub3A_487 : i32
        %select_n3A_489 = arith.select %and3A_486, %sub3A_488, %div3A_467 : i32
        %mul3A_490 = arith.constant 65536 : i32
        %mul3A_491 = arith.muli %select_n3A_489, %mul3A_490 : i32
        %mul3A_492 = arith.constant 16384 : i32
        %mul3A_493 = arith.muli %select_n3A_489, %mul3A_492 : i32
        %sub3A_494 = arith.subi %mul3A_465, %mul3A_493 : i32
        %add3A_495 = arith.addi %mul3A_491, %sub3A_494 : i32
        %add3A_496 = arith.constant 0 : i32
        %add3A_497 = arith.addi %add3A_496, %mul3A_465 : i32
        %add3A_498 = arith.constant 3276800 : i32
        %add3A_499 = arith.addi %add3A_498, %mul3A_465 : i32
        %add3A_500 = arith.constant 6553600 : i32
        %add3A_501 = arith.addi %add3A_500, %mul3A_465 : i32
        %add3A_502 = arith.constant 0 : i32
        %add3A_503 = arith.addi %add3A_495, %add3A_502 : i32
        %add3A_504 = arith.constant 16384 : i32
        %add3A_505 = arith.addi %add3A_495, %add3A_504 : i32
        %add3A_506 = arith.constant 32768 : i32
        %add3A_507 = arith.addi %add3A_495, %add3A_506 : i32
        %add3A_508 = arith.constant 49152 : i32
        %add3A_509 = arith.addi %add3A_495, %add3A_508 : i32
        %dma_wait3A_510 = arith.constant 0 : i32
        %dma_wait3A_511 = tpu.memref_slice %arg9[%dma_wait3A_510] : memref<57344xf32, #tpu.memory_space<vmem>> -> memref<8192xf32, #tpu.memory_space<vmem>>
        %dma_wait3A_512 = tpu.memref_slice %arg4[%add3A_497] : memref<9830400xf32, #tpu.memory_space<hbm>> -> memref<8192xf32, #tpu.memory_space<hbm>>
        %dma_wait3A_513 = tpu.memref_slice %arg4[%add3A_497] : memref<9830400xf32, #tpu.memory_space<hbm>> -> memref<8192xf32, #tpu.memory_space<hbm>>
        %dma_wait3A_514 = arith.constant 0 : i32
        %dma_wait3A_515 = tpu.memref_slice %arg9[%dma_wait3A_514] : memref<57344xf32, #tpu.memory_space<vmem>> -> memref<8192xf32, #tpu.memory_space<vmem>>
        tpu.wait_dma2 semaphore(%arg13 : memref<!tpu.dma_semaphore, #tpu.memory_space<semaphore_mem>>) src(%dma_wait3A_515 : memref<8192xf32, #tpu.memory_space<vmem>>) dst(%dma_wait3A_513 : memref<8192xf32, #tpu.memory_space<hbm>>)
        %dma_wait3A_516 = arith.constant 8192 : i32
        %dma_wait3A_517 = tpu.memref_slice %arg9[%dma_wait3A_516] : memref<57344xf32, #tpu.memory_space<vmem>> -> memref<8192xf32, #tpu.memory_space<vmem>>
        %dma_wait3A_518 = tpu.memref_slice %arg4[%add3A_499] : memref<9830400xf32, #tpu.memory_space<hbm>> -> memref<8192xf32, #tpu.memory_space<hbm>>
        %dma_wait3A_519 = tpu.memref_slice %arg4[%add3A_499] : memref<9830400xf32, #tpu.memory_space<hbm>> -> memref<8192xf32, #tpu.memory_space<hbm>>
        %dma_wait3A_520 = arith.constant 8192 : i32
        %dma_wait3A_521 = tpu.memref_slice %arg9[%dma_wait3A_520] : memref<57344xf32, #tpu.memory_space<vmem>> -> memref<8192xf32, #tpu.memory_space<vmem>>
        tpu.wait_dma2 semaphore(%arg13 : memref<!tpu.dma_semaphore, #tpu.memory_space<semaphore_mem>>) src(%dma_wait3A_521 : memref<8192xf32, #tpu.memory_space<vmem>>) dst(%dma_wait3A_519 : memref<8192xf32, #tpu.memory_space<hbm>>)
        %dma_wait3A_522 = arith.constant 16384 : i32
        %dma_wait3A_523 = tpu.memref_slice %arg9[%dma_wait3A_522] : memref<57344xf32, #tpu.memory_space<vmem>> -> memref<8192xf32, #tpu.memory_space<vmem>>
        %dma_wait3A_524 = tpu.memref_slice %arg4[%add3A_501] : memref<9830400xf32, #tpu.memory_space<hbm>> -> memref<8192xf32, #tpu.memory_space<hbm>>
        %dma_wait3A_525 = tpu.memref_slice %arg4[%add3A_501] : memref<9830400xf32, #tpu.memory_space<hbm>> -> memref<8192xf32, #tpu.memory_space<hbm>>
        %dma_wait3A_526 = arith.constant 16384 : i32
        %dma_wait3A_527 = tpu.memref_slice %arg9[%dma_wait3A_526] : memref<57344xf32, #tpu.memory_space<vmem>> -> memref<8192xf32, #tpu.memory_space<vmem>>
        tpu.wait_dma2 semaphore(%arg13 : memref<!tpu.dma_semaphore, #tpu.memory_space<semaphore_mem>>) src(%dma_wait3A_527 : memref<8192xf32, #tpu.memory_space<vmem>>) dst(%dma_wait3A_525 : memref<8192xf32, #tpu.memory_space<hbm>>)
        %dma_wait3A_528 = arith.constant 24576 : i32
        %dma_wait3A_529 = tpu.memref_slice %arg9[%dma_wait3A_528] : memref<57344xf32, #tpu.memory_space<vmem>> -> memref<8192xf32, #tpu.memory_space<vmem>>
        %dma_wait3A_530 = tpu.memref_slice %arg5[%add3A_503] : memref<13107200xf32, #tpu.memory_space<hbm>> -> memref<8192xf32, #tpu.memory_space<hbm>>
        %dma_wait3A_531 = tpu.memref_slice %arg5[%add3A_503] : memref<13107200xf32, #tpu.memory_space<hbm>> -> memref<8192xf32, #tpu.memory_space<hbm>>
        %dma_wait3A_532 = arith.constant 24576 : i32
        %dma_wait3A_533 = tpu.memref_slice %arg9[%dma_wait3A_532] : memref<57344xf32, #tpu.memory_space<vmem>> -> memref<8192xf32, #tpu.memory_space<vmem>>
        tpu.wait_dma2 semaphore(%arg13 : memref<!tpu.dma_semaphore, #tpu.memory_space<semaphore_mem>>) src(%dma_wait3A_533 : memref<8192xf32, #tpu.memory_space<vmem>>) dst(%dma_wait3A_531 : memref<8192xf32, #tpu.memory_space<hbm>>)
        %dma_wait3A_534 = arith.constant 32768 : i32
        %dma_wait3A_535 = tpu.memref_slice %arg9[%dma_wait3A_534] : memref<57344xf32, #tpu.memory_space<vmem>> -> memref<8192xf32, #tpu.memory_space<vmem>>
        %dma_wait3A_536 = tpu.memref_slice %arg5[%add3A_505] : memref<13107200xf32, #tpu.memory_space<hbm>> -> memref<8192xf32, #tpu.memory_space<hbm>>
        %dma_wait3A_537 = tpu.memref_slice %arg5[%add3A_505] : memref<13107200xf32, #tpu.memory_space<hbm>> -> memref<8192xf32, #tpu.memory_space<hbm>>
        %dma_wait3A_538 = arith.constant 32768 : i32
        %dma_wait3A_539 = tpu.memref_slice %arg9[%dma_wait3A_538] : memref<57344xf32, #tpu.memory_space<vmem>> -> memref<8192xf32, #tpu.memory_space<vmem>>
        tpu.wait_dma2 semaphore(%arg13 : memref<!tpu.dma_semaphore, #tpu.memory_space<semaphore_mem>>) src(%dma_wait3A_539 : memref<8192xf32, #tpu.memory_space<vmem>>) dst(%dma_wait3A_537 : memref<8192xf32, #tpu.memory_space<hbm>>)
        %dma_wait3A_540 = arith.constant 40960 : i32
        %dma_wait3A_541 = tpu.memref_slice %arg9[%dma_wait3A_540] : memref<57344xf32, #tpu.memory_space<vmem>> -> memref<8192xf32, #tpu.memory_space<vmem>>
        %dma_wait3A_542 = tpu.memref_slice %arg5[%add3A_507] : memref<13107200xf32, #tpu.memory_space<hbm>> -> memref<8192xf32, #tpu.memory_space<hbm>>
        %dma_wait3A_543 = tpu.memref_slice %arg5[%add3A_507] : memref<13107200xf32, #tpu.memory_space<hbm>> -> memref<8192xf32, #tpu.memory_space<hbm>>
        %dma_wait3A_544 = arith.constant 40960 : i32
        %dma_wait3A_545 = tpu.memref_slice %arg9[%dma_wait3A_544] : memref<57344xf32, #tpu.memory_space<vmem>> -> memref<8192xf32, #tpu.memory_space<vmem>>
        tpu.wait_dma2 semaphore(%arg13 : memref<!tpu.dma_semaphore, #tpu.memory_space<semaphore_mem>>) src(%dma_wait3A_545 : memref<8192xf32, #tpu.memory_space<vmem>>) dst(%dma_wait3A_543 : memref<8192xf32, #tpu.memory_space<hbm>>)
        %dma_wait3A_546 = arith.constant 49152 : i32
        %dma_wait3A_547 = tpu.memref_slice %arg9[%dma_wait3A_546] : memref<57344xf32, #tpu.memory_space<vmem>> -> memref<8192xf32, #tpu.memory_space<vmem>>
        %dma_wait3A_548 = tpu.memref_slice %arg5[%add3A_509] : memref<13107200xf32, #tpu.memory_space<hbm>> -> memref<8192xf32, #tpu.memory_space<hbm>>
        %dma_wait3A_549 = tpu.memref_slice %arg5[%add3A_509] : memref<13107200xf32, #tpu.memory_space<hbm>> -> memref<8192xf32, #tpu.memory_space<hbm>>
        %dma_wait3A_550 = arith.constant 49152 : i32
        %dma_wait3A_551 = tpu.memref_slice %arg9[%dma_wait3A_550] : memref<57344xf32, #tpu.memory_space<vmem>> -> memref<8192xf32, #tpu.memory_space<vmem>>
        tpu.wait_dma2 semaphore(%arg13 : memref<!tpu.dma_semaphore, #tpu.memory_space<semaphore_mem>>) src(%dma_wait3A_551 : memref<8192xf32, #tpu.memory_space<vmem>>) dst(%dma_wait3A_549 : memref<8192xf32, #tpu.memory_space<hbm>>)
      } else {
      }
      %add3A_211 = arith.addi %add3A_6, %add3A_206 : i32
      %mul3A_212 = arith.constant 8192 : i32
      %mul3A_213 = arith.muli %add3A_211, %mul3A_212 : i32
      %add3A_214 = arith.constant 0 : i32
      %add3A_215 = arith.addi %mul3A_213, %add3A_214 : i32
      %dma_wait3A_216 = tpu.memref_slice %arg2[%add3A_215] : memref<3276800xf32, #tpu.memory_space<hbm>> -> memref<4096xf32, #tpu.memory_space<hbm>>
      %dma_wait3A_217 = tpu.memref_slice %arg2[%add3A_215] : memref<3276800xf32, #tpu.memory_space<hbm>> -> memref<4096xf32, #tpu.memory_space<hbm>>
      tpu.wait_dma2 semaphore(%arg11 : memref<!tpu.dma_semaphore, #tpu.memory_space<semaphore_mem>>) src(%dma_wait3A_217 : memref<4096xf32, #tpu.memory_space<hbm>>) dst(%arg7 : memref<4096xf32, #tpu.memory_space<vmem>>)
      %parallel_loop3A = arith.constant 0 : i32
      %parallel_loop3A_218 = arith.constant 256 : i32
      %parallel_loop3A_219 = arith.constant 1 : i32
      scf.for %parallel_loop3A_461 = %parallel_loop3A to %parallel_loop3A_218 step %parallel_loop3A_219  : i32 {
        %parallel_loop3A_462 = arith.constant 16 : i32
        %parallel_loop3A_463 = arith.muli %parallel_loop3A_461, %parallel_loop3A_462 : i32
        %parallel_loop3A_464 = arith.index_cast %parallel_loop3A_463 : i32 to index
        %parallel_loop3A_465 = tpu.vector_load %arg7[%parallel_loop3A_464] {strides = array<i32>} : memref<4096xf32, #tpu.memory_space<vmem>>, vector<16xf32>,
        %parallel_loop3A_466 = arith.constant 9.900000e+01 : f32
        %parallel_loop3A_467 = vector.broadcast %parallel_loop3A_466 : f32 to vector<16xf32>
        %parallel_loop3A_468 = arith.mulf %parallel_loop3A_465, %parallel_loop3A_467 : vector<16xf32>
        %parallel_loop3A_469 = arith.fptosi %parallel_loop3A_468 : vector<16xf32> to vector<16xi32>
        %parallel_loop3A_470 = arith.constant 0 : i32
        %parallel_loop3A_471 = vector.broadcast %parallel_loop3A_470 : i32 to vector<16xi32>
        %parallel_loop3A_472 = arith.maxsi %parallel_loop3A_469, %parallel_loop3A_471 : vector<16xi32>
        %parallel_loop3A_473 = arith.constant 98 : i32
        %parallel_loop3A_474 = vector.broadcast %parallel_loop3A_473 : i32 to vector<16xi32>
        %parallel_loop3A_475 = arith.minsi %parallel_loop3A_472, %parallel_loop3A_474 : vector<16xi32>
        %parallel_loop3A_476 = arith.sitofp %parallel_loop3A_475 : vector<16xi32> to vector<16xf32>
        %parallel_loop3A_477 = arith.subf %parallel_loop3A_468, %parallel_loop3A_476 : vector<16xf32>
        %parallel_loop3A_478 = arith.constant 8 : i32
        %parallel_loop3A_479 = vector.broadcast %parallel_loop3A_478 : i32 to vector<16xi32>
        %parallel_loop3A_480 = arith.muli %parallel_loop3A_475, %parallel_loop3A_479 : vector<16xi32>
        %parallel_loop3A_481 = arith.constant 0 : i32
        %parallel_loop3A_482 = vector.broadcast %parallel_loop3A_481 : i32 to vector<16xi32>
        %parallel_loop3A_483 = arith.addi %parallel_loop3A_480, %parallel_loop3A_482 : vector<16xi32>
        %parallel_loop3A_484 = tpu.vector_load_idx %arg6[%parallel_loop3A_483] : memref<792xi32, #tpu.memory_space<vmem>>[vector<16xi32>], vector<16xi32>,
        %parallel_loop3A_485 = arith.constant 1 : i32
        %parallel_loop3A_486 = vector.broadcast %parallel_loop3A_485 : i32 to vector<16xi32>
        %parallel_loop3A_487 = arith.addi %parallel_loop3A_480, %parallel_loop3A_486 : vector<16xi32>
        %parallel_loop3A_488 = tpu.vector_load_idx %arg6[%parallel_loop3A_487] : memref<792xi32, #tpu.memory_space<vmem>>[vector<16xi32>], vector<16xi32>,
        %parallel_loop3A_489 = arith.constant 2 : i32
        %parallel_loop3A_490 = vector.broadcast %parallel_loop3A_489 : i32 to vector<16xi32>
        %parallel_loop3A_491 = arith.addi %parallel_loop3A_480, %parallel_loop3A_490 : vector<16xi32>
        %parallel_loop3A_492 = tpu.vector_load_idx %arg6[%parallel_loop3A_491] : memref<792xi32, #tpu.memory_space<vmem>>[vector<16xi32>], vector<16xi32>,
        %parallel_loop3A_493 = arith.constant 3 : i32
        %parallel_loop3A_494 = vector.broadcast %parallel_loop3A_493 : i32 to vector<16xi32>
        %parallel_loop3A_495 = arith.addi %parallel_loop3A_480, %parallel_loop3A_494 : vector<16xi32>
        %parallel_loop3A_496 = tpu.vector_load_idx %arg6[%parallel_loop3A_495] : memref<792xi32, #tpu.memory_space<vmem>>[vector<16xi32>], vector<16xi32>,
        %parallel_loop3A_497 = arith.constant 4 : i32
        %parallel_loop3A_498 = vector.broadcast %parallel_loop3A_497 : i32 to vector<16xi32>
        %parallel_loop3A_499 = arith.addi %parallel_loop3A_480, %parallel_loop3A_498 : vector<16xi32>
        %parallel_loop3A_500 = tpu.vector_load_idx %arg6[%parallel_loop3A_499] : memref<792xi32, #tpu.memory_space<vmem>>[vector<16xi32>], vector<16xi32>,
        %parallel_loop3A_501 = arith.constant 5 : i32
        %parallel_loop3A_502 = vector.broadcast %parallel_loop3A_501 : i32 to vector<16xi32>
        %parallel_loop3A_503 = arith.addi %parallel_loop3A_480, %parallel_loop3A_502 : vector<16xi32>
        %parallel_loop3A_504 = tpu.vector_load_idx %arg6[%parallel_loop3A_503] : memref<792xi32, #tpu.memory_space<vmem>>[vector<16xi32>], vector<16xi32>,
        %parallel_loop3A_505 = arith.constant 6 : i32
        %parallel_loop3A_506 = vector.broadcast %parallel_loop3A_505 : i32 to vector<16xi32>
        %parallel_loop3A_507 = arith.addi %parallel_loop3A_480, %parallel_loop3A_506 : vector<16xi32>
        %parallel_loop3A_508 = tpu.vector_load_idx %arg6[%parallel_loop3A_507] : memref<792xi32, #tpu.memory_space<vmem>>[vector<16xi32>], vector<16xi32>,
        %parallel_loop3A_509 = arith.constant 16 : i32
        %parallel_loop3A_510 = vector.broadcast %parallel_loop3A_509 : i32 to vector<16xi32>
        %parallel_loop3A_511 = arith.shli %parallel_loop3A_484, %parallel_loop3A_510 : vector<16xi32>
        %parallel_loop3A_512 = tpu.bitcast %parallel_loop3A_511 : vector<16xi32> -> vector<16xf32>
        %parallel_loop3A_513 = arith.constant -65536 : i32
        %parallel_loop3A_514 = vector.broadcast %parallel_loop3A_513 : i32 to vector<16xi32>
        %parallel_loop3A_515 = arith.andi %parallel_loop3A_484, %parallel_loop3A_514 : vector<16xi32>
        %parallel_loop3A_516 = tpu.bitcast %parallel_loop3A_515 : vector<16xi32> -> vector<16xf32>
        %parallel_loop3A_517 = arith.subf %parallel_loop3A_516, %parallel_loop3A_512 : vector<16xf32>
        %parallel_loop3A_518 = arith.mulf %parallel_loop3A_477, %parallel_loop3A_517 : vector<16xf32>
        %parallel_loop3A_519 = arith.addf %parallel_loop3A_512, %parallel_loop3A_518 : vector<16xf32>
        %parallel_loop3A_520 = arith.constant 16 : i32
        %parallel_loop3A_521 = vector.broadcast %parallel_loop3A_520 : i32 to vector<16xi32>
        %parallel_loop3A_522 = arith.shli %parallel_loop3A_488, %parallel_loop3A_521 : vector<16xi32>
        %parallel_loop3A_523 = tpu.bitcast %parallel_loop3A_522 : vector<16xi32> -> vector<16xf32>
        %parallel_loop3A_524 = arith.constant -65536 : i32
        %parallel_loop3A_525 = vector.broadcast %parallel_loop3A_524 : i32 to vector<16xi32>
        %parallel_loop3A_526 = arith.andi %parallel_loop3A_488, %parallel_loop3A_525 : vector<16xi32>
        %parallel_loop3A_527 = tpu.bitcast %parallel_loop3A_526 : vector<16xi32> -> vector<16xf32>
        %parallel_loop3A_528 = arith.subf %parallel_loop3A_527, %parallel_loop3A_523 : vector<16xf32>
        %parallel_loop3A_529 = arith.mulf %parallel_loop3A_477, %parallel_loop3A_528 : vector<16xf32>
        %parallel_loop3A_530 = arith.addf %parallel_loop3A_523, %parallel_loop3A_529 : vector<16xf32>
        %parallel_loop3A_531 = arith.constant 16 : i32
        %parallel_loop3A_532 = vector.broadcast %parallel_loop3A_531 : i32 to vector<16xi32>
        %parallel_loop3A_533 = arith.shli %parallel_loop3A_492, %parallel_loop3A_532 : vector<16xi32>
        %parallel_loop3A_534 = tpu.bitcast %parallel_loop3A_533 : vector<16xi32> -> vector<16xf32>
        %parallel_loop3A_535 = arith.constant -65536 : i32
        %parallel_loop3A_536 = vector.broadcast %parallel_loop3A_535 : i32 to vector<16xi32>
        %parallel_loop3A_537 = arith.andi %parallel_loop3A_492, %parallel_loop3A_536 : vector<16xi32>
        %parallel_loop3A_538 = tpu.bitcast %parallel_loop3A_537 : vector<16xi32> -> vector<16xf32>
        %parallel_loop3A_539 = arith.subf %parallel_loop3A_538, %parallel_loop3A_534 : vector<16xf32>
        %parallel_loop3A_540 = arith.mulf %parallel_loop3A_477, %parallel_loop3A_539 : vector<16xf32>
        %parallel_loop3A_541 = arith.addf %parallel_loop3A_534, %parallel_loop3A_540 : vector<16xf32>
        %parallel_loop3A_542 = arith.constant 16 : i32
        %parallel_loop3A_543 = vector.broadcast %parallel_loop3A_542 : i32 to vector<16xi32>
        %parallel_loop3A_544 = arith.shli %parallel_loop3A_496, %parallel_loop3A_543 : vector<16xi32>
        %parallel_loop3A_545 = tpu.bitcast %parallel_loop3A_544 : vector<16xi32> -> vector<16xf32>
        %parallel_loop3A_546 = arith.constant -65536 : i32
        %parallel_loop3A_547 = vector.broadcast %parallel_loop3A_546 : i32 to vector<16xi32>
        %parallel_loop3A_548 = arith.andi %parallel_loop3A_496, %parallel_loop3A_547 : vector<16xi32>
        %parallel_loop3A_549 = tpu.bitcast %parallel_loop3A_548 : vector<16xi32> -> vector<16xf32>
        %parallel_loop3A_550 = arith.subf %parallel_loop3A_549, %parallel_loop3A_545 : vector<16xf32>
        %parallel_loop3A_551 = arith.mulf %parallel_loop3A_477, %parallel_loop3A_550 : vector<16xf32>
        %parallel_loop3A_552 = arith.addf %parallel_loop3A_545, %parallel_loop3A_551 : vector<16xf32>
        %parallel_loop3A_553 = arith.constant 16 : i32
        %parallel_loop3A_554 = vector.broadcast %parallel_loop3A_553 : i32 to vector<16xi32>
        %parallel_loop3A_555 = arith.shli %parallel_loop3A_500, %parallel_loop3A_554 : vector<16xi32>
        %parallel_loop3A_556 = tpu.bitcast %parallel_loop3A_555 : vector<16xi32> -> vector<16xf32>
        %parallel_loop3A_557 = arith.constant -65536 : i32
        %parallel_loop3A_558 = vector.broadcast %parallel_loop3A_557 : i32 to vector<16xi32>
        %parallel_loop3A_559 = arith.andi %parallel_loop3A_500, %parallel_loop3A_558 : vector<16xi32>
        %parallel_loop3A_560 = tpu.bitcast %parallel_loop3A_559 : vector<16xi32> -> vector<16xf32>
        %parallel_loop3A_561 = arith.subf %parallel_loop3A_560, %parallel_loop3A_556 : vector<16xf32>
        %parallel_loop3A_562 = arith.mulf %parallel_loop3A_477, %parallel_loop3A_561 : vector<16xf32>
        %parallel_loop3A_563 = arith.addf %parallel_loop3A_556, %parallel_loop3A_562 : vector<16xf32>
        %parallel_loop3A_564 = arith.constant 16 : i32
        %parallel_loop3A_565 = vector.broadcast %parallel_loop3A_564 : i32 to vector<16xi32>
        %parallel_loop3A_566 = arith.shli %parallel_loop3A_504, %parallel_loop3A_565 : vector<16xi32>
        %parallel_loop3A_567 = tpu.bitcast %parallel_loop3A_566 : vector<16xi32> -> vector<16xf32>
        %parallel_loop3A_568 = arith.constant -65536 : i32
        %parallel_loop3A_569 = vector.broadcast %parallel_loop3A_568 : i32 to vector<16xi32>
        %parallel_loop3A_570 = arith.andi %parallel_loop3A_504, %parallel_loop3A_569 : vector<16xi32>
        %parallel_loop3A_571 = tpu.bitcast %parallel_loop3A_570 : vector<16xi32> -> vector<16xf32>
        %parallel_loop3A_572 = arith.subf %parallel_loop3A_571, %parallel_loop3A_567 : vector<16xf32>
        %parallel_loop3A_573 = arith.mulf %parallel_loop3A_477, %parallel_loop3A_572 : vector<16xf32>
        %parallel_loop3A_574 = arith.addf %parallel_loop3A_567, %parallel_loop3A_573 : vector<16xf32>
        %parallel_loop3A_575 = arith.constant 16 : i32
        %parallel_loop3A_576 = vector.broadcast %parallel_loop3A_575 : i32 to vector<16xi32>
        %parallel_loop3A_577 = arith.shli %parallel_loop3A_508, %parallel_loop3A_576 : vector<16xi32>
        %parallel_loop3A_578 = tpu.bitcast %parallel_loop3A_577 : vector<16xi32> -> vector<16xf32>
        %parallel_loop3A_579 = arith.constant -65536 : i32
        %parallel_loop3A_580 = vector.broadcast %parallel_loop3A_579 : i32 to vector<16xi32>
        %parallel_loop3A_581 = arith.andi %parallel_loop3A_508, %parallel_loop3A_580 : vector<16xi32>
        %parallel_loop3A_582 = tpu.bitcast %parallel_loop3A_581 : vector<16xi32> -> vector<16xf32>
        %parallel_loop3A_583 = arith.subf %parallel_loop3A_582, %parallel_loop3A_578 : vector<16xf32>
        %parallel_loop3A_584 = arith.mulf %parallel_loop3A_477, %parallel_loop3A_583 : vector<16xf32>
        %parallel_loop3A_585 = arith.addf %parallel_loop3A_578, %parallel_loop3A_584 : vector<16xf32>
        %parallel_loop3A_586 = arith.mulf %parallel_loop3A_552, %parallel_loop3A_552 : vector<16xf32>
        %parallel_loop3A_587 = arith.mulf %parallel_loop3A_563, %parallel_loop3A_563 : vector<16xf32>
        %parallel_loop3A_588 = arith.addf %parallel_loop3A_586, %parallel_loop3A_587 : vector<16xf32>
        %parallel_loop3A_589 = arith.mulf %parallel_loop3A_574, %parallel_loop3A_574 : vector<16xf32>
        %parallel_loop3A_590 = arith.addf %parallel_loop3A_588, %parallel_loop3A_589 : vector<16xf32>
        %parallel_loop3A_591 = arith.mulf %parallel_loop3A_585, %parallel_loop3A_585 : vector<16xf32>
        %parallel_loop3A_592 = arith.addf %parallel_loop3A_590, %parallel_loop3A_591 : vector<16xf32>
        %parallel_loop3A_593 = arith.constant 1.000000e-24 : f32
        %parallel_loop3A_594 = vector.broadcast %parallel_loop3A_593 : f32 to vector<16xf32>
        %parallel_loop3A_595 = arith.maximumf %parallel_loop3A_592, %parallel_loop3A_594 : vector<16xf32>
        %parallel_loop3A_596 = tpu.bitcast %parallel_loop3A_595 : vector<16xf32> -> vector<16xi32>
        %parallel_loop3A_597 = arith.constant 1 : i32
        %parallel_loop3A_598 = vector.broadcast %parallel_loop3A_597 : i32 to vector<16xi32>
        %parallel_loop3A_599 = arith.shrui %parallel_loop3A_596, %parallel_loop3A_598 : vector<16xi32>
        %parallel_loop3A_600 = arith.constant 1597463007 : i32
        %parallel_loop3A_601 = vector.broadcast %parallel_loop3A_600 : i32 to vector<16xi32>
        %parallel_loop3A_602 = arith.subi %parallel_loop3A_601, %parallel_loop3A_599 : vector<16xi32>
        %parallel_loop3A_603 = tpu.bitcast %parallel_loop3A_602 : vector<16xi32> -> vector<16xf32>
        %parallel_loop3A_604 = arith.constant 5.000000e-01 : f32
        %parallel_loop3A_605 = vector.broadcast %parallel_loop3A_604 : f32 to vector<16xf32>
        %parallel_loop3A_606 = arith.mulf %parallel_loop3A_605, %parallel_loop3A_595 : vector<16xf32>
        %parallel_loop3A_607 = arith.mulf %parallel_loop3A_606, %parallel_loop3A_603 : vector<16xf32>
        %parallel_loop3A_608 = arith.mulf %parallel_loop3A_607, %parallel_loop3A_603 : vector<16xf32>
        %parallel_loop3A_609 = arith.constant 1.500000e+00 : f32
        %parallel_loop3A_610 = vector.broadcast %parallel_loop3A_609 : f32 to vector<16xf32>
        %parallel_loop3A_611 = arith.subf %parallel_loop3A_610, %parallel_loop3A_608 : vector<16xf32>
        %parallel_loop3A_612 = arith.mulf %parallel_loop3A_603, %parallel_loop3A_611 : vector<16xf32>
        %parallel_loop3A_613 = arith.constant 16 : i32
        %parallel_loop3A_614 = arith.muli %parallel_loop3A_461, %parallel_loop3A_613 : i32
        %parallel_loop3A_615 = arith.constant 0 : i32
        %parallel_loop3A_616 = arith.addi %parallel_loop3A_615, %parallel_loop3A_614 : i32
        %parallel_loop3A_617 = arith.index_cast %parallel_loop3A_616 : i32 to index
        %parallel_loop3A_618 = tpu.vector_load %arg9[%parallel_loop3A_617] {strides = array<i32>} : memref<57344xf32, #tpu.memory_space<vmem>>, vector<16xf32>,
        tpu.vector_store %arg9[%parallel_loop3A_617], %parallel_loop3A_519 {strides = array<i32>} : memref<57344xf32, #tpu.memory_space<vmem>>, vector<16xf32>,
        %parallel_loop3A_619 = arith.constant 16 : i32
        %parallel_loop3A_620 = arith.muli %parallel_loop3A_461, %parallel_loop3A_619 : i32
        %parallel_loop3A_621 = arith.constant 8192 : i32
        %parallel_loop3A_622 = arith.addi %parallel_loop3A_621, %parallel_loop3A_620 : i32
        %parallel_loop3A_623 = arith.index_cast %parallel_loop3A_622 : i32 to index
        %parallel_loop3A_624 = tpu.vector_load %arg9[%parallel_loop3A_623] {strides = array<i32>} : memref<57344xf32, #tpu.memory_space<vmem>>, vector<16xf32>,
        tpu.vector_store %arg9[%parallel_loop3A_623], %parallel_loop3A_530 {strides = array<i32>} : memref<57344xf32, #tpu.memory_space<vmem>>, vector<16xf32>,
        %parallel_loop3A_625 = arith.constant 16 : i32
        %parallel_loop3A_626 = arith.muli %parallel_loop3A_461, %parallel_loop3A_625 : i32
        %parallel_loop3A_627 = arith.constant 16384 : i32
        %parallel_loop3A_628 = arith.addi %parallel_loop3A_627, %parallel_loop3A_626 : i32
        %parallel_loop3A_629 = arith.index_cast %parallel_loop3A_628 : i32 to index
        %parallel_loop3A_630 = tpu.vector_load %arg9[%parallel_loop3A_629] {strides = array<i32>} : memref<57344xf32, #tpu.memory_space<vmem>>, vector<16xf32>,
        tpu.vector_store %arg9[%parallel_loop3A_629], %parallel_loop3A_541 {strides = array<i32>} : memref<57344xf32, #tpu.memory_space<vmem>>, vector<16xf32>,
        %parallel_loop3A_631 = arith.mulf %parallel_loop3A_552, %parallel_loop3A_612 : vector<16xf32>
        %parallel_loop3A_632 = arith.constant 16 : i32
        %parallel_loop3A_633 = arith.muli %parallel_loop3A_461, %parallel_loop3A_632 : i32
        %parallel_loop3A_634 = arith.constant 24576 : i32
        %parallel_loop3A_635 = arith.addi %parallel_loop3A_634, %parallel_loop3A_633 : i32
        %parallel_loop3A_636 = arith.index_cast %parallel_loop3A_635 : i32 to index
        %parallel_loop3A_637 = tpu.vector_load %arg9[%parallel_loop3A_636] {strides = array<i32>} : memref<57344xf32, #tpu.memory_space<vmem>>, vector<16xf32>,
        tpu.vector_store %arg9[%parallel_loop3A_636], %parallel_loop3A_631 {strides = array<i32>} : memref<57344xf32, #tpu.memory_space<vmem>>, vector<16xf32>,
        %parallel_loop3A_638 = arith.mulf %parallel_loop3A_563, %parallel_loop3A_612 : vector<16xf32>
        %parallel_loop3A_639 = arith.constant 16 : i32
        %parallel_loop3A_640 = arith.muli %parallel_loop3A_461, %parallel_loop3A_639 : i32
        %parallel_loop3A_641 = arith.constant 32768 : i32
        %parallel_loop3A_642 = arith.addi %parallel_loop3A_641, %parallel_loop3A_640 : i32
        %parallel_loop3A_643 = arith.index_cast %parallel_loop3A_642 : i32 to index
        %parallel_loop3A_644 = tpu.vector_load %arg9[%parallel_loop3A_643] {strides = array<i32>} : memref<57344xf32, #tpu.memory_space<vmem>>, vector<16xf32>,
        tpu.vector_store %arg9[%parallel_loop3A_643], %parallel_loop3A_638 {strides = array<i32>} : memref<57344xf32, #tpu.memory_space<vmem>>, vector<16xf32>,
        %parallel_loop3A_645 = arith.mulf %parallel_loop3A_574, %parallel_loop3A_612 : vector<16xf32>
        %parallel_loop3A_646 = arith.constant 16 : i32
        %parallel_loop3A_647 = arith.muli %parallel_loop3A_461, %parallel_loop3A_646 : i32
        %parallel_loop3A_648 = arith.constant 40960 : i32
        %parallel_loop3A_649 = arith.addi %parallel_loop3A_648, %parallel_loop3A_647 : i32
        %parallel_loop3A_650 = arith.index_cast %parallel_loop3A_649 : i32 to index
        %parallel_loop3A_651 = tpu.vector_load %arg9[%parallel_loop3A_650] {strides = array<i32>} : memref<57344xf32, #tpu.memory_space<vmem>>, vector<16xf32>,
        tpu.vector_store %arg9[%parallel_loop3A_650], %parallel_loop3A_645 {strides = array<i32>} : memref<57344xf32, #tpu.memory_space<vmem>>, vector<16xf32>,
        %parallel_loop3A_652 = arith.mulf %parallel_loop3A_585, %parallel_loop3A_612 : vector<16xf32>
        %parallel_loop3A_653 = arith.constant 16 : i32
        %parallel_loop3A_654 = arith.muli %parallel_loop3A_461, %parallel_loop3A_653 : i32
        %parallel_loop3A_655 = arith.constant 49152 : i32
        %parallel_loop3A_656 = arith.addi %parallel_loop3A_655, %parallel_loop3A_654 : i32
        %parallel_loop3A_657 = arith.index_cast %parallel_loop3A_656 : i32 to index
        %parallel_loop3A_658 = tpu.vector_load %arg9[%parallel_loop3A_657] {strides = array<i32>} : memref<57344xf32, #tpu.memory_space<vmem>>, vector<16xf32>,
        tpu.vector_store %arg9[%parallel_loop3A_657], %parallel_loop3A_652 {strides = array<i32>} : memref<57344xf32, #tpu.memory_space<vmem>>, vector<16xf32>,
      } {sc.loop_unroll_factor = 4 : i64, sc.parallel_access}
      %add3A_220 = arith.constant 1 : i32
      %add3A_221 = arith.addi %add3A_206, %add3A_220 : i32
      %lt3A_222 = arith.cmpi slt, %add3A_221, %select_n3A : i32
      %convert_element_type3A_223 = arith.extui %lt3A_222 : i1 to i32
      %cond3A_224 = arith.constant 0 : i32
      %cond3A_225 = arith.cmpi ne, %convert_element_type3A_223, %cond3A_224 : i32
      scf.if %cond3A_225 {
        %add3A_461 = arith.constant 1 : i32
        %add3A_462 = arith.addi %add3A_206, %add3A_461 : i32
        %add3A_463 = arith.addi %add3A_6, %add3A_462 : i32
        %mul3A_464 = arith.constant 8192 : i32
        %mul3A_465 = arith.muli %add3A_463, %mul3A_464 : i32
        %add3A_466 = arith.constant 0 : i32
        %add3A_467 = arith.addi %mul3A_465, %add3A_466 : i32
        %dma_start3A_468 = tpu.memref_slice %arg2[%add3A_467] : memref<3276800xf32, #tpu.memory_space<hbm>> -> memref<4096xf32, #tpu.memory_space<hbm>>
        %dma_start3A_469 = tpu.memref_slice %arg2[%add3A_467] : memref<3276800xf32, #tpu.memory_space<hbm>> -> memref<4096xf32, #tpu.memory_space<hbm>>
        tpu.enqueue_dma source(%dma_start3A_469 : memref<4096xf32, #tpu.memory_space<hbm>>) target(%arg7 : memref<4096xf32, #tpu.memory_space<vmem>>) target_semaphore(%arg11 : memref<!tpu.dma_semaphore, #tpu.memory_space<semaphore_mem>>)
      } else {
      }
      %add3A_226 = arith.addi %add3A_6, %add3A_206 : i32
      %mul3A_227 = arith.constant 8192 : i32
      %mul3A_228 = arith.muli %add3A_226, %mul3A_227 : i32
      %add3A_229 = arith.constant 4096 : i32
      %add3A_230 = arith.addi %mul3A_228, %add3A_229 : i32
      %dma_wait3A_231 = tpu.memref_slice %arg2[%add3A_230] : memref<3276800xf32, #tpu.memory_space<hbm>> -> memref<4096xf32, #tpu.memory_space<hbm>>
      %dma_wait3A_232 = tpu.memref_slice %arg2[%add3A_230] : memref<3276800xf32, #tpu.memory_space<hbm>> -> memref<4096xf32, #tpu.memory_space<hbm>>
      tpu.wait_dma2 semaphore(%arg12 : memref<!tpu.dma_semaphore, #tpu.memory_space<semaphore_mem>>) src(%dma_wait3A_232 : memref<4096xf32, #tpu.memory_space<hbm>>) dst(%arg8 : memref<4096xf32, #tpu.memory_space<vmem>>)
      %parallel_loop3A_233 = arith.constant 0 : i32
      %parallel_loop3A_234 = arith.constant 256 : i32
      %parallel_loop3A_235 = arith.constant 1 : i32
      scf.for %parallel_loop3A_461 = %parallel_loop3A_233 to %parallel_loop3A_234 step %parallel_loop3A_235  : i32 {
        %parallel_loop3A_462 = arith.constant 16 : i32
        %parallel_loop3A_463 = arith.muli %parallel_loop3A_461, %parallel_loop3A_462 : i32
        %parallel_loop3A_464 = arith.index_cast %parallel_loop3A_463 : i32 to index
        %parallel_loop3A_465 = tpu.vector_load %arg8[%parallel_loop3A_464] {strides = array<i32>} : memref<4096xf32, #tpu.memory_space<vmem>>, vector<16xf32>,
        %parallel_loop3A_466 = arith.constant 9.900000e+01 : f32
        %parallel_loop3A_467 = vector.broadcast %parallel_loop3A_466 : f32 to vector<16xf32>
        %parallel_loop3A_468 = arith.mulf %parallel_loop3A_465, %parallel_loop3A_467 : vector<16xf32>
        %parallel_loop3A_469 = arith.fptosi %parallel_loop3A_468 : vector<16xf32> to vector<16xi32>
        %parallel_loop3A_470 = arith.constant 0 : i32
        %parallel_loop3A_471 = vector.broadcast %parallel_loop3A_470 : i32 to vector<16xi32>
        %parallel_loop3A_472 = arith.maxsi %parallel_loop3A_469, %parallel_loop3A_471 : vector<16xi32>
        %parallel_loop3A_473 = arith.constant 98 : i32
        %parallel_loop3A_474 = vector.broadcast %parallel_loop3A_473 : i32 to vector<16xi32>
        %parallel_loop3A_475 = arith.minsi %parallel_loop3A_472, %parallel_loop3A_474 : vector<16xi32>
        %parallel_loop3A_476 = arith.sitofp %parallel_loop3A_475 : vector<16xi32> to vector<16xf32>
        %parallel_loop3A_477 = arith.subf %parallel_loop3A_468, %parallel_loop3A_476 : vector<16xf32>
        %parallel_loop3A_478 = arith.constant 8 : i32
        %parallel_loop3A_479 = vector.broadcast %parallel_loop3A_478 : i32 to vector<16xi32>
        %parallel_loop3A_480 = arith.muli %parallel_loop3A_475, %parallel_loop3A_479 : vector<16xi32>
        %parallel_loop3A_481 = arith.constant 0 : i32
        %parallel_loop3A_482 = vector.broadcast %parallel_loop3A_481 : i32 to vector<16xi32>
        %parallel_loop3A_483 = arith.addi %parallel_loop3A_480, %parallel_loop3A_482 : vector<16xi32>
        %parallel_loop3A_484 = tpu.vector_load_idx %arg6[%parallel_loop3A_483] : memref<792xi32, #tpu.memory_space<vmem>>[vector<16xi32>], vector<16xi32>,
        %parallel_loop3A_485 = arith.constant 1 : i32
        %parallel_loop3A_486 = vector.broadcast %parallel_loop3A_485 : i32 to vector<16xi32>
        %parallel_loop3A_487 = arith.addi %parallel_loop3A_480, %parallel_loop3A_486 : vector<16xi32>
        %parallel_loop3A_488 = tpu.vector_load_idx %arg6[%parallel_loop3A_487] : memref<792xi32, #tpu.memory_space<vmem>>[vector<16xi32>], vector<16xi32>,
        %parallel_loop3A_489 = arith.constant 2 : i32
        %parallel_loop3A_490 = vector.broadcast %parallel_loop3A_489 : i32 to vector<16xi32>
        %parallel_loop3A_491 = arith.addi %parallel_loop3A_480, %parallel_loop3A_490 : vector<16xi32>
        %parallel_loop3A_492 = tpu.vector_load_idx %arg6[%parallel_loop3A_491] : memref<792xi32, #tpu.memory_space<vmem>>[vector<16xi32>], vector<16xi32>,
        %parallel_loop3A_493 = arith.constant 3 : i32
        %parallel_loop3A_494 = vector.broadcast %parallel_loop3A_493 : i32 to vector<16xi32>
        %parallel_loop3A_495 = arith.addi %parallel_loop3A_480, %parallel_loop3A_494 : vector<16xi32>
        %parallel_loop3A_496 = tpu.vector_load_idx %arg6[%parallel_loop3A_495] : memref<792xi32, #tpu.memory_space<vmem>>[vector<16xi32>], vector<16xi32>,
        %parallel_loop3A_497 = arith.constant 4 : i32
        %parallel_loop3A_498 = vector.broadcast %parallel_loop3A_497 : i32 to vector<16xi32>
        %parallel_loop3A_499 = arith.addi %parallel_loop3A_480, %parallel_loop3A_498 : vector<16xi32>
        %parallel_loop3A_500 = tpu.vector_load_idx %arg6[%parallel_loop3A_499] : memref<792xi32, #tpu.memory_space<vmem>>[vector<16xi32>], vector<16xi32>,
        %parallel_loop3A_501 = arith.constant 5 : i32
        %parallel_loop3A_502 = vector.broadcast %parallel_loop3A_501 : i32 to vector<16xi32>
        %parallel_loop3A_503 = arith.addi %parallel_loop3A_480, %parallel_loop3A_502 : vector<16xi32>
        %parallel_loop3A_504 = tpu.vector_load_idx %arg6[%parallel_loop3A_503] : memref<792xi32, #tpu.memory_space<vmem>>[vector<16xi32>], vector<16xi32>,
        %parallel_loop3A_505 = arith.constant 6 : i32
        %parallel_loop3A_506 = vector.broadcast %parallel_loop3A_505 : i32 to vector<16xi32>
        %parallel_loop3A_507 = arith.addi %parallel_loop3A_480, %parallel_loop3A_506 : vector<16xi32>
        %parallel_loop3A_508 = tpu.vector_load_idx %arg6[%parallel_loop3A_507] : memref<792xi32, #tpu.memory_space<vmem>>[vector<16xi32>], vector<16xi32>,
        %parallel_loop3A_509 = arith.constant 16 : i32
        %parallel_loop3A_510 = vector.broadcast %parallel_loop3A_509 : i32 to vector<16xi32>
        %parallel_loop3A_511 = arith.shli %parallel_loop3A_484, %parallel_loop3A_510 : vector<16xi32>
        %parallel_loop3A_512 = tpu.bitcast %parallel_loop3A_511 : vector<16xi32> -> vector<16xf32>
        %parallel_loop3A_513 = arith.constant -65536 : i32
        %parallel_loop3A_514 = vector.broadcast %parallel_loop3A_513 : i32 to vector<16xi32>
        %parallel_loop3A_515 = arith.andi %parallel_loop3A_484, %parallel_loop3A_514 : vector<16xi32>
        %parallel_loop3A_516 = tpu.bitcast %parallel_loop3A_515 : vector<16xi32> -> vector<16xf32>
        %parallel_loop3A_517 = arith.subf %parallel_loop3A_516, %parallel_loop3A_512 : vector<16xf32>
        %parallel_loop3A_518 = arith.mulf %parallel_loop3A_477, %parallel_loop3A_517 : vector<16xf32>
        %parallel_loop3A_519 = arith.addf %parallel_loop3A_512, %parallel_loop3A_518 : vector<16xf32>
        %parallel_loop3A_520 = arith.constant 16 : i32
        %parallel_loop3A_521 = vector.broadcast %parallel_loop3A_520 : i32 to vector<16xi32>
        %parallel_loop3A_522 = arith.shli %parallel_loop3A_488, %parallel_loop3A_521 : vector<16xi32>
        %parallel_loop3A_523 = tpu.bitcast %parallel_loop3A_522 : vector<16xi32> -> vector<16xf32>
        %parallel_loop3A_524 = arith.constant -65536 : i32
        %parallel_loop3A_525 = vector.broadcast %parallel_loop3A_524 : i32 to vector<16xi32>
        %parallel_loop3A_526 = arith.andi %parallel_loop3A_488, %parallel_loop3A_525 : vector<16xi32>
        %parallel_loop3A_527 = tpu.bitcast %parallel_loop3A_526 : vector<16xi32> -> vector<16xf32>
        %parallel_loop3A_528 = arith.subf %parallel_loop3A_527, %parallel_loop3A_523 : vector<16xf32>
        %parallel_loop3A_529 = arith.mulf %parallel_loop3A_477, %parallel_loop3A_528 : vector<16xf32>
        %parallel_loop3A_530 = arith.addf %parallel_loop3A_523, %parallel_loop3A_529 : vector<16xf32>
        %parallel_loop3A_531 = arith.constant 16 : i32
        %parallel_loop3A_532 = vector.broadcast %parallel_loop3A_531 : i32 to vector<16xi32>
        %parallel_loop3A_533 = arith.shli %parallel_loop3A_492, %parallel_loop3A_532 : vector<16xi32>
        %parallel_loop3A_534 = tpu.bitcast %parallel_loop3A_533 : vector<16xi32> -> vector<16xf32>
        %parallel_loop3A_535 = arith.constant -65536 : i32
        %parallel_loop3A_536 = vector.broadcast %parallel_loop3A_535 : i32 to vector<16xi32>
        %parallel_loop3A_537 = arith.andi %parallel_loop3A_492, %parallel_loop3A_536 : vector<16xi32>
        %parallel_loop3A_538 = tpu.bitcast %parallel_loop3A_537 : vector<16xi32> -> vector<16xf32>
        %parallel_loop3A_539 = arith.subf %parallel_loop3A_538, %parallel_loop3A_534 : vector<16xf32>
        %parallel_loop3A_540 = arith.mulf %parallel_loop3A_477, %parallel_loop3A_539 : vector<16xf32>
        %parallel_loop3A_541 = arith.addf %parallel_loop3A_534, %parallel_loop3A_540 : vector<16xf32>
        %parallel_loop3A_542 = arith.constant 16 : i32
        %parallel_loop3A_543 = vector.broadcast %parallel_loop3A_542 : i32 to vector<16xi32>
        %parallel_loop3A_544 = arith.shli %parallel_loop3A_496, %parallel_loop3A_543 : vector<16xi32>
        %parallel_loop3A_545 = tpu.bitcast %parallel_loop3A_544 : vector<16xi32> -> vector<16xf32>
        %parallel_loop3A_546 = arith.constant -65536 : i32
        %parallel_loop3A_547 = vector.broadcast %parallel_loop3A_546 : i32 to vector<16xi32>
        %parallel_loop3A_548 = arith.andi %parallel_loop3A_496, %parallel_loop3A_547 : vector<16xi32>
        %parallel_loop3A_549 = tpu.bitcast %parallel_loop3A_548 : vector<16xi32> -> vector<16xf32>
        %parallel_loop3A_550 = arith.subf %parallel_loop3A_549, %parallel_loop3A_545 : vector<16xf32>
        %parallel_loop3A_551 = arith.mulf %parallel_loop3A_477, %parallel_loop3A_550 : vector<16xf32>
        %parallel_loop3A_552 = arith.addf %parallel_loop3A_545, %parallel_loop3A_551 : vector<16xf32>
        %parallel_loop3A_553 = arith.constant 16 : i32
        %parallel_loop3A_554 = vector.broadcast %parallel_loop3A_553 : i32 to vector<16xi32>
        %parallel_loop3A_555 = arith.shli %parallel_loop3A_500, %parallel_loop3A_554 : vector<16xi32>
        %parallel_loop3A_556 = tpu.bitcast %parallel_loop3A_555 : vector<16xi32> -> vector<16xf32>
        %parallel_loop3A_557 = arith.constant -65536 : i32
        %parallel_loop3A_558 = vector.broadcast %parallel_loop3A_557 : i32 to vector<16xi32>
        %parallel_loop3A_559 = arith.andi %parallel_loop3A_500, %parallel_loop3A_558 : vector<16xi32>
        %parallel_loop3A_560 = tpu.bitcast %parallel_loop3A_559 : vector<16xi32> -> vector<16xf32>
        %parallel_loop3A_561 = arith.subf %parallel_loop3A_560, %parallel_loop3A_556 : vector<16xf32>
        %parallel_loop3A_562 = arith.mulf %parallel_loop3A_477, %parallel_loop3A_561 : vector<16xf32>
        %parallel_loop3A_563 = arith.addf %parallel_loop3A_556, %parallel_loop3A_562 : vector<16xf32>
        %parallel_loop3A_564 = arith.constant 16 : i32
        %parallel_loop3A_565 = vector.broadcast %parallel_loop3A_564 : i32 to vector<16xi32>
        %parallel_loop3A_566 = arith.shli %parallel_loop3A_504, %parallel_loop3A_565 : vector<16xi32>
        %parallel_loop3A_567 = tpu.bitcast %parallel_loop3A_566 : vector<16xi32> -> vector<16xf32>
        %parallel_loop3A_568 = arith.constant -65536 : i32
        %parallel_loop3A_569 = vector.broadcast %parallel_loop3A_568 : i32 to vector<16xi32>
        %parallel_loop3A_570 = arith.andi %parallel_loop3A_504, %parallel_loop3A_569 : vector<16xi32>
        %parallel_loop3A_571 = tpu.bitcast %parallel_loop3A_570 : vector<16xi32> -> vector<16xf32>
        %parallel_loop3A_572 = arith.subf %parallel_loop3A_571, %parallel_loop3A_567 : vector<16xf32>
        %parallel_loop3A_573 = arith.mulf %parallel_loop3A_477, %parallel_loop3A_572 : vector<16xf32>
        %parallel_loop3A_574 = arith.addf %parallel_loop3A_567, %parallel_loop3A_573 : vector<16xf32>
        %parallel_loop3A_575 = arith.constant 16 : i32
        %parallel_loop3A_576 = vector.broadcast %parallel_loop3A_575 : i32 to vector<16xi32>
        %parallel_loop3A_577 = arith.shli %parallel_loop3A_508, %parallel_loop3A_576 : vector<16xi32>
        %parallel_loop3A_578 = tpu.bitcast %parallel_loop3A_577 : vector<16xi32> -> vector<16xf32>
        %parallel_loop3A_579 = arith.constant -65536 : i32
        %parallel_loop3A_580 = vector.broadcast %parallel_loop3A_579 : i32 to vector<16xi32>
        %parallel_loop3A_581 = arith.andi %parallel_loop3A_508, %parallel_loop3A_580 : vector<16xi32>
        %parallel_loop3A_582 = tpu.bitcast %parallel_loop3A_581 : vector<16xi32> -> vector<16xf32>
        %parallel_loop3A_583 = arith.subf %parallel_loop3A_582, %parallel_loop3A_578 : vector<16xf32>
        %parallel_loop3A_584 = arith.mulf %parallel_loop3A_477, %parallel_loop3A_583 : vector<16xf32>
        %parallel_loop3A_585 = arith.addf %parallel_loop3A_578, %parallel_loop3A_584 : vector<16xf32>
        %parallel_loop3A_586 = arith.mulf %parallel_loop3A_552, %parallel_loop3A_552 : vector<16xf32>
        %parallel_loop3A_587 = arith.mulf %parallel_loop3A_563, %parallel_loop3A_563 : vector<16xf32>
        %parallel_loop3A_588 = arith.addf %parallel_loop3A_586, %parallel_loop3A_587 : vector<16xf32>
        %parallel_loop3A_589 = arith.mulf %parallel_loop3A_574, %parallel_loop3A_574 : vector<16xf32>
        %parallel_loop3A_590 = arith.addf %parallel_loop3A_588, %parallel_loop3A_589 : vector<16xf32>
        %parallel_loop3A_591 = arith.mulf %parallel_loop3A_585, %parallel_loop3A_585 : vector<16xf32>
        %parallel_loop3A_592 = arith.addf %parallel_loop3A_590, %parallel_loop3A_591 : vector<16xf32>
        %parallel_loop3A_593 = arith.constant 1.000000e-24 : f32
        %parallel_loop3A_594 = vector.broadcast %parallel_loop3A_593 : f32 to vector<16xf32>
        %parallel_loop3A_595 = arith.maximumf %parallel_loop3A_592, %parallel_loop3A_594 : vector<16xf32>
        %parallel_loop3A_596 = tpu.bitcast %parallel_loop3A_595 : vector<16xf32> -> vector<16xi32>
        %parallel_loop3A_597 = arith.constant 1 : i32
        %parallel_loop3A_598 = vector.broadcast %parallel_loop3A_597 : i32 to vector<16xi32>
        %parallel_loop3A_599 = arith.shrui %parallel_loop3A_596, %parallel_loop3A_598 : vector<16xi32>
        %parallel_loop3A_600 = arith.constant 1597463007 : i32
        %parallel_loop3A_601 = vector.broadcast %parallel_loop3A_600 : i32 to vector<16xi32>
        %parallel_loop3A_602 = arith.subi %parallel_loop3A_601, %parallel_loop3A_599 : vector<16xi32>
        %parallel_loop3A_603 = tpu.bitcast %parallel_loop3A_602 : vector<16xi32> -> vector<16xf32>
        %parallel_loop3A_604 = arith.constant 5.000000e-01 : f32
        %parallel_loop3A_605 = vector.broadcast %parallel_loop3A_604 : f32 to vector<16xf32>
        %parallel_loop3A_606 = arith.mulf %parallel_loop3A_605, %parallel_loop3A_595 : vector<16xf32>
        %parallel_loop3A_607 = arith.mulf %parallel_loop3A_606, %parallel_loop3A_603 : vector<16xf32>
        %parallel_loop3A_608 = arith.mulf %parallel_loop3A_607, %parallel_loop3A_603 : vector<16xf32>
        %parallel_loop3A_609 = arith.constant 1.500000e+00 : f32
        %parallel_loop3A_610 = vector.broadcast %parallel_loop3A_609 : f32 to vector<16xf32>
        %parallel_loop3A_611 = arith.subf %parallel_loop3A_610, %parallel_loop3A_608 : vector<16xf32>
        %parallel_loop3A_612 = arith.mulf %parallel_loop3A_603, %parallel_loop3A_611 : vector<16xf32>
        %parallel_loop3A_613 = arith.constant 16 : i32
        %parallel_loop3A_614 = arith.muli %parallel_loop3A_461, %parallel_loop3A_613 : i32
        %parallel_loop3A_615 = arith.constant 4096 : i32
        %parallel_loop3A_616 = arith.addi %parallel_loop3A_615, %parallel_loop3A_614 : i32
        %parallel_loop3A_617 = arith.index_cast %parallel_loop3A_616 : i32 to index
        %parallel_loop3A_618 = tpu.vector_load %arg9[%parallel_loop3A_617] {strides = array<i32>} : memref<57344xf32, #tpu.memory_space<vmem>>, vector<16xf32>,
        tpu.vector_store %arg9[%parallel_loop3A_617], %parallel_loop3A_519 {strides = array<i32>} : memref<57344xf32, #tpu.memory_space<vmem>>, vector<16xf32>,
        %parallel_loop3A_619 = arith.constant 16 : i32
        %parallel_loop3A_620 = arith.muli %parallel_loop3A_461, %parallel_loop3A_619 : i32
        %parallel_loop3A_621 = arith.constant 12288 : i32
        %parallel_loop3A_622 = arith.addi %parallel_loop3A_621, %parallel_loop3A_620 : i32
        %parallel_loop3A_623 = arith.index_cast %parallel_loop3A_622 : i32 to index
        %parallel_loop3A_624 = tpu.vector_load %arg9[%parallel_loop3A_623] {strides = array<i32>} : memref<57344xf32, #tpu.memory_space<vmem>>, vector<16xf32>,
        tpu.vector_store %arg9[%parallel_loop3A_623], %parallel_loop3A_530 {strides = array<i32>} : memref<57344xf32, #tpu.memory_space<vmem>>, vector<16xf32>,
        %parallel_loop3A_625 = arith.constant 16 : i32
        %parallel_loop3A_626 = arith.muli %parallel_loop3A_461, %parallel_loop3A_625 : i32
        %parallel_loop3A_627 = arith.constant 20480 : i32
        %parallel_loop3A_628 = arith.addi %parallel_loop3A_627, %parallel_loop3A_626 : i32
        %parallel_loop3A_629 = arith.index_cast %parallel_loop3A_628 : i32 to index
        %parallel_loop3A_630 = tpu.vector_load %arg9[%parallel_loop3A_629] {strides = array<i32>} : memref<57344xf32, #tpu.memory_space<vmem>>, vector<16xf32>,
        tpu.vector_store %arg9[%parallel_loop3A_629], %parallel_loop3A_541 {strides = array<i32>} : memref<57344xf32, #tpu.memory_space<vmem>>, vector<16xf32>,
        %parallel_loop3A_631 = arith.mulf %parallel_loop3A_552, %parallel_loop3A_612 : vector<16xf32>
        %parallel_loop3A_632 = arith.constant 16 : i32
        %parallel_loop3A_633 = arith.muli %parallel_loop3A_461, %parallel_loop3A_632 : i32
        %parallel_loop3A_634 = arith.constant 28672 : i32
        %parallel_loop3A_635 = arith.addi %parallel_loop3A_634, %parallel_loop3A_633 : i32
        %parallel_loop3A_636 = arith.index_cast %parallel_loop3A_635 : i32 to index
        %parallel_loop3A_637 = tpu.vector_load %arg9[%parallel_loop3A_636] {strides = array<i32>} : memref<57344xf32, #tpu.memory_space<vmem>>, vector<16xf32>,
        tpu.vector_store %arg9[%parallel_loop3A_636], %parallel_loop3A_631 {strides = array<i32>} : memref<57344xf32, #tpu.memory_space<vmem>>, vector<16xf32>,
        %parallel_loop3A_638 = arith.mulf %parallel_loop3A_563, %parallel_loop3A_612 : vector<16xf32>
        %parallel_loop3A_639 = arith.constant 16 : i32
        %parallel_loop3A_640 = arith.muli %parallel_loop3A_461, %parallel_loop3A_639 : i32
        %parallel_loop3A_641 = arith.constant 36864 : i32
        %parallel_loop3A_642 = arith.addi %parallel_loop3A_641, %parallel_loop3A_640 : i32
        %parallel_loop3A_643 = arith.index_cast %parallel_loop3A_642 : i32 to index
        %parallel_loop3A_644 = tpu.vector_load %arg9[%parallel_loop3A_643] {strides = array<i32>} : memref<57344xf32, #tpu.memory_space<vmem>>, vector<16xf32>,
        tpu.vector_store %arg9[%parallel_loop3A_643], %parallel_loop3A_638 {strides = array<i32>} : memref<57344xf32, #tpu.memory_space<vmem>>, vector<16xf32>,
        %parallel_loop3A_645 = arith.mulf %parallel_loop3A_574, %parallel_loop3A_612 : vector<16xf32>
        %parallel_loop3A_646 = arith.constant 16 : i32
        %parallel_loop3A_647 = arith.muli %parallel_loop3A_461, %parallel_loop3A_646 : i32
        %parallel_loop3A_648 = arith.constant 45056 : i32
        %parallel_loop3A_649 = arith.addi %parallel_loop3A_648, %parallel_loop3A_647 : i32
        %parallel_loop3A_650 = arith.index_cast %parallel_loop3A_649 : i32 to index
        %parallel_loop3A_651 = tpu.vector_load %arg9[%parallel_loop3A_650] {strides = array<i32>} : memref<57344xf32, #tpu.memory_space<vmem>>, vector<16xf32>,
        tpu.vector_store %arg9[%parallel_loop3A_650], %parallel_loop3A_645 {strides = array<i32>} : memref<57344xf32, #tpu.memory_space<vmem>>, vector<16xf32>,
        %parallel_loop3A_652 = arith.mulf %parallel_loop3A_585, %parallel_loop3A_612 : vector<16xf32>
        %parallel_loop3A_653 = arith.constant 16 : i32
        %parallel_loop3A_654 = arith.muli %parallel_loop3A_461, %parallel_loop3A_653 : i32
        %parallel_loop3A_655 = arith.constant 53248 : i32
        %parallel_loop3A_656 = arith.addi %parallel_loop3A_655, %parallel_loop3A_654 : i32
        %parallel_loop3A_657 = arith.index_cast %parallel_loop3A_656 : i32 to index
        %parallel_loop3A_658 = tpu.vector_load %arg9[%parallel_loop3A_657] {strides = array<i32>} : memref<57344xf32, #tpu.memory_space<vmem>>, vector<16xf32>,
        tpu.vector_store %arg9[%parallel_loop3A_657], %parallel_loop3A_652 {strides = array<i32>} : memref<57344xf32, #tpu.memory_space<vmem>>, vector<16xf32>,
      } {sc.loop_unroll_factor = 4 : i64, sc.parallel_access}
      %add3A_236 = arith.constant 1 : i32
      %add3A_237 = arith.addi %add3A_206, %add3A_236 : i32
      %lt3A_238 = arith.cmpi slt, %add3A_237, %select_n3A : i32
      %convert_element_type3A_239 = arith.extui %lt3A_238 : i1 to i32
      %cond3A_240 = arith.constant 0 : i32
      %cond3A_241 = arith.cmpi ne, %convert_element_type3A_239, %cond3A_240 : i32
      scf.if %cond3A_241 {
        %add3A_461 = arith.constant 1 : i32
        %add3A_462 = arith.addi %add3A_206, %add3A_461 : i32
        %add3A_463 = arith.addi %add3A_6, %add3A_462 : i32
        %mul3A_464 = arith.constant 8192 : i32
        %mul3A_465 = arith.muli %add3A_463, %mul3A_464 : i32
        %add3A_466 = arith.constant 4096 : i32
        %add3A_467 = arith.addi %mul3A_465, %add3A_466 : i32
        %dma_start3A_468 = tpu.memref_slice %arg2[%add3A_467] : memref<3276800xf32, #tpu.memory_space<hbm>> -> memref<4096xf32, #tpu.memory_space<hbm>>
        %dma_start3A_469 = tpu.memref_slice %arg2[%add3A_467] : memref<3276800xf32, #tpu.memory_space<hbm>> -> memref<4096xf32, #tpu.memory_space<hbm>>
        tpu.enqueue_dma source(%dma_start3A_469 : memref<4096xf32, #tpu.memory_space<hbm>>) target(%arg8 : memref<4096xf32, #tpu.memory_space<vmem>>) target_semaphore(%arg12 : memref<!tpu.dma_semaphore, #tpu.memory_space<semaphore_mem>>)
      } else {
      }
      %add3A_242 = arith.addi %add3A_6, %add3A_206 : i32
      %mul3A_243 = arith.constant 8192 : i32
      %mul3A_244 = arith.muli %add3A_242, %mul3A_243 : i32
      %jit3A_245 = arith.constant 16384 : i32
      %div3A_246 = arith.divsi %mul3A_244, %jit3A_245 : i32
      %sign3A_247 = arith.constant 0 : i32
      %sign3A_248 = arith.cmpi sgt, %mul3A_244, %sign3A_247 : i32
      %sign3A_249 = arith.extui %sign3A_248 : i1 to i32
      %sign3A_250 = arith.constant 0 : i32
      %sign3A_251 = arith.cmpi slt, %mul3A_244, %sign3A_250 : i32
      %sign3A_252 = arith.extui %sign3A_251 : i1 to i32
      %sign3A_253 = arith.subi %sign3A_249, %sign3A_252 : i32
      %sign3A_254 = arith.constant 0 : i32
      %sign3A_255 = arith.cmpi sgt, %jit3A_245, %sign3A_254 : i32
      %sign3A_256 = arith.extui %sign3A_255 : i1 to i32
      %sign3A_257 = arith.constant 0 : i32
      %sign3A_258 = arith.cmpi slt, %jit3A_245, %sign3A_257 : i32
      %sign3A_259 = arith.extui %sign3A_258 : i1 to i32
      %sign3A_260 = arith.subi %sign3A_256, %sign3A_259 : i32
      %ne3A_261 = arith.cmpi ne, %sign3A_253, %sign3A_260 : i32
      %rem3A_262 = arith.remsi %mul3A_244, %jit3A_245 : i32
      %ne3A_263 = arith.constant 0 : i32
      %ne3A_264 = arith.cmpi ne, %rem3A_262, %ne3A_263 : i32
      %and3A_265 = arith.andi %ne3A_261, %ne3A_264 : i1
      %sub3A_266 = arith.constant 1 : i32
      %sub3A_267 = arith.subi %div3A_246, %sub3A_266 : i32
      %select_n3A_268 = arith.select %and3A_265, %sub3A_267, %div3A_246 : i32
      %mul3A_269 = arith.constant 65536 : i32
      %mul3A_270 = arith.muli %select_n3A_268, %mul3A_269 : i32
      %mul3A_271 = arith.constant 16384 : i32
      %mul3A_272 = arith.muli %select_n3A_268, %mul3A_271 : i32
      %sub3A_273 = arith.subi %mul3A_244, %mul3A_272 : i32
      %add3A_274 = arith.addi %mul3A_270, %sub3A_273 : i32
      %add3A_275 = arith.constant 0 : i32
      %add3A_276 = arith.addi %add3A_275, %mul3A_244 : i32
      %add3A_277 = arith.constant 3276800 : i32
      %add3A_278 = arith.addi %add3A_277, %mul3A_244 : i32
      %add3A_279 = arith.constant 6553600 : i32
      %add3A_280 = arith.addi %add3A_279, %mul3A_244 : i32
      %add3A_281 = arith.constant 0 : i32
      %add3A_282 = arith.addi %add3A_274, %add3A_281 : i32
      %add3A_283 = arith.constant 16384 : i32
      %add3A_284 = arith.addi %add3A_274, %add3A_283 : i32
      %add3A_285 = arith.constant 32768 : i32
      %add3A_286 = arith.addi %add3A_274, %add3A_285 : i32
      %add3A_287 = arith.constant 49152 : i32
      %add3A_288 = arith.addi %add3A_274, %add3A_287 : i32
      %dma_start3A_289 = arith.constant 0 : i32
      %dma_start3A_290 = tpu.memref_slice %arg9[%dma_start3A_289] : memref<57344xf32, #tpu.memory_space<vmem>> -> memref<8192xf32, #tpu.memory_space<vmem>>
      %dma_start3A_291 = tpu.memref_slice %arg4[%add3A_276] : memref<9830400xf32, #tpu.memory_space<hbm>> -> memref<8192xf32, #tpu.memory_space<hbm>>
      %dma_start3A_292 = tpu.memref_slice %arg4[%add3A_276] : memref<9830400xf32, #tpu.memory_space<hbm>> -> memref<8192xf32, #tpu.memory_space<hbm>>
      %dma_start3A_293 = arith.constant 0 : i32
      %dma_start3A_294 = tpu.memref_slice %arg9[%dma_start3A_293] : memref<57344xf32, #tpu.memory_space<vmem>> -> memref<8192xf32, #tpu.memory_space<vmem>>
      tpu.enqueue_dma source(%dma_start3A_294 : memref<8192xf32, #tpu.memory_space<vmem>>) target(%dma_start3A_292 : memref<8192xf32, #tpu.memory_space<hbm>>) target_semaphore(%arg13 : memref<!tpu.dma_semaphore, #tpu.memory_space<semaphore_mem>>)
      %dma_start3A_295 = arith.constant 8192 : i32
      %dma_start3A_296 = tpu.memref_slice %arg9[%dma_start3A_295] : memref<57344xf32, #tpu.memory_space<vmem>> -> memref<8192xf32, #tpu.memory_space<vmem>>
      %dma_start3A_297 = tpu.memref_slice %arg4[%add3A_278] : memref<9830400xf32, #tpu.memory_space<hbm>> -> memref<8192xf32, #tpu.memory_space<hbm>>
      %dma_start3A_298 = tpu.memref_slice %arg4[%add3A_278] : memref<9830400xf32, #tpu.memory_space<hbm>> -> memref<8192xf32, #tpu.memory_space<hbm>>
      %dma_start3A_299 = arith.constant 8192 : i32
      %dma_start3A_300 = tpu.memref_slice %arg9[%dma_start3A_299] : memref<57344xf32, #tpu.memory_space<vmem>> -> memref<8192xf32, #tpu.memory_space<vmem>>
      tpu.enqueue_dma source(%dma_start3A_300 : memref<8192xf32, #tpu.memory_space<vmem>>) target(%dma_start3A_298 : memref<8192xf32, #tpu.memory_space<hbm>>) target_semaphore(%arg13 : memref<!tpu.dma_semaphore, #tpu.memory_space<semaphore_mem>>)
      %dma_start3A_301 = arith.constant 16384 : i32
      %dma_start3A_302 = tpu.memref_slice %arg9[%dma_start3A_301] : memref<57344xf32, #tpu.memory_space<vmem>> -> memref<8192xf32, #tpu.memory_space<vmem>>
      %dma_start3A_303 = tpu.memref_slice %arg4[%add3A_280] : memref<9830400xf32, #tpu.memory_space<hbm>> -> memref<8192xf32, #tpu.memory_space<hbm>>
      %dma_start3A_304 = tpu.memref_slice %arg4[%add3A_280] : memref<9830400xf32, #tpu.memory_space<hbm>> -> memref<8192xf32, #tpu.memory_space<hbm>>
      %dma_start3A_305 = arith.constant 16384 : i32
      %dma_start3A_306 = tpu.memref_slice %arg9[%dma_start3A_305] : memref<57344xf32, #tpu.memory_space<vmem>> -> memref<8192xf32, #tpu.memory_space<vmem>>
      tpu.enqueue_dma source(%dma_start3A_306 : memref<8192xf32, #tpu.memory_space<vmem>>) target(%dma_start3A_304 : memref<8192xf32, #tpu.memory_space<hbm>>) target_semaphore(%arg13 : memref<!tpu.dma_semaphore, #tpu.memory_space<semaphore_mem>>)
      %dma_start3A_307 = arith.constant 24576 : i32
      %dma_start3A_308 = tpu.memref_slice %arg9[%dma_start3A_307] : memref<57344xf32, #tpu.memory_space<vmem>> -> memref<8192xf32, #tpu.memory_space<vmem>>
      %dma_start3A_309 = tpu.memref_slice %arg5[%add3A_282] : memref<13107200xf32, #tpu.memory_space<hbm>> -> memref<8192xf32, #tpu.memory_space<hbm>>
      %dma_start3A_310 = tpu.memref_slice %arg5[%add3A_282] : memref<13107200xf32, #tpu.memory_space<hbm>> -> memref<8192xf32, #tpu.memory_space<hbm>>
      %dma_start3A_311 = arith.constant 24576 : i32
      %dma_start3A_312 = tpu.memref_slice %arg9[%dma_start3A_311] : memref<57344xf32, #tpu.memory_space<vmem>> -> memref<8192xf32, #tpu.memory_space<vmem>>
      tpu.enqueue_dma source(%dma_start3A_312 : memref<8192xf32, #tpu.memory_space<vmem>>) target(%dma_start3A_310 : memref<8192xf32, #tpu.memory_space<hbm>>) target_semaphore(%arg13 : memref<!tpu.dma_semaphore, #tpu.memory_space<semaphore_mem>>)
      %dma_start3A_313 = arith.constant 32768 : i32
      %dma_start3A_314 = tpu.memref_slice %arg9[%dma_start3A_313] : memref<57344xf32, #tpu.memory_space<vmem>> -> memref<8192xf32, #tpu.memory_space<vmem>>
      %dma_start3A_315 = tpu.memref_slice %arg5[%add3A_284] : memref<13107200xf32, #tpu.memory_space<hbm>> -> memref<8192xf32, #tpu.memory_space<hbm>>
      %dma_start3A_316 = tpu.memref_slice %arg5[%add3A_284] : memref<13107200xf32, #tpu.memory_space<hbm>> -> memref<8192xf32, #tpu.memory_space<hbm>>
      %dma_start3A_317 = arith.constant 32768 : i32
      %dma_start3A_318 = tpu.memref_slice %arg9[%dma_start3A_317] : memref<57344xf32, #tpu.memory_space<vmem>> -> memref<8192xf32, #tpu.memory_space<vmem>>
      tpu.enqueue_dma source(%dma_start3A_318 : memref<8192xf32, #tpu.memory_space<vmem>>) target(%dma_start3A_316 : memref<8192xf32, #tpu.memory_space<hbm>>) target_semaphore(%arg13 : memref<!tpu.dma_semaphore, #tpu.memory_space<semaphore_mem>>)
      %dma_start3A_319 = arith.constant 40960 : i32
      %dma_start3A_320 = tpu.memref_slice %arg9[%dma_start3A_319] : memref<57344xf32, #tpu.memory_space<vmem>> -> memref<8192xf32, #tpu.memory_space<vmem>>
      %dma_start3A_321 = tpu.memref_slice %arg5[%add3A_286] : memref<13107200xf32, #tpu.memory_space<hbm>> -> memref<8192xf32, #tpu.memory_space<hbm>>
      %dma_start3A_322 = tpu.memref_slice %arg5[%add3A_286] : memref<13107200xf32, #tpu.memory_space<hbm>> -> memref<8192xf32, #tpu.memory_space<hbm>>
      %dma_start3A_323 = arith.constant 40960 : i32
      %dma_start3A_324 = tpu.memref_slice %arg9[%dma_start3A_323] : memref<57344xf32, #tpu.memory_space<vmem>> -> memref<8192xf32, #tpu.memory_space<vmem>>
      tpu.enqueue_dma source(%dma_start3A_324 : memref<8192xf32, #tpu.memory_space<vmem>>) target(%dma_start3A_322 : memref<8192xf32, #tpu.memory_space<hbm>>) target_semaphore(%arg13 : memref<!tpu.dma_semaphore, #tpu.memory_space<semaphore_mem>>)
      %dma_start3A_325 = arith.constant 49152 : i32
      %dma_start3A_326 = tpu.memref_slice %arg9[%dma_start3A_325] : memref<57344xf32, #tpu.memory_space<vmem>> -> memref<8192xf32, #tpu.memory_space<vmem>>
      %dma_start3A_327 = tpu.memref_slice %arg5[%add3A_288] : memref<13107200xf32, #tpu.memory_space<hbm>> -> memref<8192xf32, #tpu.memory_space<hbm>>
      %dma_start3A_328 = tpu.memref_slice %arg5[%add3A_288] : memref<13107200xf32, #tpu.memory_space<hbm>> -> memref<8192xf32, #tpu.memory_space<hbm>>
      %dma_start3A_329 = arith.constant 49152 : i32
      %dma_start3A_330 = tpu.memref_slice %arg9[%dma_start3A_329] : memref<57344xf32, #tpu.memory_space<vmem>> -> memref<8192xf32, #tpu.memory_space<vmem>>
      tpu.enqueue_dma source(%dma_start3A_330 : memref<8192xf32, #tpu.memory_space<vmem>>) target(%dma_start3A_328 : memref<8192xf32, #tpu.memory_space<hbm>>) target_semaphore(%arg13 : memref<!tpu.dma_semaphore, #tpu.memory_space<semaphore_mem>>)
      %mul3A_331 = arith.constant 2 : i32
      %mul3A_332 = arith.muli %mul3A_331, %scan3A_202 : i32
      %add3A_333 = arith.constant 1 : i32
      %add3A_334 = arith.addi %mul3A_332, %add3A_333 : i32
      %ge3A_335 = arith.constant 2 : i32
      %ge3A_336 = arith.cmpi sge, %add3A_334, %ge3A_335 : i32
      %convert_element_type3A_337 = arith.extui %ge3A_336 : i1 to i32
      %cond3A_338 = arith.constant 0 : i32
      %cond3A_339 = arith.cmpi ne, %convert_element_type3A_337, %cond3A_338 : i32
      scf.if %cond3A_339 {
        %sub3A_461 = arith.constant 2 : i32
        %sub3A_462 = arith.subi %add3A_334, %sub3A_461 : i32
        %add3A_463 = arith.addi %add3A_6, %sub3A_462 : i32
        %mul3A_464 = arith.constant 8192 : i32
        %mul3A_465 = arith.muli %add3A_463, %mul3A_464 : i32
        %jit3A_466 = arith.constant 16384 : i32
        %div3A_467 = arith.divsi %mul3A_465, %jit3A_466 : i32
        %sign3A_468 = arith.constant 0 : i32
        %sign3A_469 = arith.cmpi sgt, %mul3A_465, %sign3A_468 : i32
        %sign3A_470 = arith.extui %sign3A_469 : i1 to i32
        %sign3A_471 = arith.constant 0 : i32
        %sign3A_472 = arith.cmpi slt, %mul3A_465, %sign3A_471 : i32
        %sign3A_473 = arith.extui %sign3A_472 : i1 to i32
        %sign3A_474 = arith.subi %sign3A_470, %sign3A_473 : i32
        %sign3A_475 = arith.constant 0 : i32
        %sign3A_476 = arith.cmpi sgt, %jit3A_466, %sign3A_475 : i32
        %sign3A_477 = arith.extui %sign3A_476 : i1 to i32
        %sign3A_478 = arith.constant 0 : i32
        %sign3A_479 = arith.cmpi slt, %jit3A_466, %sign3A_478 : i32
        %sign3A_480 = arith.extui %sign3A_479 : i1 to i32
        %sign3A_481 = arith.subi %sign3A_477, %sign3A_480 : i32
        %ne3A_482 = arith.cmpi ne, %sign3A_474, %sign3A_481 : i32
        %rem3A_483 = arith.remsi %mul3A_465, %jit3A_466 : i32
        %ne3A_484 = arith.constant 0 : i32
        %ne3A_485 = arith.cmpi ne, %rem3A_483, %ne3A_484 : i32
        %and3A_486 = arith.andi %ne3A_482, %ne3A_485 : i1
        %sub3A_487 = arith.constant 1 : i32
        %sub3A_488 = arith.subi %div3A_467, %sub3A_487 : i32
        %select_n3A_489 = arith.select %and3A_486, %sub3A_488, %div3A_467 : i32
        %mul3A_490 = arith.constant 65536 : i32
        %mul3A_491 = arith.muli %select_n3A_489, %mul3A_490 : i32
        %mul3A_492 = arith.constant 16384 : i32
        %mul3A_493 = arith.muli %select_n3A_489, %mul3A_492 : i32
        %sub3A_494 = arith.subi %mul3A_465, %mul3A_493 : i32
        %add3A_495 = arith.addi %mul3A_491, %sub3A_494 : i32
        %add3A_496 = arith.constant 0 : i32
        %add3A_497 = arith.addi %add3A_496, %mul3A_465 : i32
        %add3A_498 = arith.constant 3276800 : i32
        %add3A_499 = arith.addi %add3A_498, %mul3A_465 : i32
        %add3A_500 = arith.constant 6553600 : i32
        %add3A_501 = arith.addi %add3A_500, %mul3A_465 : i32
        %add3A_502 = arith.constant 0 : i32
        %add3A_503 = arith.addi %add3A_495, %add3A_502 : i32
        %add3A_504 = arith.constant 16384 : i32
        %add3A_505 = arith.addi %add3A_495, %add3A_504 : i32
        %add3A_506 = arith.constant 32768 : i32
        %add3A_507 = arith.addi %add3A_495, %add3A_506 : i32
        %add3A_508 = arith.constant 49152 : i32
        %add3A_509 = arith.addi %add3A_495, %add3A_508 : i32
        %dma_wait3A_510 = arith.constant 0 : i32
        %dma_wait3A_511 = tpu.memref_slice %arg10[%dma_wait3A_510] : memref<57344xf32, #tpu.memory_space<vmem>> -> memref<8192xf32, #tpu.memory_space<vmem>>
        %dma_wait3A_512 = tpu.memref_slice %arg4[%add3A_497] : memref<9830400xf32, #tpu.memory_space<hbm>> -> memref<8192xf32, #tpu.memory_space<hbm>>
        %dma_wait3A_513 = tpu.memref_slice %arg4[%add3A_497] : memref<9830400xf32, #tpu.memory_space<hbm>> -> memref<8192xf32, #tpu.memory_space<hbm>>
        %dma_wait3A_514 = arith.constant 0 : i32
        %dma_wait3A_515 = tpu.memref_slice %arg10[%dma_wait3A_514] : memref<57344xf32, #tpu.memory_space<vmem>> -> memref<8192xf32, #tpu.memory_space<vmem>>
        tpu.wait_dma2 semaphore(%arg14 : memref<!tpu.dma_semaphore, #tpu.memory_space<semaphore_mem>>) src(%dma_wait3A_515 : memref<8192xf32, #tpu.memory_space<vmem>>) dst(%dma_wait3A_513 : memref<8192xf32, #tpu.memory_space<hbm>>)
        %dma_wait3A_516 = arith.constant 8192 : i32
        %dma_wait3A_517 = tpu.memref_slice %arg10[%dma_wait3A_516] : memref<57344xf32, #tpu.memory_space<vmem>> -> memref<8192xf32, #tpu.memory_space<vmem>>
        %dma_wait3A_518 = tpu.memref_slice %arg4[%add3A_499] : memref<9830400xf32, #tpu.memory_space<hbm>> -> memref<8192xf32, #tpu.memory_space<hbm>>
        %dma_wait3A_519 = tpu.memref_slice %arg4[%add3A_499] : memref<9830400xf32, #tpu.memory_space<hbm>> -> memref<8192xf32, #tpu.memory_space<hbm>>
        %dma_wait3A_520 = arith.constant 8192 : i32
        %dma_wait3A_521 = tpu.memref_slice %arg10[%dma_wait3A_520] : memref<57344xf32, #tpu.memory_space<vmem>> -> memref<8192xf32, #tpu.memory_space<vmem>>
        tpu.wait_dma2 semaphore(%arg14 : memref<!tpu.dma_semaphore, #tpu.memory_space<semaphore_mem>>) src(%dma_wait3A_521 : memref<8192xf32, #tpu.memory_space<vmem>>) dst(%dma_wait3A_519 : memref<8192xf32, #tpu.memory_space<hbm>>)
        %dma_wait3A_522 = arith.constant 16384 : i32
        %dma_wait3A_523 = tpu.memref_slice %arg10[%dma_wait3A_522] : memref<57344xf32, #tpu.memory_space<vmem>> -> memref<8192xf32, #tpu.memory_space<vmem>>
        %dma_wait3A_524 = tpu.memref_slice %arg4[%add3A_501] : memref<9830400xf32, #tpu.memory_space<hbm>> -> memref<8192xf32, #tpu.memory_space<hbm>>
        %dma_wait3A_525 = tpu.memref_slice %arg4[%add3A_501] : memref<9830400xf32, #tpu.memory_space<hbm>> -> memref<8192xf32, #tpu.memory_space<hbm>>
        %dma_wait3A_526 = arith.constant 16384 : i32
        %dma_wait3A_527 = tpu.memref_slice %arg10[%dma_wait3A_526] : memref<57344xf32, #tpu.memory_space<vmem>> -> memref<8192xf32, #tpu.memory_space<vmem>>
        tpu.wait_dma2 semaphore(%arg14 : memref<!tpu.dma_semaphore, #tpu.memory_space<semaphore_mem>>) src(%dma_wait3A_527 : memref<8192xf32, #tpu.memory_space<vmem>>) dst(%dma_wait3A_525 : memref<8192xf32, #tpu.memory_space<hbm>>)
        %dma_wait3A_528 = arith.constant 24576 : i32
        %dma_wait3A_529 = tpu.memref_slice %arg10[%dma_wait3A_528] : memref<57344xf32, #tpu.memory_space<vmem>> -> memref<8192xf32, #tpu.memory_space<vmem>>
        %dma_wait3A_530 = tpu.memref_slice %arg5[%add3A_503] : memref<13107200xf32, #tpu.memory_space<hbm>> -> memref<8192xf32, #tpu.memory_space<hbm>>
        %dma_wait3A_531 = tpu.memref_slice %arg5[%add3A_503] : memref<13107200xf32, #tpu.memory_space<hbm>> -> memref<8192xf32, #tpu.memory_space<hbm>>
        %dma_wait3A_532 = arith.constant 24576 : i32
        %dma_wait3A_533 = tpu.memref_slice %arg10[%dma_wait3A_532] : memref<57344xf32, #tpu.memory_space<vmem>> -> memref<8192xf32, #tpu.memory_space<vmem>>
        tpu.wait_dma2 semaphore(%arg14 : memref<!tpu.dma_semaphore, #tpu.memory_space<semaphore_mem>>) src(%dma_wait3A_533 : memref<8192xf32, #tpu.memory_space<vmem>>) dst(%dma_wait3A_531 : memref<8192xf32, #tpu.memory_space<hbm>>)
        %dma_wait3A_534 = arith.constant 32768 : i32
        %dma_wait3A_535 = tpu.memref_slice %arg10[%dma_wait3A_534] : memref<57344xf32, #tpu.memory_space<vmem>> -> memref<8192xf32, #tpu.memory_space<vmem>>
        %dma_wait3A_536 = tpu.memref_slice %arg5[%add3A_505] : memref<13107200xf32, #tpu.memory_space<hbm>> -> memref<8192xf32, #tpu.memory_space<hbm>>
        %dma_wait3A_537 = tpu.memref_slice %arg5[%add3A_505] : memref<13107200xf32, #tpu.memory_space<hbm>> -> memref<8192xf32, #tpu.memory_space<hbm>>
        %dma_wait3A_538 = arith.constant 32768 : i32
        %dma_wait3A_539 = tpu.memref_slice %arg10[%dma_wait3A_538] : memref<57344xf32, #tpu.memory_space<vmem>> -> memref<8192xf32, #tpu.memory_space<vmem>>
        tpu.wait_dma2 semaphore(%arg14 : memref<!tpu.dma_semaphore, #tpu.memory_space<semaphore_mem>>) src(%dma_wait3A_539 : memref<8192xf32, #tpu.memory_space<vmem>>) dst(%dma_wait3A_537 : memref<8192xf32, #tpu.memory_space<hbm>>)
        %dma_wait3A_540 = arith.constant 40960 : i32
        %dma_wait3A_541 = tpu.memref_slice %arg10[%dma_wait3A_540] : memref<57344xf32, #tpu.memory_space<vmem>> -> memref<8192xf32, #tpu.memory_space<vmem>>
        %dma_wait3A_542 = tpu.memref_slice %arg5[%add3A_507] : memref<13107200xf32, #tpu.memory_space<hbm>> -> memref<8192xf32, #tpu.memory_space<hbm>>
        %dma_wait3A_543 = tpu.memref_slice %arg5[%add3A_507] : memref<13107200xf32, #tpu.memory_space<hbm>> -> memref<8192xf32, #tpu.memory_space<hbm>>
        %dma_wait3A_544 = arith.constant 40960 : i32
        %dma_wait3A_545 = tpu.memref_slice %arg10[%dma_wait3A_544] : memref<57344xf32, #tpu.memory_space<vmem>> -> memref<8192xf32, #tpu.memory_space<vmem>>
        tpu.wait_dma2 semaphore(%arg14 : memref<!tpu.dma_semaphore, #tpu.memory_space<semaphore_mem>>) src(%dma_wait3A_545 : memref<8192xf32, #tpu.memory_space<vmem>>) dst(%dma_wait3A_543 : memref<8192xf32, #tpu.memory_space<hbm>>)
        %dma_wait3A_546 = arith.constant 49152 : i32
        %dma_wait3A_547 = tpu.memref_slice %arg10[%dma_wait3A_546] : memref<57344xf32, #tpu.memory_space<vmem>> -> memref<8192xf32, #tpu.memory_space<vmem>>
        %dma_wait3A_548 = tpu.memref_slice %arg5[%add3A_509] : memref<13107200xf32, #tpu.memory_space<hbm>> -> memref<8192xf32, #tpu.memory_space<hbm>>
        %dma_wait3A_549 = tpu.memref_slice %arg5[%add3A_509] : memref<13107200xf32, #tpu.memory_space<hbm>> -> memref<8192xf32, #tpu.memory_space<hbm>>
        %dma_wait3A_550 = arith.constant 49152 : i32
        %dma_wait3A_551 = tpu.memref_slice %arg10[%dma_wait3A_550] : memref<57344xf32, #tpu.memory_space<vmem>> -> memref<8192xf32, #tpu.memory_space<vmem>>
        tpu.wait_dma2 semaphore(%arg14 : memref<!tpu.dma_semaphore, #tpu.memory_space<semaphore_mem>>) src(%dma_wait3A_551 : memref<8192xf32, #tpu.memory_space<vmem>>) dst(%dma_wait3A_549 : memref<8192xf32, #tpu.memory_space<hbm>>)
      } else {
      }
      %add3A_340 = arith.addi %add3A_6, %add3A_334 : i32
      %mul3A_341 = arith.constant 8192 : i32
      %mul3A_342 = arith.muli %add3A_340, %mul3A_341 : i32
      %add3A_343 = arith.constant 0 : i32
      %add3A_344 = arith.addi %mul3A_342, %add3A_343 : i32
      %dma_wait3A_345 = tpu.memref_slice %arg2[%add3A_344] : memref<3276800xf32, #tpu.memory_space<hbm>> -> memref<4096xf32, #tpu.memory_space<hbm>>
      %dma_wait3A_346 = tpu.memref_slice %arg2[%add3A_344] : memref<3276800xf32, #tpu.memory_space<hbm>> -> memref<4096xf32, #tpu.memory_space<hbm>>
      tpu.wait_dma2 semaphore(%arg11 : memref<!tpu.dma_semaphore, #tpu.memory_space<semaphore_mem>>) src(%dma_wait3A_346 : memref<4096xf32, #tpu.memory_space<hbm>>) dst(%arg7 : memref<4096xf32, #tpu.memory_space<vmem>>)
      %parallel_loop3A_347 = arith.constant 0 : i32
      %parallel_loop3A_348 = arith.constant 256 : i32
      %parallel_loop3A_349 = arith.constant 1 : i32
      scf.for %parallel_loop3A_461 = %parallel_loop3A_347 to %parallel_loop3A_348 step %parallel_loop3A_349  : i32 {
        %parallel_loop3A_462 = arith.constant 16 : i32
        %parallel_loop3A_463 = arith.muli %parallel_loop3A_461, %parallel_loop3A_462 : i32
        %parallel_loop3A_464 = arith.index_cast %parallel_loop3A_463 : i32 to index
        %parallel_loop3A_465 = tpu.vector_load %arg7[%parallel_loop3A_464] {strides = array<i32>} : memref<4096xf32, #tpu.memory_space<vmem>>, vector<16xf32>,
        %parallel_loop3A_466 = arith.constant 9.900000e+01 : f32
        %parallel_loop3A_467 = vector.broadcast %parallel_loop3A_466 : f32 to vector<16xf32>
        %parallel_loop3A_468 = arith.mulf %parallel_loop3A_465, %parallel_loop3A_467 : vector<16xf32>
        %parallel_loop3A_469 = arith.fptosi %parallel_loop3A_468 : vector<16xf32> to vector<16xi32>
        %parallel_loop3A_470 = arith.constant 0 : i32
        %parallel_loop3A_471 = vector.broadcast %parallel_loop3A_470 : i32 to vector<16xi32>
        %parallel_loop3A_472 = arith.maxsi %parallel_loop3A_469, %parallel_loop3A_471 : vector<16xi32>
        %parallel_loop3A_473 = arith.constant 98 : i32
        %parallel_loop3A_474 = vector.broadcast %parallel_loop3A_473 : i32 to vector<16xi32>
        %parallel_loop3A_475 = arith.minsi %parallel_loop3A_472, %parallel_loop3A_474 : vector<16xi32>
        %parallel_loop3A_476 = arith.sitofp %parallel_loop3A_475 : vector<16xi32> to vector<16xf32>
        %parallel_loop3A_477 = arith.subf %parallel_loop3A_468, %parallel_loop3A_476 : vector<16xf32>
        %parallel_loop3A_478 = arith.constant 8 : i32
        %parallel_loop3A_479 = vector.broadcast %parallel_loop3A_478 : i32 to vector<16xi32>
        %parallel_loop3A_480 = arith.muli %parallel_loop3A_475, %parallel_loop3A_479 : vector<16xi32>
        %parallel_loop3A_481 = arith.constant 0 : i32
        %parallel_loop3A_482 = vector.broadcast %parallel_loop3A_481 : i32 to vector<16xi32>
        %parallel_loop3A_483 = arith.addi %parallel_loop3A_480, %parallel_loop3A_482 : vector<16xi32>
        %parallel_loop3A_484 = tpu.vector_load_idx %arg6[%parallel_loop3A_483] : memref<792xi32, #tpu.memory_space<vmem>>[vector<16xi32>], vector<16xi32>,
        %parallel_loop3A_485 = arith.constant 1 : i32
        %parallel_loop3A_486 = vector.broadcast %parallel_loop3A_485 : i32 to vector<16xi32>
        %parallel_loop3A_487 = arith.addi %parallel_loop3A_480, %parallel_loop3A_486 : vector<16xi32>
        %parallel_loop3A_488 = tpu.vector_load_idx %arg6[%parallel_loop3A_487] : memref<792xi32, #tpu.memory_space<vmem>>[vector<16xi32>], vector<16xi32>,
        %parallel_loop3A_489 = arith.constant 2 : i32
        %parallel_loop3A_490 = vector.broadcast %parallel_loop3A_489 : i32 to vector<16xi32>
        %parallel_loop3A_491 = arith.addi %parallel_loop3A_480, %parallel_loop3A_490 : vector<16xi32>
        %parallel_loop3A_492 = tpu.vector_load_idx %arg6[%parallel_loop3A_491] : memref<792xi32, #tpu.memory_space<vmem>>[vector<16xi32>], vector<16xi32>,
        %parallel_loop3A_493 = arith.constant 3 : i32
        %parallel_loop3A_494 = vector.broadcast %parallel_loop3A_493 : i32 to vector<16xi32>
        %parallel_loop3A_495 = arith.addi %parallel_loop3A_480, %parallel_loop3A_494 : vector<16xi32>
        %parallel_loop3A_496 = tpu.vector_load_idx %arg6[%parallel_loop3A_495] : memref<792xi32, #tpu.memory_space<vmem>>[vector<16xi32>], vector<16xi32>,
        %parallel_loop3A_497 = arith.constant 4 : i32
        %parallel_loop3A_498 = vector.broadcast %parallel_loop3A_497 : i32 to vector<16xi32>
        %parallel_loop3A_499 = arith.addi %parallel_loop3A_480, %parallel_loop3A_498 : vector<16xi32>
        %parallel_loop3A_500 = tpu.vector_load_idx %arg6[%parallel_loop3A_499] : memref<792xi32, #tpu.memory_space<vmem>>[vector<16xi32>], vector<16xi32>,
        %parallel_loop3A_501 = arith.constant 5 : i32
        %parallel_loop3A_502 = vector.broadcast %parallel_loop3A_501 : i32 to vector<16xi32>
        %parallel_loop3A_503 = arith.addi %parallel_loop3A_480, %parallel_loop3A_502 : vector<16xi32>
        %parallel_loop3A_504 = tpu.vector_load_idx %arg6[%parallel_loop3A_503] : memref<792xi32, #tpu.memory_space<vmem>>[vector<16xi32>], vector<16xi32>,
        %parallel_loop3A_505 = arith.constant 6 : i32
        %parallel_loop3A_506 = vector.broadcast %parallel_loop3A_505 : i32 to vector<16xi32>
        %parallel_loop3A_507 = arith.addi %parallel_loop3A_480, %parallel_loop3A_506 : vector<16xi32>
        %parallel_loop3A_508 = tpu.vector_load_idx %arg6[%parallel_loop3A_507] : memref<792xi32, #tpu.memory_space<vmem>>[vector<16xi32>], vector<16xi32>,
        %parallel_loop3A_509 = arith.constant 16 : i32
        %parallel_loop3A_510 = vector.broadcast %parallel_loop3A_509 : i32 to vector<16xi32>
        %parallel_loop3A_511 = arith.shli %parallel_loop3A_484, %parallel_loop3A_510 : vector<16xi32>
        %parallel_loop3A_512 = tpu.bitcast %parallel_loop3A_511 : vector<16xi32> -> vector<16xf32>
        %parallel_loop3A_513 = arith.constant -65536 : i32
        %parallel_loop3A_514 = vector.broadcast %parallel_loop3A_513 : i32 to vector<16xi32>
        %parallel_loop3A_515 = arith.andi %parallel_loop3A_484, %parallel_loop3A_514 : vector<16xi32>
        %parallel_loop3A_516 = tpu.bitcast %parallel_loop3A_515 : vector<16xi32> -> vector<16xf32>
        %parallel_loop3A_517 = arith.subf %parallel_loop3A_516, %parallel_loop3A_512 : vector<16xf32>
        %parallel_loop3A_518 = arith.mulf %parallel_loop3A_477, %parallel_loop3A_517 : vector<16xf32>
        %parallel_loop3A_519 = arith.addf %parallel_loop3A_512, %parallel_loop3A_518 : vector<16xf32>
        %parallel_loop3A_520 = arith.constant 16 : i32
        %parallel_loop3A_521 = vector.broadcast %parallel_loop3A_520 : i32 to vector<16xi32>
        %parallel_loop3A_522 = arith.shli %parallel_loop3A_488, %parallel_loop3A_521 : vector<16xi32>
        %parallel_loop3A_523 = tpu.bitcast %parallel_loop3A_522 : vector<16xi32> -> vector<16xf32>
        %parallel_loop3A_524 = arith.constant -65536 : i32
        %parallel_loop3A_525 = vector.broadcast %parallel_loop3A_524 : i32 to vector<16xi32>
        %parallel_loop3A_526 = arith.andi %parallel_loop3A_488, %parallel_loop3A_525 : vector<16xi32>
        %parallel_loop3A_527 = tpu.bitcast %parallel_loop3A_526 : vector<16xi32> -> vector<16xf32>
        %parallel_loop3A_528 = arith.subf %parallel_loop3A_527, %parallel_loop3A_523 : vector<16xf32>
        %parallel_loop3A_529 = arith.mulf %parallel_loop3A_477, %parallel_loop3A_528 : vector<16xf32>
        %parallel_loop3A_530 = arith.addf %parallel_loop3A_523, %parallel_loop3A_529 : vector<16xf32>
        %parallel_loop3A_531 = arith.constant 16 : i32
        %parallel_loop3A_532 = vector.broadcast %parallel_loop3A_531 : i32 to vector<16xi32>
        %parallel_loop3A_533 = arith.shli %parallel_loop3A_492, %parallel_loop3A_532 : vector<16xi32>
        %parallel_loop3A_534 = tpu.bitcast %parallel_loop3A_533 : vector<16xi32> -> vector<16xf32>
        %parallel_loop3A_535 = arith.constant -65536 : i32
        %parallel_loop3A_536 = vector.broadcast %parallel_loop3A_535 : i32 to vector<16xi32>
        %parallel_loop3A_537 = arith.andi %parallel_loop3A_492, %parallel_loop3A_536 : vector<16xi32>
        %parallel_loop3A_538 = tpu.bitcast %parallel_loop3A_537 : vector<16xi32> -> vector<16xf32>
        %parallel_loop3A_539 = arith.subf %parallel_loop3A_538, %parallel_loop3A_534 : vector<16xf32>
        %parallel_loop3A_540 = arith.mulf %parallel_loop3A_477, %parallel_loop3A_539 : vector<16xf32>
        %parallel_loop3A_541 = arith.addf %parallel_loop3A_534, %parallel_loop3A_540 : vector<16xf32>
        %parallel_loop3A_542 = arith.constant 16 : i32
        %parallel_loop3A_543 = vector.broadcast %parallel_loop3A_542 : i32 to vector<16xi32>
        %parallel_loop3A_544 = arith.shli %parallel_loop3A_496, %parallel_loop3A_543 : vector<16xi32>
        %parallel_loop3A_545 = tpu.bitcast %parallel_loop3A_544 : vector<16xi32> -> vector<16xf32>
        %parallel_loop3A_546 = arith.constant -65536 : i32
        %parallel_loop3A_547 = vector.broadcast %parallel_loop3A_546 : i32 to vector<16xi32>
        %parallel_loop3A_548 = arith.andi %parallel_loop3A_496, %parallel_loop3A_547 : vector<16xi32>
        %parallel_loop3A_549 = tpu.bitcast %parallel_loop3A_548 : vector<16xi32> -> vector<16xf32>
        %parallel_loop3A_550 = arith.subf %parallel_loop3A_549, %parallel_loop3A_545 : vector<16xf32>
        %parallel_loop3A_551 = arith.mulf %parallel_loop3A_477, %parallel_loop3A_550 : vector<16xf32>
        %parallel_loop3A_552 = arith.addf %parallel_loop3A_545, %parallel_loop3A_551 : vector<16xf32>
        %parallel_loop3A_553 = arith.constant 16 : i32
        %parallel_loop3A_554 = vector.broadcast %parallel_loop3A_553 : i32 to vector<16xi32>
        %parallel_loop3A_555 = arith.shli %parallel_loop3A_500, %parallel_loop3A_554 : vector<16xi32>
        %parallel_loop3A_556 = tpu.bitcast %parallel_loop3A_555 : vector<16xi32> -> vector<16xf32>
        %parallel_loop3A_557 = arith.constant -65536 : i32
        %parallel_loop3A_558 = vector.broadcast %parallel_loop3A_557 : i32 to vector<16xi32>
        %parallel_loop3A_559 = arith.andi %parallel_loop3A_500, %parallel_loop3A_558 : vector<16xi32>
        %parallel_loop3A_560 = tpu.bitcast %parallel_loop3A_559 : vector<16xi32> -> vector<16xf32>
        %parallel_loop3A_561 = arith.subf %parallel_loop3A_560, %parallel_loop3A_556 : vector<16xf32>
        %parallel_loop3A_562 = arith.mulf %parallel_loop3A_477, %parallel_loop3A_561 : vector<16xf32>
        %parallel_loop3A_563 = arith.addf %parallel_loop3A_556, %parallel_loop3A_562 : vector<16xf32>
        %parallel_loop3A_564 = arith.constant 16 : i32
        %parallel_loop3A_565 = vector.broadcast %parallel_loop3A_564 : i32 to vector<16xi32>
        %parallel_loop3A_566 = arith.shli %parallel_loop3A_504, %parallel_loop3A_565 : vector<16xi32>
        %parallel_loop3A_567 = tpu.bitcast %parallel_loop3A_566 : vector<16xi32> -> vector<16xf32>
        %parallel_loop3A_568 = arith.constant -65536 : i32
        %parallel_loop3A_569 = vector.broadcast %parallel_loop3A_568 : i32 to vector<16xi32>
        %parallel_loop3A_570 = arith.andi %parallel_loop3A_504, %parallel_loop3A_569 : vector<16xi32>
        %parallel_loop3A_571 = tpu.bitcast %parallel_loop3A_570 : vector<16xi32> -> vector<16xf32>
        %parallel_loop3A_572 = arith.subf %parallel_loop3A_571, %parallel_loop3A_567 : vector<16xf32>
        %parallel_loop3A_573 = arith.mulf %parallel_loop3A_477, %parallel_loop3A_572 : vector<16xf32>
        %parallel_loop3A_574 = arith.addf %parallel_loop3A_567, %parallel_loop3A_573 : vector<16xf32>
        %parallel_loop3A_575 = arith.constant 16 : i32
        %parallel_loop3A_576 = vector.broadcast %parallel_loop3A_575 : i32 to vector<16xi32>
        %parallel_loop3A_577 = arith.shli %parallel_loop3A_508, %parallel_loop3A_576 : vector<16xi32>
        %parallel_loop3A_578 = tpu.bitcast %parallel_loop3A_577 : vector<16xi32> -> vector<16xf32>
        %parallel_loop3A_579 = arith.constant -65536 : i32
        %parallel_loop3A_580 = vector.broadcast %parallel_loop3A_579 : i32 to vector<16xi32>
        %parallel_loop3A_581 = arith.andi %parallel_loop3A_508, %parallel_loop3A_580 : vector<16xi32>
        %parallel_loop3A_582 = tpu.bitcast %parallel_loop3A_581 : vector<16xi32> -> vector<16xf32>
        %parallel_loop3A_583 = arith.subf %parallel_loop3A_582, %parallel_loop3A_578 : vector<16xf32>
        %parallel_loop3A_584 = arith.mulf %parallel_loop3A_477, %parallel_loop3A_583 : vector<16xf32>
        %parallel_loop3A_585 = arith.addf %parallel_loop3A_578, %parallel_loop3A_584 : vector<16xf32>
        %parallel_loop3A_586 = arith.mulf %parallel_loop3A_552, %parallel_loop3A_552 : vector<16xf32>
        %parallel_loop3A_587 = arith.mulf %parallel_loop3A_563, %parallel_loop3A_563 : vector<16xf32>
        %parallel_loop3A_588 = arith.addf %parallel_loop3A_586, %parallel_loop3A_587 : vector<16xf32>
        %parallel_loop3A_589 = arith.mulf %parallel_loop3A_574, %parallel_loop3A_574 : vector<16xf32>
        %parallel_loop3A_590 = arith.addf %parallel_loop3A_588, %parallel_loop3A_589 : vector<16xf32>
        %parallel_loop3A_591 = arith.mulf %parallel_loop3A_585, %parallel_loop3A_585 : vector<16xf32>
        %parallel_loop3A_592 = arith.addf %parallel_loop3A_590, %parallel_loop3A_591 : vector<16xf32>
        %parallel_loop3A_593 = arith.constant 1.000000e-24 : f32
        %parallel_loop3A_594 = vector.broadcast %parallel_loop3A_593 : f32 to vector<16xf32>
        %parallel_loop3A_595 = arith.maximumf %parallel_loop3A_592, %parallel_loop3A_594 : vector<16xf32>
        %parallel_loop3A_596 = tpu.bitcast %parallel_loop3A_595 : vector<16xf32> -> vector<16xi32>
        %parallel_loop3A_597 = arith.constant 1 : i32
        %parallel_loop3A_598 = vector.broadcast %parallel_loop3A_597 : i32 to vector<16xi32>
        %parallel_loop3A_599 = arith.shrui %parallel_loop3A_596, %parallel_loop3A_598 : vector<16xi32>
        %parallel_loop3A_600 = arith.constant 1597463007 : i32
        %parallel_loop3A_601 = vector.broadcast %parallel_loop3A_600 : i32 to vector<16xi32>
        %parallel_loop3A_602 = arith.subi %parallel_loop3A_601, %parallel_loop3A_599 : vector<16xi32>
        %parallel_loop3A_603 = tpu.bitcast %parallel_loop3A_602 : vector<16xi32> -> vector<16xf32>
        %parallel_loop3A_604 = arith.constant 5.000000e-01 : f32
        %parallel_loop3A_605 = vector.broadcast %parallel_loop3A_604 : f32 to vector<16xf32>
        %parallel_loop3A_606 = arith.mulf %parallel_loop3A_605, %parallel_loop3A_595 : vector<16xf32>
        %parallel_loop3A_607 = arith.mulf %parallel_loop3A_606, %parallel_loop3A_603 : vector<16xf32>
        %parallel_loop3A_608 = arith.mulf %parallel_loop3A_607, %parallel_loop3A_603 : vector<16xf32>
        %parallel_loop3A_609 = arith.constant 1.500000e+00 : f32
        %parallel_loop3A_610 = vector.broadcast %parallel_loop3A_609 : f32 to vector<16xf32>
        %parallel_loop3A_611 = arith.subf %parallel_loop3A_610, %parallel_loop3A_608 : vector<16xf32>
        %parallel_loop3A_612 = arith.mulf %parallel_loop3A_603, %parallel_loop3A_611 : vector<16xf32>
        %parallel_loop3A_613 = arith.constant 16 : i32
        %parallel_loop3A_614 = arith.muli %parallel_loop3A_461, %parallel_loop3A_613 : i32
        %parallel_loop3A_615 = arith.constant 0 : i32
        %parallel_loop3A_616 = arith.addi %parallel_loop3A_615, %parallel_loop3A_614 : i32
        %parallel_loop3A_617 = arith.index_cast %parallel_loop3A_616 : i32 to index
        %parallel_loop3A_618 = tpu.vector_load %arg10[%parallel_loop3A_617] {strides = array<i32>} : memref<57344xf32, #tpu.memory_space<vmem>>, vector<16xf32>,
        tpu.vector_store %arg10[%parallel_loop3A_617], %parallel_loop3A_519 {strides = array<i32>} : memref<57344xf32, #tpu.memory_space<vmem>>, vector<16xf32>,
        %parallel_loop3A_619 = arith.constant 16 : i32
        %parallel_loop3A_620 = arith.muli %parallel_loop3A_461, %parallel_loop3A_619 : i32
        %parallel_loop3A_621 = arith.constant 8192 : i32
        %parallel_loop3A_622 = arith.addi %parallel_loop3A_621, %parallel_loop3A_620 : i32
        %parallel_loop3A_623 = arith.index_cast %parallel_loop3A_622 : i32 to index
        %parallel_loop3A_624 = tpu.vector_load %arg10[%parallel_loop3A_623] {strides = array<i32>} : memref<57344xf32, #tpu.memory_space<vmem>>, vector<16xf32>,
        tpu.vector_store %arg10[%parallel_loop3A_623], %parallel_loop3A_530 {strides = array<i32>} : memref<57344xf32, #tpu.memory_space<vmem>>, vector<16xf32>,
        %parallel_loop3A_625 = arith.constant 16 : i32
        %parallel_loop3A_626 = arith.muli %parallel_loop3A_461, %parallel_loop3A_625 : i32
        %parallel_loop3A_627 = arith.constant 16384 : i32
        %parallel_loop3A_628 = arith.addi %parallel_loop3A_627, %parallel_loop3A_626 : i32
        %parallel_loop3A_629 = arith.index_cast %parallel_loop3A_628 : i32 to index
        %parallel_loop3A_630 = tpu.vector_load %arg10[%parallel_loop3A_629] {strides = array<i32>} : memref<57344xf32, #tpu.memory_space<vmem>>, vector<16xf32>,
        tpu.vector_store %arg10[%parallel_loop3A_629], %parallel_loop3A_541 {strides = array<i32>} : memref<57344xf32, #tpu.memory_space<vmem>>, vector<16xf32>,
        %parallel_loop3A_631 = arith.mulf %parallel_loop3A_552, %parallel_loop3A_612 : vector<16xf32>
        %parallel_loop3A_632 = arith.constant 16 : i32
        %parallel_loop3A_633 = arith.muli %parallel_loop3A_461, %parallel_loop3A_632 : i32
        %parallel_loop3A_634 = arith.constant 24576 : i32
        %parallel_loop3A_635 = arith.addi %parallel_loop3A_634, %parallel_loop3A_633 : i32
        %parallel_loop3A_636 = arith.index_cast %parallel_loop3A_635 : i32 to index
        %parallel_loop3A_637 = tpu.vector_load %arg10[%parallel_loop3A_636] {strides = array<i32>} : memref<57344xf32, #tpu.memory_space<vmem>>, vector<16xf32>,
        tpu.vector_store %arg10[%parallel_loop3A_636], %parallel_loop3A_631 {strides = array<i32>} : memref<57344xf32, #tpu.memory_space<vmem>>, vector<16xf32>,
        %parallel_loop3A_638 = arith.mulf %parallel_loop3A_563, %parallel_loop3A_612 : vector<16xf32>
        %parallel_loop3A_639 = arith.constant 16 : i32
        %parallel_loop3A_640 = arith.muli %parallel_loop3A_461, %parallel_loop3A_639 : i32
        %parallel_loop3A_641 = arith.constant 32768 : i32
        %parallel_loop3A_642 = arith.addi %parallel_loop3A_641, %parallel_loop3A_640 : i32
        %parallel_loop3A_643 = arith.index_cast %parallel_loop3A_642 : i32 to index
        %parallel_loop3A_644 = tpu.vector_load %arg10[%parallel_loop3A_643] {strides = array<i32>} : memref<57344xf32, #tpu.memory_space<vmem>>, vector<16xf32>,
        tpu.vector_store %arg10[%parallel_loop3A_643], %parallel_loop3A_638 {strides = array<i32>} : memref<57344xf32, #tpu.memory_space<vmem>>, vector<16xf32>,
        %parallel_loop3A_645 = arith.mulf %parallel_loop3A_574, %parallel_loop3A_612 : vector<16xf32>
        %parallel_loop3A_646 = arith.constant 16 : i32
        %parallel_loop3A_647 = arith.muli %parallel_loop3A_461, %parallel_loop3A_646 : i32
        %parallel_loop3A_648 = arith.constant 40960 : i32
        %parallel_loop3A_649 = arith.addi %parallel_loop3A_648, %parallel_loop3A_647 : i32
        %parallel_loop3A_650 = arith.index_cast %parallel_loop3A_649 : i32 to index
        %parallel_loop3A_651 = tpu.vector_load %arg10[%parallel_loop3A_650] {strides = array<i32>} : memref<57344xf32, #tpu.memory_space<vmem>>, vector<16xf32>,
        tpu.vector_store %arg10[%parallel_loop3A_650], %parallel_loop3A_645 {strides = array<i32>} : memref<57344xf32, #tpu.memory_space<vmem>>, vector<16xf32>,
        %parallel_loop3A_652 = arith.mulf %parallel_loop3A_585, %parallel_loop3A_612 : vector<16xf32>
        %parallel_loop3A_653 = arith.constant 16 : i32
        %parallel_loop3A_654 = arith.muli %parallel_loop3A_461, %parallel_loop3A_653 : i32
        %parallel_loop3A_655 = arith.constant 49152 : i32
        %parallel_loop3A_656 = arith.addi %parallel_loop3A_655, %parallel_loop3A_654 : i32
        %parallel_loop3A_657 = arith.index_cast %parallel_loop3A_656 : i32 to index
        %parallel_loop3A_658 = tpu.vector_load %arg10[%parallel_loop3A_657] {strides = array<i32>} : memref<57344xf32, #tpu.memory_space<vmem>>, vector<16xf32>,
        tpu.vector_store %arg10[%parallel_loop3A_657], %parallel_loop3A_652 {strides = array<i32>} : memref<57344xf32, #tpu.memory_space<vmem>>, vector<16xf32>,
      } {sc.loop_unroll_factor = 4 : i64, sc.parallel_access}
      %add3A_350 = arith.constant 1 : i32
      %add3A_351 = arith.addi %add3A_334, %add3A_350 : i32
      %lt3A_352 = arith.cmpi slt, %add3A_351, %select_n3A : i32
      %convert_element_type3A_353 = arith.extui %lt3A_352 : i1 to i32
      %cond3A_354 = arith.constant 0 : i32
      %cond3A_355 = arith.cmpi ne, %convert_element_type3A_353, %cond3A_354 : i32
      scf.if %cond3A_355 {
        %add3A_461 = arith.constant 1 : i32
        %add3A_462 = arith.addi %add3A_334, %add3A_461 : i32
        %add3A_463 = arith.addi %add3A_6, %add3A_462 : i32
        %mul3A_464 = arith.constant 8192 : i32
        %mul3A_465 = arith.muli %add3A_463, %mul3A_464 : i32
        %add3A_466 = arith.constant 0 : i32
        %add3A_467 = arith.addi %mul3A_465, %add3A_466 : i32
        %dma_start3A_468 = tpu.memref_slice %arg2[%add3A_467] : memref<3276800xf32, #tpu.memory_space<hbm>> -> memref<4096xf32, #tpu.memory_space<hbm>>
        %dma_start3A_469 = tpu.memref_slice %arg2[%add3A_467] : memref<3276800xf32, #tpu.memory_space<hbm>> -> memref<4096xf32, #tpu.memory_space<hbm>>
        tpu.enqueue_dma source(%dma_start3A_469 : memref<4096xf32, #tpu.memory_space<hbm>>) target(%arg7 : memref<4096xf32, #tpu.memory_space<vmem>>) target_semaphore(%arg11 : memref<!tpu.dma_semaphore, #tpu.memory_space<semaphore_mem>>)
      } else {
      }
      %add3A_356 = arith.addi %add3A_6, %add3A_334 : i32
      %mul3A_357 = arith.constant 8192 : i32
      %mul3A_358 = arith.muli %add3A_356, %mul3A_357 : i32
      %add3A_359 = arith.constant 4096 : i32
      %add3A_360 = arith.addi %mul3A_358, %add3A_359 : i32
      %dma_wait3A_361 = tpu.memref_slice %arg2[%add3A_360] : memref<3276800xf32, #tpu.memory_space<hbm>> -> memref<4096xf32, #tpu.memory_space<hbm>>
      %dma_wait3A_362 = tpu.memref_slice %arg2[%add3A_360] : memref<3276800xf32, #tpu.memory_space<hbm>> -> memref<4096xf32, #tpu.memory_space<hbm>>
      tpu.wait_dma2 semaphore(%arg12 : memref<!tpu.dma_semaphore, #tpu.memory_space<semaphore_mem>>) src(%dma_wait3A_362 : memref<4096xf32, #tpu.memory_space<hbm>>) dst(%arg8 : memref<4096xf32, #tpu.memory_space<vmem>>)
      %parallel_loop3A_363 = arith.constant 0 : i32
      %parallel_loop3A_364 = arith.constant 256 : i32
      %parallel_loop3A_365 = arith.constant 1 : i32
      scf.for %parallel_loop3A_461 = %parallel_loop3A_363 to %parallel_loop3A_364 step %parallel_loop3A_365  : i32 {
        %parallel_loop3A_462 = arith.constant 16 : i32
        %parallel_loop3A_463 = arith.muli %parallel_loop3A_461, %parallel_loop3A_462 : i32
        %parallel_loop3A_464 = arith.index_cast %parallel_loop3A_463 : i32 to index
        %parallel_loop3A_465 = tpu.vector_load %arg8[%parallel_loop3A_464] {strides = array<i32>} : memref<4096xf32, #tpu.memory_space<vmem>>, vector<16xf32>,
        %parallel_loop3A_466 = arith.constant 9.900000e+01 : f32
        %parallel_loop3A_467 = vector.broadcast %parallel_loop3A_466 : f32 to vector<16xf32>
        %parallel_loop3A_468 = arith.mulf %parallel_loop3A_465, %parallel_loop3A_467 : vector<16xf32>
        %parallel_loop3A_469 = arith.fptosi %parallel_loop3A_468 : vector<16xf32> to vector<16xi32>
        %parallel_loop3A_470 = arith.constant 0 : i32
        %parallel_loop3A_471 = vector.broadcast %parallel_loop3A_470 : i32 to vector<16xi32>
        %parallel_loop3A_472 = arith.maxsi %parallel_loop3A_469, %parallel_loop3A_471 : vector<16xi32>
        %parallel_loop3A_473 = arith.constant 98 : i32
        %parallel_loop3A_474 = vector.broadcast %parallel_loop3A_473 : i32 to vector<16xi32>
        %parallel_loop3A_475 = arith.minsi %parallel_loop3A_472, %parallel_loop3A_474 : vector<16xi32>
        %parallel_loop3A_476 = arith.sitofp %parallel_loop3A_475 : vector<16xi32> to vector<16xf32>
        %parallel_loop3A_477 = arith.subf %parallel_loop3A_468, %parallel_loop3A_476 : vector<16xf32>
        %parallel_loop3A_478 = arith.constant 8 : i32
        %parallel_loop3A_479 = vector.broadcast %parallel_loop3A_478 : i32 to vector<16xi32>
        %parallel_loop3A_480 = arith.muli %parallel_loop3A_475, %parallel_loop3A_479 : vector<16xi32>
        %parallel_loop3A_481 = arith.constant 0 : i32
        %parallel_loop3A_482 = vector.broadcast %parallel_loop3A_481 : i32 to vector<16xi32>
        %parallel_loop3A_483 = arith.addi %parallel_loop3A_480, %parallel_loop3A_482 : vector<16xi32>
        %parallel_loop3A_484 = tpu.vector_load_idx %arg6[%parallel_loop3A_483] : memref<792xi32, #tpu.memory_space<vmem>>[vector<16xi32>], vector<16xi32>,
        %parallel_loop3A_485 = arith.constant 1 : i32
        %parallel_loop3A_486 = vector.broadcast %parallel_loop3A_485 : i32 to vector<16xi32>
        %parallel_loop3A_487 = arith.addi %parallel_loop3A_480, %parallel_loop3A_486 : vector<16xi32>
        %parallel_loop3A_488 = tpu.vector_load_idx %arg6[%parallel_loop3A_487] : memref<792xi32, #tpu.memory_space<vmem>>[vector<16xi32>], vector<16xi32>,
        %parallel_loop3A_489 = arith.constant 2 : i32
        %parallel_loop3A_490 = vector.broadcast %parallel_loop3A_489 : i32 to vector<16xi32>
        %parallel_loop3A_491 = arith.addi %parallel_loop3A_480, %parallel_loop3A_490 : vector<16xi32>
        %parallel_loop3A_492 = tpu.vector_load_idx %arg6[%parallel_loop3A_491] : memref<792xi32, #tpu.memory_space<vmem>>[vector<16xi32>], vector<16xi32>,
        %parallel_loop3A_493 = arith.constant 3 : i32
        %parallel_loop3A_494 = vector.broadcast %parallel_loop3A_493 : i32 to vector<16xi32>
        %parallel_loop3A_495 = arith.addi %parallel_loop3A_480, %parallel_loop3A_494 : vector<16xi32>
        %parallel_loop3A_496 = tpu.vector_load_idx %arg6[%parallel_loop3A_495] : memref<792xi32, #tpu.memory_space<vmem>>[vector<16xi32>], vector<16xi32>,
        %parallel_loop3A_497 = arith.constant 4 : i32
        %parallel_loop3A_498 = vector.broadcast %parallel_loop3A_497 : i32 to vector<16xi32>
        %parallel_loop3A_499 = arith.addi %parallel_loop3A_480, %parallel_loop3A_498 : vector<16xi32>
        %parallel_loop3A_500 = tpu.vector_load_idx %arg6[%parallel_loop3A_499] : memref<792xi32, #tpu.memory_space<vmem>>[vector<16xi32>], vector<16xi32>,
        %parallel_loop3A_501 = arith.constant 5 : i32
        %parallel_loop3A_502 = vector.broadcast %parallel_loop3A_501 : i32 to vector<16xi32>
        %parallel_loop3A_503 = arith.addi %parallel_loop3A_480, %parallel_loop3A_502 : vector<16xi32>
        %parallel_loop3A_504 = tpu.vector_load_idx %arg6[%parallel_loop3A_503] : memref<792xi32, #tpu.memory_space<vmem>>[vector<16xi32>], vector<16xi32>,
        %parallel_loop3A_505 = arith.constant 6 : i32
        %parallel_loop3A_506 = vector.broadcast %parallel_loop3A_505 : i32 to vector<16xi32>
        %parallel_loop3A_507 = arith.addi %parallel_loop3A_480, %parallel_loop3A_506 : vector<16xi32>
        %parallel_loop3A_508 = tpu.vector_load_idx %arg6[%parallel_loop3A_507] : memref<792xi32, #tpu.memory_space<vmem>>[vector<16xi32>], vector<16xi32>,
        %parallel_loop3A_509 = arith.constant 16 : i32
        %parallel_loop3A_510 = vector.broadcast %parallel_loop3A_509 : i32 to vector<16xi32>
        %parallel_loop3A_511 = arith.shli %parallel_loop3A_484, %parallel_loop3A_510 : vector<16xi32>
        %parallel_loop3A_512 = tpu.bitcast %parallel_loop3A_511 : vector<16xi32> -> vector<16xf32>
        %parallel_loop3A_513 = arith.constant -65536 : i32
        %parallel_loop3A_514 = vector.broadcast %parallel_loop3A_513 : i32 to vector<16xi32>
        %parallel_loop3A_515 = arith.andi %parallel_loop3A_484, %parallel_loop3A_514 : vector<16xi32>
        %parallel_loop3A_516 = tpu.bitcast %parallel_loop3A_515 : vector<16xi32> -> vector<16xf32>
        %parallel_loop3A_517 = arith.subf %parallel_loop3A_516, %parallel_loop3A_512 : vector<16xf32>
        %parallel_loop3A_518 = arith.mulf %parallel_loop3A_477, %parallel_loop3A_517 : vector<16xf32>
        %parallel_loop3A_519 = arith.addf %parallel_loop3A_512, %parallel_loop3A_518 : vector<16xf32>
        %parallel_loop3A_520 = arith.constant 16 : i32
        %parallel_loop3A_521 = vector.broadcast %parallel_loop3A_520 : i32 to vector<16xi32>
        %parallel_loop3A_522 = arith.shli %parallel_loop3A_488, %parallel_loop3A_521 : vector<16xi32>
        %parallel_loop3A_523 = tpu.bitcast %parallel_loop3A_522 : vector<16xi32> -> vector<16xf32>
        %parallel_loop3A_524 = arith.constant -65536 : i32
        %parallel_loop3A_525 = vector.broadcast %parallel_loop3A_524 : i32 to vector<16xi32>
        %parallel_loop3A_526 = arith.andi %parallel_loop3A_488, %parallel_loop3A_525 : vector<16xi32>
        %parallel_loop3A_527 = tpu.bitcast %parallel_loop3A_526 : vector<16xi32> -> vector<16xf32>
        %parallel_loop3A_528 = arith.subf %parallel_loop3A_527, %parallel_loop3A_523 : vector<16xf32>
        %parallel_loop3A_529 = arith.mulf %parallel_loop3A_477, %parallel_loop3A_528 : vector<16xf32>
        %parallel_loop3A_530 = arith.addf %parallel_loop3A_523, %parallel_loop3A_529 : vector<16xf32>
        %parallel_loop3A_531 = arith.constant 16 : i32
        %parallel_loop3A_532 = vector.broadcast %parallel_loop3A_531 : i32 to vector<16xi32>
        %parallel_loop3A_533 = arith.shli %parallel_loop3A_492, %parallel_loop3A_532 : vector<16xi32>
        %parallel_loop3A_534 = tpu.bitcast %parallel_loop3A_533 : vector<16xi32> -> vector<16xf32>
        %parallel_loop3A_535 = arith.constant -65536 : i32
        %parallel_loop3A_536 = vector.broadcast %parallel_loop3A_535 : i32 to vector<16xi32>
        %parallel_loop3A_537 = arith.andi %parallel_loop3A_492, %parallel_loop3A_536 : vector<16xi32>
        %parallel_loop3A_538 = tpu.bitcast %parallel_loop3A_537 : vector<16xi32> -> vector<16xf32>
        %parallel_loop3A_539 = arith.subf %parallel_loop3A_538, %parallel_loop3A_534 : vector<16xf32>
        %parallel_loop3A_540 = arith.mulf %parallel_loop3A_477, %parallel_loop3A_539 : vector<16xf32>
        %parallel_loop3A_541 = arith.addf %parallel_loop3A_534, %parallel_loop3A_540 : vector<16xf32>
        %parallel_loop3A_542 = arith.constant 16 : i32
        %parallel_loop3A_543 = vector.broadcast %parallel_loop3A_542 : i32 to vector<16xi32>
        %parallel_loop3A_544 = arith.shli %parallel_loop3A_496, %parallel_loop3A_543 : vector<16xi32>
        %parallel_loop3A_545 = tpu.bitcast %parallel_loop3A_544 : vector<16xi32> -> vector<16xf32>
        %parallel_loop3A_546 = arith.constant -65536 : i32
        %parallel_loop3A_547 = vector.broadcast %parallel_loop3A_546 : i32 to vector<16xi32>
        %parallel_loop3A_548 = arith.andi %parallel_loop3A_496, %parallel_loop3A_547 : vector<16xi32>
        %parallel_loop3A_549 = tpu.bitcast %parallel_loop3A_548 : vector<16xi32> -> vector<16xf32>
        %parallel_loop3A_550 = arith.subf %parallel_loop3A_549, %parallel_loop3A_545 : vector<16xf32>
        %parallel_loop3A_551 = arith.mulf %parallel_loop3A_477, %parallel_loop3A_550 : vector<16xf32>
        %parallel_loop3A_552 = arith.addf %parallel_loop3A_545, %parallel_loop3A_551 : vector<16xf32>
        %parallel_loop3A_553 = arith.constant 16 : i32
        %parallel_loop3A_554 = vector.broadcast %parallel_loop3A_553 : i32 to vector<16xi32>
        %parallel_loop3A_555 = arith.shli %parallel_loop3A_500, %parallel_loop3A_554 : vector<16xi32>
        %parallel_loop3A_556 = tpu.bitcast %parallel_loop3A_555 : vector<16xi32> -> vector<16xf32>
        %parallel_loop3A_557 = arith.constant -65536 : i32
        %parallel_loop3A_558 = vector.broadcast %parallel_loop3A_557 : i32 to vector<16xi32>
        %parallel_loop3A_559 = arith.andi %parallel_loop3A_500, %parallel_loop3A_558 : vector<16xi32>
        %parallel_loop3A_560 = tpu.bitcast %parallel_loop3A_559 : vector<16xi32> -> vector<16xf32>
        %parallel_loop3A_561 = arith.subf %parallel_loop3A_560, %parallel_loop3A_556 : vector<16xf32>
        %parallel_loop3A_562 = arith.mulf %parallel_loop3A_477, %parallel_loop3A_561 : vector<16xf32>
        %parallel_loop3A_563 = arith.addf %parallel_loop3A_556, %parallel_loop3A_562 : vector<16xf32>
        %parallel_loop3A_564 = arith.constant 16 : i32
        %parallel_loop3A_565 = vector.broadcast %parallel_loop3A_564 : i32 to vector<16xi32>
        %parallel_loop3A_566 = arith.shli %parallel_loop3A_504, %parallel_loop3A_565 : vector<16xi32>
        %parallel_loop3A_567 = tpu.bitcast %parallel_loop3A_566 : vector<16xi32> -> vector<16xf32>
        %parallel_loop3A_568 = arith.constant -65536 : i32
        %parallel_loop3A_569 = vector.broadcast %parallel_loop3A_568 : i32 to vector<16xi32>
        %parallel_loop3A_570 = arith.andi %parallel_loop3A_504, %parallel_loop3A_569 : vector<16xi32>
        %parallel_loop3A_571 = tpu.bitcast %parallel_loop3A_570 : vector<16xi32> -> vector<16xf32>
        %parallel_loop3A_572 = arith.subf %parallel_loop3A_571, %parallel_loop3A_567 : vector<16xf32>
        %parallel_loop3A_573 = arith.mulf %parallel_loop3A_477, %parallel_loop3A_572 : vector<16xf32>
        %parallel_loop3A_574 = arith.addf %parallel_loop3A_567, %parallel_loop3A_573 : vector<16xf32>
        %parallel_loop3A_575 = arith.constant 16 : i32
        %parallel_loop3A_576 = vector.broadcast %parallel_loop3A_575 : i32 to vector<16xi32>
        %parallel_loop3A_577 = arith.shli %parallel_loop3A_508, %parallel_loop3A_576 : vector<16xi32>
        %parallel_loop3A_578 = tpu.bitcast %parallel_loop3A_577 : vector<16xi32> -> vector<16xf32>
        %parallel_loop3A_579 = arith.constant -65536 : i32
        %parallel_loop3A_580 = vector.broadcast %parallel_loop3A_579 : i32 to vector<16xi32>
        %parallel_loop3A_581 = arith.andi %parallel_loop3A_508, %parallel_loop3A_580 : vector<16xi32>
        %parallel_loop3A_582 = tpu.bitcast %parallel_loop3A_581 : vector<16xi32> -> vector<16xf32>
        %parallel_loop3A_583 = arith.subf %parallel_loop3A_582, %parallel_loop3A_578 : vector<16xf32>
        %parallel_loop3A_584 = arith.mulf %parallel_loop3A_477, %parallel_loop3A_583 : vector<16xf32>
        %parallel_loop3A_585 = arith.addf %parallel_loop3A_578, %parallel_loop3A_584 : vector<16xf32>
        %parallel_loop3A_586 = arith.mulf %parallel_loop3A_552, %parallel_loop3A_552 : vector<16xf32>
        %parallel_loop3A_587 = arith.mulf %parallel_loop3A_563, %parallel_loop3A_563 : vector<16xf32>
        %parallel_loop3A_588 = arith.addf %parallel_loop3A_586, %parallel_loop3A_587 : vector<16xf32>
        %parallel_loop3A_589 = arith.mulf %parallel_loop3A_574, %parallel_loop3A_574 : vector<16xf32>
        %parallel_loop3A_590 = arith.addf %parallel_loop3A_588, %parallel_loop3A_589 : vector<16xf32>
        %parallel_loop3A_591 = arith.mulf %parallel_loop3A_585, %parallel_loop3A_585 : vector<16xf32>
        %parallel_loop3A_592 = arith.addf %parallel_loop3A_590, %parallel_loop3A_591 : vector<16xf32>
        %parallel_loop3A_593 = arith.constant 1.000000e-24 : f32
        %parallel_loop3A_594 = vector.broadcast %parallel_loop3A_593 : f32 to vector<16xf32>
        %parallel_loop3A_595 = arith.maximumf %parallel_loop3A_592, %parallel_loop3A_594 : vector<16xf32>
        %parallel_loop3A_596 = tpu.bitcast %parallel_loop3A_595 : vector<16xf32> -> vector<16xi32>
        %parallel_loop3A_597 = arith.constant 1 : i32
        %parallel_loop3A_598 = vector.broadcast %parallel_loop3A_597 : i32 to vector<16xi32>
        %parallel_loop3A_599 = arith.shrui %parallel_loop3A_596, %parallel_loop3A_598 : vector<16xi32>
        %parallel_loop3A_600 = arith.constant 1597463007 : i32
        %parallel_loop3A_601 = vector.broadcast %parallel_loop3A_600 : i32 to vector<16xi32>
        %parallel_loop3A_602 = arith.subi %parallel_loop3A_601, %parallel_loop3A_599 : vector<16xi32>
        %parallel_loop3A_603 = tpu.bitcast %parallel_loop3A_602 : vector<16xi32> -> vector<16xf32>
        %parallel_loop3A_604 = arith.constant 5.000000e-01 : f32
        %parallel_loop3A_605 = vector.broadcast %parallel_loop3A_604 : f32 to vector<16xf32>
        %parallel_loop3A_606 = arith.mulf %parallel_loop3A_605, %parallel_loop3A_595 : vector<16xf32>
        %parallel_loop3A_607 = arith.mulf %parallel_loop3A_606, %parallel_loop3A_603 : vector<16xf32>
        %parallel_loop3A_608 = arith.mulf %parallel_loop3A_607, %parallel_loop3A_603 : vector<16xf32>
        %parallel_loop3A_609 = arith.constant 1.500000e+00 : f32
        %parallel_loop3A_610 = vector.broadcast %parallel_loop3A_609 : f32 to vector<16xf32>
        %parallel_loop3A_611 = arith.subf %parallel_loop3A_610, %parallel_loop3A_608 : vector<16xf32>
        %parallel_loop3A_612 = arith.mulf %parallel_loop3A_603, %parallel_loop3A_611 : vector<16xf32>
        %parallel_loop3A_613 = arith.constant 16 : i32
        %parallel_loop3A_614 = arith.muli %parallel_loop3A_461, %parallel_loop3A_613 : i32
        %parallel_loop3A_615 = arith.constant 4096 : i32
        %parallel_loop3A_616 = arith.addi %parallel_loop3A_615, %parallel_loop3A_614 : i32
        %parallel_loop3A_617 = arith.index_cast %parallel_loop3A_616 : i32 to index
        %parallel_loop3A_618 = tpu.vector_load %arg10[%parallel_loop3A_617] {strides = array<i32>} : memref<57344xf32, #tpu.memory_space<vmem>>, vector<16xf32>,
        tpu.vector_store %arg10[%parallel_loop3A_617], %parallel_loop3A_519 {strides = array<i32>} : memref<57344xf32, #tpu.memory_space<vmem>>, vector<16xf32>,
        %parallel_loop3A_619 = arith.constant 16 : i32
        %parallel_loop3A_620 = arith.muli %parallel_loop3A_461, %parallel_loop3A_619 : i32
        %parallel_loop3A_621 = arith.constant 12288 : i32
        %parallel_loop3A_622 = arith.addi %parallel_loop3A_621, %parallel_loop3A_620 : i32
        %parallel_loop3A_623 = arith.index_cast %parallel_loop3A_622 : i32 to index
        %parallel_loop3A_624 = tpu.vector_load %arg10[%parallel_loop3A_623] {strides = array<i32>} : memref<57344xf32, #tpu.memory_space<vmem>>, vector<16xf32>,
        tpu.vector_store %arg10[%parallel_loop3A_623], %parallel_loop3A_530 {strides = array<i32>} : memref<57344xf32, #tpu.memory_space<vmem>>, vector<16xf32>,
        %parallel_loop3A_625 = arith.constant 16 : i32
        %parallel_loop3A_626 = arith.muli %parallel_loop3A_461, %parallel_loop3A_625 : i32
        %parallel_loop3A_627 = arith.constant 20480 : i32
        %parallel_loop3A_628 = arith.addi %parallel_loop3A_627, %parallel_loop3A_626 : i32
        %parallel_loop3A_629 = arith.index_cast %parallel_loop3A_628 : i32 to index
        %parallel_loop3A_630 = tpu.vector_load %arg10[%parallel_loop3A_629] {strides = array<i32>} : memref<57344xf32, #tpu.memory_space<vmem>>, vector<16xf32>,
        tpu.vector_store %arg10[%parallel_loop3A_629], %parallel_loop3A_541 {strides = array<i32>} : memref<57344xf32, #tpu.memory_space<vmem>>, vector<16xf32>,
        %parallel_loop3A_631 = arith.mulf %parallel_loop3A_552, %parallel_loop3A_612 : vector<16xf32>
        %parallel_loop3A_632 = arith.constant 16 : i32
        %parallel_loop3A_633 = arith.muli %parallel_loop3A_461, %parallel_loop3A_632 : i32
        %parallel_loop3A_634 = arith.constant 28672 : i32
        %parallel_loop3A_635 = arith.addi %parallel_loop3A_634, %parallel_loop3A_633 : i32
        %parallel_loop3A_636 = arith.index_cast %parallel_loop3A_635 : i32 to index
        %parallel_loop3A_637 = tpu.vector_load %arg10[%parallel_loop3A_636] {strides = array<i32>} : memref<57344xf32, #tpu.memory_space<vmem>>, vector<16xf32>,
        tpu.vector_store %arg10[%parallel_loop3A_636], %parallel_loop3A_631 {strides = array<i32>} : memref<57344xf32, #tpu.memory_space<vmem>>, vector<16xf32>,
        %parallel_loop3A_638 = arith.mulf %parallel_loop3A_563, %parallel_loop3A_612 : vector<16xf32>
        %parallel_loop3A_639 = arith.constant 16 : i32
        %parallel_loop3A_640 = arith.muli %parallel_loop3A_461, %parallel_loop3A_639 : i32
        %parallel_loop3A_641 = arith.constant 36864 : i32
        %parallel_loop3A_642 = arith.addi %parallel_loop3A_641, %parallel_loop3A_640 : i32
        %parallel_loop3A_643 = arith.index_cast %parallel_loop3A_642 : i32 to index
        %parallel_loop3A_644 = tpu.vector_load %arg10[%parallel_loop3A_643] {strides = array<i32>} : memref<57344xf32, #tpu.memory_space<vmem>>, vector<16xf32>,
        tpu.vector_store %arg10[%parallel_loop3A_643], %parallel_loop3A_638 {strides = array<i32>} : memref<57344xf32, #tpu.memory_space<vmem>>, vector<16xf32>,
        %parallel_loop3A_645 = arith.mulf %parallel_loop3A_574, %parallel_loop3A_612 : vector<16xf32>
        %parallel_loop3A_646 = arith.constant 16 : i32
        %parallel_loop3A_647 = arith.muli %parallel_loop3A_461, %parallel_loop3A_646 : i32
        %parallel_loop3A_648 = arith.constant 45056 : i32
        %parallel_loop3A_649 = arith.addi %parallel_loop3A_648, %parallel_loop3A_647 : i32
        %parallel_loop3A_650 = arith.index_cast %parallel_loop3A_649 : i32 to index
        %parallel_loop3A_651 = tpu.vector_load %arg10[%parallel_loop3A_650] {strides = array<i32>} : memref<57344xf32, #tpu.memory_space<vmem>>, vector<16xf32>,
        tpu.vector_store %arg10[%parallel_loop3A_650], %parallel_loop3A_645 {strides = array<i32>} : memref<57344xf32, #tpu.memory_space<vmem>>, vector<16xf32>,
        %parallel_loop3A_652 = arith.mulf %parallel_loop3A_585, %parallel_loop3A_612 : vector<16xf32>
        %parallel_loop3A_653 = arith.constant 16 : i32
        %parallel_loop3A_654 = arith.muli %parallel_loop3A_461, %parallel_loop3A_653 : i32
        %parallel_loop3A_655 = arith.constant 53248 : i32
        %parallel_loop3A_656 = arith.addi %parallel_loop3A_655, %parallel_loop3A_654 : i32
        %parallel_loop3A_657 = arith.index_cast %parallel_loop3A_656 : i32 to index
        %parallel_loop3A_658 = tpu.vector_load %arg10[%parallel_loop3A_657] {strides = array<i32>} : memref<57344xf32, #tpu.memory_space<vmem>>, vector<16xf32>,
        tpu.vector_store %arg10[%parallel_loop3A_657], %parallel_loop3A_652 {strides = array<i32>} : memref<57344xf32, #tpu.memory_space<vmem>>, vector<16xf32>,
      } {sc.loop_unroll_factor = 4 : i64, sc.parallel_access}
      %add3A_366 = arith.constant 1 : i32
      %add3A_367 = arith.addi %add3A_334, %add3A_366 : i32
      %lt3A_368 = arith.cmpi slt, %add3A_367, %select_n3A : i32
      %convert_element_type3A_369 = arith.extui %lt3A_368 : i1 to i32
      %cond3A_370 = arith.constant 0 : i32
      %cond3A_371 = arith.cmpi ne, %convert_element_type3A_369, %cond3A_370 : i32
      scf.if %cond3A_371 {
        %add3A_461 = arith.constant 1 : i32
        %add3A_462 = arith.addi %add3A_334, %add3A_461 : i32
        %add3A_463 = arith.addi %add3A_6, %add3A_462 : i32
        %mul3A_464 = arith.constant 8192 : i32
        %mul3A_465 = arith.muli %add3A_463, %mul3A_464 : i32
        %add3A_466 = arith.constant 4096 : i32
        %add3A_467 = arith.addi %mul3A_465, %add3A_466 : i32
        %dma_start3A_468 = tpu.memref_slice %arg2[%add3A_467] : memref<3276800xf32, #tpu.memory_space<hbm>> -> memref<4096xf32, #tpu.memory_space<hbm>>
        %dma_start3A_469 = tpu.memref_slice %arg2[%add3A_467] : memref<3276800xf32, #tpu.memory_space<hbm>> -> memref<4096xf32, #tpu.memory_space<hbm>>
        tpu.enqueue_dma source(%dma_start3A_469 : memref<4096xf32, #tpu.memory_space<hbm>>) target(%arg8 : memref<4096xf32, #tpu.memory_space<vmem>>) target_semaphore(%arg12 : memref<!tpu.dma_semaphore, #tpu.memory_space<semaphore_mem>>)
      } else {
      }
      %add3A_372 = arith.addi %add3A_6, %add3A_334 : i32
      %mul3A_373 = arith.constant 8192 : i32
      %mul3A_374 = arith.muli %add3A_372, %mul3A_373 : i32
      %jit3A_375 = arith.constant 16384 : i32
      %div3A_376 = arith.divsi %mul3A_374, %jit3A_375 : i32
      %sign3A_377 = arith.constant 0 : i32
      %sign3A_378 = arith.cmpi sgt, %mul3A_374, %sign3A_377 : i32
      %sign3A_379 = arith.extui %sign3A_378 : i1 to i32
      %sign3A_380 = arith.constant 0 : i32
      %sign3A_381 = arith.cmpi slt, %mul3A_374, %sign3A_380 : i32
      %sign3A_382 = arith.extui %sign3A_381 : i1 to i32
      %sign3A_383 = arith.subi %sign3A_379, %sign3A_382 : i32
      %sign3A_384 = arith.constant 0 : i32
      %sign3A_385 = arith.cmpi sgt, %jit3A_375, %sign3A_384 : i32
      %sign3A_386 = arith.extui %sign3A_385 : i1 to i32
      %sign3A_387 = arith.constant 0 : i32
      %sign3A_388 = arith.cmpi slt, %jit3A_375, %sign3A_387 : i32
      %sign3A_389 = arith.extui %sign3A_388 : i1 to i32
      %sign3A_390 = arith.subi %sign3A_386, %sign3A_389 : i32
      %ne3A_391 = arith.cmpi ne, %sign3A_383, %sign3A_390 : i32
      %rem3A_392 = arith.remsi %mul3A_374, %jit3A_375 : i32
      %ne3A_393 = arith.constant 0 : i32
      %ne3A_394 = arith.cmpi ne, %rem3A_392, %ne3A_393 : i32
      %and3A_395 = arith.andi %ne3A_391, %ne3A_394 : i1
      %sub3A_396 = arith.constant 1 : i32
      %sub3A_397 = arith.subi %div3A_376, %sub3A_396 : i32
      %select_n3A_398 = arith.select %and3A_395, %sub3A_397, %div3A_376 : i32
      %mul3A_399 = arith.constant 65536 : i32
      %mul3A_400 = arith.muli %select_n3A_398, %mul3A_399 : i32
      %mul3A_401 = arith.constant 16384 : i32
      %mul3A_402 = arith.muli %select_n3A_398, %mul3A_401 : i32
      %sub3A_403 = arith.subi %mul3A_374, %mul3A_402 : i32
      %add3A_404 = arith.addi %mul3A_400, %sub3A_403 : i32
      %add3A_405 = arith.constant 0 : i32
      %add3A_406 = arith.addi %add3A_405, %mul3A_374 : i32
      %add3A_407 = arith.constant 3276800 : i32
      %add3A_408 = arith.addi %add3A_407, %mul3A_374 : i32
      %add3A_409 = arith.constant 6553600 : i32
      %add3A_410 = arith.addi %add3A_409, %mul3A_374 : i32
      %add3A_411 = arith.constant 0 : i32
      %add3A_412 = arith.addi %add3A_404, %add3A_411 : i32
      %add3A_413 = arith.constant 16384 : i32
      %add3A_414 = arith.addi %add3A_404, %add3A_413 : i32
      %add3A_415 = arith.constant 32768 : i32
      %add3A_416 = arith.addi %add3A_404, %add3A_415 : i32
      %add3A_417 = arith.constant 49152 : i32
      %add3A_418 = arith.addi %add3A_404, %add3A_417 : i32
      %dma_start3A_419 = arith.constant 0 : i32
      %dma_start3A_420 = tpu.memref_slice %arg10[%dma_start3A_419] : memref<57344xf32, #tpu.memory_space<vmem>> -> memref<8192xf32, #tpu.memory_space<vmem>>
      %dma_start3A_421 = tpu.memref_slice %arg4[%add3A_406] : memref<9830400xf32, #tpu.memory_space<hbm>> -> memref<8192xf32, #tpu.memory_space<hbm>>
      %dma_start3A_422 = tpu.memref_slice %arg4[%add3A_406] : memref<9830400xf32, #tpu.memory_space<hbm>> -> memref<8192xf32, #tpu.memory_space<hbm>>
      %dma_start3A_423 = arith.constant 0 : i32
      %dma_start3A_424 = tpu.memref_slice %arg10[%dma_start3A_423] : memref<57344xf32, #tpu.memory_space<vmem>> -> memref<8192xf32, #tpu.memory_space<vmem>>
      tpu.enqueue_dma source(%dma_start3A_424 : memref<8192xf32, #tpu.memory_space<vmem>>) target(%dma_start3A_422 : memref<8192xf32, #tpu.memory_space<hbm>>) target_semaphore(%arg14 : memref<!tpu.dma_semaphore, #tpu.memory_space<semaphore_mem>>)
      %dma_start3A_425 = arith.constant 8192 : i32
      %dma_start3A_426 = tpu.memref_slice %arg10[%dma_start3A_425] : memref<57344xf32, #tpu.memory_space<vmem>> -> memref<8192xf32, #tpu.memory_space<vmem>>
      %dma_start3A_427 = tpu.memref_slice %arg4[%add3A_408] : memref<9830400xf32, #tpu.memory_space<hbm>> -> memref<8192xf32, #tpu.memory_space<hbm>>
      %dma_start3A_428 = tpu.memref_slice %arg4[%add3A_408] : memref<9830400xf32, #tpu.memory_space<hbm>> -> memref<8192xf32, #tpu.memory_space<hbm>>
      %dma_start3A_429 = arith.constant 8192 : i32
      %dma_start3A_430 = tpu.memref_slice %arg10[%dma_start3A_429] : memref<57344xf32, #tpu.memory_space<vmem>> -> memref<8192xf32, #tpu.memory_space<vmem>>
      tpu.enqueue_dma source(%dma_start3A_430 : memref<8192xf32, #tpu.memory_space<vmem>>) target(%dma_start3A_428 : memref<8192xf32, #tpu.memory_space<hbm>>) target_semaphore(%arg14 : memref<!tpu.dma_semaphore, #tpu.memory_space<semaphore_mem>>)
      %dma_start3A_431 = arith.constant 16384 : i32
      %dma_start3A_432 = tpu.memref_slice %arg10[%dma_start3A_431] : memref<57344xf32, #tpu.memory_space<vmem>> -> memref<8192xf32, #tpu.memory_space<vmem>>
      %dma_start3A_433 = tpu.memref_slice %arg4[%add3A_410] : memref<9830400xf32, #tpu.memory_space<hbm>> -> memref<8192xf32, #tpu.memory_space<hbm>>
      %dma_start3A_434 = tpu.memref_slice %arg4[%add3A_410] : memref<9830400xf32, #tpu.memory_space<hbm>> -> memref<8192xf32, #tpu.memory_space<hbm>>
      %dma_start3A_435 = arith.constant 16384 : i32
      %dma_start3A_436 = tpu.memref_slice %arg10[%dma_start3A_435] : memref<57344xf32, #tpu.memory_space<vmem>> -> memref<8192xf32, #tpu.memory_space<vmem>>
      tpu.enqueue_dma source(%dma_start3A_436 : memref<8192xf32, #tpu.memory_space<vmem>>) target(%dma_start3A_434 : memref<8192xf32, #tpu.memory_space<hbm>>) target_semaphore(%arg14 : memref<!tpu.dma_semaphore, #tpu.memory_space<semaphore_mem>>)
      %dma_start3A_437 = arith.constant 24576 : i32
      %dma_start3A_438 = tpu.memref_slice %arg10[%dma_start3A_437] : memref<57344xf32, #tpu.memory_space<vmem>> -> memref<8192xf32, #tpu.memory_space<vmem>>
      %dma_start3A_439 = tpu.memref_slice %arg5[%add3A_412] : memref<13107200xf32, #tpu.memory_space<hbm>> -> memref<8192xf32, #tpu.memory_space<hbm>>
      %dma_start3A_440 = tpu.memref_slice %arg5[%add3A_412] : memref<13107200xf32, #tpu.memory_space<hbm>> -> memref<8192xf32, #tpu.memory_space<hbm>>
      %dma_start3A_441 = arith.constant 24576 : i32
      %dma_start3A_442 = tpu.memref_slice %arg10[%dma_start3A_441] : memref<57344xf32, #tpu.memory_space<vmem>> -> memref<8192xf32, #tpu.memory_space<vmem>>
      tpu.enqueue_dma source(%dma_start3A_442 : memref<8192xf32, #tpu.memory_space<vmem>>) target(%dma_start3A_440 : memref<8192xf32, #tpu.memory_space<hbm>>) target_semaphore(%arg14 : memref<!tpu.dma_semaphore, #tpu.memory_space<semaphore_mem>>)
      %dma_start3A_443 = arith.constant 32768 : i32
      %dma_start3A_444 = tpu.memref_slice %arg10[%dma_start3A_443] : memref<57344xf32, #tpu.memory_space<vmem>> -> memref<8192xf32, #tpu.memory_space<vmem>>
      %dma_start3A_445 = tpu.memref_slice %arg5[%add3A_414] : memref<13107200xf32, #tpu.memory_space<hbm>> -> memref<8192xf32, #tpu.memory_space<hbm>>
      %dma_start3A_446 = tpu.memref_slice %arg5[%add3A_414] : memref<13107200xf32, #tpu.memory_space<hbm>> -> memref<8192xf32, #tpu.memory_space<hbm>>
      %dma_start3A_447 = arith.constant 32768 : i32
      %dma_start3A_448 = tpu.memref_slice %arg10[%dma_start3A_447] : memref<57344xf32, #tpu.memory_space<vmem>> -> memref<8192xf32, #tpu.memory_space<vmem>>
      tpu.enqueue_dma source(%dma_start3A_448 : memref<8192xf32, #tpu.memory_space<vmem>>) target(%dma_start3A_446 : memref<8192xf32, #tpu.memory_space<hbm>>) target_semaphore(%arg14 : memref<!tpu.dma_semaphore, #tpu.memory_space<semaphore_mem>>)
      %dma_start3A_449 = arith.constant 40960 : i32
      %dma_start3A_450 = tpu.memref_slice %arg10[%dma_start3A_449] : memref<57344xf32, #tpu.memory_space<vmem>> -> memref<8192xf32, #tpu.memory_space<vmem>>
      %dma_start3A_451 = tpu.memref_slice %arg5[%add3A_416] : memref<13107200xf32, #tpu.memory_space<hbm>> -> memref<8192xf32, #tpu.memory_space<hbm>>
      %dma_start3A_452 = tpu.memref_slice %arg5[%add3A_416] : memref<13107200xf32, #tpu.memory_space<hbm>> -> memref<8192xf32, #tpu.memory_space<hbm>>
      %dma_start3A_453 = arith.constant 40960 : i32
      %dma_start3A_454 = tpu.memref_slice %arg10[%dma_start3A_453] : memref<57344xf32, #tpu.memory_space<vmem>> -> memref<8192xf32, #tpu.memory_space<vmem>>
      tpu.enqueue_dma source(%dma_start3A_454 : memref<8192xf32, #tpu.memory_space<vmem>>) target(%dma_start3A_452 : memref<8192xf32, #tpu.memory_space<hbm>>) target_semaphore(%arg14 : memref<!tpu.dma_semaphore, #tpu.memory_space<semaphore_mem>>)
      %dma_start3A_455 = arith.constant 49152 : i32
      %dma_start3A_456 = tpu.memref_slice %arg10[%dma_start3A_455] : memref<57344xf32, #tpu.memory_space<vmem>> -> memref<8192xf32, #tpu.memory_space<vmem>>
      %dma_start3A_457 = tpu.memref_slice %arg5[%add3A_418] : memref<13107200xf32, #tpu.memory_space<hbm>> -> memref<8192xf32, #tpu.memory_space<hbm>>
      %dma_start3A_458 = tpu.memref_slice %arg5[%add3A_418] : memref<13107200xf32, #tpu.memory_space<hbm>> -> memref<8192xf32, #tpu.memory_space<hbm>>
      %dma_start3A_459 = arith.constant 49152 : i32
      %dma_start3A_460 = tpu.memref_slice %arg10[%dma_start3A_459] : memref<57344xf32, #tpu.memory_space<vmem>> -> memref<8192xf32, #tpu.memory_space<vmem>>
      tpu.enqueue_dma source(%dma_start3A_460 : memref<8192xf32, #tpu.memory_space<vmem>>) target(%dma_start3A_458 : memref<8192xf32, #tpu.memory_space<hbm>>) target_semaphore(%arg14 : memref<!tpu.dma_semaphore, #tpu.memory_space<semaphore_mem>>)
    }
    %scan3A_26 = arith.constant 6 : i32
    %gt3A = arith.constant 12 : i32
    %gt3A_27 = arith.cmpi sgt, %select_n3A, %gt3A : i32
    %convert_element_type3A = arith.extui %gt3A_27 : i1 to i32
    %cond3A = arith.constant 0 : i32
    %cond3A_28 = arith.cmpi ne, %convert_element_type3A, %cond3A : i32
    scf.if %cond3A_28 {
      %add3A_202 = arith.constant 10 : i32
      %add3A_203 = arith.addi %add3A_6, %add3A_202 : i32
      %mul3A_204 = arith.constant 8192 : i32
      %mul3A_205 = arith.muli %add3A_203, %mul3A_204 : i32
      %jit3A_206 = arith.constant 16384 : i32
      %div3A_207 = arith.divsi %mul3A_205, %jit3A_206 : i32
      %sign3A_208 = arith.constant 0 : i32
      %sign3A_209 = arith.cmpi sgt, %mul3A_205, %sign3A_208 : i32
      %sign3A_210 = arith.extui %sign3A_209 : i1 to i32
      %sign3A_211 = arith.constant 0 : i32
      %sign3A_212 = arith.cmpi slt, %mul3A_205, %sign3A_211 : i32
      %sign3A_213 = arith.extui %sign3A_212 : i1 to i32
      %sign3A_214 = arith.subi %sign3A_210, %sign3A_213 : i32
      %sign3A_215 = arith.constant 0 : i32
      %sign3A_216 = arith.cmpi sgt, %jit3A_206, %sign3A_215 : i32
      %sign3A_217 = arith.extui %sign3A_216 : i1 to i32
      %sign3A_218 = arith.constant 0 : i32
      %sign3A_219 = arith.cmpi slt, %jit3A_206, %sign3A_218 : i32
      %sign3A_220 = arith.extui %sign3A_219 : i1 to i32
      %sign3A_221 = arith.subi %sign3A_217, %sign3A_220 : i32
      %ne3A_222 = arith.cmpi ne, %sign3A_214, %sign3A_221 : i32
      %rem3A_223 = arith.remsi %mul3A_205, %jit3A_206 : i32
      %ne3A_224 = arith.constant 0 : i32
      %ne3A_225 = arith.cmpi ne, %rem3A_223, %ne3A_224 : i32
      %and3A_226 = arith.andi %ne3A_222, %ne3A_225 : i1
      %sub3A_227 = arith.constant 1 : i32
      %sub3A_228 = arith.subi %div3A_207, %sub3A_227 : i32
      %select_n3A_229 = arith.select %and3A_226, %sub3A_228, %div3A_207 : i32
      %mul3A_230 = arith.constant 65536 : i32
      %mul3A_231 = arith.muli %select_n3A_229, %mul3A_230 : i32
      %mul3A_232 = arith.constant 16384 : i32
      %mul3A_233 = arith.muli %select_n3A_229, %mul3A_232 : i32
      %sub3A_234 = arith.subi %mul3A_205, %mul3A_233 : i32
      %add3A_235 = arith.addi %mul3A_231, %sub3A_234 : i32
      %add3A_236 = arith.constant 0 : i32
      %add3A_237 = arith.addi %add3A_236, %mul3A_205 : i32
      %add3A_238 = arith.constant 3276800 : i32
      %add3A_239 = arith.addi %add3A_238, %mul3A_205 : i32
      %add3A_240 = arith.constant 6553600 : i32
      %add3A_241 = arith.addi %add3A_240, %mul3A_205 : i32
      %add3A_242 = arith.constant 0 : i32
      %add3A_243 = arith.addi %add3A_235, %add3A_242 : i32
      %add3A_244 = arith.constant 16384 : i32
      %add3A_245 = arith.addi %add3A_235, %add3A_244 : i32
      %add3A_246 = arith.constant 32768 : i32
      %add3A_247 = arith.addi %add3A_235, %add3A_246 : i32
      %add3A_248 = arith.constant 49152 : i32
      %add3A_249 = arith.addi %add3A_235, %add3A_248 : i32
      %dma_wait3A_250 = arith.constant 0 : i32
      %dma_wait3A_251 = tpu.memref_slice %arg9[%dma_wait3A_250] : memref<57344xf32, #tpu.memory_space<vmem>> -> memref<8192xf32, #tpu.memory_space<vmem>>
      %dma_wait3A_252 = tpu.memref_slice %arg4[%add3A_237] : memref<9830400xf32, #tpu.memory_space<hbm>> -> memref<8192xf32, #tpu.memory_space<hbm>>
      %dma_wait3A_253 = tpu.memref_slice %arg4[%add3A_237] : memref<9830400xf32, #tpu.memory_space<hbm>> -> memref<8192xf32, #tpu.memory_space<hbm>>
      %dma_wait3A_254 = arith.constant 0 : i32
      %dma_wait3A_255 = tpu.memref_slice %arg9[%dma_wait3A_254] : memref<57344xf32, #tpu.memory_space<vmem>> -> memref<8192xf32, #tpu.memory_space<vmem>>
      tpu.wait_dma2 semaphore(%arg13 : memref<!tpu.dma_semaphore, #tpu.memory_space<semaphore_mem>>) src(%dma_wait3A_255 : memref<8192xf32, #tpu.memory_space<vmem>>) dst(%dma_wait3A_253 : memref<8192xf32, #tpu.memory_space<hbm>>)
      %dma_wait3A_256 = arith.constant 8192 : i32
      %dma_wait3A_257 = tpu.memref_slice %arg9[%dma_wait3A_256] : memref<57344xf32, #tpu.memory_space<vmem>> -> memref<8192xf32, #tpu.memory_space<vmem>>
      %dma_wait3A_258 = tpu.memref_slice %arg4[%add3A_239] : memref<9830400xf32, #tpu.memory_space<hbm>> -> memref<8192xf32, #tpu.memory_space<hbm>>
      %dma_wait3A_259 = tpu.memref_slice %arg4[%add3A_239] : memref<9830400xf32, #tpu.memory_space<hbm>> -> memref<8192xf32, #tpu.memory_space<hbm>>
      %dma_wait3A_260 = arith.constant 8192 : i32
      %dma_wait3A_261 = tpu.memref_slice %arg9[%dma_wait3A_260] : memref<57344xf32, #tpu.memory_space<vmem>> -> memref<8192xf32, #tpu.memory_space<vmem>>
      tpu.wait_dma2 semaphore(%arg13 : memref<!tpu.dma_semaphore, #tpu.memory_space<semaphore_mem>>) src(%dma_wait3A_261 : memref<8192xf32, #tpu.memory_space<vmem>>) dst(%dma_wait3A_259 : memref<8192xf32, #tpu.memory_space<hbm>>)
      %dma_wait3A_262 = arith.constant 16384 : i32
      %dma_wait3A_263 = tpu.memref_slice %arg9[%dma_wait3A_262] : memref<57344xf32, #tpu.memory_space<vmem>> -> memref<8192xf32, #tpu.memory_space<vmem>>
      %dma_wait3A_264 = tpu.memref_slice %arg4[%add3A_241] : memref<9830400xf32, #tpu.memory_space<hbm>> -> memref<8192xf32, #tpu.memory_space<hbm>>
      %dma_wait3A_265 = tpu.memref_slice %arg4[%add3A_241] : memref<9830400xf32, #tpu.memory_space<hbm>> -> memref<8192xf32, #tpu.memory_space<hbm>>
      %dma_wait3A_266 = arith.constant 16384 : i32
      %dma_wait3A_267 = tpu.memref_slice %arg9[%dma_wait3A_266] : memref<57344xf32, #tpu.memory_space<vmem>> -> memref<8192xf32, #tpu.memory_space<vmem>>
      tpu.wait_dma2 semaphore(%arg13 : memref<!tpu.dma_semaphore, #tpu.memory_space<semaphore_mem>>) src(%dma_wait3A_267 : memref<8192xf32, #tpu.memory_space<vmem>>) dst(%dma_wait3A_265 : memref<8192xf32, #tpu.memory_space<hbm>>)
      %dma_wait3A_268 = arith.constant 24576 : i32
      %dma_wait3A_269 = tpu.memref_slice %arg9[%dma_wait3A_268] : memref<57344xf32, #tpu.memory_space<vmem>> -> memref<8192xf32, #tpu.memory_space<vmem>>
      %dma_wait3A_270 = tpu.memref_slice %arg5[%add3A_243] : memref<13107200xf32, #tpu.memory_space<hbm>> -> memref<8192xf32, #tpu.memory_space<hbm>>
      %dma_wait3A_271 = tpu.memref_slice %arg5[%add3A_243] : memref<13107200xf32, #tpu.memory_space<hbm>> -> memref<8192xf32, #tpu.memory_space<hbm>>
      %dma_wait3A_272 = arith.constant 24576 : i32
      %dma_wait3A_273 = tpu.memref_slice %arg9[%dma_wait3A_272] : memref<57344xf32, #tpu.memory_space<vmem>> -> memref<8192xf32, #tpu.memory_space<vmem>>
      tpu.wait_dma2 semaphore(%arg13 : memref<!tpu.dma_semaphore, #tpu.memory_space<semaphore_mem>>) src(%dma_wait3A_273 : memref<8192xf32, #tpu.memory_space<vmem>>) dst(%dma_wait3A_271 : memref<8192xf32, #tpu.memory_space<hbm>>)
      %dma_wait3A_274 = arith.constant 32768 : i32
      %dma_wait3A_275 = tpu.memref_slice %arg9[%dma_wait3A_274] : memref<57344xf32, #tpu.memory_space<vmem>> -> memref<8192xf32, #tpu.memory_space<vmem>>
      %dma_wait3A_276 = tpu.memref_slice %arg5[%add3A_245] : memref<13107200xf32, #tpu.memory_space<hbm>> -> memref<8192xf32, #tpu.memory_space<hbm>>
      %dma_wait3A_277 = tpu.memref_slice %arg5[%add3A_245] : memref<13107200xf32, #tpu.memory_space<hbm>> -> memref<8192xf32, #tpu.memory_space<hbm>>
      %dma_wait3A_278 = arith.constant 32768 : i32
      %dma_wait3A_279 = tpu.memref_slice %arg9[%dma_wait3A_278] : memref<57344xf32, #tpu.memory_space<vmem>> -> memref<8192xf32, #tpu.memory_space<vmem>>
      tpu.wait_dma2 semaphore(%arg13 : memref<!tpu.dma_semaphore, #tpu.memory_space<semaphore_mem>>) src(%dma_wait3A_279 : memref<8192xf32, #tpu.memory_space<vmem>>) dst(%dma_wait3A_277 : memref<8192xf32, #tpu.memory_space<hbm>>)
      %dma_wait3A_280 = arith.constant 40960 : i32
      %dma_wait3A_281 = tpu.memref_slice %arg9[%dma_wait3A_280] : memref<57344xf32, #tpu.memory_space<vmem>> -> memref<8192xf32, #tpu.memory_space<vmem>>
      %dma_wait3A_282 = tpu.memref_slice %arg5[%add3A_247] : memref<13107200xf32, #tpu.memory_space<hbm>> -> memref<8192xf32, #tpu.memory_space<hbm>>
      %dma_wait3A_283 = tpu.memref_slice %arg5[%add3A_247] : memref<13107200xf32, #tpu.memory_space<hbm>> -> memref<8192xf32, #tpu.memory_space<hbm>>
      %dma_wait3A_284 = arith.constant 40960 : i32
      %dma_wait3A_285 = tpu.memref_slice %arg9[%dma_wait3A_284] : memref<57344xf32, #tpu.memory_space<vmem>> -> memref<8192xf32, #tpu.memory_space<vmem>>
      tpu.wait_dma2 semaphore(%arg13 : memref<!tpu.dma_semaphore, #tpu.memory_space<semaphore_mem>>) src(%dma_wait3A_285 : memref<8192xf32, #tpu.memory_space<vmem>>) dst(%dma_wait3A_283 : memref<8192xf32, #tpu.memory_space<hbm>>)
      %dma_wait3A_286 = arith.constant 49152 : i32
      %dma_wait3A_287 = tpu.memref_slice %arg9[%dma_wait3A_286] : memref<57344xf32, #tpu.memory_space<vmem>> -> memref<8192xf32, #tpu.memory_space<vmem>>
      %dma_wait3A_288 = tpu.memref_slice %arg5[%add3A_249] : memref<13107200xf32, #tpu.memory_space<hbm>> -> memref<8192xf32, #tpu.memory_space<hbm>>
      %dma_wait3A_289 = tpu.memref_slice %arg5[%add3A_249] : memref<13107200xf32, #tpu.memory_space<hbm>> -> memref<8192xf32, #tpu.memory_space<hbm>>
      %dma_wait3A_290 = arith.constant 49152 : i32
      %dma_wait3A_291 = tpu.memref_slice %arg9[%dma_wait3A_290] : memref<57344xf32, #tpu.memory_space<vmem>> -> memref<8192xf32, #tpu.memory_space<vmem>>
      tpu.wait_dma2 semaphore(%arg13 : memref<!tpu.dma_semaphore, #tpu.memory_space<semaphore_mem>>) src(%dma_wait3A_291 : memref<8192xf32, #tpu.memory_space<vmem>>) dst(%dma_wait3A_289 : memref<8192xf32, #tpu.memory_space<hbm>>)
      %add3A_292 = arith.constant 12 : i32
      %add3A_293 = arith.addi %add3A_6, %add3A_292 : i32
      %mul3A_294 = arith.constant 8192 : i32
      %mul3A_295 = arith.muli %add3A_293, %mul3A_294 : i32
      %add3A_296 = arith.constant 0 : i32
      %add3A_297 = arith.addi %mul3A_295, %add3A_296 : i32
      %dma_wait3A_298 = tpu.memref_slice %arg2[%add3A_297] : memref<3276800xf32, #tpu.memory_space<hbm>> -> memref<4096xf32, #tpu.memory_space<hbm>>
      %dma_wait3A_299 = tpu.memref_slice %arg2[%add3A_297] : memref<3276800xf32, #tpu.memory_space<hbm>> -> memref<4096xf32, #tpu.memory_space<hbm>>
      tpu.wait_dma2 semaphore(%arg11 : memref<!tpu.dma_semaphore, #tpu.memory_space<semaphore_mem>>) src(%dma_wait3A_299 : memref<4096xf32, #tpu.memory_space<hbm>>) dst(%arg7 : memref<4096xf32, #tpu.memory_space<vmem>>)
      %parallel_loop3A = arith.constant 0 : i32
      %parallel_loop3A_300 = arith.constant 256 : i32
      %parallel_loop3A_301 = arith.constant 1 : i32
      scf.for %parallel_loop3A_413 = %parallel_loop3A to %parallel_loop3A_300 step %parallel_loop3A_301  : i32 {
        %parallel_loop3A_414 = arith.constant 16 : i32
        %parallel_loop3A_415 = arith.muli %parallel_loop3A_413, %parallel_loop3A_414 : i32
        %parallel_loop3A_416 = arith.index_cast %parallel_loop3A_415 : i32 to index
        %parallel_loop3A_417 = tpu.vector_load %arg7[%parallel_loop3A_416] {strides = array<i32>} : memref<4096xf32, #tpu.memory_space<vmem>>, vector<16xf32>,
        %parallel_loop3A_418 = arith.constant 9.900000e+01 : f32
        %parallel_loop3A_419 = vector.broadcast %parallel_loop3A_418 : f32 to vector<16xf32>
        %parallel_loop3A_420 = arith.mulf %parallel_loop3A_417, %parallel_loop3A_419 : vector<16xf32>
        %parallel_loop3A_421 = arith.fptosi %parallel_loop3A_420 : vector<16xf32> to vector<16xi32>
        %parallel_loop3A_422 = arith.constant 0 : i32
        %parallel_loop3A_423 = vector.broadcast %parallel_loop3A_422 : i32 to vector<16xi32>
        %parallel_loop3A_424 = arith.maxsi %parallel_loop3A_421, %parallel_loop3A_423 : vector<16xi32>
        %parallel_loop3A_425 = arith.constant 98 : i32
        %parallel_loop3A_426 = vector.broadcast %parallel_loop3A_425 : i32 to vector<16xi32>
        %parallel_loop3A_427 = arith.minsi %parallel_loop3A_424, %parallel_loop3A_426 : vector<16xi32>
        %parallel_loop3A_428 = arith.sitofp %parallel_loop3A_427 : vector<16xi32> to vector<16xf32>
        %parallel_loop3A_429 = arith.subf %parallel_loop3A_420, %parallel_loop3A_428 : vector<16xf32>
        %parallel_loop3A_430 = arith.constant 8 : i32
        %parallel_loop3A_431 = vector.broadcast %parallel_loop3A_430 : i32 to vector<16xi32>
        %parallel_loop3A_432 = arith.muli %parallel_loop3A_427, %parallel_loop3A_431 : vector<16xi32>
        %parallel_loop3A_433 = arith.constant 0 : i32
        %parallel_loop3A_434 = vector.broadcast %parallel_loop3A_433 : i32 to vector<16xi32>
        %parallel_loop3A_435 = arith.addi %parallel_loop3A_432, %parallel_loop3A_434 : vector<16xi32>
        %parallel_loop3A_436 = tpu.vector_load_idx %arg6[%parallel_loop3A_435] : memref<792xi32, #tpu.memory_space<vmem>>[vector<16xi32>], vector<16xi32>,
        %parallel_loop3A_437 = arith.constant 1 : i32
        %parallel_loop3A_438 = vector.broadcast %parallel_loop3A_437 : i32 to vector<16xi32>
        %parallel_loop3A_439 = arith.addi %parallel_loop3A_432, %parallel_loop3A_438 : vector<16xi32>
        %parallel_loop3A_440 = tpu.vector_load_idx %arg6[%parallel_loop3A_439] : memref<792xi32, #tpu.memory_space<vmem>>[vector<16xi32>], vector<16xi32>,
        %parallel_loop3A_441 = arith.constant 2 : i32
        %parallel_loop3A_442 = vector.broadcast %parallel_loop3A_441 : i32 to vector<16xi32>
        %parallel_loop3A_443 = arith.addi %parallel_loop3A_432, %parallel_loop3A_442 : vector<16xi32>
        %parallel_loop3A_444 = tpu.vector_load_idx %arg6[%parallel_loop3A_443] : memref<792xi32, #tpu.memory_space<vmem>>[vector<16xi32>], vector<16xi32>,
        %parallel_loop3A_445 = arith.constant 3 : i32
        %parallel_loop3A_446 = vector.broadcast %parallel_loop3A_445 : i32 to vector<16xi32>
        %parallel_loop3A_447 = arith.addi %parallel_loop3A_432, %parallel_loop3A_446 : vector<16xi32>
        %parallel_loop3A_448 = tpu.vector_load_idx %arg6[%parallel_loop3A_447] : memref<792xi32, #tpu.memory_space<vmem>>[vector<16xi32>], vector<16xi32>,
        %parallel_loop3A_449 = arith.constant 4 : i32
        %parallel_loop3A_450 = vector.broadcast %parallel_loop3A_449 : i32 to vector<16xi32>
        %parallel_loop3A_451 = arith.addi %parallel_loop3A_432, %parallel_loop3A_450 : vector<16xi32>
        %parallel_loop3A_452 = tpu.vector_load_idx %arg6[%parallel_loop3A_451] : memref<792xi32, #tpu.memory_space<vmem>>[vector<16xi32>], vector<16xi32>,
        %parallel_loop3A_453 = arith.constant 5 : i32
        %parallel_loop3A_454 = vector.broadcast %parallel_loop3A_453 : i32 to vector<16xi32>
        %parallel_loop3A_455 = arith.addi %parallel_loop3A_432, %parallel_loop3A_454 : vector<16xi32>
        %parallel_loop3A_456 = tpu.vector_load_idx %arg6[%parallel_loop3A_455] : memref<792xi32, #tpu.memory_space<vmem>>[vector<16xi32>], vector<16xi32>,
        %parallel_loop3A_457 = arith.constant 6 : i32
        %parallel_loop3A_458 = vector.broadcast %parallel_loop3A_457 : i32 to vector<16xi32>
        %parallel_loop3A_459 = arith.addi %parallel_loop3A_432, %parallel_loop3A_458 : vector<16xi32>
        %parallel_loop3A_460 = tpu.vector_load_idx %arg6[%parallel_loop3A_459] : memref<792xi32, #tpu.memory_space<vmem>>[vector<16xi32>], vector<16xi32>,
        %parallel_loop3A_461 = arith.constant 16 : i32
        %parallel_loop3A_462 = vector.broadcast %parallel_loop3A_461 : i32 to vector<16xi32>
        %parallel_loop3A_463 = arith.shli %parallel_loop3A_436, %parallel_loop3A_462 : vector<16xi32>
        %parallel_loop3A_464 = tpu.bitcast %parallel_loop3A_463 : vector<16xi32> -> vector<16xf32>
        %parallel_loop3A_465 = arith.constant -65536 : i32
        %parallel_loop3A_466 = vector.broadcast %parallel_loop3A_465 : i32 to vector<16xi32>
        %parallel_loop3A_467 = arith.andi %parallel_loop3A_436, %parallel_loop3A_466 : vector<16xi32>
        %parallel_loop3A_468 = tpu.bitcast %parallel_loop3A_467 : vector<16xi32> -> vector<16xf32>
        %parallel_loop3A_469 = arith.subf %parallel_loop3A_468, %parallel_loop3A_464 : vector<16xf32>
        %parallel_loop3A_470 = arith.mulf %parallel_loop3A_429, %parallel_loop3A_469 : vector<16xf32>
        %parallel_loop3A_471 = arith.addf %parallel_loop3A_464, %parallel_loop3A_470 : vector<16xf32>
        %parallel_loop3A_472 = arith.constant 16 : i32
        %parallel_loop3A_473 = vector.broadcast %parallel_loop3A_472 : i32 to vector<16xi32>
        %parallel_loop3A_474 = arith.shli %parallel_loop3A_440, %parallel_loop3A_473 : vector<16xi32>
        %parallel_loop3A_475 = tpu.bitcast %parallel_loop3A_474 : vector<16xi32> -> vector<16xf32>
        %parallel_loop3A_476 = arith.constant -65536 : i32
        %parallel_loop3A_477 = vector.broadcast %parallel_loop3A_476 : i32 to vector<16xi32>
        %parallel_loop3A_478 = arith.andi %parallel_loop3A_440, %parallel_loop3A_477 : vector<16xi32>
        %parallel_loop3A_479 = tpu.bitcast %parallel_loop3A_478 : vector<16xi32> -> vector<16xf32>
        %parallel_loop3A_480 = arith.subf %parallel_loop3A_479, %parallel_loop3A_475 : vector<16xf32>
        %parallel_loop3A_481 = arith.mulf %parallel_loop3A_429, %parallel_loop3A_480 : vector<16xf32>
        %parallel_loop3A_482 = arith.addf %parallel_loop3A_475, %parallel_loop3A_481 : vector<16xf32>
        %parallel_loop3A_483 = arith.constant 16 : i32
        %parallel_loop3A_484 = vector.broadcast %parallel_loop3A_483 : i32 to vector<16xi32>
        %parallel_loop3A_485 = arith.shli %parallel_loop3A_444, %parallel_loop3A_484 : vector<16xi32>
        %parallel_loop3A_486 = tpu.bitcast %parallel_loop3A_485 : vector<16xi32> -> vector<16xf32>
        %parallel_loop3A_487 = arith.constant -65536 : i32
        %parallel_loop3A_488 = vector.broadcast %parallel_loop3A_487 : i32 to vector<16xi32>
        %parallel_loop3A_489 = arith.andi %parallel_loop3A_444, %parallel_loop3A_488 : vector<16xi32>
        %parallel_loop3A_490 = tpu.bitcast %parallel_loop3A_489 : vector<16xi32> -> vector<16xf32>
        %parallel_loop3A_491 = arith.subf %parallel_loop3A_490, %parallel_loop3A_486 : vector<16xf32>
        %parallel_loop3A_492 = arith.mulf %parallel_loop3A_429, %parallel_loop3A_491 : vector<16xf32>
        %parallel_loop3A_493 = arith.addf %parallel_loop3A_486, %parallel_loop3A_492 : vector<16xf32>
        %parallel_loop3A_494 = arith.constant 16 : i32
        %parallel_loop3A_495 = vector.broadcast %parallel_loop3A_494 : i32 to vector<16xi32>
        %parallel_loop3A_496 = arith.shli %parallel_loop3A_448, %parallel_loop3A_495 : vector<16xi32>
        %parallel_loop3A_497 = tpu.bitcast %parallel_loop3A_496 : vector<16xi32> -> vector<16xf32>
        %parallel_loop3A_498 = arith.constant -65536 : i32
        %parallel_loop3A_499 = vector.broadcast %parallel_loop3A_498 : i32 to vector<16xi32>
        %parallel_loop3A_500 = arith.andi %parallel_loop3A_448, %parallel_loop3A_499 : vector<16xi32>
        %parallel_loop3A_501 = tpu.bitcast %parallel_loop3A_500 : vector<16xi32> -> vector<16xf32>
        %parallel_loop3A_502 = arith.subf %parallel_loop3A_501, %parallel_loop3A_497 : vector<16xf32>
        %parallel_loop3A_503 = arith.mulf %parallel_loop3A_429, %parallel_loop3A_502 : vector<16xf32>
        %parallel_loop3A_504 = arith.addf %parallel_loop3A_497, %parallel_loop3A_503 : vector<16xf32>
        %parallel_loop3A_505 = arith.constant 16 : i32
        %parallel_loop3A_506 = vector.broadcast %parallel_loop3A_505 : i32 to vector<16xi32>
        %parallel_loop3A_507 = arith.shli %parallel_loop3A_452, %parallel_loop3A_506 : vector<16xi32>
        %parallel_loop3A_508 = tpu.bitcast %parallel_loop3A_507 : vector<16xi32> -> vector<16xf32>
        %parallel_loop3A_509 = arith.constant -65536 : i32
        %parallel_loop3A_510 = vector.broadcast %parallel_loop3A_509 : i32 to vector<16xi32>
        %parallel_loop3A_511 = arith.andi %parallel_loop3A_452, %parallel_loop3A_510 : vector<16xi32>
        %parallel_loop3A_512 = tpu.bitcast %parallel_loop3A_511 : vector<16xi32> -> vector<16xf32>
        %parallel_loop3A_513 = arith.subf %parallel_loop3A_512, %parallel_loop3A_508 : vector<16xf32>
        %parallel_loop3A_514 = arith.mulf %parallel_loop3A_429, %parallel_loop3A_513 : vector<16xf32>
        %parallel_loop3A_515 = arith.addf %parallel_loop3A_508, %parallel_loop3A_514 : vector<16xf32>
        %parallel_loop3A_516 = arith.constant 16 : i32
        %parallel_loop3A_517 = vector.broadcast %parallel_loop3A_516 : i32 to vector<16xi32>
        %parallel_loop3A_518 = arith.shli %parallel_loop3A_456, %parallel_loop3A_517 : vector<16xi32>
        %parallel_loop3A_519 = tpu.bitcast %parallel_loop3A_518 : vector<16xi32> -> vector<16xf32>
        %parallel_loop3A_520 = arith.constant -65536 : i32
        %parallel_loop3A_521 = vector.broadcast %parallel_loop3A_520 : i32 to vector<16xi32>
        %parallel_loop3A_522 = arith.andi %parallel_loop3A_456, %parallel_loop3A_521 : vector<16xi32>
        %parallel_loop3A_523 = tpu.bitcast %parallel_loop3A_522 : vector<16xi32> -> vector<16xf32>
        %parallel_loop3A_524 = arith.subf %parallel_loop3A_523, %parallel_loop3A_519 : vector<16xf32>
        %parallel_loop3A_525 = arith.mulf %parallel_loop3A_429, %parallel_loop3A_524 : vector<16xf32>
        %parallel_loop3A_526 = arith.addf %parallel_loop3A_519, %parallel_loop3A_525 : vector<16xf32>
        %parallel_loop3A_527 = arith.constant 16 : i32
        %parallel_loop3A_528 = vector.broadcast %parallel_loop3A_527 : i32 to vector<16xi32>
        %parallel_loop3A_529 = arith.shli %parallel_loop3A_460, %parallel_loop3A_528 : vector<16xi32>
        %parallel_loop3A_530 = tpu.bitcast %parallel_loop3A_529 : vector<16xi32> -> vector<16xf32>
        %parallel_loop3A_531 = arith.constant -65536 : i32
        %parallel_loop3A_532 = vector.broadcast %parallel_loop3A_531 : i32 to vector<16xi32>
        %parallel_loop3A_533 = arith.andi %parallel_loop3A_460, %parallel_loop3A_532 : vector<16xi32>
        %parallel_loop3A_534 = tpu.bitcast %parallel_loop3A_533 : vector<16xi32> -> vector<16xf32>
        %parallel_loop3A_535 = arith.subf %parallel_loop3A_534, %parallel_loop3A_530 : vector<16xf32>
        %parallel_loop3A_536 = arith.mulf %parallel_loop3A_429, %parallel_loop3A_535 : vector<16xf32>
        %parallel_loop3A_537 = arith.addf %parallel_loop3A_530, %parallel_loop3A_536 : vector<16xf32>
        %parallel_loop3A_538 = arith.mulf %parallel_loop3A_504, %parallel_loop3A_504 : vector<16xf32>
        %parallel_loop3A_539 = arith.mulf %parallel_loop3A_515, %parallel_loop3A_515 : vector<16xf32>
        %parallel_loop3A_540 = arith.addf %parallel_loop3A_538, %parallel_loop3A_539 : vector<16xf32>
        %parallel_loop3A_541 = arith.mulf %parallel_loop3A_526, %parallel_loop3A_526 : vector<16xf32>
        %parallel_loop3A_542 = arith.addf %parallel_loop3A_540, %parallel_loop3A_541 : vector<16xf32>
        %parallel_loop3A_543 = arith.mulf %parallel_loop3A_537, %parallel_loop3A_537 : vector<16xf32>
        %parallel_loop3A_544 = arith.addf %parallel_loop3A_542, %parallel_loop3A_543 : vector<16xf32>
        %parallel_loop3A_545 = arith.constant 1.000000e-24 : f32
        %parallel_loop3A_546 = vector.broadcast %parallel_loop3A_545 : f32 to vector<16xf32>
        %parallel_loop3A_547 = arith.maximumf %parallel_loop3A_544, %parallel_loop3A_546 : vector<16xf32>
        %parallel_loop3A_548 = tpu.bitcast %parallel_loop3A_547 : vector<16xf32> -> vector<16xi32>
        %parallel_loop3A_549 = arith.constant 1 : i32
        %parallel_loop3A_550 = vector.broadcast %parallel_loop3A_549 : i32 to vector<16xi32>
        %parallel_loop3A_551 = arith.shrui %parallel_loop3A_548, %parallel_loop3A_550 : vector<16xi32>
        %parallel_loop3A_552 = arith.constant 1597463007 : i32
        %parallel_loop3A_553 = vector.broadcast %parallel_loop3A_552 : i32 to vector<16xi32>
        %parallel_loop3A_554 = arith.subi %parallel_loop3A_553, %parallel_loop3A_551 : vector<16xi32>
        %parallel_loop3A_555 = tpu.bitcast %parallel_loop3A_554 : vector<16xi32> -> vector<16xf32>
        %parallel_loop3A_556 = arith.constant 5.000000e-01 : f32
        %parallel_loop3A_557 = vector.broadcast %parallel_loop3A_556 : f32 to vector<16xf32>
        %parallel_loop3A_558 = arith.mulf %parallel_loop3A_557, %parallel_loop3A_547 : vector<16xf32>
        %parallel_loop3A_559 = arith.mulf %parallel_loop3A_558, %parallel_loop3A_555 : vector<16xf32>
        %parallel_loop3A_560 = arith.mulf %parallel_loop3A_559, %parallel_loop3A_555 : vector<16xf32>
        %parallel_loop3A_561 = arith.constant 1.500000e+00 : f32
        %parallel_loop3A_562 = vector.broadcast %parallel_loop3A_561 : f32 to vector<16xf32>
        %parallel_loop3A_563 = arith.subf %parallel_loop3A_562, %parallel_loop3A_560 : vector<16xf32>
        %parallel_loop3A_564 = arith.mulf %parallel_loop3A_555, %parallel_loop3A_563 : vector<16xf32>
        %parallel_loop3A_565 = arith.constant 16 : i32
        %parallel_loop3A_566 = arith.muli %parallel_loop3A_413, %parallel_loop3A_565 : i32
        %parallel_loop3A_567 = arith.constant 0 : i32
        %parallel_loop3A_568 = arith.addi %parallel_loop3A_567, %parallel_loop3A_566 : i32
        %parallel_loop3A_569 = arith.index_cast %parallel_loop3A_568 : i32 to index
        %parallel_loop3A_570 = tpu.vector_load %arg9[%parallel_loop3A_569] {strides = array<i32>} : memref<57344xf32, #tpu.memory_space<vmem>>, vector<16xf32>,
        tpu.vector_store %arg9[%parallel_loop3A_569], %parallel_loop3A_471 {strides = array<i32>} : memref<57344xf32, #tpu.memory_space<vmem>>, vector<16xf32>,
        %parallel_loop3A_571 = arith.constant 16 : i32
        %parallel_loop3A_572 = arith.muli %parallel_loop3A_413, %parallel_loop3A_571 : i32
        %parallel_loop3A_573 = arith.constant 8192 : i32
        %parallel_loop3A_574 = arith.addi %parallel_loop3A_573, %parallel_loop3A_572 : i32
        %parallel_loop3A_575 = arith.index_cast %parallel_loop3A_574 : i32 to index
        %parallel_loop3A_576 = tpu.vector_load %arg9[%parallel_loop3A_575] {strides = array<i32>} : memref<57344xf32, #tpu.memory_space<vmem>>, vector<16xf32>,
        tpu.vector_store %arg9[%parallel_loop3A_575], %parallel_loop3A_482 {strides = array<i32>} : memref<57344xf32, #tpu.memory_space<vmem>>, vector<16xf32>,
        %parallel_loop3A_577 = arith.constant 16 : i32
        %parallel_loop3A_578 = arith.muli %parallel_loop3A_413, %parallel_loop3A_577 : i32
        %parallel_loop3A_579 = arith.constant 16384 : i32
        %parallel_loop3A_580 = arith.addi %parallel_loop3A_579, %parallel_loop3A_578 : i32
        %parallel_loop3A_581 = arith.index_cast %parallel_loop3A_580 : i32 to index
        %parallel_loop3A_582 = tpu.vector_load %arg9[%parallel_loop3A_581] {strides = array<i32>} : memref<57344xf32, #tpu.memory_space<vmem>>, vector<16xf32>,
        tpu.vector_store %arg9[%parallel_loop3A_581], %parallel_loop3A_493 {strides = array<i32>} : memref<57344xf32, #tpu.memory_space<vmem>>, vector<16xf32>,
        %parallel_loop3A_583 = arith.mulf %parallel_loop3A_504, %parallel_loop3A_564 : vector<16xf32>
        %parallel_loop3A_584 = arith.constant 16 : i32
        %parallel_loop3A_585 = arith.muli %parallel_loop3A_413, %parallel_loop3A_584 : i32
        %parallel_loop3A_586 = arith.constant 24576 : i32
        %parallel_loop3A_587 = arith.addi %parallel_loop3A_586, %parallel_loop3A_585 : i32
        %parallel_loop3A_588 = arith.index_cast %parallel_loop3A_587 : i32 to index
        %parallel_loop3A_589 = tpu.vector_load %arg9[%parallel_loop3A_588] {strides = array<i32>} : memref<57344xf32, #tpu.memory_space<vmem>>, vector<16xf32>,
        tpu.vector_store %arg9[%parallel_loop3A_588], %parallel_loop3A_583 {strides = array<i32>} : memref<57344xf32, #tpu.memory_space<vmem>>, vector<16xf32>,
        %parallel_loop3A_590 = arith.mulf %parallel_loop3A_515, %parallel_loop3A_564 : vector<16xf32>
        %parallel_loop3A_591 = arith.constant 16 : i32
        %parallel_loop3A_592 = arith.muli %parallel_loop3A_413, %parallel_loop3A_591 : i32
        %parallel_loop3A_593 = arith.constant 32768 : i32
        %parallel_loop3A_594 = arith.addi %parallel_loop3A_593, %parallel_loop3A_592 : i32
        %parallel_loop3A_595 = arith.index_cast %parallel_loop3A_594 : i32 to index
        %parallel_loop3A_596 = tpu.vector_load %arg9[%parallel_loop3A_595] {strides = array<i32>} : memref<57344xf32, #tpu.memory_space<vmem>>, vector<16xf32>,
        tpu.vector_store %arg9[%parallel_loop3A_595], %parallel_loop3A_590 {strides = array<i32>} : memref<57344xf32, #tpu.memory_space<vmem>>, vector<16xf32>,
        %parallel_loop3A_597 = arith.mulf %parallel_loop3A_526, %parallel_loop3A_564 : vector<16xf32>
        %parallel_loop3A_598 = arith.constant 16 : i32
        %parallel_loop3A_599 = arith.muli %parallel_loop3A_413, %parallel_loop3A_598 : i32
        %parallel_loop3A_600 = arith.constant 40960 : i32
        %parallel_loop3A_601 = arith.addi %parallel_loop3A_600, %parallel_loop3A_599 : i32
        %parallel_loop3A_602 = arith.index_cast %parallel_loop3A_601 : i32 to index
        %parallel_loop3A_603 = tpu.vector_load %arg9[%parallel_loop3A_602] {strides = array<i32>} : memref<57344xf32, #tpu.memory_space<vmem>>, vector<16xf32>,
        tpu.vector_store %arg9[%parallel_loop3A_602], %parallel_loop3A_597 {strides = array<i32>} : memref<57344xf32, #tpu.memory_space<vmem>>, vector<16xf32>,
        %parallel_loop3A_604 = arith.mulf %parallel_loop3A_537, %parallel_loop3A_564 : vector<16xf32>
        %parallel_loop3A_605 = arith.constant 16 : i32
        %parallel_loop3A_606 = arith.muli %parallel_loop3A_413, %parallel_loop3A_605 : i32
        %parallel_loop3A_607 = arith.constant 49152 : i32
        %parallel_loop3A_608 = arith.addi %parallel_loop3A_607, %parallel_loop3A_606 : i32
        %parallel_loop3A_609 = arith.index_cast %parallel_loop3A_608 : i32 to index
        %parallel_loop3A_610 = tpu.vector_load %arg9[%parallel_loop3A_609] {strides = array<i32>} : memref<57344xf32, #tpu.memory_space<vmem>>, vector<16xf32>,
        tpu.vector_store %arg9[%parallel_loop3A_609], %parallel_loop3A_604 {strides = array<i32>} : memref<57344xf32, #tpu.memory_space<vmem>>, vector<16xf32>,
      } {sc.loop_unroll_factor = 4 : i64, sc.parallel_access}
      %gt3A_302 = arith.constant 13 : i32
      %gt3A_303 = arith.cmpi sgt, %select_n3A, %gt3A_302 : i32
      %convert_element_type3A_304 = arith.extui %gt3A_303 : i1 to i32
      %cond3A_305 = arith.constant 0 : i32
      %cond3A_306 = arith.cmpi ne, %convert_element_type3A_304, %cond3A_305 : i32
      scf.if %cond3A_306 {
        %add3A_413 = arith.constant 13 : i32
        %add3A_414 = arith.addi %add3A_6, %add3A_413 : i32
        %mul3A_415 = arith.constant 8192 : i32
        %mul3A_416 = arith.muli %add3A_414, %mul3A_415 : i32
        %add3A_417 = arith.constant 0 : i32
        %add3A_418 = arith.addi %mul3A_416, %add3A_417 : i32
        %dma_start3A_419 = tpu.memref_slice %arg2[%add3A_418] : memref<3276800xf32, #tpu.memory_space<hbm>> -> memref<4096xf32, #tpu.memory_space<hbm>>
        %dma_start3A_420 = tpu.memref_slice %arg2[%add3A_418] : memref<3276800xf32, #tpu.memory_space<hbm>> -> memref<4096xf32, #tpu.memory_space<hbm>>
        tpu.enqueue_dma source(%dma_start3A_420 : memref<4096xf32, #tpu.memory_space<hbm>>) target(%arg7 : memref<4096xf32, #tpu.memory_space<vmem>>) target_semaphore(%arg11 : memref<!tpu.dma_semaphore, #tpu.memory_space<semaphore_mem>>)
      } else {
      }
      %add3A_307 = arith.constant 12 : i32
      %add3A_308 = arith.addi %add3A_6, %add3A_307 : i32
      %mul3A_309 = arith.constant 8192 : i32
      %mul3A_310 = arith.muli %add3A_308, %mul3A_309 : i32
      %add3A_311 = arith.constant 4096 : i32
      %add3A_312 = arith.addi %mul3A_310, %add3A_311 : i32
      %dma_wait3A_313 = tpu.memref_slice %arg2[%add3A_312] : memref<3276800xf32, #tpu.memory_space<hbm>> -> memref<4096xf32, #tpu.memory_space<hbm>>
      %dma_wait3A_314 = tpu.memref_slice %arg2[%add3A_312] : memref<3276800xf32, #tpu.memory_space<hbm>> -> memref<4096xf32, #tpu.memory_space<hbm>>
      tpu.wait_dma2 semaphore(%arg12 : memref<!tpu.dma_semaphore, #tpu.memory_space<semaphore_mem>>) src(%dma_wait3A_314 : memref<4096xf32, #tpu.memory_space<hbm>>) dst(%arg8 : memref<4096xf32, #tpu.memory_space<vmem>>)
      %parallel_loop3A_315 = arith.constant 0 : i32
      %parallel_loop3A_316 = arith.constant 256 : i32
      %parallel_loop3A_317 = arith.constant 1 : i32
      scf.for %parallel_loop3A_413 = %parallel_loop3A_315 to %parallel_loop3A_316 step %parallel_loop3A_317  : i32 {
        %parallel_loop3A_414 = arith.constant 16 : i32
        %parallel_loop3A_415 = arith.muli %parallel_loop3A_413, %parallel_loop3A_414 : i32
        %parallel_loop3A_416 = arith.index_cast %parallel_loop3A_415 : i32 to index
        %parallel_loop3A_417 = tpu.vector_load %arg8[%parallel_loop3A_416] {strides = array<i32>} : memref<4096xf32, #tpu.memory_space<vmem>>, vector<16xf32>,
        %parallel_loop3A_418 = arith.constant 9.900000e+01 : f32
        %parallel_loop3A_419 = vector.broadcast %parallel_loop3A_418 : f32 to vector<16xf32>
        %parallel_loop3A_420 = arith.mulf %parallel_loop3A_417, %parallel_loop3A_419 : vector<16xf32>
        %parallel_loop3A_421 = arith.fptosi %parallel_loop3A_420 : vector<16xf32> to vector<16xi32>
        %parallel_loop3A_422 = arith.constant 0 : i32
        %parallel_loop3A_423 = vector.broadcast %parallel_loop3A_422 : i32 to vector<16xi32>
        %parallel_loop3A_424 = arith.maxsi %parallel_loop3A_421, %parallel_loop3A_423 : vector<16xi32>
        %parallel_loop3A_425 = arith.constant 98 : i32
        %parallel_loop3A_426 = vector.broadcast %parallel_loop3A_425 : i32 to vector<16xi32>
        %parallel_loop3A_427 = arith.minsi %parallel_loop3A_424, %parallel_loop3A_426 : vector<16xi32>
        %parallel_loop3A_428 = arith.sitofp %parallel_loop3A_427 : vector<16xi32> to vector<16xf32>
        %parallel_loop3A_429 = arith.subf %parallel_loop3A_420, %parallel_loop3A_428 : vector<16xf32>
        %parallel_loop3A_430 = arith.constant 8 : i32
        %parallel_loop3A_431 = vector.broadcast %parallel_loop3A_430 : i32 to vector<16xi32>
        %parallel_loop3A_432 = arith.muli %parallel_loop3A_427, %parallel_loop3A_431 : vector<16xi32>
        %parallel_loop3A_433 = arith.constant 0 : i32
        %parallel_loop3A_434 = vector.broadcast %parallel_loop3A_433 : i32 to vector<16xi32>
        %parallel_loop3A_435 = arith.addi %parallel_loop3A_432, %parallel_loop3A_434 : vector<16xi32>
        %parallel_loop3A_436 = tpu.vector_load_idx %arg6[%parallel_loop3A_435] : memref<792xi32, #tpu.memory_space<vmem>>[vector<16xi32>], vector<16xi32>,
        %parallel_loop3A_437 = arith.constant 1 : i32
        %parallel_loop3A_438 = vector.broadcast %parallel_loop3A_437 : i32 to vector<16xi32>
        %parallel_loop3A_439 = arith.addi %parallel_loop3A_432, %parallel_loop3A_438 : vector<16xi32>
        %parallel_loop3A_440 = tpu.vector_load_idx %arg6[%parallel_loop3A_439] : memref<792xi32, #tpu.memory_space<vmem>>[vector<16xi32>], vector<16xi32>,
        %parallel_loop3A_441 = arith.constant 2 : i32
        %parallel_loop3A_442 = vector.broadcast %parallel_loop3A_441 : i32 to vector<16xi32>
        %parallel_loop3A_443 = arith.addi %parallel_loop3A_432, %parallel_loop3A_442 : vector<16xi32>
        %parallel_loop3A_444 = tpu.vector_load_idx %arg6[%parallel_loop3A_443] : memref<792xi32, #tpu.memory_space<vmem>>[vector<16xi32>], vector<16xi32>,
        %parallel_loop3A_445 = arith.constant 3 : i32
        %parallel_loop3A_446 = vector.broadcast %parallel_loop3A_445 : i32 to vector<16xi32>
        %parallel_loop3A_447 = arith.addi %parallel_loop3A_432, %parallel_loop3A_446 : vector<16xi32>
        %parallel_loop3A_448 = tpu.vector_load_idx %arg6[%parallel_loop3A_447] : memref<792xi32, #tpu.memory_space<vmem>>[vector<16xi32>], vector<16xi32>,
        %parallel_loop3A_449 = arith.constant 4 : i32
        %parallel_loop3A_450 = vector.broadcast %parallel_loop3A_449 : i32 to vector<16xi32>
        %parallel_loop3A_451 = arith.addi %parallel_loop3A_432, %parallel_loop3A_450 : vector<16xi32>
        %parallel_loop3A_452 = tpu.vector_load_idx %arg6[%parallel_loop3A_451] : memref<792xi32, #tpu.memory_space<vmem>>[vector<16xi32>], vector<16xi32>,
        %parallel_loop3A_453 = arith.constant 5 : i32
        %parallel_loop3A_454 = vector.broadcast %parallel_loop3A_453 : i32 to vector<16xi32>
        %parallel_loop3A_455 = arith.addi %parallel_loop3A_432, %parallel_loop3A_454 : vector<16xi32>
        %parallel_loop3A_456 = tpu.vector_load_idx %arg6[%parallel_loop3A_455] : memref<792xi32, #tpu.memory_space<vmem>>[vector<16xi32>], vector<16xi32>,
        %parallel_loop3A_457 = arith.constant 6 : i32
        %parallel_loop3A_458 = vector.broadcast %parallel_loop3A_457 : i32 to vector<16xi32>
        %parallel_loop3A_459 = arith.addi %parallel_loop3A_432, %parallel_loop3A_458 : vector<16xi32>
        %parallel_loop3A_460 = tpu.vector_load_idx %arg6[%parallel_loop3A_459] : memref<792xi32, #tpu.memory_space<vmem>>[vector<16xi32>], vector<16xi32>,
        %parallel_loop3A_461 = arith.constant 16 : i32
        %parallel_loop3A_462 = vector.broadcast %parallel_loop3A_461 : i32 to vector<16xi32>
        %parallel_loop3A_463 = arith.shli %parallel_loop3A_436, %parallel_loop3A_462 : vector<16xi32>
        %parallel_loop3A_464 = tpu.bitcast %parallel_loop3A_463 : vector<16xi32> -> vector<16xf32>
        %parallel_loop3A_465 = arith.constant -65536 : i32
        %parallel_loop3A_466 = vector.broadcast %parallel_loop3A_465 : i32 to vector<16xi32>
        %parallel_loop3A_467 = arith.andi %parallel_loop3A_436, %parallel_loop3A_466 : vector<16xi32>
        %parallel_loop3A_468 = tpu.bitcast %parallel_loop3A_467 : vector<16xi32> -> vector<16xf32>
        %parallel_loop3A_469 = arith.subf %parallel_loop3A_468, %parallel_loop3A_464 : vector<16xf32>
        %parallel_loop3A_470 = arith.mulf %parallel_loop3A_429, %parallel_loop3A_469 : vector<16xf32>
        %parallel_loop3A_471 = arith.addf %parallel_loop3A_464, %parallel_loop3A_470 : vector<16xf32>
        %parallel_loop3A_472 = arith.constant 16 : i32
        %parallel_loop3A_473 = vector.broadcast %parallel_loop3A_472 : i32 to vector<16xi32>
        %parallel_loop3A_474 = arith.shli %parallel_loop3A_440, %parallel_loop3A_473 : vector<16xi32>
        %parallel_loop3A_475 = tpu.bitcast %parallel_loop3A_474 : vector<16xi32> -> vector<16xf32>
        %parallel_loop3A_476 = arith.constant -65536 : i32
        %parallel_loop3A_477 = vector.broadcast %parallel_loop3A_476 : i32 to vector<16xi32>
        %parallel_loop3A_478 = arith.andi %parallel_loop3A_440, %parallel_loop3A_477 : vector<16xi32>
        %parallel_loop3A_479 = tpu.bitcast %parallel_loop3A_478 : vector<16xi32> -> vector<16xf32>
        %parallel_loop3A_480 = arith.subf %parallel_loop3A_479, %parallel_loop3A_475 : vector<16xf32>
        %parallel_loop3A_481 = arith.mulf %parallel_loop3A_429, %parallel_loop3A_480 : vector<16xf32>
        %parallel_loop3A_482 = arith.addf %parallel_loop3A_475, %parallel_loop3A_481 : vector<16xf32>
        %parallel_loop3A_483 = arith.constant 16 : i32
        %parallel_loop3A_484 = vector.broadcast %parallel_loop3A_483 : i32 to vector<16xi32>
        %parallel_loop3A_485 = arith.shli %parallel_loop3A_444, %parallel_loop3A_484 : vector<16xi32>
        %parallel_loop3A_486 = tpu.bitcast %parallel_loop3A_485 : vector<16xi32> -> vector<16xf32>
        %parallel_loop3A_487 = arith.constant -65536 : i32
        %parallel_loop3A_488 = vector.broadcast %parallel_loop3A_487 : i32 to vector<16xi32>
        %parallel_loop3A_489 = arith.andi %parallel_loop3A_444, %parallel_loop3A_488 : vector<16xi32>
        %parallel_loop3A_490 = tpu.bitcast %parallel_loop3A_489 : vector<16xi32> -> vector<16xf32>
        %parallel_loop3A_491 = arith.subf %parallel_loop3A_490, %parallel_loop3A_486 : vector<16xf32>
        %parallel_loop3A_492 = arith.mulf %parallel_loop3A_429, %parallel_loop3A_491 : vector<16xf32>
        %parallel_loop3A_493 = arith.addf %parallel_loop3A_486, %parallel_loop3A_492 : vector<16xf32>
        %parallel_loop3A_494 = arith.constant 16 : i32
        %parallel_loop3A_495 = vector.broadcast %parallel_loop3A_494 : i32 to vector<16xi32>
        %parallel_loop3A_496 = arith.shli %parallel_loop3A_448, %parallel_loop3A_495 : vector<16xi32>
        %parallel_loop3A_497 = tpu.bitcast %parallel_loop3A_496 : vector<16xi32> -> vector<16xf32>
        %parallel_loop3A_498 = arith.constant -65536 : i32
        %parallel_loop3A_499 = vector.broadcast %parallel_loop3A_498 : i32 to vector<16xi32>
        %parallel_loop3A_500 = arith.andi %parallel_loop3A_448, %parallel_loop3A_499 : vector<16xi32>
        %parallel_loop3A_501 = tpu.bitcast %parallel_loop3A_500 : vector<16xi32> -> vector<16xf32>
        %parallel_loop3A_502 = arith.subf %parallel_loop3A_501, %parallel_loop3A_497 : vector<16xf32>
        %parallel_loop3A_503 = arith.mulf %parallel_loop3A_429, %parallel_loop3A_502 : vector<16xf32>
        %parallel_loop3A_504 = arith.addf %parallel_loop3A_497, %parallel_loop3A_503 : vector<16xf32>
        %parallel_loop3A_505 = arith.constant 16 : i32
        %parallel_loop3A_506 = vector.broadcast %parallel_loop3A_505 : i32 to vector<16xi32>
        %parallel_loop3A_507 = arith.shli %parallel_loop3A_452, %parallel_loop3A_506 : vector<16xi32>
        %parallel_loop3A_508 = tpu.bitcast %parallel_loop3A_507 : vector<16xi32> -> vector<16xf32>
        %parallel_loop3A_509 = arith.constant -65536 : i32
        %parallel_loop3A_510 = vector.broadcast %parallel_loop3A_509 : i32 to vector<16xi32>
        %parallel_loop3A_511 = arith.andi %parallel_loop3A_452, %parallel_loop3A_510 : vector<16xi32>
        %parallel_loop3A_512 = tpu.bitcast %parallel_loop3A_511 : vector<16xi32> -> vector<16xf32>
        %parallel_loop3A_513 = arith.subf %parallel_loop3A_512, %parallel_loop3A_508 : vector<16xf32>
        %parallel_loop3A_514 = arith.mulf %parallel_loop3A_429, %parallel_loop3A_513 : vector<16xf32>
        %parallel_loop3A_515 = arith.addf %parallel_loop3A_508, %parallel_loop3A_514 : vector<16xf32>
        %parallel_loop3A_516 = arith.constant 16 : i32
        %parallel_loop3A_517 = vector.broadcast %parallel_loop3A_516 : i32 to vector<16xi32>
        %parallel_loop3A_518 = arith.shli %parallel_loop3A_456, %parallel_loop3A_517 : vector<16xi32>
        %parallel_loop3A_519 = tpu.bitcast %parallel_loop3A_518 : vector<16xi32> -> vector<16xf32>
        %parallel_loop3A_520 = arith.constant -65536 : i32
        %parallel_loop3A_521 = vector.broadcast %parallel_loop3A_520 : i32 to vector<16xi32>
        %parallel_loop3A_522 = arith.andi %parallel_loop3A_456, %parallel_loop3A_521 : vector<16xi32>
        %parallel_loop3A_523 = tpu.bitcast %parallel_loop3A_522 : vector<16xi32> -> vector<16xf32>
        %parallel_loop3A_524 = arith.subf %parallel_loop3A_523, %parallel_loop3A_519 : vector<16xf32>
        %parallel_loop3A_525 = arith.mulf %parallel_loop3A_429, %parallel_loop3A_524 : vector<16xf32>
        %parallel_loop3A_526 = arith.addf %parallel_loop3A_519, %parallel_loop3A_525 : vector<16xf32>
        %parallel_loop3A_527 = arith.constant 16 : i32
        %parallel_loop3A_528 = vector.broadcast %parallel_loop3A_527 : i32 to vector<16xi32>
        %parallel_loop3A_529 = arith.shli %parallel_loop3A_460, %parallel_loop3A_528 : vector<16xi32>
        %parallel_loop3A_530 = tpu.bitcast %parallel_loop3A_529 : vector<16xi32> -> vector<16xf32>
        %parallel_loop3A_531 = arith.constant -65536 : i32
        %parallel_loop3A_532 = vector.broadcast %parallel_loop3A_531 : i32 to vector<16xi32>
        %parallel_loop3A_533 = arith.andi %parallel_loop3A_460, %parallel_loop3A_532 : vector<16xi32>
        %parallel_loop3A_534 = tpu.bitcast %parallel_loop3A_533 : vector<16xi32> -> vector<16xf32>
        %parallel_loop3A_535 = arith.subf %parallel_loop3A_534, %parallel_loop3A_530 : vector<16xf32>
        %parallel_loop3A_536 = arith.mulf %parallel_loop3A_429, %parallel_loop3A_535 : vector<16xf32>
        %parallel_loop3A_537 = arith.addf %parallel_loop3A_530, %parallel_loop3A_536 : vector<16xf32>
        %parallel_loop3A_538 = arith.mulf %parallel_loop3A_504, %parallel_loop3A_504 : vector<16xf32>
        %parallel_loop3A_539 = arith.mulf %parallel_loop3A_515, %parallel_loop3A_515 : vector<16xf32>
        %parallel_loop3A_540 = arith.addf %parallel_loop3A_538, %parallel_loop3A_539 : vector<16xf32>
        %parallel_loop3A_541 = arith.mulf %parallel_loop3A_526, %parallel_loop3A_526 : vector<16xf32>
        %parallel_loop3A_542 = arith.addf %parallel_loop3A_540, %parallel_loop3A_541 : vector<16xf32>
        %parallel_loop3A_543 = arith.mulf %parallel_loop3A_537, %parallel_loop3A_537 : vector<16xf32>
        %parallel_loop3A_544 = arith.addf %parallel_loop3A_542, %parallel_loop3A_543 : vector<16xf32>
        %parallel_loop3A_545 = arith.constant 1.000000e-24 : f32
        %parallel_loop3A_546 = vector.broadcast %parallel_loop3A_545 : f32 to vector<16xf32>
        %parallel_loop3A_547 = arith.maximumf %parallel_loop3A_544, %parallel_loop3A_546 : vector<16xf32>
        %parallel_loop3A_548 = tpu.bitcast %parallel_loop3A_547 : vector<16xf32> -> vector<16xi32>
        %parallel_loop3A_549 = arith.constant 1 : i32
        %parallel_loop3A_550 = vector.broadcast %parallel_loop3A_549 : i32 to vector<16xi32>
        %parallel_loop3A_551 = arith.shrui %parallel_loop3A_548, %parallel_loop3A_550 : vector<16xi32>
        %parallel_loop3A_552 = arith.constant 1597463007 : i32
        %parallel_loop3A_553 = vector.broadcast %parallel_loop3A_552 : i32 to vector<16xi32>
        %parallel_loop3A_554 = arith.subi %parallel_loop3A_553, %parallel_loop3A_551 : vector<16xi32>
        %parallel_loop3A_555 = tpu.bitcast %parallel_loop3A_554 : vector<16xi32> -> vector<16xf32>
        %parallel_loop3A_556 = arith.constant 5.000000e-01 : f32
        %parallel_loop3A_557 = vector.broadcast %parallel_loop3A_556 : f32 to vector<16xf32>
        %parallel_loop3A_558 = arith.mulf %parallel_loop3A_557, %parallel_loop3A_547 : vector<16xf32>
        %parallel_loop3A_559 = arith.mulf %parallel_loop3A_558, %parallel_loop3A_555 : vector<16xf32>
        %parallel_loop3A_560 = arith.mulf %parallel_loop3A_559, %parallel_loop3A_555 : vector<16xf32>
        %parallel_loop3A_561 = arith.constant 1.500000e+00 : f32
        %parallel_loop3A_562 = vector.broadcast %parallel_loop3A_561 : f32 to vector<16xf32>
        %parallel_loop3A_563 = arith.subf %parallel_loop3A_562, %parallel_loop3A_560 : vector<16xf32>
        %parallel_loop3A_564 = arith.mulf %parallel_loop3A_555, %parallel_loop3A_563 : vector<16xf32>
        %parallel_loop3A_565 = arith.constant 16 : i32
        %parallel_loop3A_566 = arith.muli %parallel_loop3A_413, %parallel_loop3A_565 : i32
        %parallel_loop3A_567 = arith.constant 4096 : i32
        %parallel_loop3A_568 = arith.addi %parallel_loop3A_567, %parallel_loop3A_566 : i32
        %parallel_loop3A_569 = arith.index_cast %parallel_loop3A_568 : i32 to index
        %parallel_loop3A_570 = tpu.vector_load %arg9[%parallel_loop3A_569] {strides = array<i32>} : memref<57344xf32, #tpu.memory_space<vmem>>, vector<16xf32>,
        tpu.vector_store %arg9[%parallel_loop3A_569], %parallel_loop3A_471 {strides = array<i32>} : memref<57344xf32, #tpu.memory_space<vmem>>, vector<16xf32>,
        %parallel_loop3A_571 = arith.constant 16 : i32
        %parallel_loop3A_572 = arith.muli %parallel_loop3A_413, %parallel_loop3A_571 : i32
        %parallel_loop3A_573 = arith.constant 12288 : i32
        %parallel_loop3A_574 = arith.addi %parallel_loop3A_573, %parallel_loop3A_572 : i32
        %parallel_loop3A_575 = arith.index_cast %parallel_loop3A_574 : i32 to index
        %parallel_loop3A_576 = tpu.vector_load %arg9[%parallel_loop3A_575] {strides = array<i32>} : memref<57344xf32, #tpu.memory_space<vmem>>, vector<16xf32>,
        tpu.vector_store %arg9[%parallel_loop3A_575], %parallel_loop3A_482 {strides = array<i32>} : memref<57344xf32, #tpu.memory_space<vmem>>, vector<16xf32>,
        %parallel_loop3A_577 = arith.constant 16 : i32
        %parallel_loop3A_578 = arith.muli %parallel_loop3A_413, %parallel_loop3A_577 : i32
        %parallel_loop3A_579 = arith.constant 20480 : i32
        %parallel_loop3A_580 = arith.addi %parallel_loop3A_579, %parallel_loop3A_578 : i32
        %parallel_loop3A_581 = arith.index_cast %parallel_loop3A_580 : i32 to index
        %parallel_loop3A_582 = tpu.vector_load %arg9[%parallel_loop3A_581] {strides = array<i32>} : memref<57344xf32, #tpu.memory_space<vmem>>, vector<16xf32>,
        tpu.vector_store %arg9[%parallel_loop3A_581], %parallel_loop3A_493 {strides = array<i32>} : memref<57344xf32, #tpu.memory_space<vmem>>, vector<16xf32>,
        %parallel_loop3A_583 = arith.mulf %parallel_loop3A_504, %parallel_loop3A_564 : vector<16xf32>
        %parallel_loop3A_584 = arith.constant 16 : i32
        %parallel_loop3A_585 = arith.muli %parallel_loop3A_413, %parallel_loop3A_584 : i32
        %parallel_loop3A_586 = arith.constant 28672 : i32
        %parallel_loop3A_587 = arith.addi %parallel_loop3A_586, %parallel_loop3A_585 : i32
        %parallel_loop3A_588 = arith.index_cast %parallel_loop3A_587 : i32 to index
        %parallel_loop3A_589 = tpu.vector_load %arg9[%parallel_loop3A_588] {strides = array<i32>} : memref<57344xf32, #tpu.memory_space<vmem>>, vector<16xf32>,
        tpu.vector_store %arg9[%parallel_loop3A_588], %parallel_loop3A_583 {strides = array<i32>} : memref<57344xf32, #tpu.memory_space<vmem>>, vector<16xf32>,
        %parallel_loop3A_590 = arith.mulf %parallel_loop3A_515, %parallel_loop3A_564 : vector<16xf32>
        %parallel_loop3A_591 = arith.constant 16 : i32
        %parallel_loop3A_592 = arith.muli %parallel_loop3A_413, %parallel_loop3A_591 : i32
        %parallel_loop3A_593 = arith.constant 36864 : i32
        %parallel_loop3A_594 = arith.addi %parallel_loop3A_593, %parallel_loop3A_592 : i32
        %parallel_loop3A_595 = arith.index_cast %parallel_loop3A_594 : i32 to index
        %parallel_loop3A_596 = tpu.vector_load %arg9[%parallel_loop3A_595] {strides = array<i32>} : memref<57344xf32, #tpu.memory_space<vmem>>, vector<16xf32>,
        tpu.vector_store %arg9[%parallel_loop3A_595], %parallel_loop3A_590 {strides = array<i32>} : memref<57344xf32, #tpu.memory_space<vmem>>, vector<16xf32>,
        %parallel_loop3A_597 = arith.mulf %parallel_loop3A_526, %parallel_loop3A_564 : vector<16xf32>
        %parallel_loop3A_598 = arith.constant 16 : i32
        %parallel_loop3A_599 = arith.muli %parallel_loop3A_413, %parallel_loop3A_598 : i32
        %parallel_loop3A_600 = arith.constant 45056 : i32
        %parallel_loop3A_601 = arith.addi %parallel_loop3A_600, %parallel_loop3A_599 : i32
        %parallel_loop3A_602 = arith.index_cast %parallel_loop3A_601 : i32 to index
        %parallel_loop3A_603 = tpu.vector_load %arg9[%parallel_loop3A_602] {strides = array<i32>} : memref<57344xf32, #tpu.memory_space<vmem>>, vector<16xf32>,
        tpu.vector_store %arg9[%parallel_loop3A_602], %parallel_loop3A_597 {strides = array<i32>} : memref<57344xf32, #tpu.memory_space<vmem>>, vector<16xf32>,
        %parallel_loop3A_604 = arith.mulf %parallel_loop3A_537, %parallel_loop3A_564 : vector<16xf32>
        %parallel_loop3A_605 = arith.constant 16 : i32
        %parallel_loop3A_606 = arith.muli %parallel_loop3A_413, %parallel_loop3A_605 : i32
        %parallel_loop3A_607 = arith.constant 53248 : i32
        %parallel_loop3A_608 = arith.addi %parallel_loop3A_607, %parallel_loop3A_606 : i32
        %parallel_loop3A_609 = arith.index_cast %parallel_loop3A_608 : i32 to index
        %parallel_loop3A_610 = tpu.vector_load %arg9[%parallel_loop3A_609] {strides = array<i32>} : memref<57344xf32, #tpu.memory_space<vmem>>, vector<16xf32>,
        tpu.vector_store %arg9[%parallel_loop3A_609], %parallel_loop3A_604 {strides = array<i32>} : memref<57344xf32, #tpu.memory_space<vmem>>, vector<16xf32>,
      } {sc.loop_unroll_factor = 4 : i64, sc.parallel_access}
      %gt3A_318 = arith.constant 13 : i32
      %gt3A_319 = arith.cmpi sgt, %select_n3A, %gt3A_318 : i32
      %convert_element_type3A_320 = arith.extui %gt3A_319 : i1 to i32
      %cond3A_321 = arith.constant 0 : i32
      %cond3A_322 = arith.cmpi ne, %convert_element_type3A_320, %cond3A_321 : i32
      scf.if %cond3A_322 {
        %add3A_413 = arith.constant 13 : i32
        %add3A_414 = arith.addi %add3A_6, %add3A_413 : i32
        %mul3A_415 = arith.constant 8192 : i32
        %mul3A_416 = arith.muli %add3A_414, %mul3A_415 : i32
        %add3A_417 = arith.constant 4096 : i32
        %add3A_418 = arith.addi %mul3A_416, %add3A_417 : i32
        %dma_start3A_419 = tpu.memref_slice %arg2[%add3A_418] : memref<3276800xf32, #tpu.memory_space<hbm>> -> memref<4096xf32, #tpu.memory_space<hbm>>
        %dma_start3A_420 = tpu.memref_slice %arg2[%add3A_418] : memref<3276800xf32, #tpu.memory_space<hbm>> -> memref<4096xf32, #tpu.memory_space<hbm>>
        tpu.enqueue_dma source(%dma_start3A_420 : memref<4096xf32, #tpu.memory_space<hbm>>) target(%arg8 : memref<4096xf32, #tpu.memory_space<vmem>>) target_semaphore(%arg12 : memref<!tpu.dma_semaphore, #tpu.memory_space<semaphore_mem>>)
      } else {
      }
      %add3A_323 = arith.constant 12 : i32
      %add3A_324 = arith.addi %add3A_6, %add3A_323 : i32
      %mul3A_325 = arith.constant 8192 : i32
      %mul3A_326 = arith.muli %add3A_324, %mul3A_325 : i32
      %jit3A_327 = arith.constant 16384 : i32
      %div3A_328 = arith.divsi %mul3A_326, %jit3A_327 : i32
      %sign3A_329 = arith.constant 0 : i32
      %sign3A_330 = arith.cmpi sgt, %mul3A_326, %sign3A_329 : i32
      %sign3A_331 = arith.extui %sign3A_330 : i1 to i32
      %sign3A_332 = arith.constant 0 : i32
      %sign3A_333 = arith.cmpi slt, %mul3A_326, %sign3A_332 : i32
      %sign3A_334 = arith.extui %sign3A_333 : i1 to i32
      %sign3A_335 = arith.subi %sign3A_331, %sign3A_334 : i32
      %sign3A_336 = arith.constant 0 : i32
      %sign3A_337 = arith.cmpi sgt, %jit3A_327, %sign3A_336 : i32
      %sign3A_338 = arith.extui %sign3A_337 : i1 to i32
      %sign3A_339 = arith.constant 0 : i32
      %sign3A_340 = arith.cmpi slt, %jit3A_327, %sign3A_339 : i32
      %sign3A_341 = arith.extui %sign3A_340 : i1 to i32
      %sign3A_342 = arith.subi %sign3A_338, %sign3A_341 : i32
      %ne3A_343 = arith.cmpi ne, %sign3A_335, %sign3A_342 : i32
      %rem3A_344 = arith.remsi %mul3A_326, %jit3A_327 : i32
      %ne3A_345 = arith.constant 0 : i32
      %ne3A_346 = arith.cmpi ne, %rem3A_344, %ne3A_345 : i32
      %and3A_347 = arith.andi %ne3A_343, %ne3A_346 : i1
      %sub3A_348 = arith.constant 1 : i32
      %sub3A_349 = arith.subi %div3A_328, %sub3A_348 : i32
      %select_n3A_350 = arith.select %and3A_347, %sub3A_349, %div3A_328 : i32
      %mul3A_351 = arith.constant 65536 : i32
      %mul3A_352 = arith.muli %select_n3A_350, %mul3A_351 : i32
      %mul3A_353 = arith.constant 16384 : i32
      %mul3A_354 = arith.muli %select_n3A_350, %mul3A_353 : i32
      %sub3A_355 = arith.subi %mul3A_326, %mul3A_354 : i32
      %add3A_356 = arith.addi %mul3A_352, %sub3A_355 : i32
      %add3A_357 = arith.constant 0 : i32
      %add3A_358 = arith.addi %add3A_357, %mul3A_326 : i32
      %add3A_359 = arith.constant 3276800 : i32
      %add3A_360 = arith.addi %add3A_359, %mul3A_326 : i32
      %add3A_361 = arith.constant 6553600 : i32
      %add3A_362 = arith.addi %add3A_361, %mul3A_326 : i32
      %add3A_363 = arith.constant 0 : i32
      %add3A_364 = arith.addi %add3A_356, %add3A_363 : i32
      %add3A_365 = arith.constant 16384 : i32
      %add3A_366 = arith.addi %add3A_356, %add3A_365 : i32
      %add3A_367 = arith.constant 32768 : i32
      %add3A_368 = arith.addi %add3A_356, %add3A_367 : i32
      %add3A_369 = arith.constant 49152 : i32
      %add3A_370 = arith.addi %add3A_356, %add3A_369 : i32
      %dma_start3A_371 = arith.constant 0 : i32
      %dma_start3A_372 = tpu.memref_slice %arg9[%dma_start3A_371] : memref<57344xf32, #tpu.memory_space<vmem>> -> memref<8192xf32, #tpu.memory_space<vmem>>
      %dma_start3A_373 = tpu.memref_slice %arg4[%add3A_358] : memref<9830400xf32, #tpu.memory_space<hbm>> -> memref<8192xf32, #tpu.memory_space<hbm>>
      %dma_start3A_374 = tpu.memref_slice %arg4[%add3A_358] : memref<9830400xf32, #tpu.memory_space<hbm>> -> memref<8192xf32, #tpu.memory_space<hbm>>
      %dma_start3A_375 = arith.constant 0 : i32
      %dma_start3A_376 = tpu.memref_slice %arg9[%dma_start3A_375] : memref<57344xf32, #tpu.memory_space<vmem>> -> memref<8192xf32, #tpu.memory_space<vmem>>
      tpu.enqueue_dma source(%dma_start3A_376 : memref<8192xf32, #tpu.memory_space<vmem>>) target(%dma_start3A_374 : memref<8192xf32, #tpu.memory_space<hbm>>) target_semaphore(%arg13 : memref<!tpu.dma_semaphore, #tpu.memory_space<semaphore_mem>>)
      %dma_start3A_377 = arith.constant 8192 : i32
      %dma_start3A_378 = tpu.memref_slice %arg9[%dma_start3A_377] : memref<57344xf32, #tpu.memory_space<vmem>> -> memref<8192xf32, #tpu.memory_space<vmem>>
      %dma_start3A_379 = tpu.memref_slice %arg4[%add3A_360] : memref<9830400xf32, #tpu.memory_space<hbm>> -> memref<8192xf32, #tpu.memory_space<hbm>>
      %dma_start3A_380 = tpu.memref_slice %arg4[%add3A_360] : memref<9830400xf32, #tpu.memory_space<hbm>> -> memref<8192xf32, #tpu.memory_space<hbm>>
      %dma_start3A_381 = arith.constant 8192 : i32
      %dma_start3A_382 = tpu.memref_slice %arg9[%dma_start3A_381] : memref<57344xf32, #tpu.memory_space<vmem>> -> memref<8192xf32, #tpu.memory_space<vmem>>
      tpu.enqueue_dma source(%dma_start3A_382 : memref<8192xf32, #tpu.memory_space<vmem>>) target(%dma_start3A_380 : memref<8192xf32, #tpu.memory_space<hbm>>) target_semaphore(%arg13 : memref<!tpu.dma_semaphore, #tpu.memory_space<semaphore_mem>>)
      %dma_start3A_383 = arith.constant 16384 : i32
      %dma_start3A_384 = tpu.memref_slice %arg9[%dma_start3A_383] : memref<57344xf32, #tpu.memory_space<vmem>> -> memref<8192xf32, #tpu.memory_space<vmem>>
      %dma_start3A_385 = tpu.memref_slice %arg4[%add3A_362] : memref<9830400xf32, #tpu.memory_space<hbm>> -> memref<8192xf32, #tpu.memory_space<hbm>>
      %dma_start3A_386 = tpu.memref_slice %arg4[%add3A_362] : memref<9830400xf32, #tpu.memory_space<hbm>> -> memref<8192xf32, #tpu.memory_space<hbm>>
      %dma_start3A_387 = arith.constant 16384 : i32
      %dma_start3A_388 = tpu.memref_slice %arg9[%dma_start3A_387] : memref<57344xf32, #tpu.memory_space<vmem>> -> memref<8192xf32, #tpu.memory_space<vmem>>
      tpu.enqueue_dma source(%dma_start3A_388 : memref<8192xf32, #tpu.memory_space<vmem>>) target(%dma_start3A_386 : memref<8192xf32, #tpu.memory_space<hbm>>) target_semaphore(%arg13 : memref<!tpu.dma_semaphore, #tpu.memory_space<semaphore_mem>>)
      %dma_start3A_389 = arith.constant 24576 : i32
      %dma_start3A_390 = tpu.memref_slice %arg9[%dma_start3A_389] : memref<57344xf32, #tpu.memory_space<vmem>> -> memref<8192xf32, #tpu.memory_space<vmem>>
      %dma_start3A_391 = tpu.memref_slice %arg5[%add3A_364] : memref<13107200xf32, #tpu.memory_space<hbm>> -> memref<8192xf32, #tpu.memory_space<hbm>>
      %dma_start3A_392 = tpu.memref_slice %arg5[%add3A_364] : memref<13107200xf32, #tpu.memory_space<hbm>> -> memref<8192xf32, #tpu.memory_space<hbm>>
      %dma_start3A_393 = arith.constant 24576 : i32
      %dma_start3A_394 = tpu.memref_slice %arg9[%dma_start3A_393] : memref<57344xf32, #tpu.memory_space<vmem>> -> memref<8192xf32, #tpu.memory_space<vmem>>
      tpu.enqueue_dma source(%dma_start3A_394 : memref<8192xf32, #tpu.memory_space<vmem>>) target(%dma_start3A_392 : memref<8192xf32, #tpu.memory_space<hbm>>) target_semaphore(%arg13 : memref<!tpu.dma_semaphore, #tpu.memory_space<semaphore_mem>>)
      %dma_start3A_395 = arith.constant 32768 : i32
      %dma_start3A_396 = tpu.memref_slice %arg9[%dma_start3A_395] : memref<57344xf32, #tpu.memory_space<vmem>> -> memref<8192xf32, #tpu.memory_space<vmem>>
      %dma_start3A_397 = tpu.memref_slice %arg5[%add3A_366] : memref<13107200xf32, #tpu.memory_space<hbm>> -> memref<8192xf32, #tpu.memory_space<hbm>>
      %dma_start3A_398 = tpu.memref_slice %arg5[%add3A_366] : memref<13107200xf32, #tpu.memory_space<hbm>> -> memref<8192xf32, #tpu.memory_space<hbm>>
      %dma_start3A_399 = arith.constant 32768 : i32
      %dma_start3A_400 = tpu.memref_slice %arg9[%dma_start3A_399] : memref<57344xf32, #tpu.memory_space<vmem>> -> memref<8192xf32, #tpu.memory_space<vmem>>
      tpu.enqueue_dma source(%dma_start3A_400 : memref<8192xf32, #tpu.memory_space<vmem>>) target(%dma_start3A_398 : memref<8192xf32, #tpu.memory_space<hbm>>) target_semaphore(%arg13 : memref<!tpu.dma_semaphore, #tpu.memory_space<semaphore_mem>>)
      %dma_start3A_401 = arith.constant 40960 : i32
      %dma_start3A_402 = tpu.memref_slice %arg9[%dma_start3A_401] : memref<57344xf32, #tpu.memory_space<vmem>> -> memref<8192xf32, #tpu.memory_space<vmem>>
      %dma_start3A_403 = tpu.memref_slice %arg5[%add3A_368] : memref<13107200xf32, #tpu.memory_space<hbm>> -> memref<8192xf32, #tpu.memory_space<hbm>>
      %dma_start3A_404 = tpu.memref_slice %arg5[%add3A_368] : memref<13107200xf32, #tpu.memory_space<hbm>> -> memref<8192xf32, #tpu.memory_space<hbm>>
      %dma_start3A_405 = arith.constant 40960 : i32
      %dma_start3A_406 = tpu.memref_slice %arg9[%dma_start3A_405] : memref<57344xf32, #tpu.memory_space<vmem>> -> memref<8192xf32, #tpu.memory_space<vmem>>
      tpu.enqueue_dma source(%dma_start3A_406 : memref<8192xf32, #tpu.memory_space<vmem>>) target(%dma_start3A_404 : memref<8192xf32, #tpu.memory_space<hbm>>) target_semaphore(%arg13 : memref<!tpu.dma_semaphore, #tpu.memory_space<semaphore_mem>>)
      %dma_start3A_407 = arith.constant 49152 : i32
      %dma_start3A_408 = tpu.memref_slice %arg9[%dma_start3A_407] : memref<57344xf32, #tpu.memory_space<vmem>> -> memref<8192xf32, #tpu.memory_space<vmem>>
      %dma_start3A_409 = tpu.memref_slice %arg5[%add3A_370] : memref<13107200xf32, #tpu.memory_space<hbm>> -> memref<8192xf32, #tpu.memory_space<hbm>>
      %dma_start3A_410 = tpu.memref_slice %arg5[%add3A_370] : memref<13107200xf32, #tpu.memory_space<hbm>> -> memref<8192xf32, #tpu.memory_space<hbm>>
      %dma_start3A_411 = arith.constant 49152 : i32
      %dma_start3A_412 = tpu.memref_slice %arg9[%dma_start3A_411] : memref<57344xf32, #tpu.memory_space<vmem>> -> memref<8192xf32, #tpu.memory_space<vmem>>
      tpu.enqueue_dma source(%dma_start3A_412 : memref<8192xf32, #tpu.memory_space<vmem>>) target(%dma_start3A_410 : memref<8192xf32, #tpu.memory_space<hbm>>) target_semaphore(%arg13 : memref<!tpu.dma_semaphore, #tpu.memory_space<semaphore_mem>>)
    } else {
    }
    %add3A_29 = arith.constant 0 : i32
    %add3A_30 = arith.addi %add3A_6, %add3A_29 : i32
    %mul3A_31 = arith.constant 8192 : i32
    %mul3A_32 = arith.muli %add3A_30, %mul3A_31 : i32
    %jit3A_33 = arith.constant 16384 : i32
    %div3A = arith.divsi %mul3A_32, %jit3A_33 : i32
    %sign3A = arith.constant 0 : i32
    %sign3A_34 = arith.cmpi sgt, %mul3A_32, %sign3A : i32
    %sign3A_35 = arith.extui %sign3A_34 : i1 to i32
    %sign3A_36 = arith.constant 0 : i32
    %sign3A_37 = arith.cmpi slt, %mul3A_32, %sign3A_36 : i32
    %sign3A_38 = arith.extui %sign3A_37 : i1 to i32
    %sign3A_39 = arith.subi %sign3A_35, %sign3A_38 : i32
    %sign3A_40 = arith.constant 0 : i32
    %sign3A_41 = arith.cmpi sgt, %jit3A_33, %sign3A_40 : i32
    %sign3A_42 = arith.extui %sign3A_41 : i1 to i32
    %sign3A_43 = arith.constant 0 : i32
    %sign3A_44 = arith.cmpi slt, %jit3A_33, %sign3A_43 : i32
    %sign3A_45 = arith.extui %sign3A_44 : i1 to i32
    %sign3A_46 = arith.subi %sign3A_42, %sign3A_45 : i32
    %ne3A = arith.cmpi ne, %sign3A_39, %sign3A_46 : i32
    %rem3A = arith.remsi %mul3A_32, %jit3A_33 : i32
    %ne3A_47 = arith.constant 0 : i32
    %ne3A_48 = arith.cmpi ne, %rem3A, %ne3A_47 : i32
    %and3A = arith.andi %ne3A, %ne3A_48 : i1
    %sub3A = arith.constant 1 : i32
    %sub3A_49 = arith.subi %div3A, %sub3A : i32
    %select_n3A_50 = arith.select %and3A, %sub3A_49, %div3A : i32
    %mul3A_51 = arith.constant 65536 : i32
    %mul3A_52 = arith.muli %select_n3A_50, %mul3A_51 : i32
    %mul3A_53 = arith.constant 16384 : i32
    %mul3A_54 = arith.muli %select_n3A_50, %mul3A_53 : i32
    %sub3A_55 = arith.subi %mul3A_32, %mul3A_54 : i32
    %add3A_56 = arith.addi %mul3A_52, %sub3A_55 : i32
    %add3A_57 = arith.constant 0 : i32
    %add3A_58 = arith.addi %add3A_57, %mul3A_32 : i32
    %add3A_59 = arith.constant 3276800 : i32
    %add3A_60 = arith.addi %add3A_59, %mul3A_32 : i32
    %add3A_61 = arith.constant 6553600 : i32
    %add3A_62 = arith.addi %add3A_61, %mul3A_32 : i32
    %add3A_63 = arith.constant 0 : i32
    %add3A_64 = arith.addi %add3A_56, %add3A_63 : i32
    %add3A_65 = arith.constant 16384 : i32
    %add3A_66 = arith.addi %add3A_56, %add3A_65 : i32
    %add3A_67 = arith.constant 32768 : i32
    %add3A_68 = arith.addi %add3A_56, %add3A_67 : i32
    %add3A_69 = arith.constant 49152 : i32
    %add3A_70 = arith.addi %add3A_56, %add3A_69 : i32
    %dma_wait3A = arith.constant 0 : i32
    %dma_wait3A_71 = tpu.memref_slice %arg9[%dma_wait3A] : memref<57344xf32, #tpu.memory_space<vmem>> -> memref<8192xf32, #tpu.memory_space<vmem>>
    %dma_wait3A_72 = tpu.memref_slice %arg4[%add3A_58] : memref<9830400xf32, #tpu.memory_space<hbm>> -> memref<8192xf32, #tpu.memory_space<hbm>>
    %dma_wait3A_73 = tpu.memref_slice %arg4[%add3A_58] : memref<9830400xf32, #tpu.memory_space<hbm>> -> memref<8192xf32, #tpu.memory_space<hbm>>
    %dma_wait3A_74 = arith.constant 0 : i32
    %dma_wait3A_75 = tpu.memref_slice %arg9[%dma_wait3A_74] : memref<57344xf32, #tpu.memory_space<vmem>> -> memref<8192xf32, #tpu.memory_space<vmem>>
    tpu.wait_dma2 semaphore(%arg13 : memref<!tpu.dma_semaphore, #tpu.memory_space<semaphore_mem>>) src(%dma_wait3A_75 : memref<8192xf32, #tpu.memory_space<vmem>>) dst(%dma_wait3A_73 : memref<8192xf32, #tpu.memory_space<hbm>>)
    %dma_wait3A_76 = arith.constant 8192 : i32
    %dma_wait3A_77 = tpu.memref_slice %arg9[%dma_wait3A_76] : memref<57344xf32, #tpu.memory_space<vmem>> -> memref<8192xf32, #tpu.memory_space<vmem>>
    %dma_wait3A_78 = tpu.memref_slice %arg4[%add3A_60] : memref<9830400xf32, #tpu.memory_space<hbm>> -> memref<8192xf32, #tpu.memory_space<hbm>>
    %dma_wait3A_79 = tpu.memref_slice %arg4[%add3A_60] : memref<9830400xf32, #tpu.memory_space<hbm>> -> memref<8192xf32, #tpu.memory_space<hbm>>
    %dma_wait3A_80 = arith.constant 8192 : i32
    %dma_wait3A_81 = tpu.memref_slice %arg9[%dma_wait3A_80] : memref<57344xf32, #tpu.memory_space<vmem>> -> memref<8192xf32, #tpu.memory_space<vmem>>
    tpu.wait_dma2 semaphore(%arg13 : memref<!tpu.dma_semaphore, #tpu.memory_space<semaphore_mem>>) src(%dma_wait3A_81 : memref<8192xf32, #tpu.memory_space<vmem>>) dst(%dma_wait3A_79 : memref<8192xf32, #tpu.memory_space<hbm>>)
    %dma_wait3A_82 = arith.constant 16384 : i32
    %dma_wait3A_83 = tpu.memref_slice %arg9[%dma_wait3A_82] : memref<57344xf32, #tpu.memory_space<vmem>> -> memref<8192xf32, #tpu.memory_space<vmem>>
    %dma_wait3A_84 = tpu.memref_slice %arg4[%add3A_62] : memref<9830400xf32, #tpu.memory_space<hbm>> -> memref<8192xf32, #tpu.memory_space<hbm>>
    %dma_wait3A_85 = tpu.memref_slice %arg4[%add3A_62] : memref<9830400xf32, #tpu.memory_space<hbm>> -> memref<8192xf32, #tpu.memory_space<hbm>>
    %dma_wait3A_86 = arith.constant 16384 : i32
    %dma_wait3A_87 = tpu.memref_slice %arg9[%dma_wait3A_86] : memref<57344xf32, #tpu.memory_space<vmem>> -> memref<8192xf32, #tpu.memory_space<vmem>>
    tpu.wait_dma2 semaphore(%arg13 : memref<!tpu.dma_semaphore, #tpu.memory_space<semaphore_mem>>) src(%dma_wait3A_87 : memref<8192xf32, #tpu.memory_space<vmem>>) dst(%dma_wait3A_85 : memref<8192xf32, #tpu.memory_space<hbm>>)
    %dma_wait3A_88 = arith.constant 24576 : i32
    %dma_wait3A_89 = tpu.memref_slice %arg9[%dma_wait3A_88] : memref<57344xf32, #tpu.memory_space<vmem>> -> memref<8192xf32, #tpu.memory_space<vmem>>
    %dma_wait3A_90 = tpu.memref_slice %arg5[%add3A_64] : memref<13107200xf32, #tpu.memory_space<hbm>> -> memref<8192xf32, #tpu.memory_space<hbm>>
    %dma_wait3A_91 = tpu.memref_slice %arg5[%add3A_64] : memref<13107200xf32, #tpu.memory_space<hbm>> -> memref<8192xf32, #tpu.memory_space<hbm>>
    %dma_wait3A_92 = arith.constant 24576 : i32
    %dma_wait3A_93 = tpu.memref_slice %arg9[%dma_wait3A_92] : memref<57344xf32, #tpu.memory_space<vmem>> -> memref<8192xf32, #tpu.memory_space<vmem>>
    tpu.wait_dma2 semaphore(%arg13 : memref<!tpu.dma_semaphore, #tpu.memory_space<semaphore_mem>>) src(%dma_wait3A_93 : memref<8192xf32, #tpu.memory_space<vmem>>) dst(%dma_wait3A_91 : memref<8192xf32, #tpu.memory_space<hbm>>)
    %dma_wait3A_94 = arith.constant 32768 : i32
    %dma_wait3A_95 = tpu.memref_slice %arg9[%dma_wait3A_94] : memref<57344xf32, #tpu.memory_space<vmem>> -> memref<8192xf32, #tpu.memory_space<vmem>>
    %dma_wait3A_96 = tpu.memref_slice %arg5[%add3A_66] : memref<13107200xf32, #tpu.memory_space<hbm>> -> memref<8192xf32, #tpu.memory_space<hbm>>
    %dma_wait3A_97 = tpu.memref_slice %arg5[%add3A_66] : memref<13107200xf32, #tpu.memory_space<hbm>> -> memref<8192xf32, #tpu.memory_space<hbm>>
    %dma_wait3A_98 = arith.constant 32768 : i32
    %dma_wait3A_99 = tpu.memref_slice %arg9[%dma_wait3A_98] : memref<57344xf32, #tpu.memory_space<vmem>> -> memref<8192xf32, #tpu.memory_space<vmem>>
    tpu.wait_dma2 semaphore(%arg13 : memref<!tpu.dma_semaphore, #tpu.memory_space<semaphore_mem>>) src(%dma_wait3A_99 : memref<8192xf32, #tpu.memory_space<vmem>>) dst(%dma_wait3A_97 : memref<8192xf32, #tpu.memory_space<hbm>>)
    %dma_wait3A_100 = arith.constant 40960 : i32
    %dma_wait3A_101 = tpu.memref_slice %arg9[%dma_wait3A_100] : memref<57344xf32, #tpu.memory_space<vmem>> -> memref<8192xf32, #tpu.memory_space<vmem>>
    %dma_wait3A_102 = tpu.memref_slice %arg5[%add3A_68] : memref<13107200xf32, #tpu.memory_space<hbm>> -> memref<8192xf32, #tpu.memory_space<hbm>>
    %dma_wait3A_103 = tpu.memref_slice %arg5[%add3A_68] : memref<13107200xf32, #tpu.memory_space<hbm>> -> memref<8192xf32, #tpu.memory_space<hbm>>
    %dma_wait3A_104 = arith.constant 40960 : i32
    %dma_wait3A_105 = tpu.memref_slice %arg9[%dma_wait3A_104] : memref<57344xf32, #tpu.memory_space<vmem>> -> memref<8192xf32, #tpu.memory_space<vmem>>
    tpu.wait_dma2 semaphore(%arg13 : memref<!tpu.dma_semaphore, #tpu.memory_space<semaphore_mem>>) src(%dma_wait3A_105 : memref<8192xf32, #tpu.memory_space<vmem>>) dst(%dma_wait3A_103 : memref<8192xf32, #tpu.memory_space<hbm>>)
    %dma_wait3A_106 = arith.constant 49152 : i32
    %dma_wait3A_107 = tpu.memref_slice %arg9[%dma_wait3A_106] : memref<57344xf32, #tpu.memory_space<vmem>> -> memref<8192xf32, #tpu.memory_space<vmem>>
    %dma_wait3A_108 = tpu.memref_slice %arg5[%add3A_70] : memref<13107200xf32, #tpu.memory_space<hbm>> -> memref<8192xf32, #tpu.memory_space<hbm>>
    %dma_wait3A_109 = tpu.memref_slice %arg5[%add3A_70] : memref<13107200xf32, #tpu.memory_space<hbm>> -> memref<8192xf32, #tpu.memory_space<hbm>>
    %dma_wait3A_110 = arith.constant 49152 : i32
    %dma_wait3A_111 = tpu.memref_slice %arg9[%dma_wait3A_110] : memref<57344xf32, #tpu.memory_space<vmem>> -> memref<8192xf32, #tpu.memory_space<vmem>>
    tpu.wait_dma2 semaphore(%arg13 : memref<!tpu.dma_semaphore, #tpu.memory_space<semaphore_mem>>) src(%dma_wait3A_111 : memref<8192xf32, #tpu.memory_space<vmem>>) dst(%dma_wait3A_109 : memref<8192xf32, #tpu.memory_space<hbm>>)
    %add3A_112 = arith.constant 1 : i32
    %add3A_113 = arith.addi %add3A_6, %add3A_112 : i32
    %mul3A_114 = arith.constant 8192 : i32
    %mul3A_115 = arith.muli %add3A_113, %mul3A_114 : i32
    %jit3A_116 = arith.constant 16384 : i32
    %div3A_117 = arith.divsi %mul3A_115, %jit3A_116 : i32
    %sign3A_118 = arith.constant 0 : i32
    %sign3A_119 = arith.cmpi sgt, %mul3A_115, %sign3A_118 : i32
    %sign3A_120 = arith.extui %sign3A_119 : i1 to i32
    %sign3A_121 = arith.constant 0 : i32
    %sign3A_122 = arith.cmpi slt, %mul3A_115, %sign3A_121 : i32
    %sign3A_123 = arith.extui %sign3A_122 : i1 to i32
    %sign3A_124 = arith.subi %sign3A_120, %sign3A_123 : i32
    %sign3A_125 = arith.constant 0 : i32
    %sign3A_126 = arith.cmpi sgt, %jit3A_116, %sign3A_125 : i32
    %sign3A_127 = arith.extui %sign3A_126 : i1 to i32
    %sign3A_128 = arith.constant 0 : i32
    %sign3A_129 = arith.cmpi slt, %jit3A_116, %sign3A_128 : i32
    %sign3A_130 = arith.extui %sign3A_129 : i1 to i32
    %sign3A_131 = arith.subi %sign3A_127, %sign3A_130 : i32
    %ne3A_132 = arith.cmpi ne, %sign3A_124, %sign3A_131 : i32
    %rem3A_133 = arith.remsi %mul3A_115, %jit3A_116 : i32
    %ne3A_134 = arith.constant 0 : i32
    %ne3A_135 = arith.cmpi ne, %rem3A_133, %ne3A_134 : i32
    %and3A_136 = arith.andi %ne3A_132, %ne3A_135 : i1
    %sub3A_137 = arith.constant 1 : i32
    %sub3A_138 = arith.subi %div3A_117, %sub3A_137 : i32
    %select_n3A_139 = arith.select %and3A_136, %sub3A_138, %div3A_117 : i32
    %mul3A_140 = arith.constant 65536 : i32
    %mul3A_141 = arith.muli %select_n3A_139, %mul3A_140 : i32
    %mul3A_142 = arith.constant 16384 : i32
    %mul3A_143 = arith.muli %select_n3A_139, %mul3A_142 : i32
    %sub3A_144 = arith.subi %mul3A_115, %mul3A_143 : i32
    %add3A_145 = arith.addi %mul3A_141, %sub3A_144 : i32
    %add3A_146 = arith.constant 0 : i32
    %add3A_147 = arith.addi %add3A_146, %mul3A_115 : i32
    %add3A_148 = arith.constant 3276800 : i32
    %add3A_149 = arith.addi %add3A_148, %mul3A_115 : i32
    %add3A_150 = arith.constant 6553600 : i32
    %add3A_151 = arith.addi %add3A_150, %mul3A_115 : i32
    %add3A_152 = arith.constant 0 : i32
    %add3A_153 = arith.addi %add3A_145, %add3A_152 : i32
    %add3A_154 = arith.constant 16384 : i32
    %add3A_155 = arith.addi %add3A_145, %add3A_154 : i32
    %add3A_156 = arith.constant 32768 : i32
    %add3A_157 = arith.addi %add3A_145, %add3A_156 : i32
    %add3A_158 = arith.constant 49152 : i32
    %add3A_159 = arith.addi %add3A_145, %add3A_158 : i32
    %dma_wait3A_160 = arith.constant 0 : i32
    %dma_wait3A_161 = tpu.memref_slice %arg10[%dma_wait3A_160] : memref<57344xf32, #tpu.memory_space<vmem>> -> memref<8192xf32, #tpu.memory_space<vmem>>
    %dma_wait3A_162 = tpu.memref_slice %arg4[%add3A_147] : memref<9830400xf32, #tpu.memory_space<hbm>> -> memref<8192xf32, #tpu.memory_space<hbm>>
    %dma_wait3A_163 = tpu.memref_slice %arg4[%add3A_147] : memref<9830400xf32, #tpu.memory_space<hbm>> -> memref<8192xf32, #tpu.memory_space<hbm>>
    %dma_wait3A_164 = arith.constant 0 : i32
    %dma_wait3A_165 = tpu.memref_slice %arg10[%dma_wait3A_164] : memref<57344xf32, #tpu.memory_space<vmem>> -> memref<8192xf32, #tpu.memory_space<vmem>>
    tpu.wait_dma2 semaphore(%arg14 : memref<!tpu.dma_semaphore, #tpu.memory_space<semaphore_mem>>) src(%dma_wait3A_165 : memref<8192xf32, #tpu.memory_space<vmem>>) dst(%dma_wait3A_163 : memref<8192xf32, #tpu.memory_space<hbm>>)
    %dma_wait3A_166 = arith.constant 8192 : i32
    %dma_wait3A_167 = tpu.memref_slice %arg10[%dma_wait3A_166] : memref<57344xf32, #tpu.memory_space<vmem>> -> memref<8192xf32, #tpu.memory_space<vmem>>
    %dma_wait3A_168 = tpu.memref_slice %arg4[%add3A_149] : memref<9830400xf32, #tpu.memory_space<hbm>> -> memref<8192xf32, #tpu.memory_space<hbm>>
    %dma_wait3A_169 = tpu.memref_slice %arg4[%add3A_149] : memref<9830400xf32, #tpu.memory_space<hbm>> -> memref<8192xf32, #tpu.memory_space<hbm>>
    %dma_wait3A_170 = arith.constant 8192 : i32
    %dma_wait3A_171 = tpu.memref_slice %arg10[%dma_wait3A_170] : memref<57344xf32, #tpu.memory_space<vmem>> -> memref<8192xf32, #tpu.memory_space<vmem>>
    tpu.wait_dma2 semaphore(%arg14 : memref<!tpu.dma_semaphore, #tpu.memory_space<semaphore_mem>>) src(%dma_wait3A_171 : memref<8192xf32, #tpu.memory_space<vmem>>) dst(%dma_wait3A_169 : memref<8192xf32, #tpu.memory_space<hbm>>)
    %dma_wait3A_172 = arith.constant 16384 : i32
    %dma_wait3A_173 = tpu.memref_slice %arg10[%dma_wait3A_172] : memref<57344xf32, #tpu.memory_space<vmem>> -> memref<8192xf32, #tpu.memory_space<vmem>>
    %dma_wait3A_174 = tpu.memref_slice %arg4[%add3A_151] : memref<9830400xf32, #tpu.memory_space<hbm>> -> memref<8192xf32, #tpu.memory_space<hbm>>
    %dma_wait3A_175 = tpu.memref_slice %arg4[%add3A_151] : memref<9830400xf32, #tpu.memory_space<hbm>> -> memref<8192xf32, #tpu.memory_space<hbm>>
    %dma_wait3A_176 = arith.constant 16384 : i32
    %dma_wait3A_177 = tpu.memref_slice %arg10[%dma_wait3A_176] : memref<57344xf32, #tpu.memory_space<vmem>> -> memref<8192xf32, #tpu.memory_space<vmem>>
    tpu.wait_dma2 semaphore(%arg14 : memref<!tpu.dma_semaphore, #tpu.memory_space<semaphore_mem>>) src(%dma_wait3A_177 : memref<8192xf32, #tpu.memory_space<vmem>>) dst(%dma_wait3A_175 : memref<8192xf32, #tpu.memory_space<hbm>>)
    %dma_wait3A_178 = arith.constant 24576 : i32
    %dma_wait3A_179 = tpu.memref_slice %arg10[%dma_wait3A_178] : memref<57344xf32, #tpu.memory_space<vmem>> -> memref<8192xf32, #tpu.memory_space<vmem>>
    %dma_wait3A_180 = tpu.memref_slice %arg5[%add3A_153] : memref<13107200xf32, #tpu.memory_space<hbm>> -> memref<8192xf32, #tpu.memory_space<hbm>>
    %dma_wait3A_181 = tpu.memref_slice %arg5[%add3A_153] : memref<13107200xf32, #tpu.memory_space<hbm>> -> memref<8192xf32, #tpu.memory_space<hbm>>
    %dma_wait3A_182 = arith.constant 24576 : i32
    %dma_wait3A_183 = tpu.memref_slice %arg10[%dma_wait3A_182] : memref<57344xf32, #tpu.memory_space<vmem>> -> memref<8192xf32, #tpu.memory_space<vmem>>
    tpu.wait_dma2 semaphore(%arg14 : memref<!tpu.dma_semaphore, #tpu.memory_space<semaphore_mem>>) src(%dma_wait3A_183 : memref<8192xf32, #tpu.memory_space<vmem>>) dst(%dma_wait3A_181 : memref<8192xf32, #tpu.memory_space<hbm>>)
    %dma_wait3A_184 = arith.constant 32768 : i32
    %dma_wait3A_185 = tpu.memref_slice %arg10[%dma_wait3A_184] : memref<57344xf32, #tpu.memory_space<vmem>> -> memref<8192xf32, #tpu.memory_space<vmem>>
    %dma_wait3A_186 = tpu.memref_slice %arg5[%add3A_155] : memref<13107200xf32, #tpu.memory_space<hbm>> -> memref<8192xf32, #tpu.memory_space<hbm>>
    %dma_wait3A_187 = tpu.memref_slice %arg5[%add3A_155] : memref<13107200xf32, #tpu.memory_space<hbm>> -> memref<8192xf32, #tpu.memory_space<hbm>>
    %dma_wait3A_188 = arith.constant 32768 : i32
    %dma_wait3A_189 = tpu.memref_slice %arg10[%dma_wait3A_188] : memref<57344xf32, #tpu.memory_space<vmem>> -> memref<8192xf32, #tpu.memory_space<vmem>>
    tpu.wait_dma2 semaphore(%arg14 : memref<!tpu.dma_semaphore, #tpu.memory_space<semaphore_mem>>) src(%dma_wait3A_189 : memref<8192xf32, #tpu.memory_space<vmem>>) dst(%dma_wait3A_187 : memref<8192xf32, #tpu.memory_space<hbm>>)
    %dma_wait3A_190 = arith.constant 40960 : i32
    %dma_wait3A_191 = tpu.memref_slice %arg10[%dma_wait3A_190] : memref<57344xf32, #tpu.memory_space<vmem>> -> memref<8192xf32, #tpu.memory_space<vmem>>
    %dma_wait3A_192 = tpu.memref_slice %arg5[%add3A_157] : memref<13107200xf32, #tpu.memory_space<hbm>> -> memref<8192xf32, #tpu.memory_space<hbm>>
    %dma_wait3A_193 = tpu.memref_slice %arg5[%add3A_157] : memref<13107200xf32, #tpu.memory_space<hbm>> -> memref<8192xf32, #tpu.memory_space<hbm>>
    %dma_wait3A_194 = arith.constant 40960 : i32
    %dma_wait3A_195 = tpu.memref_slice %arg10[%dma_wait3A_194] : memref<57344xf32, #tpu.memory_space<vmem>> -> memref<8192xf32, #tpu.memory_space<vmem>>
    tpu.wait_dma2 semaphore(%arg14 : memref<!tpu.dma_semaphore, #tpu.memory_space<semaphore_mem>>) src(%dma_wait3A_195 : memref<8192xf32, #tpu.memory_space<vmem>>) dst(%dma_wait3A_193 : memref<8192xf32, #tpu.memory_space<hbm>>)
    %dma_wait3A_196 = arith.constant 49152 : i32
    %dma_wait3A_197 = tpu.memref_slice %arg10[%dma_wait3A_196] : memref<57344xf32, #tpu.memory_space<vmem>> -> memref<8192xf32, #tpu.memory_space<vmem>>
    %dma_wait3A_198 = tpu.memref_slice %arg5[%add3A_159] : memref<13107200xf32, #tpu.memory_space<hbm>> -> memref<8192xf32, #tpu.memory_space<hbm>>
    %dma_wait3A_199 = tpu.memref_slice %arg5[%add3A_159] : memref<13107200xf32, #tpu.memory_space<hbm>> -> memref<8192xf32, #tpu.memory_space<hbm>>
    %dma_wait3A_200 = arith.constant 49152 : i32
    %dma_wait3A_201 = tpu.memref_slice %arg10[%dma_wait3A_200] : memref<57344xf32, #tpu.memory_space<vmem>> -> memref<8192xf32, #tpu.memory_space<vmem>>
    tpu.wait_dma2 semaphore(%arg14 : memref<!tpu.dma_semaphore, #tpu.memory_space<semaphore_mem>>) src(%dma_wait3A_201 : memref<8192xf32, #tpu.memory_space<vmem>>) dst(%dma_wait3A_199 : memref<8192xf32, #tpu.memory_space<hbm>>)
    return
  }
}

</mosaic_0001>

<sc_bundles>
// kernel: kernel.3.cloned.1.call-start
scs
__scs_entry_jumppad:
0x0: {  	(pc) =	sbr.rel $0x88, $3  }
0x1: {  	(tag) =	ssettag $0x0;
	lr =	simm.s32 $0x1  }
0x2: {  	[smem:$0x3F9E] =	sst lr;
	_ =	strace $0xD0000000  }
0x3: {  	_ = 	snop  }
0x4: {  	_ = 	snop  }
0x5: {  	_ = 	snop  }
0x6: {  	_ = 	snop  }
0x7: {  	_ = 	snop  }
__scs_overlays_trampoline_lowered:
0x8: {  	[smem:$0x3FAD] =	sst s0  }
0x9: {  	[smem:$0x3FAE] =	sst s1  }
0xa: {  	[smem:$0x3FAF] =	sst s2  }
0xb: {  	[smem:$0x3FB0] =	sst s3  }
0xc: {  	[smem:$0x3FB1] =	sst s4  }
0xd: {  	[smem:$0x3FB2] =	sst s5  }
0xe: {  	[smem:$0x3FB3] =	sst s6  }
0xf: {  	[smem:$0x3FB4] =	sst s7  }
0x10: {  	[smem:$0x3FB5] =	sst s8  }
0x11: {  	[smem:$0x3FB6] =	sst s9;
	s0 =	simm.s32 @!p0 $0x0  }
0x12: {  	s1 =	sld [smem:$0x3F9C];
	s0 =	simm.s32 @p0 $0x1  }
0x13: {  	[smem:$0x3FB7] =	sst s0;
	s0 =	simm.s32 @!p1 $0x0  }
0x14: {  	s2 =	sld [smem:$0x3F9B];
	s0 =	simm.s32 @p1 $0x1  }
0x15: {  	[smem:$0x3FB8] =	sst s0;
	s0 =	simm.s32 @!p2 $0x0  }
0x16: {  	s3 =	sld [smem:$0x3FDB];
	s0 =	simm.s32 @p2 $0x1  }
0x17: {  	s4 =	simm.s32 $0x1BF5;
	[smem:$0x3FBA] =	sst s0  }
0x18: {  	s0 =	sld [smem:$0x3F9D];
	_ =	swait.ge [sflag:s4], $0x0  }
0x19: {  	s7 =	sld [smem:$0x3F9E]  }
0x1a: {  	s8 =	sadd.s32 $0xFFFFE003, lr  }
0x1b: {  	s9 =	sadd.s32 $0xFFFFFEF7, lr;
	s5 =	simm.s32 $0xFFFFFFFF;
	p2 =	slt.u32 s8, $0xFFFFF086  }
0x1c: {  	p1 =	slt.u32 s9, $0xF7A;
	s5 =	simm.s32 @!p2 $0x0  }
0x1d: {  	s5 =	simm.s32 @p1 $0x1;
	p0 =	seq.s32 s7, s2  }
0x1e: {  	s7 =	smul.u32 @!p0 $0xF7A, s2;
	p2 =	seq.s32 @!p0 s5, $0x0  }
0x1f: {  	s9 =	smul.u32 $0xF7A, s1;
	s8 =	simm.s32 @!p0 $0x1BF5;
	p2 =	por !p2, p0  }
0x20: {  	[sflag:s8] =	ssyncset.s32 @!p0 $0xFFFFF086;
	s6 =	sadd.s32 @!p0 s3, s7;
	s7 =	simm.s32 @!p0 $0x108  }
0x21: {  	s3 =	sadd.s32 s3, s9;
	s6 =	sadd.s32 @!p0 $0x88, s6;
	s7 =	simm.s32 @p2 $0x1082  }
0x22: {  	[simem:s7], [sflag:s8] =	dma.local @!p0 [hbm:s6], $0xF7A  }
0x23: {  	s9 =	sor.u32 $0xD0000000, s2;
	s6 =	simm.s32 $0x108;
	_ =	swait.ge @!p0 [sflag:s8], $0x0  }
0x24: {  	s3 =	sadd.s32 $0x88, s3;
	s6 =	simm.s32 @!p1 $0x1082;
	[sflag:s4] =	ssyncset.s32 $0xFFFFF086  }
0x25: {  	[simem:s6], [sflag:s4] =	dma.local [hbm:s3], $0xF7A  }
0x26: {  	[smem:$0x3F9E] =	sst s1;
	(tag) =	ssettag s2;
	_ =	strace s9  }
0x27: {  	s1 =	sld [smem:$0x3FAE]  }
0x28: {  	s2 =	sld [smem:$0x3FAF]  }
0x29: {  	s4 =	sld [smem:$0x3FB1]  }
0x2a: {  	p0 =	seq.s32 s5, $0x0;
	s5 =	sld [smem:$0x3FB2]  }
0x2b: {  	s6 =	sld [smem:$0x3FB3]  }
0x2c: {  	s7 =	sld [smem:$0x3FB4]  }
0x2d: {  	s3 =	simm.s32 $0x108;
	s8 =	sld [smem:$0x3FB5]  }
0x2e: {  	s3 =	simm.s32 @!p0 $0x1082;
	s9 =	sld [smem:$0x3FB6]  }
0x2f: {  	lr =	sadd.s32 s0, s3;
	s0 =	sld [smem:$0x3FAD]  }
0x30: {  	s3 =	sld [smem:$0x3FB0]  }
0x31: {  	[smem:$0x3FB9] =	sst s10  }
0x32: {  	s10 =	sld [smem:$0x3FB7];
	_ =	sdelay $0x3  }
0x33: {  	p0 =	seq.s32 s10, $0x1;
	s10 =	sld [smem:$0x3FB9];
	_ =	sdelay $0x3  }
0x34: {  	[smem:$0x3FB9] =	sst s10  }
0x35: {  	s10 =	sld [smem:$0x3FB8];
	_ =	sdelay $0x3  }
0x36: {  	p1 =	seq.s32 s10, $0x1;
	s10 =	sld [smem:$0x3FB9];
	_ =	sdelay $0x3  }
0x37: {  	[smem:$0x3FB9] =	sst s10  }
0x38: {  	s10 =	sld [smem:$0x3FBA]  }
0x39: {  	_ = 	snop;
	(pc) =	sbr.ind lr, $3  }
0x3a: {  	_ = 	snop  }
0x3b: {  	_ = 	snop  }
0x3c: {  	p2 =	seq.s32 s10, $0x1;
	s10 =	sld [smem:$0x3FB9]  }
0x3d: {  	_ =	shalt  }
0x3e: {  	_ =	shalt  }
0x3f: {  	_ =	shalt  }
0x40: {  	_ =	shalt  }
0x41: {  	_ =	shalt  }
0x42: {  	_ =	shalt  }
0x43: {  	_ =	shalt  }
0x44: {  	_ =	shalt  }
0x45: {  	_ =	shalt  }
0x46: {  	_ =	shalt  }
0x47: {  	_ =	shalt  }
0x48: {  	_ =	shalt  }
0x49: {  	_ =	shalt  }
0x4a: {  	_ =	shalt  }
0x4b: {  	_ =	shalt  }
0x4c: {  	_ =	shalt  }
0x4d: {  	_ =	shalt  }
0x4e: {  	_ =	shalt  }
0x4f: {  	_ =	shalt  }
0x50: {  	_ =	shalt  }
0x51: {  	_ =	shalt  }
0x52: {  	_ =	shalt  }
0x53: {  	_ =	shalt  }
0x54: {  	_ =	shalt  }
0x55: {  	_ =	shalt  }
0x56: {  	_ =	shalt  }
0x57: {  	_ =	shalt  }
0x58: {  	_ =	shalt  }
0x59: {  	_ =	shalt  }
0x5a: {  	_ =	shalt  }
0x5b: {  	_ =	shalt  }
0x5c: {  	_ =	shalt  }
0x5d: {  	_ =	shalt  }
0x5e: {  	_ =	shalt  }
0x5f: {  	_ =	shalt  }
0x60: {  	_ =	shalt  }
0x61: {  	_ =	shalt  }
0x62: {  	_ =	shalt  }
0x63: {  	_ =	shalt  }
0x64: {  	_ =	shalt  }
0x65: {  	_ =	shalt  }
0x66: {  	_ =	shalt  }
0x67: {  	_ =	shalt  }
0x68: {  	_ =	shalt  }
0x69: {  	_ =	shalt  }
0x6a: {  	_ =	shalt  }
0x6b: {  	_ =	shalt  }
0x6c: {  	_ =	shalt  }
0x6d: {  	_ =	shalt  }
0x6e: {  	_ =	shalt  }
0x6f: {  	_ =	shalt  }
0x70: {  	_ =	shalt  }
0x71: {  	_ =	shalt  }
0x72: {  	_ =	shalt  }
0x73: {  	_ =	shalt  }
0x74: {  	_ =	shalt  }
0x75: {  	_ =	shalt  }
0x76: {  	_ =	shalt  }
0x77: {  	_ =	shalt  }
0x78: {  	_ =	shalt  }
0x79: {  	_ =	shalt  }
0x7a: {  	_ =	shalt  }
0x7b: {  	_ =	shalt  }
0x7c: {  	_ =	shalt  }
0x7d: {  	_ =	shalt  }
0x7e: {  	_ =	shalt  }
0x7f: {  	_ =	shalt  }
0x80: {  	_ =	shalt  }
0x81: {  	_ =	shalt  }
0x82: {  	_ =	shalt  }
0x83: {  	_ =	shalt  }
0x84: {  	_ =	shalt  }
0x85: {  	_ =	shalt  }
0x86: {  	_ =	shalt  }
0x87: {  	_ =	shalt  }
.Lfunc_end0:
.L_simem_size_0:
called_computation_lowered:
.L_overlay_start_0:
0x88: {  	s2 =	sld [smem:$0x3FD9]  }
0x89: {  	s3 =	sld [smem:$0x3FFE];
	_ =	sdelay $0x1  }
0x8a: {  	s1 =	srdreg.scid  }
0x8b: {  	s0 =	sand.u32 $0x1, s1  }
0x8c: {  	s14 =	sshll.u32 s0, $0xA;
	s2 =	sadd.s32 s3, s2  }
0x8d: {  	s2 =	sadd.s32 s2, s14  }
0x8e: {  	[smem:$0x3FC5] =	sst s2  }
0x8f: {  	_ = 	snop  }
0x90: {  	s2 =	sld [smem:$0x3FD0];
	_ =	sdelay $0x2  }
0x91: {  	s15 =	simm.s32 $0xA;
	s4 =	simm.s32 $0x10  }
0x92: {  	[smem:s4], [sflag:s15] =	dma.local [hbm:s2], $0x1  }
0x93: {  	_ =	swait.eq [sflag:s15], $0x1  }
0x94: {  	[sflag:s15] =	ssyncset.done $0x0  }
0x95: {  	s16 =	sld [smem:$0x10];
	[sflag:s15] =	ssyncadd.s32 $0xFFFFFFFF  }
0x96: {  	s17 =	sld [smem:$0x11];
	(tm) =	ssettm $0x1  }
0x97: {  	s18 =	sld [smem:$0x3FFB];
	_ =	sdelay $0x3  }
0x98: {  	_ =	strace s18  }
0x99: {  	s4 =	sld [smem:$0x3FFC];
	_ =	sdelay $0x3  }
0x9a: {  	_ =	strace s4  }
0x9b: {  	s4 =	sld [smem:$0x3FFD];
	_ =	sdelay $0x3  }
0x9c: {  	_ =	strace s4  }
0x9d: {  	_ =	strace $0x8FFFFFFF  }
0x9e: {  	s19 =	sld [smem:$0x3FDB];
	_ =	sdelay $0x1  }
0x9f: {  	s5 =	simm.s32 $_scs_section_size  }
0xa0: {  	s6 =	simm.s32 $_size__tile_overlayer_lowered;
	s7 =	simm.s32 $_tile_overlayer_lowered  }
0xa1: {  	s22 =	simm.s32 $0x1BFF;
	s21 =	sshll.u32 s7, $0x1;
	s4 =	sadd.s32 s5, s19  }
0xa2: {  	s8 =	simm.s32 $0x0;
	s20 =	sshll.u32 s6, $0x1;
	s6 =	sadd.s32 s21, s4  }
0xa3: {  	[timem:s8], [sflag:s22] =	dma.local [hbm:s6], s20  }
0xa4: {  	_ =	swait.ge [sflag:s22], s20  }
0xa5: {  	s5 =	ssub.s32 $0x0, s20;
	[sflag:s22] =	ssyncset.done $0x0  }
0xa6: {  	[sflag:s22] =	ssyncadd.s32 s5;
	_ =	sdelay $0x1  }
0xa7: {  	s23 =	simm.s32 $0x1B8B  }
0xa8: {  	_ =	swait.ge [sflag:s23], $0x1  }
0xa9: {  	[sflag:s23] =	ssyncset.done $0x0  }
0xaa: {  	s25 =	simm.s32 $0x1B8E;
	s24 =	sld [smem:$0x3FFE];
	[sflag:s23] =	ssyncadd.s32 $0xFFFFFFFF  }
0xab: {  	s26 =	simm.s32 $execute0_lowered;
	[smem:$0x3FD2] =	sst s25  }
0xac: {  	s6 =	sshll.u32 s26, $0x1;
	_ =	strace $0x80000046;
	[dreg:$0x1] =	wrdreg $0xFFFFFFFF  }
0xad: {  	s28 =	simm.s32 $_size_execute0_lowered;
	s4 =	sadd.s32 s4, s6;
	[dreg:$0x0] =	wrdreg $0x0  }
0xae: {  	s6 =	sshll.u32 s28, $0x1;
	[dreg:$0x2] =	wrdreg s4  }
0xaf: {  	[dreg:$0x3] =	wrdreg s6  }
0xb0: {  	[dreg:$0x4] =	wrdreg $0xC0  }
0xb1: {  	_ =	task [dreg:s8], $0x5FFFF  }
0xb2: {  	[dreg:$0x1] =	wrdreg $0xFFFFFFFF  }
0xb3: {  	[dreg:$0x0] =	wrdreg $0x60  }
0xb4: {  	[dreg:$0x2] =	wrdreg s16  }
0xb5: {  	[dreg:$0x3] =	wrdreg s24  }
0xb6: {  	[dreg:$0x4] =	wrdreg s17  }
0xb7: {  	[dreg:$0x5] =	wrdreg $0x9  }
0xb8: {  	_ =	task.clear_ibuf [dreg:s8], $0x6FFFF;
	_ =	strace $0x90000046  }
0xb9: {  	s29 =	simm.s32 $0x9;
	_ =	strace $0x80000048  }
0xba: {  	_ =	swait.ge [sflag:s29], $0x1  }
0xbb: {  	[sflag:s29] =	ssyncadd.s32 $0xFFFFFFFF  }
0xbc: {  	_ =	strace $0x90000048  }
0xbd: {  	_ =	sfence  }
0xbe: {  	s30 =	sld [smem:$0x0];
	_ =	sdelay $0x2  }
0xbf: {  	s31 =	sshll.u32 s1, $0xD;
	s1 =	sshrl.u32 s1, $0x2  }
0xc0: {  	s3 =	sand.u32 $0x4000, s31;
	s1 =	sadd.s32 s1, s30  }
0xc1: {  	s0 =	sor.u32 s3, s0;
	s1 =	sshll.u32 s1, $0x11  }
0xc2: {  	s0 =	sor.u32 s1, s0  }
0xc3: {  	s0 =	sadd.s32 $0x8F2B, s0  }
0xc4: {  	[sflag:s0] =	ssyncadd.remote.s32 $0x1  }
0xc5: {  	_ =	sfence.sel $0xFFFF  }
0xc6: {  	[dreg:$0x0] =	wrdreg $0xFFFFFFFF;
	(pc) =	sbr.abs _section_cstart, $3  }
0xc7: {  	[dreg:$0x1] =	wrdreg $0xFFFFFFFF  }
0xc8: {  	_ =	task.clear_ibuf [dreg:s8], $0x2FFFF;
	_ =	strace $0x9FFFFFFF  }
0xc9: {  	(tm) =	ssettm $0x7FFFFFFF  }
tec
execute0_lowered:
.L_overlay_start_1:
0x0: {  	(tag) =	ssettag $0x1  }
0x1: {  	s1 =	rddreg [dreg:$0x0]  }
0x2: {  	s0 =	rddreg [dreg:$0x1]  }
0x3: {  	s3 =	rddreg [dreg:$0x2];
	s4 =	simm.s32 $0x0;
	s2 =	srdreg.scid  }
0x4: {  	s12 =	stileid.u32;
	s28 =	simm.s32 $0x6380;
	s29 =	simm.s32 $0x8380  }
0x5: {  	s30 =	simm.s32 $0xA380;
	s31 =	simm.s32 $0xC380;
	[smem:$0x7FF] =	sst s4  }
0x6: {  	s2 =	sand.u32 $0x1, s2;
	s5 =	sshll.u32 s12, $0x1;
	s16 =	sadd.s32 $0x400, s0  }
0x7: {  	s6 =	sadd.s32 $0x600, s0;
	p0 =	slt.u32 s12, $0x8;
	p1 =	sgt.u32 s12, $0x7  }
0x8: {  	_ =	strace $0x80000047;
	s7 =	ssub.s32 $0x2, s2;
	s2 =	sor.u32 s2, s5  }
0x9: {  	[dreg:$0x4] =	wrdreg s16;
	s17 =	sshrl.u32 s7, $0x1;
	s8 =	smul.u32 $0xC, s2  }
0xa: {  	s2 =	smin.u32 s2, $0x10;
	s18 =	ssub.s32 s7, s17;
	s7 =	simm.s32 $0xD  }
0xb: {  	s8 =	sadd.s32 s2, s8;
	s7 =	simm.s32 @!p0 $0xC;
	s2 =	sand.u32 $0x1, s2  }
0xc: {  	s0 =	smax.u32 s18, $0x1;
	s19 =	sshll.u32 s8, $0xA;
	s9 =	sshll.u32 s8, $0xD  }
0xd: {  	p0 =	seq.s32 s2, $0x1;
	[dreg:$0xe] =	wrdreg s0;
	s0 =	simm.s32 $0xE380  }
0xe: {  	s10 =	sadd.s32 s1, s19;
	s11 =	sadd.s32 $0x18000, s9;
	s22 =	sand.u32 $0x2000, s9  }
0xf: {  	s9 =	sshrl.u32 s9, $0x3;
	[dreg:$0x5] =	wrdreg s10;
	s10 =	sadd.s32 $0x200, s1  }
0x10: {  	s20 =	sshll.u32 s11, $0x2;
	s23 =	sshrl.u32 s11, $0x3;
	s24 =	sadd.s32 s3, s9  }
0x11: {  	s5 =	sadd.s32 s19, s10;
	s21 =	sand.u32 $0x7FFF0000, s20;
	s9 =	sadd.s32 $0x67000, s24  }
0x12: {  	[dreg:$0x6] =	wrdreg s5;
	s2 =	sor.u32 s22, s21;
	s5 =	sadd.s32 s3, s23  }
0x13: {  	[dreg:$0x8] =	wrdreg s9;
	s21 =	simm.s32 $0x380;
	s22 =	simm.s32 $0x1380  }
0x14: {  	[dreg:$0x7] =	wrdreg s5;
	s2 =	sshrl.u32 s2, $0x3;
	s5 =	sadd.s32 $0xCB000, s24  }
.Ltmp0:
0x15: {  	[dreg:$0x9] =	wrdreg s5;
	s2 =	sadd.s32 s6, s2;
	(pc) =	sbr.rel .LBB2_1-.Ltmp0, $4  }
0x16: {  	s23 =	simm.s32 $0x1;
	s25 =	sadd.s32 $0x800, s2;
	[dreg:$0xa] =	wrdreg s2  }
0x17: {  	s9 =	simm.s32 $0x0;
	s26 =	sadd.s32 $0x1000, s2;
	[dreg:$0xb] =	wrdreg s25  }
0x18: {  	s24 =	simm.s32 $0x2;
	s2 =	sadd.s32 $0x1800, s2;
	[dreg:$0xc] =	wrdreg s26  }
0x19: {  	[dreg:$0xd] =	wrdreg s2;
	s25 =	simm.s32 $0x2380;
	s26 =	simm.s32 $0x4380  }
.LBB2_17:
0x1a: {  	s2 =	simm.s32 $0x3  }
0x1b: {  	_ =	swait.ge [sflag:s2], $0x2000  }
0x1c: {  	[sflag:s2] =	ssyncset.done $0x0  }
0x1d: {  	[sflag:s2] =	ssyncadd.s32 $0xFFFFE000  }
0x1e: {  	_ =	swait.ge [sflag:s2], $0x2000  }
0x1f: {  	[sflag:s2] =	ssyncset.done $0x0  }
0x20: {  	[sflag:s2] =	ssyncadd.s32 $0xFFFFE000  }
0x21: {  	_ =	swait.ge [sflag:s2], $0x2000  }
0x22: {  	[sflag:s2] =	ssyncset.done $0x0  }
0x23: {  	[sflag:s2] =	ssyncadd.s32 $0xFFFFE000  }
0x24: {  	_ =	swait.ge [sflag:s2], $0x2000  }
0x25: {  	[sflag:s2] =	ssyncset.done $0x0  }
0x26: {  	[sflag:s2] =	ssyncadd.s32 $0xFFFFE000  }
0x27: {  	_ =	swait.ge [sflag:s2], $0x2000  }
0x28: {  	[sflag:s2] =	ssyncset.done $0x0  }
0x29: {  	[sflag:s2] =	ssyncadd.s32 $0xFFFFE000  }
0x2a: {  	_ =	swait.ge [sflag:s2], $0x2000  }
0x2b: {  	[sflag:s2] =	ssyncset.done $0x0  }
0x2c: {  	[sflag:s2] =	ssyncadd.s32 $0xFFFFE000  }
0x2d: {  	_ =	swait.ge [sflag:s2], $0x2000  }
0x2e: {  	[sflag:s2] =	ssyncset.done $0x0  }
0x2f: {  	s5 =	simm.s32 $0x4;
	[sflag:s2] =	ssyncadd.s32 $0xFFFFE000  }
0x30: {  	_ =	swait.ge [sflag:s5], $0x2000  }
0x31: {  	[sflag:s5] =	ssyncset.done $0x0  }
0x32: {  	[sflag:s5] =	ssyncadd.s32 $0xFFFFE000  }
0x33: {  	_ =	swait.ge [sflag:s5], $0x2000  }
0x34: {  	[sflag:s5] =	ssyncset.done $0x0  }
0x35: {  	[sflag:s5] =	ssyncadd.s32 $0xFFFFE000  }
0x36: {  	_ =	swait.ge [sflag:s5], $0x2000  }
0x37: {  	[sflag:s5] =	ssyncset.done $0x0  }
0x38: {  	[sflag:s5] =	ssyncadd.s32 $0xFFFFE000  }
0x39: {  	_ =	swait.ge [sflag:s5], $0x2000  }
0x3a: {  	[sflag:s5] =	ssyncset.done $0x0  }
0x3b: {  	[sflag:s5] =	ssyncadd.s32 $0xFFFFE000  }
0x3c: {  	_ =	swait.ge [sflag:s5], $0x2000  }
0x3d: {  	[sflag:s5] =	ssyncset.done $0x0  }
0x3e: {  	[sflag:s5] =	ssyncadd.s32 $0xFFFFE000  }
0x3f: {  	_ =	swait.ge [sflag:s5], $0x2000  }
0x40: {  	[sflag:s5] =	ssyncset.done $0x0  }
0x41: {  	[sflag:s5] =	ssyncadd.s32 $0xFFFFE000  }
0x42: {  	_ =	swait.ge [sflag:s5], $0x2000  }
0x43: {  	s9 =	sadd.s32 $0x1, s9;
	s20 =	rddreg [dreg:$0xe]  }
0x44: {  	p2 =	sne.s32 s9, s20  }
.Ltmp1:
0x45: {  	_ = 	snop;
	(pc) =	sbr.rel @!p2 .LBB2_18-.Ltmp1, $3  }
0x46: {  	_ =	sdelay $0x1  }
0x47: {  	[sflag:s5] =	ssyncset.done $0x0  }
0x48: {  	[sflag:s5] =	ssyncadd.s32 $0xFFFFE000  }
.LBB2_1:
0x49: {  	[dreg:$0xf] =	wrdreg s9  }
0x4a: {  	s2 =	rddreg [dreg:$0x4];
	s18 =	simm.s32 $0x5  }
0x4b: {  	[tilespmem:s4], [sflag:$0x5] =	stream.linear.gather [hbm4b:s2+s4], $0x380, $0x38;
	[tilespmem:$0x1E380] =	vst v63  }
0x4c: {  	_ =	swait.ge [sflag:s18], $0x380  }
0x4d: {  	[sflag:s18] =	ssyncset.done $0x0  }
0x4e: {  	s19 =	rddreg [dreg:$0x5];
	[sflag:s18] =	ssyncadd.s32 $0xFFFFFC80  }
0x4f: {  	[tilespmem:s21], [sflag:$0x1] =	stream.linear.gather [hbm4b:s19+s4], $0x1000, $0x38;
	[tilespmem:$0x1E380] =	vst v63  }
0x50: {  	s11 =	simm.s32 $0x0;
	s20 =	rddreg [dreg:$0x6]  }
0x51: {  	[tilespmem:s22], [sflag:$0x2] =	stream.linear.gather [hbm4b:s20+s4], $0x1000, $0x38;
	[tilespmem:$0x1E380] =	vst v63  }
.LBB2_2:
0x52: {  	p2 =	seq.s32 s11, $0x0  }
0x53: {  	s2 =	simm.s32 @!p2 $0x3  }
0x54: {  	_ =	swait.ge @!p2 [sflag:s2], $0x2000  }
0x55: {  	[sflag:s2] =	ssyncset.done @!p2 $0x0  }
0x56: {  	[sflag:s2] =	ssyncadd.s32 @!p2 $0xFFFFE000  }
0x57: {  	_ =	swait.ge @!p2 [sflag:s2], $0x2000  }
0x58: {  	[sflag:s2] =	ssyncset.done @!p2 $0x0  }
0x59: {  	[sflag:s2] =	ssyncadd.s32 @!p2 $0xFFFFE000  }
0x5a: {  	_ =	swait.ge @!p2 [sflag:s2], $0x2000  }
0x5b: {  	[sflag:s2] =	ssyncset.done @!p2 $0x0  }
0x5c: {  	[sflag:s2] =	ssyncadd.s32 @!p2 $0xFFFFE000  }
0x5d: {  	_ =	swait.ge @!p2 [sflag:s2], $0x2000  }
0x5e: {  	[sflag:s2] =	ssyncset.done @!p2 $0x0  }
0x5f: {  	[sflag:s2] =	ssyncadd.s32 @!p2 $0xFFFFE000  }
0x60: {  	_ =	swait.ge @!p2 [sflag:s2], $0x2000  }
0x61: {  	[sflag:s2] =	ssyncset.done @!p2 $0x0  }
0x62: {  	[sflag:s2] =	ssyncadd.s32 @!p2 $0xFFFFE000  }
0x63: {  	_ =	swait.ge @!p2 [sflag:s2], $0x2000  }
0x64: {  	[sflag:s2] =	ssyncset.done @!p2 $0x0  }
0x65: {  	[sflag:s2] =	ssyncadd.s32 @!p2 $0xFFFFE000  }
0x66: {  	_ =	swait.ge @!p2 [sflag:s2], $0x2000  }
0x67: {  	[sflag:s2] =	ssyncset.done @!p2 $0x0  }
0x68: {  	[sflag:s2] =	ssyncadd.s32 @!p2 $0xFFFFE000  }
0x69: {  	_ =	swait.ge [sflag:s23], $0x1000  }
0x6a: {  	s9 =	sshll.u32 s11, $0x1;
	s5 =	simm.s32 $0x0;
	[sflag:s23] =	ssyncset.done $0x0  }
0x6b: {  	s12 =	simm.s32 $0x0;
	s2 =	simm.s32 $0xFFFFFFFC;
	[sflag:s23] =	ssyncadd.s32 $0xFFFFF000  }
.LBB2_3:
0x6c: {  	s13 =	sshra.s32 s12, $0x2  }
0x6d: {  	v0 =	vld [tilespmem:s13+$0x380];
	_ =	sdelay $0x4  }
0x6e: {  	v0 =	vmul.f32 $9.900000000e+01, v0;
	_ =	sdelay $0x1  }
0x6f: {  	v1 =	vtrunc.f32 v0  }
0x70: {  	v1 =	vcvt.f32.s32 v1;
	_ =	sdelay $0x1  }
0x71: {  	vm0 =	vgt.s32 v1, $0x0  }
0x72: {  	v1 =	vnsel vm0, $0x0, v1  }
0x73: {  	v1 =	vmin.u32 v1, $0x62  }
0x74: {  	v2 =	vshll.u32 v1, $0x3  }
0x75: {  	v3 =	vor.u32 $0x3, v2  }
0x76: {  	v5 =	vor.u32 $0x5, v2  }
0x77: {  	v10 =	vld [tilespmem:s13+$0x390];
	v4 =	vor.u32 $0x4, v2  }
0x78: {  	v6 =	vor.u32 $0x6, v2  }
0x79: {  	v24 =	vor.u32 $0x1, v2;
	v28 =	vor.u32 $0x2, v2;
	v2 =	vld.idx.msk [tilespmem:v2+s4+$0x0], $0xffff  }
0x7a: {  	v3 =	vld.idx.msk [tilespmem:v3+s4+$0x0], $0xffff  }
0x7b: {  	v5 =	vld.idx.msk [tilespmem:v5+s4+$0x0], $0xffff  }
0x7c: {  	v27 =	vmul.f32 $9.900000000e+01, v10;
	v1 =	vcvt.s32.f32 v1;
	v4 =	vld.idx.msk [tilespmem:v4+s4+$0x0], $0xffff  }
0x7d: {  	v19 =	vld.idx.msk [tilespmem:v6+s4+$0x0], $0xffff  }
0x7e: {  	v30 =	vtrunc.f32 v27;
	v0 =	vsub.f32 v0, v1  }
0x7f: {  	v31 =	vld.idx.msk [tilespmem:v24+s4+$0x0], $0xffff;
	v34 =	vshll.u32 v2, $0x10;
	v2 =	vand.u32 $0xFFFF0000, v2;
	v20 =	vshll.u32 v3, $0x10  }
0x80: {  	v3 =	vand.u32 $0xFFFF0000, v3;
	v8 =	vshll.u32 v5, $0x10;
	v5 =	vand.u32 $0xFFFF0000, v5  }
0x81: {  	v7 =	vshll.u32 v4, $0x10;
	v4 =	vand.u32 $0xFFFF0000, v4;
	v5 =	vsub.f32 v5, v8  }
0x82: {  	v9 =	vshll.u32 v19, $0x10;
	v3 =	vsub.f32 v3, v20;
	v4 =	vsub.f32 v4, v7  }
0x83: {  	v1 =	vand.u32 $0xFFFF0000, v19;
	v2 =	vsub.f32 v2, v34;
	v21 =	vmul.f32 v5, v0  }
0x84: {  	v15 =	vshll.u32 v31, $0x10;
	v3 =	vmul.f32 v3, v0;
	v4 =	vmul.f32 v4, v0  }
0x85: {  	v1 =	vsub.f32 v1, v9;
	v12 =	vadd.f32 v8, v21;
	v8 =	vcvt.f32.s32 v30  }
0x86: {  	v2 =	vmul.f32 v0, v2;
	v11 =	vadd.f32 v20, v3;
	v4 =	vadd.f32 v7, v4  }
0x87: {  	v1 =	vmul.f32 v1, v0;
	v7 =	vld.idx.msk [tilespmem:v28+s4+$0x0], $0xffff;
	v3 =	vand.u32 $0xFFFF0000, v31;
	vm13 =	vgt.s32 v8, $0x0  }
0x88: {  	v22 =	vmul.f32 v11, v11;
	v23 =	vmul.f32 v4, v4;
	v32 =	vnsel vm13, $0x0, v8  }
0x89: {  	v9 =	vadd.f32 v9, v1;
	v21 =	vld [tilespmem:s13+$0x3A0];
	v3 =	vsub.f32 v3, v15;
	v6 =	vmin.u32 v32, $0x62  }
0x8a: {  	v26 =	vmul.f32 v12, v12;
	v25 =	vadd.f32 v23, v22;
	v13 =	vshll.u32 v6, $0x3  }
0x8b: {  	v29 =	vmul.f32 v9, v9;
	v3 =	vmul.f32 v0, v3;
	v14 =	vor.u32 $0x3, v13  }
0x8c: {  	v17 =	vshll.u32 v7, $0x10;
	v1 =	vadd.f32 v26, v25;
	v16 =	vor.u32 $0x4, v13  }
0x8d: {  	v7 =	vand.u32 $0xFFFF0000, v7;
	v36 =	vcvt.s32.f32 v6;
	v19 =	vor.u32 $0x5, v13;
	v26 =	vld [tilespmem:s13+$0x3B0]  }
0x8e: {  	v6 =	vadd.f32 v15, v3;
	v45 =	vmul.f32 $9.900000000e+01, v21;
	v1 =	vadd.f32 v29, v1  }
0x8f: {  	v7 =	vsub.f32 v7, v17;
	v35 =	vor.u32 $0x6, v13;
	v39 =	vor.u32 $0x1, v13;
	v18 =	vld.idx.msk [tilespmem:v13+s4+$0x0], $0xffff  }
0x90: {  	v38 =	vsub.f32 v27, v36;
	v47 =	vtrunc.f32 v45;
	v1 =	vmax.f32 v1, $1.000000020e-24;
	v14 =	vld.idx.msk [tilespmem:v14+s4+$0x0], $0xffff  }
0x91: {  	v0 =	vmul.f32 v7, v0;
	v33 =	vshrl.u32 v1, $0x1;
	v1 =	vmul.f32 $5.000000000e-01, v1;
	v37 =	vld.idx.msk [tilespmem:v16+s4+$0x0], $0xffff  }
0x92: {  	v7 =	vadd.f32 v34, v2;
	v40 =	vld.idx.msk [tilespmem:v19+s4+$0x0], $0xffff;
	v19 =	vcvt.f32.s32 v47;
	v62 =	vmul.f32 $9.900000000e+01, v26  }
0x93: {  	v3 =	vadd.f32 v17, v0;
	v13 =	vor.u32 $0x2, v13;
	v8 =	vsub.s32 $0x5F3759DF, v33  }
0x94: {  	v22 =	vld.idx.msk [tilespmem:v39+s4+$0x0], $0xffff;
	v1 =	vmul.f32 v8, v1;
	vm14 =	vgt.s32 v19, $0x0;
	v34 =	vtrunc.f32 v62  }
0x95: {  	v19 =	vnsel vm14, $0x0, v19;
	v41 =	vshll.u32 v18, $0x10;
	v42 =	vand.u32 $0xFFFF0000, v18  }
0x96: {  	v1 =	vmul.f32 v8, v1;
	v50 =	vmin.u32 v19, $0x62;
	v43 =	vsub.f32 v42, v41  }
0x97: {  	v44 =	vshll.u32 v14, $0x10;
	v14 =	vand.u32 $0xFFFF0000, v14;
	v46 =	vshll.u32 v37, $0x10  }
0x98: {  	v10 =	vand.u32 $0xFFFF0000, v37;
	v48 =	vshll.u32 v40, $0x10;
	v51 =	vshll.u32 v50, $0x3  }
0x99: {  	v13 =	vld.idx.msk [tilespmem:v13+s4+$0x0], $0xffff;
	v24 =	vshll.u32 v22, $0x10;
	v22 =	vand.u32 $0xFFFF0000, v22;
	v1 =	vsub.f32 $1.500000000e+00, v1  }
0x9a: {  	v14 =	vsub.f32 v14, v44;
	v10 =	vsub.f32 v10, v46;
	v54 =	vor.u32 $0x3, v51  }
0x9b: {  	v25 =	vor.u32 $0x4, v51;
	v22 =	vsub.f32 v22, v24;
	v16 =	vmul.f32 v38, v43  }
0x9c: {  	v59 =	vor.u32 $0x5, v51;
	v20 =	vmul.f32 v8, v1;
	v14 =	vmul.f32 v14, v38  }
0x9d: {  	v61 =	vor.u32 $0x6, v51;
	v10 =	vmul.f32 v10, v38;
	v57 =	vmul.f32 v38, v22  }
0x9e: {  	v15 =	vadd.f32 v41, v16;
	v63 =	vshll.u32 v13, $0x10;
	v13 =	vand.u32 $0xFFFF0000, v13  }
0x9f: {  	v41 =	vor.u32 $0x1, v51;
	v1 =	vmul.f32 v20, v11;
	v0 =	vmul.f32 v20, v4  }
0xa0: {  	v8 =	vld.idx.msk [tilespmem:v35+s4+$0x0], $0xffff;
	v4 =	vand.u32 $0xFFFF0000, v40;
	v5 =	vadd.f32 v44, v14;
	v2 =	vadd.f32 v46, v10  }
0xa1: {  	v12 =	vmul.f32 v20, v12;
	v9 =	vmul.f32 v20, v9;
	v16 =	vadd.f32 v24, v57  }
0xa2: {  	v10 =	vcvt.s32.f32 v50;
	v13 =	vsub.f32 v13, v63;
	v32 =	vld.idx.msk [tilespmem:v51+s4+$0x0], $0xffff;
	v14 =	vor.u32 $0x2, v51  }
0xa3: {  	v4 =	vsub.f32 v4, v48;
	v60 =	vld.idx.msk [tilespmem:v25+s4+$0x0], $0xffff;
	v25 =	vcvt.f32.s32 v34;
	v52 =	vmul.f32 v5, v5  }
0xa4: {  	v58 =	vld.idx.msk [tilespmem:v54+s4+$0x0], $0xffff;
	v53 =	vmul.f32 v2, v2;
	v10 =	vsub.f32 v45, v10;
	v11 =	vmul.f32 v13, v38  }
0xa5: {  	v36 =	vld.idx.msk [tilespmem:v59+s4+$0x0], $0xffff;
	v23 =	vshll.u32 v8, $0x10;
	v49 =	vand.u32 $0xFFFF0000, v8;
	v4 =	vmul.f32 v4, v38  }
0xa6: {  	v22 =	vld.idx.msk [tilespmem:v61+s4+$0x0], $0xffff;
	vm15 =	vgt.s32 v25, $0x0;
	v8 =	vsub.f32 v49, v23;
	v18 =	vadd.f32 v53, v52  }
0xa7: {  	v25 =	vnsel vm15, $0x0, v25;
	v11 =	vadd.f32 v63, v11;
	v4 =	vadd.f32 v48, v4  }
0xa8: {  	v25 =	vmin.u32 v25, $0x62;
	v50 =	vshll.u32 v32, $0x10;
	v32 =	vand.u32 $0xFFFF0000, v32  }
0xa9: {  	v8 =	vmul.f32 v8, v38;
	v37 =	vshll.u32 v58, $0x10;
	v20 =	vand.u32 $0xFFFF0000, v58  }
0xaa: {  	v27 =	vshll.u32 v60, $0x10;
	v19 =	vand.u32 $0xFFFF0000, v60;
	v26 =	vshll.u32 v25, $0x3  }
0xab: {  	v28 =	vshll.u32 v36, $0x10;
	v17 =	vand.u32 $0xFFFF0000, v36;
	v30 =	vshll.u32 v22, $0x10  }
0xac: {  	v22 =	vand.u32 $0xFFFF0000, v22;
	v45 =	vcvt.s32.f32 v25;
	v51 =	vsub.f32 v32, v50  }
0xad: {  	v46 =	vld.idx.msk [tilespmem:v41+s4+$0x0], $0xffff;
	v55 =	vmul.f32 v4, v4;
	v20 =	vsub.f32 v20, v37;
	v19 =	vsub.f32 v19, v27  }
0xae: {  	v29 =	vor.u32 $0x3, v26;
	v17 =	vsub.f32 v17, v28;
	v39 =	vsub.f32 v22, v30  }
0xaf: {  	v40 =	vor.u32 $0x4, v26;
	v43 =	vor.u32 $0x5, v26;
	v33 =	vor.u32 $0x6, v26  }
0xb0: {  	v14 =	vld.idx.msk [tilespmem:v14+s4+$0x0], $0xffff;
	v8 =	vadd.f32 v23, v8;
	v23 =	vsub.f32 v62, v45;
	v20 =	vmul.f32 v20, v10  }
0xb1: {  	v18 =	vadd.f32 v55, v18;
	v19 =	vmul.f32 v19, v10;
	v17 =	vmul.f32 v17, v10  }
0xb2: {  	v21 =	vmul.f32 v39, v10;
	v54 =	vshll.u32 v46, $0x10;
	v25 =	vand.u32 $0xFFFF0000, v46  }
0xb3: {  	v56 =	vmul.f32 v8, v8;
	v25 =	vsub.f32 v25, v54;
	v20 =	vadd.f32 v37, v20  }
0xb4: {  	v19 =	vadd.f32 v27, v19;
	v17 =	vadd.f32 v28, v17;
	v29 =	vld.idx.msk [tilespmem:v29+s4+$0x0], $0xffff  }
0xb5: {  	v58 =	vshll.u32 v14, $0x10;
	v21 =	vadd.f32 v30, v21;
	v18 =	vadd.f32 v56, v18;
	v22 =	vld.idx.msk [tilespmem:v40+s4+$0x0], $0xffff  }
0xb6: {  	v37 =	vor.u32 $0x1, v26;
	v30 =	vld.idx.msk [tilespmem:v43+s4+$0x0], $0xffff;
	v42 =	vmul.f32 v20, v20;
	v31 =	vmul.f32 v19, v19  }
0xb7: {  	v52 =	vld.idx.msk [tilespmem:v33+s4+$0x0], $0xffff;
	v40 =	vor.u32 $0x2, v26;
	v44 =	vmul.f32 v17, v17;
	v18 =	vmax.f32 v18, $1.000000020e-24  }
0xb8: {  	v35 =	vshrl.u32 v18, $0x1;
	v18 =	vmul.f32 $5.000000000e-01, v18;
	v28 =	vadd.f32 v31, v42  }
0xb9: {  	v41 =	vmul.f32 v10, v25;
	v48 =	vmul.f32 v21, v21;
	v38 =	vsub.s32 $0x5F3759DF, v35  }
0xba: {  	v18 =	vmul.f32 v38, v18;
	v47 =	vadd.f32 v44, v28;
	v49 =	vshll.u32 v29, $0x10  }
0xbb: {  	v29 =	vand.u32 $0xFFFF0000, v29;
	v53 =	vshll.u32 v22, $0x10;
	v22 =	vand.u32 $0xFFFF0000, v22  }
0xbc: {  	v55 =	vshll.u32 v30, $0x10;
	v30 =	vand.u32 $0xFFFF0000, v30;
	v57 =	vshll.u32 v52, $0x10  }
0xbd: {  	s14 =	sand.u32 $0xFC0, s5;
	[tilespmem:s13+$0x2380] =	vst v7;
	v28 =	vand.u32 $0xFFFF0000, v52;
	v29 =	vsub.f32 v29, v49;
	v22 =	vsub.f32 v22, v53  }
0xbe: {  	[tilespmem:s14+$0x4380] =	vst v6;
	v56 =	vsub.f32 v30, v55;
	v28 =	vsub.f32 v28, v57;
	v18 =	vmul.f32 v38, v18  }
0xbf: {  	v44 =	vld.idx.msk [tilespmem:v26+s4+$0x0], $0xffff;
	v27 =	vadd.f32 v48, v47;
	v29 =	vmul.f32 v29, v23;
	v22 =	vmul.f32 v22, v23  }
0xc0: {  	v45 =	vld.idx.msk [tilespmem:v37+s4+$0x0], $0xffff;
	v48 =	vadd.f32 v54, v41;
	v7 =	vmul.f32 v56, v23;
	v62 =	vmul.f32 v28, v23  }
0xc1: {  	[tilespmem:s14+$0x6380] =	vst v3;
	v27 =	vmax.f32 v27, $1.000000020e-24;
	v24 =	vadd.f32 v49, v29;
	v3 =	vadd.f32 v53, v22  }
0xc2: {  	[tilespmem:s13+$0x2390] =	vst v15;
	v18 =	vsub.f32 $1.500000000e+00, v18;
	v59 =	vshrl.u32 v27, $0x1;
	v61 =	vmul.f32 $5.000000000e-01, v27  }
0xc3: {  	[tilespmem:s14+$0x8380] =	vst v1;
	v63 =	vadd.f32 v55, v7;
	v32 =	vmul.f32 v24, v24;
	v34 =	vmul.f32 v3, v3  }
0xc4: {  	[tilespmem:s13+$0x6390] =	vst v11;
	v36 =	vadd.f32 v57, v62;
	v52 =	vshll.u32 v44, $0x10;
	v11 =	vand.u32 $0xFFFF0000, v44  }
0xc5: {  	[tilespmem:s14+$0xA380] =	vst v0;
	v53 =	vshll.u32 v45, $0x10;
	v39 =	vmul.f32 v63, v63;
	v7 =	vadd.f32 v34, v32  }
0xc6: {  	[tilespmem:s14+$0xC380] =	vst v12;
	v13 =	vmul.f32 v38, v18;
	v18 =	vmul.f32 v10, v51;
	v60 =	vsub.s32 $0x5F3759DF, v59  }
0xc7: {  	[tilespmem:s14+$0xE380] =	vst v9;
	v38 =	vand.u32 $0xFFFF0000, v14;
	v42 =	vmul.f32 v36, v36;
	v7 =	vadd.f32 v39, v7  }
0xc8: {  	v49 =	vld.idx.msk [tilespmem:v40+s4+$0x0], $0xffff;
	v35 =	vmul.f32 v60, v61;
	v9 =	vsub.f32 v38, v58;
	v5 =	vmul.f32 v13, v5  }
0xc9: {  	[tilespmem:s13+$0x4390] =	vst v16;
	v2 =	vmul.f32 v13, v2;
	v4 =	vmul.f32 v13, v4;
	v7 =	vadd.f32 v42, v7  }
0xca: {  	[tilespmem:s13+$0x43A0] =	vst v48;
	v11 =	vsub.f32 v11, v52;
	v46 =	vmul.f32 v13, v8;
	v12 =	vmul.f32 v60, v35  }
0xcb: {  	v47 =	vadd.f32 v50, v18;
	v9 =	vmul.f32 v9, v10;
	[tilespmem:s13+$0x8390] =	vst v5;
	v7 =	vmax.f32 v7, $1.000000020e-24  }
0xcc: {  	[tilespmem:s13+$0xA390] =	vst v2;
	v43 =	vsub.f32 $1.500000000e+00, v12;
	v51 =	vshrl.u32 v7, $0x1;
	v7 =	vmul.f32 $5.000000000e-01, v7  }
0xcd: {  	v11 =	vmul.f32 v23, v11;
	[tilespmem:s13+$0xC390] =	vst v4;
	v55 =	vshll.u32 v49, $0x10;
	v10 =	vsub.s32 $0x5F3759DF, v51  }
0xce: {  	[tilespmem:s13+$0xE390] =	vst v46;
	v6 =	vadd.f32 v58, v9;
	v1 =	vmul.f32 v60, v43;
	v7 =	vmul.f32 v10, v7  }
0xcf: {  	[tilespmem:s13+$0x23A0] =	vst v47;
	v12 =	vand.u32 $0xFFFF0000, v45;
	v9 =	vand.u32 $0xFFFF0000, v49;
	v58 =	vadd.f32 v52, v11  }
0xd0: {  	v12 =	vsub.f32 v12, v53;
	[tilespmem:s13+$0x63A0] =	vst v6;
	v50 =	vmul.f32 v1, v20;
	v7 =	vmul.f32 v10, v7  }
0xd1: {  	v9 =	vsub.f32 v9, v55;
	[tilespmem:s13+$0x23B0] =	vst v58;
	v54 =	vmul.f32 v1, v19  }
0xd2: {  	v57 =	vmul.f32 v23, v12;
	v56 =	vmul.f32 v1, v17;
	[tilespmem:s13+$0x83A0] =	vst v50;
	v7 =	vsub.f32 $1.500000000e+00, v7  }
0xd3: {  	v59 =	vmul.f32 v9, v23;
	v1 =	vmul.f32 v1, v21;
	[tilespmem:s13+$0xA3A0] =	vst v54  }
0xd4: {  	v60 =	vadd.f32 v53, v57;
	[tilespmem:s13+$0xC3A0] =	vst v56;
	v61 =	vmul.f32 v10, v7  }
0xd5: {  	s2 =	sadd.s32 $0x4, s2;
	v5 =	vadd.f32 v55, v59;
	[tilespmem:s13+$0xE3A0] =	vst v1  }
0xd6: {  	p3 =	slt.u32 s2, $0xFC;
	[tilespmem:s13+$0x43B0] =	vst v60;
	v62 =	vmul.f32 v61, v24  }
.Ltmp2:
0xd7: {  	[tilespmem:s13+$0x63B0] =	vst v5;
	v3 =	vmul.f32 v61, v3;
	(pc) =	sbr.rel @p3 .LBB2_3-.Ltmp2, $4  }
0xd8: {  	v0 =	vmul.f32 v61, v63;
	[tilespmem:s13+$0x83B0] =	vst v62  }
0xd9: {  	v63 =	vmul.f32 v61, v36;
	[tilespmem:s13+$0xA3B0] =	vst v3  }
0xda: {  	[tilespmem:s13+$0xC3B0] =	vst v0  }
0xdb: {  	s12 =	sadd.s32 $0x100, s12;
	s5 =	sadd.s32 $0x40, s5;
	[tilespmem:s13+$0xE3B0] =	vst v63  }
0xdc: {  	s5 =	sadd.s32 s8, s9  }
0xdd: {  	s19 =	sadd.s32 $0x1, s5  }
0xde: {  	s20 =	sshll.u32 s19, $0xA  }
0xdf: {  	s15 =	sand.u32 $0x1FFFFC00, s20  }
0xe0: {  	s12 =	simm.s32 $0x0;
	s2 =	sadd.s32 s1, s15  }
0xe1: {  	[tilespmem:s21], [sflag:$0x1] =	stream.linear.gather [hbm4b:s2+s12], $0x1000, $0x38;
	[tilespmem:$0x1E380] =	vst v63  }
0xe2: {  	_ =	swait.ge [sflag:s24], $0x1000  }
0xe3: {  	[sflag:s24] =	ssyncset.done $0x0  }
0xe4: {  	s2 =	simm.s32 $0x0;
	[sflag:s24] =	ssyncadd.s32 $0xFFFFF000  }
0xe5: {  	v0 =	vld [tilespmem:s2+$0x13B0];
	_ =	sdelay $0x1  }
0xe6: {  	v1 =	vld [tilespmem:s2+$0x1380]  }
0xe7: {  	v2 =	vld [tilespmem:s2+$0x1390]  }
0xe8: {  	v3 =	vld [tilespmem:s2+$0x13A0]  }
0xe9: {  	v0 =	vmul.f32 $9.900000000e+01, v0;
	_ =	sdelay $0x1  }
0xea: {  	v4 =	vtrunc.f32 v0  }
0xeb: {  	v1 =	vmul.f32 $9.900000000e+01, v1;
	v4 =	vcvt.f32.s32 v4  }
0xec: {  	v2 =	vmul.f32 $9.900000000e+01, v2;
	v3 =	vmul.f32 $9.900000000e+01, v3  }
0xed: {  	v5 =	vtrunc.f32 v1;
	vm0 =	vgt.s32 v4, $0x0  }
0xee: {  	v6 =	vtrunc.f32 v2;
	v7 =	vtrunc.f32 v3;
	v4 =	vnsel vm0, $0x0, v4  }
0xef: {  	v5 =	vcvt.f32.s32 v5;
	v6 =	vcvt.f32.s32 v6;
	v4 =	vmin.u32 v4, $0x62  }
0xf0: {  	v7 =	vcvt.f32.s32 v7;
	v19 =	vshll.u32 v4, $0x3  }
0xf1: {  	vm15 =	vgt.s32 v5, $0x0;
	vm1 =	vgt.s32 v6, $0x0;
	v8 =	vor.u32 $0x3, v19  }
0xf2: {  	vm2 =	vgt.s32 v7, $0x0;
	v5 =	vnsel vm15, $0x0, v5;
	v9 =	vor.u32 $0x4, v19  }
0xf3: {  	v6 =	vnsel vm1, $0x0, v6;
	v5 =	vmin.u32 v5, $0x62;
	v10 =	vor.u32 $0x6, v19  }
0xf4: {  	v7 =	vnsel vm2, $0x0, v7;
	v22 =	vshll.u32 v5, $0x3;
	v11 =	vor.u32 $0x5, v19  }
0xf5: {  	v6 =	vmin.u32 v6, $0x62;
	v7 =	vmin.u32 v7, $0x62;
	v12 =	vor.u32 $0x3, v22;
	v47 =	vld.idx.msk [tilespmem:v19+s4+$0x0], $0xffff  }
0xf6: {  	v20 =	vshll.u32 v6, $0x3;
	v21 =	vshll.u32 v7, $0x3;
	v13 =	vor.u32 $0x4, v22;
	v8 =	vld.idx.msk [tilespmem:v8+s4+$0x0], $0xffff  }
0xf7: {  	v5 =	vcvt.s32.f32 v5;
	v6 =	vcvt.s32.f32 v6;
	v18 =	vor.u32 $0x4, v20;
	v9 =	vld.idx.msk [tilespmem:v9+s4+$0x0], $0xffff  }
0xf8: {  	v7 =	vcvt.s32.f32 v7;
	v4 =	vcvt.s32.f32 v4;
	v24 =	vor.u32 $0x5, v22;
	v10 =	vld.idx.msk [tilespmem:v10+s4+$0x0], $0xffff  }
0xf9: {  	v17 =	vor.u32 $0x3, v20;
	v23 =	vor.u32 $0x3, v21;
	v30 =	vor.u32 $0x5, v21;
	v11 =	vld.idx.msk [tilespmem:v11+s4+$0x0], $0xffff  }
0xfa: {  	v25 =	vor.u32 $0x5, v20;
	v28 =	vor.u32 $0x6, v22;
	v16 =	vsub.f32 v1, v5;
	v1 =	vld.idx.msk [tilespmem:v12+s4+$0x0], $0xffff  }
0xfb: {  	v27 =	vor.u32 $0x4, v21;
	v29 =	vor.u32 $0x6, v20;
	v14 =	vsub.f32 v2, v6;
	v6 =	vld.idx.msk [tilespmem:v13+s4+$0x0], $0xffff  }
0xfc: {  	v31 =	vor.u32 $0x6, v21;
	v32 =	vor.u32 $0x1, v22;
	v33 =	vor.u32 $0x2, v22;
	v12 =	vld.idx.msk [tilespmem:v18+s4+$0x0], $0xffff  }
0xfd: {  	v40 =	vor.u32 $0x1, v19;
	v42 =	vor.u32 $0x2, v19;
	v57 =	vor.u32 $0x2, v20;
	v18 =	vld.idx.msk [tilespmem:v24+s4+$0x0], $0xffff  }
0xfe: {  	v58 =	vor.u32 $0x2, v21;
	v15 =	vsub.f32 v3, v7;
	v0 =	vsub.f32 v0, v4;
	v30 =	vld.idx.msk [tilespmem:v30+s4+$0x0], $0xffff  }
0xff: {  	v28 =	vld.idx.msk [tilespmem:v28+s4+$0x0], $0xffff;
	v55 =	vand.u32 $0xFFFF0000, v47;
	v2 =	vshll.u32 v8, $0x10;
	v3 =	vand.u32 $0xFFFF0000, v8  }
0x100: {  	v29 =	vld.idx.msk [tilespmem:v29+s4+$0x0], $0xffff;
	v4 =	vshll.u32 v9, $0x10;
	v5 =	vand.u32 $0xFFFF0000, v9;
	v7 =	vshll.u32 v10, $0x10  }
0x101: {  	v31 =	vld.idx.msk [tilespmem:v31+s4+$0x0], $0xffff;
	v9 =	vshll.u32 v11, $0x10;
	v11 =	vand.u32 $0xFFFF0000, v11;
	v10 =	vand.u32 $0xFFFF0000, v10  }
0x102: {  	v8 =	vld.idx.msk [tilespmem:v17+s4+$0x0], $0xffff;
	v13 =	vshll.u32 v1, $0x10;
	v17 =	vand.u32 $0xFFFF0000, v1;
	v24 =	vshll.u32 v12, $0x10  }
0x103: {  	v12 =	vand.u32 $0xFFFF0000, v12;
	v34 =	vshll.u32 v18, $0x10;
	v36 =	vshll.u32 v30, $0x10  }
0x104: {  	v30 =	vand.u32 $0xFFFF0000, v30;
	v39 =	vshll.u32 v28, $0x10;
	v28 =	vand.u32 $0xFFFF0000, v28  }
0x105: {  	v41 =	vshll.u32 v29, $0x10;
	v29 =	vand.u32 $0xFFFF0000, v29;
	v3 =	vsub.f32 v3, v2  }
0x106: {  	v43 =	vshll.u32 v31, $0x10;
	v5 =	vsub.f32 v5, v4;
	v11 =	vsub.f32 v11, v9  }
0x107: {  	v31 =	vand.u32 $0xFFFF0000, v31;
	v17 =	vsub.f32 v17, v13;
	v12 =	vsub.f32 v12, v24  }
0x108: {  	v1 =	vsub.f32 v10, v7;
	v3 =	vmul.f32 v3, v0;
	v5 =	vmul.f32 v5, v0  }
0x109: {  	v30 =	vsub.f32 v30, v36;
	v17 =	vmul.f32 v17, v16;
	v12 =	vmul.f32 v12, v14  }
0x10a: {  	v10 =	vld.idx.msk [tilespmem:v23+s4+$0x0], $0xffff;
	v26 =	vadd.f32 v2, v3;
	v2 =	vadd.f32 v4, v5;
	v3 =	vmul.f32 v11, v0  }
0x10b: {  	v4 =	vld.idx.msk [tilespmem:v27+s4+$0x0], $0xffff;
	v5 =	vshll.u32 v6, $0x10;
	v6 =	vand.u32 $0xFFFF0000, v6;
	v11 =	vmul.f32 v1, v0  }
0x10c: {  	v23 =	vshll.u32 v8, $0x10;
	v8 =	vand.u32 $0xFFFF0000, v8;
	v6 =	vsub.f32 v6, v5  }
0x10d: {  	v1 =	vadd.f32 v9, v3;
	v3 =	vmul.f32 v26, v26;
	v9 =	vmul.f32 v2, v2  }
0x10e: {  	v8 =	vsub.f32 v8, v23;
	v11 =	vadd.f32 v7, v11;
	v6 =	vmul.f32 v6, v16  }
0x10f: {  	v3 =	vadd.f32 v9, v3;
	v7 =	vmul.f32 v1, v1;
	v9 =	vld.idx.msk [tilespmem:v25+s4+$0x0], $0xffff;
	v25 =	vshll.u32 v10, $0x10  }
0x110: {  	v10 =	vand.u32 $0xFFFF0000, v10;
	v27 =	vshll.u32 v4, $0x10;
	v4 =	vand.u32 $0xFFFF0000, v4  }
0x111: {  	v10 =	vsub.f32 v10, v25;
	v3 =	vadd.f32 v7, v3;
	v7 =	vmul.f32 v11, v11  }
0x112: {  	v37 =	vmul.f32 v8, v14;
	v8 =	vadd.f32 v5, v6;
	v4 =	vsub.f32 v4, v27  }
0x113: {  	v6 =	vadd.f32 v24, v12;
	v10 =	vmul.f32 v10, v15;
	v3 =	vadd.f32 v7, v3  }
0x114: {  	v7 =	vand.u32 $0xFFFF0000, v18;
	v4 =	vmul.f32 v4, v15;
	v18 =	vshll.u32 v9, $0x10  }
0x115: {  	v9 =	vand.u32 $0xFFFF0000, v9;
	v7 =	vsub.f32 v7, v34;
	v5 =	vadd.f32 v25, v10  }
0x116: {  	v10 =	vsub.f32 v28, v39;
	v25 =	vsub.f32 v29, v41;
	v3 =	vmax.f32 v3, $1.000000020e-24  }
0x117: {  	v38 =	vsub.f32 v9, v18;
	v9 =	vadd.f32 v13, v17;
	v17 =	vmul.f32 v30, v15  }
0x118: {  	v59 =	vld.idx.msk [tilespmem:v22+s4+$0x0], $0xffff;
	v35 =	vshrl.u32 v3, $0x1;
	v3 =	vmul.f32 $5.000000000e-01, v3;
	v13 =	vmul.f32 v7, v16  }
0x119: {  	v7 =	vadd.f32 v23, v37;
	v23 =	vor.u32 $0x1, v20;
	v35 =	vsub.s32 $0x5F3759DF, v35  }
0x11a: {  	v4 =	vadd.f32 v27, v4;
	v29 =	vmul.f32 v5, v5;
	v3 =	vmul.f32 v35, v3  }
0x11b: {  	v27 =	vsub.f32 v31, v43;
	v30 =	vmul.f32 v10, v16;
	v24 =	vmul.f32 v9, v9  }
0x11c: {  	v10 =	vadd.f32 v36, v17;
	v17 =	vmul.f32 v4, v4;
	v3 =	vmul.f32 v35, v3  }
0x11d: {  	v36 =	vand.u32 $0xFFFF0000, v59;
	v12 =	vadd.f32 v34, v13;
	v13 =	vmul.f32 v8, v8;
	v34 =	vld.idx.msk [tilespmem:v57+s4+$0x0], $0xffff  }
0x11e: {  	v29 =	vadd.f32 v17, v29;
	v56 =	vmul.f32 v10, v10;
	v23 =	vld.idx.msk [tilespmem:v23+s4+$0x0], $0xffff;
	v3 =	vsub.f32 $1.500000000e+00, v3  }
0x11f: {  	v24 =	vadd.f32 v13, v24;
	v13 =	vmul.f32 v25, v14;
	v25 =	vmul.f32 v27, v15  }
0x120: {  	v31 =	vld.idx.msk [tilespmem:v32+s4+$0x0], $0xffff;
	v27 =	vmul.f32 v12, v12;
	v29 =	vadd.f32 v56, v29;
	v3 =	vmul.f32 v35, v3  }
0x121: {  	v20 =	vld.idx.msk [tilespmem:v20+s4+$0x0], $0xffff;
	v28 =	vmul.f32 v7, v7;
	v17 =	vadd.f32 v41, v13;
	v13 =	vadd.f32 v43, v25  }
0x122: {  	v61 =	vld.idx.msk [tilespmem:v42+s4+$0x0], $0xffff;
	v24 =	vadd.f32 v27, v24;
	v35 =	vmul.f32 v3, v11;
	v11 =	vmul.f32 v38, v14  }
0x123: {  	v44 =	vshll.u32 v34, $0x10;
	v34 =	vand.u32 $0xFFFF0000, v34;
	v42 =	vshll.u32 v23, $0x10  }
0x124: {  	v54 =	vand.u32 $0xFFFF0000, v23;
	v11 =	vadd.f32 v18, v11;
	v18 =	vmul.f32 v6, v6  }
0x125: {  	v37 =	vshll.u32 v31, $0x10;
	v34 =	vsub.f32 v34, v44;
	v43 =	vsub.f32 v54, v42  }
0x126: {  	v50 =	vand.u32 $0xFFFF0000, v20;
	v28 =	vadd.f32 v18, v28;
	v18 =	vadd.f32 v39, v30  }
0x127: {  	v33 =	vld.idx.msk [tilespmem:v33+s4+$0x0], $0xffff;
	v23 =	vshll.u32 v61, $0x10;
	v57 =	vmul.f32 v3, v26;
	v30 =	vmul.f32 v11, v11  }
0x128: {  	v43 =	vmul.f32 v14, v43;
	v39 =	vand.u32 $0xFFFF0000, v61;
	v25 =	vmul.f32 v18, v18  }
0x129: {  	v27 =	vadd.f32 v30, v28;
	v28 =	vmul.f32 v17, v17;
	v30 =	vmul.f32 v13, v13  }
0x12a: {  	v39 =	vsub.f32 v39, v23;
	v24 =	vadd.f32 v25, v24;
	v25 =	vor.u32 $0x1, v21  }
0x12b: {  	v22 =	vadd.f32 v28, v27;
	v27 =	vadd.f32 v30, v29;
	v30 =	vand.u32 $0xFFFF0000, v31  }
0x12c: {  	v28 =	vld.idx.msk [tilespmem:v40+s4+$0x0], $0xffff;
	v31 =	vshll.u32 v33, $0x10;
	v33 =	vand.u32 $0xFFFF0000, v33;
	v30 =	vsub.f32 v30, v37  }
0x12d: {  	v21 =	vld.idx.msk [tilespmem:v21+s4+$0x0], $0xffff;
	v33 =	vsub.f32 v33, v31;
	v24 =	vmax.f32 v24, $1.000000020e-24;
	v22 =	vmax.f32 v22, $1.000000020e-24  }
0x12e: {  	v27 =	vmax.f32 v27, $1.000000020e-24;
	v29 =	vshrl.u32 v24, $0x1;
	v24 =	vmul.f32 $5.000000000e-01, v24  }
0x12f: {  	v60 =	vshrl.u32 v22, $0x1;
	v22 =	vmul.f32 $5.000000000e-01, v22;
	v33 =	vmul.f32 v33, v16  }
0x130: {  	v32 =	vld.idx.msk [tilespmem:v58+s4+$0x0], $0xffff;
	v62 =	vsub.s32 $0x5F3759DF, v29;
	v29 =	vshrl.u32 v27, $0x1;
	v27 =	vmul.f32 $5.000000000e-01, v27  }
0x131: {  	v38 =	vsub.s32 $0x5F3759DF, v60;
	v24 =	vmul.f32 v62, v24;
	v63 =	vsub.s32 $0x5F3759DF, v29  }
0x132: {  	v22 =	vmul.f32 v38, v22;
	v48 =	vand.u32 $0xFFFF0000, v28;
	v19 =	vshll.u32 v21, $0x10  }
0x133: {  	v25 =	vld.idx.msk [tilespmem:v25+s4+$0x0], $0xffff;
	v51 =	vand.u32 $0xFFFF0000, v21;
	v21 =	vshll.u32 v47, $0x10;
	v27 =	vmul.f32 v63, v27  }
0x134: {  	v31 =	vadd.f32 v31, v33;
	v24 =	vmul.f32 v62, v24;
	v45 =	vmul.f32 v38, v22  }
0x135: {  	v22 =	vshll.u32 v28, $0x10;
	v28 =	vshll.u32 v32, $0x10;
	v32 =	vand.u32 $0xFFFF0000, v32  }
0x136: {  	v33 =	vmul.f32 v39, v0;
	v46 =	vmul.f32 v63, v27;
	v32 =	vsub.f32 v32, v28  }
0x137: {  	v60 =	vsub.f32 v48, v22;
	v27 =	vsub.f32 $1.500000000e+00, v24;
	v24 =	vshll.u32 v20, $0x10  }
0x138: {  	v20 =	vsub.f32 $1.500000000e+00, v45;
	v29 =	vshll.u32 v25, $0x10;
	v49 =	vand.u32 $0xFFFF0000, v25  }
0x139: {  	v25 =	vshll.u32 v59, $0x10;
	v56 =	vsub.f32 $1.500000000e+00, v46;
	v59 =	vmul.f32 v16, v30  }
0x13a: {  	v61 =	vsub.f32 v50, v24;
	v30 =	vsub.f32 v55, v21;
	v27 =	vmul.f32 v62, v27  }
0x13b: {  	v26 =	vmul.f32 v38, v20;
	v58 =	vsub.f32 v49, v29;
	v36 =	vsub.f32 v36, v25  }
0x13c: {  	[tilespmem:s2+$0xF3B0] =	vst v35;
	v62 =	vsub.f32 v51, v19;
	v20 =	vmul.f32 v63, v56;
	v63 =	vmul.f32 v34, v14  }
0x13d: {  	s17 =	sand.u32 $0xFC0, s12;
	[tilespmem:s2+$0x93B0] =	vst v57;
	v37 =	vadd.f32 v37, v59;
	v34 =	vmul.f32 v32, v15;
	v32 =	vmul.f32 v0, v60  }
0x13e: {  	[tilespmem:s17+$0x7380] =	vst v31;
	v35 =	vmul.f32 v15, v58;
	v16 =	vmul.f32 v16, v36;
	v36 =	vadd.f32 v42, v43  }
0x13f: {  	s14 =	simm.s32 $0x0;
	s16 =	simm.s32 $0x100;
	s13 =	sshll.u32 s5, $0xD;
	v31 =	vmul.f32 v14, v61;
	v14 =	vmul.f32 v15, v62;
	[tilespmem:s17+$0x5380] =	vst v37;
	v37 =	vadd.f32 v44, v63  }
.LBB2_5:
0x140: {  	s18 =	sshra.s32 s16, $0x2;
	v9 =	vmul.f32 v27, v9;
	[tilespmem:s2+$0x5390] =	vst v36;
	v15 =	vadd.f32 v29, v35;
	v0 =	vmul.f32 v0, v30  }
0x141: {  	s14 =	sadd.s32 $0x4, s14;
	v8 =	vmul.f32 v27, v8;
	v12 =	vmul.f32 v27, v12;
	v28 =	vadd.f32 v28, v34;
	v29 =	vld [tilespmem:s18+$0x13B0];
	[tilespmem:s2+$0x7390] =	vst v37  }
0x142: {  	v7 =	vmul.f32 v26, v7;
	p3 =	slt.u32 s14, $0xFC;
	v30 =	vld [tilespmem:s18+$0x1380];
	[tilespmem:s17+$0x9380] =	vst v9;
	v9 =	vmul.f32 v27, v18;
	v18 =	vadd.f32 v22, v32  }
0x143: {  	v6 =	vmul.f32 v26, v6;
	v22 =	vld [tilespmem:s18+$0x1390];
	[tilespmem:s17+$0xB380] =	vst v8;
	v8 =	vmul.f32 v26, v11;
	v11 =	vadd.f32 v23, v33  }
0x144: {  	v16 =	vadd.f32 v25, v16;
	v5 =	vmul.f32 v20, v5;
	v23 =	vld [tilespmem:s18+$0x13A0];
	[tilespmem:s17+$0xD380] =	vst v12;
	v12 =	vmul.f32 v26, v17  }
0x145: {  	v4 =	vmul.f32 v20, v4;
	v10 =	vmul.f32 v20, v10;
	[tilespmem:s17+$0xF380] =	vst v9;
	v9 =	vadd.f32 v24, v31  }
0x146: {  	v13 =	vmul.f32 v20, v13;
	v17 =	vmul.f32 $9.900000000e+01, v29;
	[tilespmem:s2+$0x9390] =	vst v7;
	v7 =	vadd.f32 v19, v14  }
0x147: {  	v2 =	vmul.f32 v3, v2;
	v0 =	vadd.f32 v21, v0;
	v14 =	vmul.f32 $9.900000000e+01, v30;
	[tilespmem:s2+$0xB390] =	vst v6  }
0x148: {  	v6 =	vmul.f32 $9.900000000e+01, v22;
	v19 =	vtrunc.f32 v17;
	[tilespmem:s2+$0xD390] =	vst v8  }
0x149: {  	v8 =	vmul.f32 $9.900000000e+01, v23;
	v19 =	vcvt.f32.s32 v19;
	[tilespmem:s2+$0xF390] =	vst v12  }
0x14a: {  	v12 =	vtrunc.f32 v14;
	v20 =	vtrunc.f32 v6;
	[tilespmem:s2+$0x93A0] =	vst v5  }
0x14b: {  	v5 =	vcvt.f32.s32 v12;
	v12 =	vtrunc.f32 v8;
	vm0 =	vgt.s32 v19, $0x0;
	[tilespmem:s2+$0xB3A0] =	vst v4  }
0x14c: {  	v20 =	vcvt.f32.s32 v20;
	v12 =	vcvt.f32.s32 v12;
	v4 =	vnsel vm0, $0x0, v19;
	[tilespmem:s2+$0xD3A0] =	vst v10  }
0x14d: {  	v1 =	vmul.f32 v3, v1;
	vm0 =	vgt.s32 v5, $0x0;
	v10 =	vmin.u32 v4, $0x62;
	[tilespmem:s2+$0xF3A0] =	vst v13  }
0x14e: {  	vm1 =	vgt.s32 v20, $0x0;
	vm2 =	vgt.s32 v12, $0x0;
	v4 =	vshll.u32 v10, $0x3;
	[tilespmem:s2+$0xB3B0] =	vst v2  }
0x14f: {  	v2 =	vnsel vm0, $0x0, v5;
	v3 =	vnsel vm1, $0x0, v20;
	v5 =	vor.u32 $0x3, v4;
	[tilespmem:s2+$0xD3B0] =	vst v1  }
0x150: {  	v1 =	vmin.u32 v2, $0x62;
	v2 =	vnsel vm2, $0x0, v12;
	v12 =	vor.u32 $0x4, v4;
	[tilespmem:s2+$0x53A0] =	vst v15  }
0x151: {  	v3 =	vmin.u32 v3, $0x62;
	v2 =	vmin.u32 v2, $0x62;
	v15 =	vor.u32 $0x6, v4;
	[tilespmem:s2+$0x73A0] =	vst v28  }
0x152: {  	v20 =	vor.u32 $0x5, v4;
	v21 =	vshll.u32 v1, $0x3;
	v13 =	vshll.u32 v3, $0x3;
	[tilespmem:s2+$0x53B0] =	vst v18  }
0x153: {  	v22 =	vor.u32 $0x4, v21;
	v19 =	vshll.u32 v2, $0x3;
	v18 =	vor.u32 $0x3, v21;
	[tilespmem:s2+$0x73B0] =	vst v11  }
0x154: {  	v23 =	vor.u32 $0x4, v13;
	v24 =	vor.u32 $0x3, v19;
	v11 =	vor.u32 $0x3, v13;
	v5 =	vld.idx.msk [tilespmem:v5+s4+$0x0], $0xffff;
	[tilespmem:s17+$0x3380] =	vst v16  }
0x155: {  	v25 =	vor.u32 $0x5, v21;
	v26 =	vor.u32 $0x5, v13;
	v27 =	vor.u32 $0x4, v19;
	v12 =	vld.idx.msk [tilespmem:v12+s4+$0x0], $0xffff;
	[tilespmem:s2+$0x3390] =	vst v9  }
0x156: {  	v28 =	vor.u32 $0x6, v13;
	v29 =	vor.u32 $0x5, v19;
	v9 =	vor.u32 $0x6, v21;
	v30 =	vld.idx.msk [tilespmem:v15+s4+$0x0], $0xffff;
	[tilespmem:s2+$0x33A0] =	vst v7  }
0x157: {  	v1 =	vcvt.s32.f32 v1;
	v3 =	vcvt.s32.f32 v3;
	v7 =	vor.u32 $0x6, v19;
	v20 =	vld.idx.msk [tilespmem:v20+s4+$0x0], $0xffff;
	[tilespmem:s2+$0x33B0] =	vst v0;
	s2 =	smov.u32 s18  }
0x158: {  	v31 =	vor.u32 $0x1, v21;
	v0 =	vcvt.s32.f32 v2;
	v2 =	vcvt.s32.f32 v10;
	v18 =	vld.idx.msk [tilespmem:v18+s4+$0x0], $0xffff  }
0x159: {  	v16 =	vsub.f32 v14, v1;
	v14 =	vsub.f32 v6, v3;
	v10 =	vor.u32 $0x2, v21;
	v1 =	vld.idx.msk [tilespmem:v22+s4+$0x0], $0xffff  }
0x15a: {  	v15 =	vsub.f32 v8, v0;
	v0 =	vsub.f32 v17, v2;
	v2 =	vshll.u32 v5, $0x10;
	v3 =	vld.idx.msk [tilespmem:v11+s4+$0x0], $0xffff  }
0x15b: {  	v5 =	vand.u32 $0xFFFF0000, v5;
	v8 =	vshll.u32 v12, $0x10;
	v11 =	vand.u32 $0xFFFF0000, v12;
	v6 =	vld.idx.msk [tilespmem:v23+s4+$0x0], $0xffff  }
0x15c: {  	v5 =	vsub.f32 v5, v2;
	v11 =	vsub.f32 v11, v8;
	v17 =	vshll.u32 v30, $0x10;
	v12 =	vld.idx.msk [tilespmem:v24+s4+$0x0], $0xffff  }
0x15d: {  	v23 =	vand.u32 $0xFFFF0000, v30;
	v22 =	vshll.u32 v20, $0x10;
	v20 =	vand.u32 $0xFFFF0000, v20;
	v24 =	vld.idx.msk [tilespmem:v27+s4+$0x0], $0xffff  }
0x15e: {  	v5 =	vmul.f32 v5, v0;
	v11 =	vmul.f32 v11, v0;
	v27 =	vsub.f32 v20, v22;
	v25 =	vld.idx.msk [tilespmem:v25+s4+$0x0], $0xffff  }
0x15f: {  	v23 =	vsub.f32 v23, v17;
	v30 =	vshll.u32 v18, $0x10;
	v18 =	vand.u32 $0xFFFF0000, v18;
	v32 =	vld.idx.msk [tilespmem:v26+s4+$0x0], $0xffff  }
0x160: {  	v20 =	vadd.f32 v2, v5;
	v2 =	vadd.f32 v8, v11;
	v5 =	vmul.f32 v27, v0;
	v29 =	vld.idx.msk [tilespmem:v29+s4+$0x0], $0xffff  }
0x161: {  	v11 =	vshll.u32 v1, $0x10;
	v26 =	vmul.f32 v23, v0;
	v8 =	vld.idx.msk [tilespmem:v9+s4+$0x0], $0xffff;
	v9 =	vand.u32 $0xFFFF0000, v1  }
0x162: {  	v1 =	vadd.f32 v22, v5;
	v5 =	vmul.f32 v20, v20;
	v22 =	vmul.f32 v2, v2;
	v28 =	vld.idx.msk [tilespmem:v28+s4+$0x0], $0xffff  }
0x163: {  	v33 =	vshll.u32 v3, $0x10;
	v3 =	vand.u32 $0xFFFF0000, v3;
	v34 =	vshll.u32 v6, $0x10;
	v7 =	vld.idx.msk [tilespmem:v7+s4+$0x0], $0xffff  }
0x164: {  	v17 =	vadd.f32 v17, v26;
	v5 =	vadd.f32 v22, v5;
	v26 =	vmul.f32 v1, v1;
	v23 =	vld.idx.msk [tilespmem:v31+s4+$0x0], $0xffff  }
0x165: {  	v6 =	vand.u32 $0xFFFF0000, v6;
	v22 =	vld.idx.msk [tilespmem:v10+s4+$0x0], $0xffff;
	v10 =	vshll.u32 v12, $0x10;
	v12 =	vand.u32 $0xFFFF0000, v12  }
0x166: {  	v35 =	vmul.f32 v17, v17;
	v31 =	vshll.u32 v24, $0x10;
	v5 =	vadd.f32 v26, v5;
	v21 =	vld.idx.msk [tilespmem:v21+s4+$0x0], $0xffff  }
0x167: {  	v18 =	vsub.f32 v18, v30;
	v9 =	vsub.f32 v9, v11;
	v24 =	vand.u32 $0xFFFF0000, v24;
	v26 =	vld.idx.msk [tilespmem:v13+s4+$0x0], $0xffff  }
0x168: {  	v3 =	vsub.f32 v3, v33;
	v36 =	vshll.u32 v25, $0x10;
	v5 =	vadd.f32 v35, v5;
	v27 =	vld.idx.msk [tilespmem:v19+s4+$0x0], $0xffff  }
0x169: {  	v6 =	vsub.f32 v6, v34;
	v25 =	vand.u32 $0xFFFF0000, v25;
	v12 =	vsub.f32 v12, v10  }
0x16a: {  	v24 =	vsub.f32 v24, v31;
	v35 =	vshll.u32 v32, $0x10;
	v5 =	vmax.f32 v5, $1.000000020e-24  }
0x16b: {  	v32 =	vand.u32 $0xFFFF0000, v32;
	v37 =	vshrl.u32 v5, $0x1;
	v5 =	vmul.f32 $5.000000000e-01, v5  }
0x16c: {  	v38 =	vshll.u32 v29, $0x10;
	v29 =	vand.u32 $0xFFFF0000, v29;
	v37 =	vsub.s32 $0x5F3759DF, v37  }
0x16d: {  	v18 =	vmul.f32 v18, v16;
	v25 =	vsub.f32 v25, v36;
	v5 =	vmul.f32 v37, v5  }
0x16e: {  	v40 =	vmul.f32 v3, v14;
	v39 =	vmul.f32 v9, v16;
	v32 =	vsub.f32 v32, v35  }
0x16f: {  	v6 =	vmul.f32 v6, v14;
	v29 =	vsub.f32 v29, v38;
	v3 =	vmul.f32 v37, v5  }
0x170: {  	v41 =	vshll.u32 v8, $0x10;
	v5 =	vmul.f32 v12, v15;
	v12 =	vmul.f32 v24, v15  }
0x171: {  	v42 =	vor.u32 $0x1, v4;
	v24 =	vand.u32 $0xFFFF0000, v8;
	v3 =	vsub.f32 $1.500000000e+00, v3  }
0x172: {  	v44 =	vor.u32 $0x2, v4;
	v43 =	vshll.u32 v28, $0x10;
	v28 =	vand.u32 $0xFFFF0000, v28  }
0x173: {  	v45 =	vshll.u32 v7, $0x10;
	v46 =	vand.u32 $0xFFFF0000, v7;
	v3 =	vmul.f32 v37, v3  }
0x174: {  	v9 =	vadd.f32 v30, v18;
	v8 =	vadd.f32 v11, v39;
	v11 =	vmul.f32 v25, v16  }
0x175: {  	v6 =	vadd.f32 v34, v6;
	v7 =	vadd.f32 v33, v40;
	v17 =	vmul.f32 v3, v17;
	v30 =	vld.idx.msk [tilespmem:v4+s4+$0x0], $0xffff  }
0x176: {  	v18 =	vmul.f32 v32, v14;
	v5 =	vadd.f32 v10, v5;
	v4 =	vadd.f32 v31, v12;
	v25 =	vld.idx.msk [tilespmem:v42+s4+$0x0], $0xffff  }
0x177: {  	v29 =	vmul.f32 v29, v15;
	v10 =	vsub.f32 v24, v41;
	v24 =	vor.u32 $0x1, v13;
	v31 =	vld.idx.msk [tilespmem:v44+s4+$0x0], $0xffff;
	[tilespmem:s2+$0xF3B0] =	vst v17  }
0x178: {  	v28 =	vsub.f32 v28, v43;
	v32 =	vsub.f32 v46, v45;
	v17 =	vmul.f32 v9, v9  }
0x179: {  	v34 =	vmul.f32 v7, v7;
	v33 =	vmul.f32 v8, v8;
	v12 =	vadd.f32 v36, v11  }
0x17a: {  	v11 =	vadd.f32 v35, v18;
	v18 =	vmul.f32 v6, v6;
	v35 =	vmul.f32 v5, v5  }
0x17b: {  	v36 =	vmul.f32 v10, v16;
	v10 =	vadd.f32 v38, v29;
	v29 =	vmul.f32 v4, v4  }
0x17c: {  	v33 =	vadd.f32 v33, v17;
	v17 =	vmul.f32 v28, v14;
	v28 =	vmul.f32 v32, v15;
	v24 =	vld.idx.msk [tilespmem:v24+s4+$0x0], $0xffff  }
0x17d: {  	v34 =	vadd.f32 v18, v34;
	v32 =	vmul.f32 v12, v12;
	v29 =	vadd.f32 v29, v35  }
0x17e: {  	v18 =	vadd.f32 v41, v36;
	v36 =	vmul.f32 v10, v10;
	v35 =	vmul.f32 v11, v11  }
0x17f: {  	v37 =	vor.u32 $0x2, v13;
	v17 =	vadd.f32 v43, v17;
	v13 =	vadd.f32 v45, v28  }
0x180: {  	v28 =	vadd.f32 v32, v33;
	v32 =	vmul.f32 v18, v18;
	v33 =	vadd.f32 v35, v34  }
0x181: {  	v29 =	vadd.f32 v36, v29;
	v34 =	vmul.f32 v17, v17;
	v35 =	vmul.f32 v13, v13  }
0x182: {  	v28 =	vadd.f32 v32, v28;
	v32 =	vor.u32 $0x1, v19;
	v19 =	vor.u32 $0x2, v19  }
0x183: {  	v36 =	vshll.u32 v23, $0x10;
	v33 =	vadd.f32 v34, v33;
	v29 =	vadd.f32 v35, v29  }
0x184: {  	v38 =	vshll.u32 v22, $0x10;
	v34 =	vand.u32 $0xFFFF0000, v23;
	v23 =	vmax.f32 v28, $1.000000020e-24;
	v28 =	vld.idx.msk [tilespmem:v37+s4+$0x0], $0xffff  }
0x185: {  	v35 =	vshrl.u32 v23, $0x1;
	v33 =	vmax.f32 v33, $1.000000020e-24;
	v29 =	vmax.f32 v29, $1.000000020e-24  }
0x186: {  	v23 =	vmul.f32 $5.000000000e-01, v23;
	v37 =	vshrl.u32 v33, $0x1;
	v33 =	vmul.f32 $5.000000000e-01, v33  }
0x187: {  	v35 =	vsub.s32 $0x5F3759DF, v35;
	v39 =	vshrl.u32 v29, $0x1;
	v29 =	vmul.f32 $5.000000000e-01, v29;
	v32 =	vld.idx.msk [tilespmem:v32+s4+$0x0], $0xffff  }
0x188: {  	v23 =	vmul.f32 v35, v23;
	v39 =	vsub.s32 $0x5F3759DF, v39;
	v37 =	vsub.s32 $0x5F3759DF, v37;
	v19 =	vld.idx.msk [tilespmem:v19+s4+$0x0], $0xffff  }
0x189: {  	v40 =	vand.u32 $0xFFFF0000, v22;
	v29 =	vmul.f32 v39, v29;
	v22 =	vmul.f32 v37, v33  }
0x18a: {  	v41 =	vshll.u32 v24, $0x10;
	v42 =	vand.u32 $0xFFFF0000, v24;
	v33 =	vmul.f32 v35, v23  }
0x18b: {  	v45 =	vmul.f32 v39, v29;
	v44 =	vmul.f32 v37, v22;
	v43 =	vshll.u32 v28, $0x10  }
0x18c: {  	v47 =	vand.u32 $0xFFFF0000, v25;
	v22 =	vshll.u32 v25, $0x10;
	v46 =	vand.u32 $0xFFFF0000, v28  }
0x18d: {  	v23 =	vshll.u32 v31, $0x10;
	v29 =	vshll.u32 v32, $0x10;
	v32 =	vand.u32 $0xFFFF0000, v32  }
0x18e: {  	v31 =	vand.u32 $0xFFFF0000, v31;
	v28 =	vshll.u32 v19, $0x10;
	v48 =	vand.u32 $0xFFFF0000, v19  }
0x18f: {  	v49 =	vand.u32 $0xFFFF0000, v21;
	v24 =	vshll.u32 v26, $0x10;
	v25 =	vshll.u32 v21, $0x10  }
0x190: {  	v50 =	vand.u32 $0xFFFF0000, v26;
	v51 =	vand.u32 $0xFFFF0000, v27;
	v19 =	vshll.u32 v27, $0x10  }
0x191: {  	v26 =	vsub.f32 $1.500000000e+00, v33;
	v21 =	vshll.u32 v30, $0x10;
	v30 =	vand.u32 $0xFFFF0000, v30  }
0x192: {  	v20 =	vmul.f32 v3, v20;
	v33 =	vsub.f32 $1.500000000e+00, v44;
	v44 =	vsub.f32 $1.500000000e+00, v45  }
0x193: {  	v40 =	vsub.f32 v40, v38;
	v34 =	vsub.f32 v34, v36;
	v27 =	vmul.f32 v35, v26  }
0x194: {  	v35 =	vsub.f32 v42, v41;
	v42 =	vsub.f32 v46, v43;
	v26 =	vmul.f32 v37, v33;
	[tilespmem:s2+$0x93B0] =	vst v20  }
0x195: {  	v32 =	vsub.f32 v32, v29;
	v33 =	vsub.f32 v48, v28;
	v20 =	vmul.f32 v39, v44  }
0x196: {  	v34 =	vmul.f32 v16, v34;
	v31 =	vsub.f32 v31, v23;
	v37 =	vsub.f32 v47, v22  }
0x197: {  	v40 =	vmul.f32 v40, v16;
	v39 =	vsub.f32 v49, v25;
	v44 =	vsub.f32 v50, v24  }
.Ltmp3:
0x198: {  	v30 =	vsub.f32 v30, v21;
	v46 =	vsub.f32 v51, v19;
	v45 =	vmul.f32 v14, v35;
	(pc) =	sbr.rel @p3 .LBB2_5-.Ltmp3, $4  }
0x199: {  	s12 =	sadd.s32 $0x40, s12;
	v36 =	vadd.f32 v36, v34;
	v42 =	vmul.f32 v42, v14;
	v35 =	vmul.f32 v15, v32  }
0x19a: {  	s17 =	sand.u32 $0xFC0, s12;
	v38 =	vadd.f32 v38, v40;
	v32 =	vmul.f32 v0, v37;
	v34 =	vmul.f32 v33, v15  }
0x19b: {  	v33 =	vmul.f32 v31, v0;
	v16 =	vmul.f32 v16, v39;
	[tilespmem:s17+$0x5380] =	vst v36;
	v36 =	vadd.f32 v41, v45  }
0x19c: {  	s16 =	sadd.s32 $0x100, s16;
	v37 =	vadd.f32 v43, v42;
	v31 =	vmul.f32 v14, v44;
	v14 =	vmul.f32 v15, v46;
	[tilespmem:s17+$0x7380] =	vst v38  }
0x19d: {  	v9 =	vmul.f32 v27, v9;
	[tilespmem:s2+$0x5390] =	vst v36  }
0x19e: {  	v8 =	vmul.f32 v27, v8;
	[tilespmem:s2+$0x7390] =	vst v37  }
0x19f: {  	v12 =	vmul.f32 v27, v12;
	[tilespmem:s17+$0x9380] =	vst v9  }
0x1a0: {  	v52 =	vmul.f32 v27, v18;
	[tilespmem:s17+$0xB380] =	vst v8  }
0x1a1: {  	v7 =	vmul.f32 v26, v7;
	[tilespmem:s17+$0xD380] =	vst v12  }
0x1a2: {  	v6 =	vmul.f32 v26, v6;
	[tilespmem:s17+$0xF380] =	vst v52  }
0x1a3: {  	v53 =	vmul.f32 v26, v11;
	[tilespmem:s2+$0x9390] =	vst v7  }
0x1a4: {  	v54 =	vmul.f32 v26, v17;
	[tilespmem:s2+$0xB390] =	vst v6  }
0x1a5: {  	v5 =	vmul.f32 v20, v5;
	[tilespmem:s2+$0xD390] =	vst v53  }
0x1a6: {  	v4 =	vmul.f32 v20, v4;
	[tilespmem:s2+$0xF390] =	vst v54  }
0x1a7: {  	v55 =	vmul.f32 v20, v10;
	[tilespmem:s2+$0x93A0] =	vst v5  }
0x1a8: {  	v56 =	vmul.f32 v20, v13;
	[tilespmem:s2+$0xB3A0] =	vst v4  }
0x1a9: {  	v2 =	vmul.f32 v3, v2;
	[tilespmem:s2+$0xD3A0] =	vst v55  }
0x1aa: {  	v1 =	vmul.f32 v3, v1;
	[tilespmem:s2+$0xF3A0] =	vst v56  }
0x1ab: {  	v57 =	vadd.f32 v29, v35;
	[tilespmem:s2+$0xB3B0] =	vst v2  }
0x1ac: {  	v58 =	vadd.f32 v28, v34;
	[tilespmem:s2+$0xD3B0] =	vst v1  }
0x1ad: {  	v59 =	vadd.f32 v22, v32;
	[tilespmem:s2+$0x53A0] =	vst v57  }
0x1ae: {  	v60 =	vadd.f32 v23, v33;
	[tilespmem:s2+$0x73A0] =	vst v58  }
0x1af: {  	v61 =	vadd.f32 v25, v16;
	[tilespmem:s2+$0x53B0] =	vst v59  }
0x1b0: {  	v0 =	vmul.f32 v0, v30;
	v62 =	vadd.f32 v24, v31;
	[tilespmem:s2+$0x73B0] =	vst v60  }
0x1b1: {  	v63 =	vadd.f32 v19, v14;
	[tilespmem:s17+$0x3380] =	vst v61  }
0x1b2: {  	p3 =	seq.s32 s5, $0x0;
	v0 =	vadd.f32 v21, v0;
	[tilespmem:s2+$0x3390] =	vst v62  }
0x1b3: {  	p3 =	por !p3, !p0;
	[tilespmem:s2+$0x33A0] =	vst v63  }
0x1b4: {  	s15 =	sadd.s32 s15, s10;
	p3 =	por !p3, !p3;
	[tilespmem:s2+$0x33B0] =	vst v0;
	s2 =	simm.s32 $0x1  }
0x1b5: {  	[tilespmem:s22], [sflag:$0x2] =	stream.linear.gather [hbm4b:s15+s4], $0x1000, $0x38;
	[tilespmem:$0x1E380] =	vst v63  }
0x1b6: {  	s12 =	sshll.u32 s5, $0xA;
	s16 =	sshrl.u32 s5, $0x1;
	s2 =	simm.s32 @!p3 $0x0  }
0x1b7: {  	s12 =	sadd.s32 s3, s12;
	s17 =	sshrl.u32 s13, $0x3;
	s2 =	ssub.s32 s16, s2  }
0x1b8: {  	[hbm4b:s12+s4] =	stream.linear.scatter [tilespmem:s25], [sflag:$0x3], $0x2000, $0x38;
	[tilespmem:$0x1E380] =	vst v63  }
0x1b9: {  	s5 =	sadd.s32 s3, s17;
	s18 =	sshll.u32 s2, $0xE  }
0x1ba: {  	s14 =	sadd.s32 $0x64000, s5;
	s2 =	sshll.u32 s2, $0x10;
	s12 =	ssub.s32 s13, s18  }
0x1bb: {  	[hbm4b:s14+s4] =	stream.linear.scatter [tilespmem:s26], [sflag:$0x3], $0x2000, $0x38;
	[tilespmem:$0x1E380] =	vst v63  }
0x1bc: {  	s2 =	sadd.s32 s2, s12  }
0x1bd: {  	s5 =	sadd.s32 $0xC8000, s5;
	s15 =	sshrl.u32 s2, $0x3;
	s12 =	sadd.s32 $0x4000, s2  }
0x1be: {  	[hbm4b:s5+s4] =	stream.linear.scatter [tilespmem:s28], [sflag:$0x3], $0x2000, $0x38;
	[tilespmem:$0x1E380] =	vst v63  }
0x1bf: {  	s17 =	sadd.s32 $0x8000, s2;
	s5 =	sadd.s32 s6, s15;
	s16 =	sshrl.u32 s12, $0x3  }
0x1c0: {  	[hbm4b:s5+s4] =	stream.linear.scatter [tilespmem:s29], [sflag:$0x3], $0x2000, $0x38;
	[tilespmem:$0x1E380] =	vst v63  }
0x1c1: {  	s2 =	sadd.s32 $0xC000, s2;
	s18 =	sshrl.u32 s17, $0x3;
	s5 =	sadd.s32 s6, s16  }
0x1c2: {  	[hbm4b:s5+s4] =	stream.linear.scatter [tilespmem:s30], [sflag:$0x3], $0x2000, $0x38;
	[tilespmem:$0x1E380] =	vst v63  }
0x1c3: {  	s2 =	sshrl.u32 s2, $0x3;
	s5 =	sadd.s32 s6, s18  }
0x1c4: {  	[hbm4b:s5+s4] =	stream.linear.scatter [tilespmem:s31], [sflag:$0x3], $0x2000, $0x38;
	[tilespmem:$0x1E380] =	vst v63  }
0x1c5: {  	s2 =	sadd.s32 s6, s2  }
0x1c6: {  	[hbm4b:s2+s4] =	stream.linear.scatter [tilespmem:s0], [sflag:$0x3], $0x2000, $0x38;
	[tilespmem:$0x1E380] =	vst v63  }
0x1c7: {  	s2 =	simm.s32 @!p2 $0x4  }
0x1c8: {  	_ =	swait.ge @!p2 [sflag:s2], $0x2000  }
0x1c9: {  	[sflag:s2] =	ssyncset.done @!p2 $0x0  }
0x1ca: {  	[sflag:s2] =	ssyncadd.s32 @!p2 $0xFFFFE000  }
0x1cb: {  	_ =	swait.ge @!p2 [sflag:s2], $0x2000  }
0x1cc: {  	[sflag:s2] =	ssyncset.done @!p2 $0x0  }
0x1cd: {  	[sflag:s2] =	ssyncadd.s32 @!p2 $0xFFFFE000  }
0x1ce: {  	_ =	swait.ge @!p2 [sflag:s2], $0x2000  }
0x1cf: {  	[sflag:s2] =	ssyncset.done @!p2 $0x0  }
0x1d0: {  	[sflag:s2] =	ssyncadd.s32 @!p2 $0xFFFFE000  }
0x1d1: {  	_ =	swait.ge @!p2 [sflag:s2], $0x2000  }
0x1d2: {  	[sflag:s2] =	ssyncset.done @!p2 $0x0  }
0x1d3: {  	[sflag:s2] =	ssyncadd.s32 @!p2 $0xFFFFE000  }
0x1d4: {  	_ =	swait.ge @!p2 [sflag:s2], $0x2000  }
0x1d5: {  	[sflag:s2] =	ssyncset.done @!p2 $0x0  }
0x1d6: {  	[sflag:s2] =	ssyncadd.s32 @!p2 $0xFFFFE000  }
0x1d7: {  	_ =	swait.ge @!p2 [sflag:s2], $0x2000  }
0x1d8: {  	[sflag:s2] =	ssyncset.done @!p2 $0x0  }
0x1d9: {  	[sflag:s2] =	ssyncadd.s32 @!p2 $0xFFFFE000  }
0x1da: {  	_ =	swait.ge @!p2 [sflag:s2], $0x2000  }
0x1db: {  	[sflag:s2] =	ssyncset.done @!p2 $0x0  }
0x1dc: {  	[sflag:s2] =	ssyncadd.s32 @!p2 $0xFFFFE000  }
0x1dd: {  	_ =	swait.ge [sflag:s23], $0x1000  }
0x1de: {  	s12 =	simm.s32 $0x0;
	[sflag:s23] =	ssyncset.done $0x0  }
0x1df: {  	s5 =	simm.s32 $0x0;
	s2 =	simm.s32 $0xFFFFFFFC;
	[sflag:s23] =	ssyncadd.s32 $0xFFFFF000  }
.LBB2_7:
0x1e0: {  	s13 =	sshra.s32 s12, $0x2  }
0x1e1: {  	v0 =	vld [tilespmem:s13+$0x380];
	_ =	sdelay $0x4  }
0x1e2: {  	v0 =	vmul.f32 $9.900000000e+01, v0;
	_ =	sdelay $0x1  }
0x1e3: {  	v1 =	vtrunc.f32 v0  }
0x1e4: {  	v1 =	vcvt.f32.s32 v1;
	_ =	sdelay $0x1  }
0x1e5: {  	vm0 =	vgt.s32 v1, $0x0  }
0x1e6: {  	v1 =	vnsel vm0, $0x0, v1  }
0x1e7: {  	v1 =	vmin.u32 v1, $0x62  }
0x1e8: {  	v2 =	vshll.u32 v1, $0x3  }
0x1e9: {  	v3 =	vor.u32 $0x3, v2  }
0x1ea: {  	v5 =	vor.u32 $0x5, v2  }
0x1eb: {  	v10 =	vld [tilespmem:s13+$0x390];
	v4 =	vor.u32 $0x4, v2  }
0x1ec: {  	v6 =	vor.u32 $0x6, v2  }
0x1ed: {  	v24 =	vor.u32 $0x1, v2;
	v28 =	vor.u32 $0x2, v2;
	v2 =	vld.idx.msk [tilespmem:v2+s4+$0x0], $0xffff  }
0x1ee: {  	v3 =	vld.idx.msk [tilespmem:v3+s4+$0x0], $0xffff  }
0x1ef: {  	v5 =	vld.idx.msk [tilespmem:v5+s4+$0x0], $0xffff  }
0x1f0: {  	v27 =	vmul.f32 $9.900000000e+01, v10;
	v1 =	vcvt.s32.f32 v1;
	v4 =	vld.idx.msk [tilespmem:v4+s4+$0x0], $0xffff  }
0x1f1: {  	v19 =	vld.idx.msk [tilespmem:v6+s4+$0x0], $0xffff  }
0x1f2: {  	v30 =	vtrunc.f32 v27;
	v0 =	vsub.f32 v0, v1  }
0x1f3: {  	v31 =	vld.idx.msk [tilespmem:v24+s4+$0x0], $0xffff;
	v34 =	vshll.u32 v2, $0x10;
	v2 =	vand.u32 $0xFFFF0000, v2;
	v20 =	vshll.u32 v3, $0x10  }
0x1f4: {  	v3 =	vand.u32 $0xFFFF0000, v3;
	v8 =	vshll.u32 v5, $0x10;
	v5 =	vand.u32 $0xFFFF0000, v5  }
0x1f5: {  	v7 =	vshll.u32 v4, $0x10;
	v4 =	vand.u32 $0xFFFF0000, v4;
	v5 =	vsub.f32 v5, v8  }
0x1f6: {  	v9 =	vshll.u32 v19, $0x10;
	v3 =	vsub.f32 v3, v20;
	v4 =	vsub.f32 v4, v7  }
0x1f7: {  	v1 =	vand.u32 $0xFFFF0000, v19;
	v2 =	vsub.f32 v2, v34;
	v21 =	vmul.f32 v5, v0  }
0x1f8: {  	v15 =	vshll.u32 v31, $0x10;
	v3 =	vmul.f32 v3, v0;
	v4 =	vmul.f32 v4, v0  }
0x1f9: {  	v1 =	vsub.f32 v1, v9;
	v12 =	vadd.f32 v8, v21;
	v8 =	vcvt.f32.s32 v30  }
0x1fa: {  	v2 =	vmul.f32 v0, v2;
	v11 =	vadd.f32 v20, v3;
	v4 =	vadd.f32 v7, v4  }
0x1fb: {  	v1 =	vmul.f32 v1, v0;
	v7 =	vld.idx.msk [tilespmem:v28+s4+$0x0], $0xffff;
	v3 =	vand.u32 $0xFFFF0000, v31;
	vm13 =	vgt.s32 v8, $0x0  }
0x1fc: {  	v22 =	vmul.f32 v11, v11;
	v23 =	vmul.f32 v4, v4;
	v32 =	vnsel vm13, $0x0, v8  }
0x1fd: {  	v9 =	vadd.f32 v9, v1;
	v21 =	vld [tilespmem:s13+$0x3A0];
	v3 =	vsub.f32 v3, v15;
	v6 =	vmin.u32 v32, $0x62  }
0x1fe: {  	v26 =	vmul.f32 v12, v12;
	v25 =	vadd.f32 v23, v22;
	v13 =	vshll.u32 v6, $0x3  }
0x1ff: {  	v29 =	vmul.f32 v9, v9;
	v3 =	vmul.f32 v0, v3;
	v14 =	vor.u32 $0x3, v13  }
0x200: {  	v17 =	vshll.u32 v7, $0x10;
	v1 =	vadd.f32 v26, v25;
	v16 =	vor.u32 $0x4, v13  }
0x201: {  	v7 =	vand.u32 $0xFFFF0000, v7;
	v36 =	vcvt.s32.f32 v6;
	v19 =	vor.u32 $0x5, v13;
	v26 =	vld [tilespmem:s13+$0x3B0]  }
0x202: {  	v6 =	vadd.f32 v15, v3;
	v45 =	vmul.f32 $9.900000000e+01, v21;
	v1 =	vadd.f32 v29, v1  }
0x203: {  	v7 =	vsub.f32 v7, v17;
	v35 =	vor.u32 $0x6, v13;
	v39 =	vor.u32 $0x1, v13;
	v18 =	vld.idx.msk [tilespmem:v13+s4+$0x0], $0xffff  }
0x204: {  	v38 =	vsub.f32 v27, v36;
	v47 =	vtrunc.f32 v45;
	v1 =	vmax.f32 v1, $1.000000020e-24;
	v14 =	vld.idx.msk [tilespmem:v14+s4+$0x0], $0xffff  }
0x205: {  	v0 =	vmul.f32 v7, v0;
	v33 =	vshrl.u32 v1, $0x1;
	v1 =	vmul.f32 $5.000000000e-01, v1;
	v37 =	vld.idx.msk [tilespmem:v16+s4+$0x0], $0xffff  }
0x206: {  	v7 =	vadd.f32 v34, v2;
	v40 =	vld.idx.msk [tilespmem:v19+s4+$0x0], $0xffff;
	v19 =	vcvt.f32.s32 v47;
	v62 =	vmul.f32 $9.900000000e+01, v26  }
0x207: {  	v3 =	vadd.f32 v17, v0;
	v13 =	vor.u32 $0x2, v13;
	v8 =	vsub.s32 $0x5F3759DF, v33  }
0x208: {  	v22 =	vld.idx.msk [tilespmem:v39+s4+$0x0], $0xffff;
	v1 =	vmul.f32 v8, v1;
	vm14 =	vgt.s32 v19, $0x0;
	v34 =	vtrunc.f32 v62  }
0x209: {  	v19 =	vnsel vm14, $0x0, v19;
	v41 =	vshll.u32 v18, $0x10;
	v42 =	vand.u32 $0xFFFF0000, v18  }
0x20a: {  	v1 =	vmul.f32 v8, v1;
	v50 =	vmin.u32 v19, $0x62;
	v43 =	vsub.f32 v42, v41  }
0x20b: {  	v44 =	vshll.u32 v14, $0x10;
	v14 =	vand.u32 $0xFFFF0000, v14;
	v46 =	vshll.u32 v37, $0x10  }
0x20c: {  	v10 =	vand.u32 $0xFFFF0000, v37;
	v48 =	vshll.u32 v40, $0x10;
	v51 =	vshll.u32 v50, $0x3  }
0x20d: {  	v13 =	vld.idx.msk [tilespmem:v13+s4+$0x0], $0xffff;
	v24 =	vshll.u32 v22, $0x10;
	v22 =	vand.u32 $0xFFFF0000, v22;
	v1 =	vsub.f32 $1.500000000e+00, v1  }
0x20e: {  	v14 =	vsub.f32 v14, v44;
	v10 =	vsub.f32 v10, v46;
	v54 =	vor.u32 $0x3, v51  }
0x20f: {  	v25 =	vor.u32 $0x4, v51;
	v22 =	vsub.f32 v22, v24;
	v16 =	vmul.f32 v38, v43  }
0x210: {  	v59 =	vor.u32 $0x5, v51;
	v20 =	vmul.f32 v8, v1;
	v14 =	vmul.f32 v14, v38  }
0x211: {  	v61 =	vor.u32 $0x6, v51;
	v10 =	vmul.f32 v10, v38;
	v57 =	vmul.f32 v38, v22  }
0x212: {  	v15 =	vadd.f32 v41, v16;
	v63 =	vshll.u32 v13, $0x10;
	v13 =	vand.u32 $0xFFFF0000, v13  }
0x213: {  	v41 =	vor.u32 $0x1, v51;
	v1 =	vmul.f32 v20, v11;
	v0 =	vmul.f32 v20, v4  }
0x214: {  	v8 =	vld.idx.msk [tilespmem:v35+s4+$0x0], $0xffff;
	v4 =	vand.u32 $0xFFFF0000, v40;
	v5 =	vadd.f32 v44, v14;
	v2 =	vadd.f32 v46, v10  }
0x215: {  	v12 =	vmul.f32 v20, v12;
	v9 =	vmul.f32 v20, v9;
	v16 =	vadd.f32 v24, v57  }
0x216: {  	v10 =	vcvt.s32.f32 v50;
	v13 =	vsub.f32 v13, v63;
	v32 =	vld.idx.msk [tilespmem:v51+s4+$0x0], $0xffff;
	v14 =	vor.u32 $0x2, v51  }
0x217: {  	v4 =	vsub.f32 v4, v48;
	v60 =	vld.idx.msk [tilespmem:v25+s4+$0x0], $0xffff;
	v25 =	vcvt.f32.s32 v34;
	v52 =	vmul.f32 v5, v5  }
0x218: {  	v58 =	vld.idx.msk [tilespmem:v54+s4+$0x0], $0xffff;
	v53 =	vmul.f32 v2, v2;
	v10 =	vsub.f32 v45, v10;
	v11 =	vmul.f32 v13, v38  }
0x219: {  	v36 =	vld.idx.msk [tilespmem:v59+s4+$0x0], $0xffff;
	v23 =	vshll.u32 v8, $0x10;
	v49 =	vand.u32 $0xFFFF0000, v8;
	v4 =	vmul.f32 v4, v38  }
0x21a: {  	v22 =	vld.idx.msk [tilespmem:v61+s4+$0x0], $0xffff;
	vm15 =	vgt.s32 v25, $0x0;
	v8 =	vsub.f32 v49, v23;
	v18 =	vadd.f32 v53, v52  }
0x21b: {  	v25 =	vnsel vm15, $0x0, v25;
	v11 =	vadd.f32 v63, v11;
	v4 =	vadd.f32 v48, v4  }
0x21c: {  	v25 =	vmin.u32 v25, $0x62;
	v50 =	vshll.u32 v32, $0x10;
	v32 =	vand.u32 $0xFFFF0000, v32  }
0x21d: {  	v8 =	vmul.f32 v8, v38;
	v37 =	vshll.u32 v58, $0x10;
	v20 =	vand.u32 $0xFFFF0000, v58  }
0x21e: {  	v27 =	vshll.u32 v60, $0x10;
	v19 =	vand.u32 $0xFFFF0000, v60;
	v26 =	vshll.u32 v25, $0x3  }
0x21f: {  	v28 =	vshll.u32 v36, $0x10;
	v17 =	vand.u32 $0xFFFF0000, v36;
	v30 =	vshll.u32 v22, $0x10  }
0x220: {  	v22 =	vand.u32 $0xFFFF0000, v22;
	v45 =	vcvt.s32.f32 v25;
	v51 =	vsub.f32 v32, v50  }
0x221: {  	v46 =	vld.idx.msk [tilespmem:v41+s4+$0x0], $0xffff;
	v55 =	vmul.f32 v4, v4;
	v20 =	vsub.f32 v20, v37;
	v19 =	vsub.f32 v19, v27  }
0x222: {  	v29 =	vor.u32 $0x3, v26;
	v17 =	vsub.f32 v17, v28;
	v39 =	vsub.f32 v22, v30  }
0x223: {  	v40 =	vor.u32 $0x4, v26;
	v43 =	vor.u32 $0x5, v26;
	v33 =	vor.u32 $0x6, v26  }
0x224: {  	v14 =	vld.idx.msk [tilespmem:v14+s4+$0x0], $0xffff;
	v8 =	vadd.f32 v23, v8;
	v23 =	vsub.f32 v62, v45;
	v20 =	vmul.f32 v20, v10  }
0x225: {  	v18 =	vadd.f32 v55, v18;
	v19 =	vmul.f32 v19, v10;
	v17 =	vmul.f32 v17, v10  }
0x226: {  	v21 =	vmul.f32 v39, v10;
	v54 =	vshll.u32 v46, $0x10;
	v25 =	vand.u32 $0xFFFF0000, v46  }
0x227: {  	v56 =	vmul.f32 v8, v8;
	v25 =	vsub.f32 v25, v54;
	v20 =	vadd.f32 v37, v20  }
0x228: {  	v19 =	vadd.f32 v27, v19;
	v17 =	vadd.f32 v28, v17;
	v29 =	vld.idx.msk [tilespmem:v29+s4+$0x0], $0xffff  }
0x229: {  	v58 =	vshll.u32 v14, $0x10;
	v21 =	vadd.f32 v30, v21;
	v18 =	vadd.f32 v56, v18;
	v22 =	vld.idx.msk [tilespmem:v40+s4+$0x0], $0xffff  }
0x22a: {  	v37 =	vor.u32 $0x1, v26;
	v30 =	vld.idx.msk [tilespmem:v43+s4+$0x0], $0xffff;
	v42 =	vmul.f32 v20, v20;
	v31 =	vmul.f32 v19, v19  }
0x22b: {  	v52 =	vld.idx.msk [tilespmem:v33+s4+$0x0], $0xffff;
	v40 =	vor.u32 $0x2, v26;
	v44 =	vmul.f32 v17, v17;
	v18 =	vmax.f32 v18, $1.000000020e-24  }
0x22c: {  	v35 =	vshrl.u32 v18, $0x1;
	v18 =	vmul.f32 $5.000000000e-01, v18;
	v28 =	vadd.f32 v31, v42  }
0x22d: {  	v41 =	vmul.f32 v10, v25;
	v48 =	vmul.f32 v21, v21;
	v38 =	vsub.s32 $0x5F3759DF, v35  }
0x22e: {  	v18 =	vmul.f32 v38, v18;
	v47 =	vadd.f32 v44, v28;
	v49 =	vshll.u32 v29, $0x10  }
0x22f: {  	v29 =	vand.u32 $0xFFFF0000, v29;
	v53 =	vshll.u32 v22, $0x10;
	v22 =	vand.u32 $0xFFFF0000, v22  }
0x230: {  	v55 =	vshll.u32 v30, $0x10;
	v30 =	vand.u32 $0xFFFF0000, v30;
	v57 =	vshll.u32 v52, $0x10  }
0x231: {  	s14 =	sand.u32 $0xFC0, s5;
	[tilespmem:s13+$0x10380] =	vst v7;
	v28 =	vand.u32 $0xFFFF0000, v52;
	v29 =	vsub.f32 v29, v49;
	v22 =	vsub.f32 v22, v53  }
0x232: {  	[tilespmem:s14+$0x12380] =	vst v6;
	v56 =	vsub.f32 v30, v55;
	v28 =	vsub.f32 v28, v57;
	v18 =	vmul.f32 v38, v18  }
0x233: {  	v44 =	vld.idx.msk [tilespmem:v26+s4+$0x0], $0xffff;
	v27 =	vadd.f32 v48, v47;
	v29 =	vmul.f32 v29, v23;
	v22 =	vmul.f32 v22, v23  }
0x234: {  	v45 =	vld.idx.msk [tilespmem:v37+s4+$0x0], $0xffff;
	v48 =	vadd.f32 v54, v41;
	v7 =	vmul.f32 v56, v23;
	v62 =	vmul.f32 v28, v23  }
0x235: {  	[tilespmem:s14+$0x14380] =	vst v3;
	v27 =	vmax.f32 v27, $1.000000020e-24;
	v24 =	vadd.f32 v49, v29;
	v3 =	vadd.f32 v53, v22  }
0x236: {  	[tilespmem:s13+$0x10390] =	vst v15;
	v18 =	vsub.f32 $1.500000000e+00, v18;
	v59 =	vshrl.u32 v27, $0x1;
	v61 =	vmul.f32 $5.000000000e-01, v27  }
0x237: {  	[tilespmem:s14+$0x16380] =	vst v1;
	v63 =	vadd.f32 v55, v7;
	v32 =	vmul.f32 v24, v24;
	v34 =	vmul.f32 v3, v3  }
0x238: {  	[tilespmem:s13+$0x14390] =	vst v11;
	v36 =	vadd.f32 v57, v62;
	v52 =	vshll.u32 v44, $0x10;
	v11 =	vand.u32 $0xFFFF0000, v44  }
0x239: {  	[tilespmem:s14+$0x18380] =	vst v0;
	v53 =	vshll.u32 v45, $0x10;
	v39 =	vmul.f32 v63, v63;
	v7 =	vadd.f32 v34, v32  }
0x23a: {  	[tilespmem:s14+$0x1A380] =	vst v12;
	v13 =	vmul.f32 v38, v18;
	v18 =	vmul.f32 v10, v51;
	v60 =	vsub.s32 $0x5F3759DF, v59  }
0x23b: {  	[tilespmem:s14+$0x1C380] =	vst v9;
	v38 =	vand.u32 $0xFFFF0000, v14;
	v42 =	vmul.f32 v36, v36;
	v7 =	vadd.f32 v39, v7  }
0x23c: {  	v49 =	vld.idx.msk [tilespmem:v40+s4+$0x0], $0xffff;
	v35 =	vmul.f32 v60, v61;
	v9 =	vsub.f32 v38, v58;
	v5 =	vmul.f32 v13, v5  }
0x23d: {  	[tilespmem:s13+$0x12390] =	vst v16;
	v2 =	vmul.f32 v13, v2;
	v4 =	vmul.f32 v13, v4;
	v7 =	vadd.f32 v42, v7  }
0x23e: {  	[tilespmem:s13+$0x123A0] =	vst v48;
	v11 =	vsub.f32 v11, v52;
	v46 =	vmul.f32 v13, v8;
	v12 =	vmul.f32 v60, v35  }
0x23f: {  	v47 =	vadd.f32 v50, v18;
	v9 =	vmul.f32 v9, v10;
	[tilespmem:s13+$0x16390] =	vst v5;
	v7 =	vmax.f32 v7, $1.000000020e-24  }
0x240: {  	[tilespmem:s13+$0x18390] =	vst v2;
	v43 =	vsub.f32 $1.500000000e+00, v12;
	v51 =	vshrl.u32 v7, $0x1;
	v7 =	vmul.f32 $5.000000000e-01, v7  }
0x241: {  	v11 =	vmul.f32 v23, v11;
	[tilespmem:s13+$0x1A390] =	vst v4;
	v55 =	vshll.u32 v49, $0x10;
	v10 =	vsub.s32 $0x5F3759DF, v51  }
0x242: {  	[tilespmem:s13+$0x1C390] =	vst v46;
	v6 =	vadd.f32 v58, v9;
	v1 =	vmul.f32 v60, v43;
	v7 =	vmul.f32 v10, v7  }
0x243: {  	[tilespmem:s13+$0x103A0] =	vst v47;
	v12 =	vand.u32 $0xFFFF0000, v45;
	v9 =	vand.u32 $0xFFFF0000, v49;
	v58 =	vadd.f32 v52, v11  }
0x244: {  	v12 =	vsub.f32 v12, v53;
	[tilespmem:s13+$0x143A0] =	vst v6;
	v50 =	vmul.f32 v1, v20;
	v7 =	vmul.f32 v10, v7  }
0x245: {  	v9 =	vsub.f32 v9, v55;
	[tilespmem:s13+$0x103B0] =	vst v58;
	v54 =	vmul.f32 v1, v19  }
0x246: {  	v57 =	vmul.f32 v23, v12;
	v56 =	vmul.f32 v1, v17;
	[tilespmem:s13+$0x163A0] =	vst v50;
	v7 =	vsub.f32 $1.500000000e+00, v7  }
0x247: {  	v59 =	vmul.f32 v9, v23;
	v1 =	vmul.f32 v1, v21;
	[tilespmem:s13+$0x183A0] =	vst v54  }
0x248: {  	v60 =	vadd.f32 v53, v57;
	[tilespmem:s13+$0x1A3A0] =	vst v56;
	v61 =	vmul.f32 v10, v7  }
0x249: {  	s2 =	sadd.s32 $0x4, s2;
	v5 =	vadd.f32 v55, v59;
	[tilespmem:s13+$0x1C3A0] =	vst v1  }
0x24a: {  	p2 =	slt.u32 s2, $0xFC;
	[tilespmem:s13+$0x123B0] =	vst v60;
	v62 =	vmul.f32 v61, v24  }
.Ltmp4:
0x24b: {  	[tilespmem:s13+$0x143B0] =	vst v5;
	v3 =	vmul.f32 v61, v3;
	(pc) =	sbr.rel @p2 .LBB2_7-.Ltmp4, $4  }
0x24c: {  	v0 =	vmul.f32 v61, v63;
	[tilespmem:s13+$0x163B0] =	vst v62  }
0x24d: {  	v63 =	vmul.f32 v61, v36;
	[tilespmem:s13+$0x183B0] =	vst v3  }
0x24e: {  	[tilespmem:s13+$0x1A3B0] =	vst v0  }
0x24f: {  	s12 =	sadd.s32 $0x100, s12;
	s5 =	sadd.s32 $0x40, s5;
	[tilespmem:s13+$0x1C3B0] =	vst v63  }
0x250: {  	s2 =	sadd.s32 $0x2, s9  }
0x251: {  	p2 =	sge.u32 s2, s7  }
0x252: {  	s2 =	sadd.s32 @!p2 s8, s2  }
0x253: {  	s2 =	sshll.u32 @!p2 s2, $0xA  }
0x254: {  	s5 =	sand.u32 @!p2 $0x1FFFFC00, s2  }
0x255: {  	s9 =	simm.s32 @!p2 $0x0;
	s12 =	simm.s32 @!p2 $0x380;
	s2 =	sadd.s32 @!p2 s1, s5  }
0x256: {  	[tilespmem:s12], [sflag:$0x1] =	stream.linear.gather @!p2 [hbm4b:s2+s9], $0x1000, $0x38;
	[tilespmem:$0x1E380] =	vst v63  }
0x257: {  	_ =	swait.ge [sflag:s24], $0x1000  }
0x258: {  	[sflag:s24] =	ssyncset.done $0x0  }
0x259: {  	s9 =	simm.s32 $0x0;
	[sflag:s24] =	ssyncadd.s32 $0xFFFFF000  }
0x25a: {  	v0 =	vld [tilespmem:s9+$0x13B0];
	_ =	sdelay $0x1  }
0x25b: {  	v1 =	vld [tilespmem:s9+$0x1380]  }
0x25c: {  	v2 =	vld [tilespmem:s9+$0x1390]  }
0x25d: {  	v3 =	vld [tilespmem:s9+$0x13A0]  }
0x25e: {  	v0 =	vmul.f32 $9.900000000e+01, v0;
	_ =	sdelay $0x1  }
0x25f: {  	v4 =	vtrunc.f32 v0  }
0x260: {  	v1 =	vmul.f32 $9.900000000e+01, v1;
	v4 =	vcvt.f32.s32 v4  }
0x261: {  	v2 =	vmul.f32 $9.900000000e+01, v2;
	v3 =	vmul.f32 $9.900000000e+01, v3  }
0x262: {  	v5 =	vtrunc.f32 v1;
	vm0 =	vgt.s32 v4, $0x0  }
0x263: {  	v6 =	vtrunc.f32 v2;
	v7 =	vtrunc.f32 v3;
	v4 =	vnsel vm0, $0x0, v4  }
0x264: {  	v5 =	vcvt.f32.s32 v5;
	v6 =	vcvt.f32.s32 v6;
	v4 =	vmin.u32 v4, $0x62  }
0x265: {  	v7 =	vcvt.f32.s32 v7;
	v19 =	vshll.u32 v4, $0x3  }
0x266: {  	vm15 =	vgt.s32 v5, $0x0;
	vm1 =	vgt.s32 v6, $0x0;
	v8 =	vor.u32 $0x3, v19  }
0x267: {  	vm2 =	vgt.s32 v7, $0x0;
	v5 =	vnsel vm15, $0x0, v5;
	v9 =	vor.u32 $0x4, v19  }
0x268: {  	v6 =	vnsel vm1, $0x0, v6;
	v5 =	vmin.u32 v5, $0x62;
	v10 =	vor.u32 $0x6, v19  }
0x269: {  	v7 =	vnsel vm2, $0x0, v7;
	v22 =	vshll.u32 v5, $0x3;
	v11 =	vor.u32 $0x5, v19  }
0x26a: {  	v6 =	vmin.u32 v6, $0x62;
	v7 =	vmin.u32 v7, $0x62;
	v12 =	vor.u32 $0x3, v22;
	v47 =	vld.idx.msk [tilespmem:v19+s4+$0x0], $0xffff  }
0x26b: {  	v20 =	vshll.u32 v6, $0x3;
	v21 =	vshll.u32 v7, $0x3;
	v13 =	vor.u32 $0x4, v22;
	v8 =	vld.idx.msk [tilespmem:v8+s4+$0x0], $0xffff  }
0x26c: {  	v5 =	vcvt.s32.f32 v5;
	v6 =	vcvt.s32.f32 v6;
	v18 =	vor.u32 $0x4, v20;
	v9 =	vld.idx.msk [tilespmem:v9+s4+$0x0], $0xffff  }
0x26d: {  	v7 =	vcvt.s32.f32 v7;
	v4 =	vcvt.s32.f32 v4;
	v24 =	vor.u32 $0x5, v22;
	v10 =	vld.idx.msk [tilespmem:v10+s4+$0x0], $0xffff  }
0x26e: {  	v17 =	vor.u32 $0x3, v20;
	v23 =	vor.u32 $0x3, v21;
	v30 =	vor.u32 $0x5, v21;
	v11 =	vld.idx.msk [tilespmem:v11+s4+$0x0], $0xffff  }
0x26f: {  	v25 =	vor.u32 $0x5, v20;
	v28 =	vor.u32 $0x6, v22;
	v16 =	vsub.f32 v1, v5;
	v1 =	vld.idx.msk [tilespmem:v12+s4+$0x0], $0xffff  }
0x270: {  	v27 =	vor.u32 $0x4, v21;
	v29 =	vor.u32 $0x6, v20;
	v14 =	vsub.f32 v2, v6;
	v6 =	vld.idx.msk [tilespmem:v13+s4+$0x0], $0xffff  }
0x271: {  	v31 =	vor.u32 $0x6, v21;
	v32 =	vor.u32 $0x1, v22;
	v33 =	vor.u32 $0x2, v22;
	v12 =	vld.idx.msk [tilespmem:v18+s4+$0x0], $0xffff  }
0x272: {  	v40 =	vor.u32 $0x1, v19;
	v42 =	vor.u32 $0x2, v19;
	v57 =	vor.u32 $0x2, v20;
	v18 =	vld.idx.msk [tilespmem:v24+s4+$0x0], $0xffff  }
0x273: {  	v58 =	vor.u32 $0x2, v21;
	v15 =	vsub.f32 v3, v7;
	v0 =	vsub.f32 v0, v4;
	v30 =	vld.idx.msk [tilespmem:v30+s4+$0x0], $0xffff  }
0x274: {  	v28 =	vld.idx.msk [tilespmem:v28+s4+$0x0], $0xffff;
	v55 =	vand.u32 $0xFFFF0000, v47;
	v2 =	vshll.u32 v8, $0x10;
	v3 =	vand.u32 $0xFFFF0000, v8  }
0x275: {  	v29 =	vld.idx.msk [tilespmem:v29+s4+$0x0], $0xffff;
	v4 =	vshll.u32 v9, $0x10;
	v5 =	vand.u32 $0xFFFF0000, v9;
	v7 =	vshll.u32 v10, $0x10  }
0x276: {  	v31 =	vld.idx.msk [tilespmem:v31+s4+$0x0], $0xffff;
	v9 =	vshll.u32 v11, $0x10;
	v11 =	vand.u32 $0xFFFF0000, v11;
	v10 =	vand.u32 $0xFFFF0000, v10  }
0x277: {  	v8 =	vld.idx.msk [tilespmem:v17+s4+$0x0], $0xffff;
	v13 =	vshll.u32 v1, $0x10;
	v17 =	vand.u32 $0xFFFF0000, v1;
	v24 =	vshll.u32 v12, $0x10  }
0x278: {  	v12 =	vand.u32 $0xFFFF0000, v12;
	v34 =	vshll.u32 v18, $0x10;
	v36 =	vshll.u32 v30, $0x10  }
0x279: {  	v30 =	vand.u32 $0xFFFF0000, v30;
	v39 =	vshll.u32 v28, $0x10;
	v28 =	vand.u32 $0xFFFF0000, v28  }
0x27a: {  	v41 =	vshll.u32 v29, $0x10;
	v29 =	vand.u32 $0xFFFF0000, v29;
	v3 =	vsub.f32 v3, v2  }
0x27b: {  	v43 =	vshll.u32 v31, $0x10;
	v5 =	vsub.f32 v5, v4;
	v11 =	vsub.f32 v11, v9  }
0x27c: {  	v31 =	vand.u32 $0xFFFF0000, v31;
	v17 =	vsub.f32 v17, v13;
	v12 =	vsub.f32 v12, v24  }
0x27d: {  	v1 =	vsub.f32 v10, v7;
	v3 =	vmul.f32 v3, v0;
	v5 =	vmul.f32 v5, v0  }
0x27e: {  	v30 =	vsub.f32 v30, v36;
	v17 =	vmul.f32 v17, v16;
	v12 =	vmul.f32 v12, v14  }
0x27f: {  	v10 =	vld.idx.msk [tilespmem:v23+s4+$0x0], $0xffff;
	v26 =	vadd.f32 v2, v3;
	v2 =	vadd.f32 v4, v5;
	v3 =	vmul.f32 v11, v0  }
0x280: {  	v4 =	vld.idx.msk [tilespmem:v27+s4+$0x0], $0xffff;
	v5 =	vshll.u32 v6, $0x10;
	v6 =	vand.u32 $0xFFFF0000, v6;
	v11 =	vmul.f32 v1, v0  }
0x281: {  	v23 =	vshll.u32 v8, $0x10;
	v8 =	vand.u32 $0xFFFF0000, v8;
	v6 =	vsub.f32 v6, v5  }
0x282: {  	v1 =	vadd.f32 v9, v3;
	v3 =	vmul.f32 v26, v26;
	v9 =	vmul.f32 v2, v2  }
0x283: {  	v8 =	vsub.f32 v8, v23;
	v11 =	vadd.f32 v7, v11;
	v6 =	vmul.f32 v6, v16  }
0x284: {  	v3 =	vadd.f32 v9, v3;
	v7 =	vmul.f32 v1, v1;
	v9 =	vld.idx.msk [tilespmem:v25+s4+$0x0], $0xffff;
	v25 =	vshll.u32 v10, $0x10  }
0x285: {  	v10 =	vand.u32 $0xFFFF0000, v10;
	v27 =	vshll.u32 v4, $0x10;
	v4 =	vand.u32 $0xFFFF0000, v4  }
0x286: {  	v10 =	vsub.f32 v10, v25;
	v3 =	vadd.f32 v7, v3;
	v7 =	vmul.f32 v11, v11  }
0x287: {  	v37 =	vmul.f32 v8, v14;
	v8 =	vadd.f32 v5, v6;
	v4 =	vsub.f32 v4, v27  }
0x288: {  	v6 =	vadd.f32 v24, v12;
	v10 =	vmul.f32 v10, v15;
	v3 =	vadd.f32 v7, v3  }
0x289: {  	v7 =	vand.u32 $0xFFFF0000, v18;
	v4 =	vmul.f32 v4, v15;
	v18 =	vshll.u32 v9, $0x10  }
0x28a: {  	v9 =	vand.u32 $0xFFFF0000, v9;
	v7 =	vsub.f32 v7, v34;
	v5 =	vadd.f32 v25, v10  }
0x28b: {  	v10 =	vsub.f32 v28, v39;
	v25 =	vsub.f32 v29, v41;
	v3 =	vmax.f32 v3, $1.000000020e-24  }
0x28c: {  	v38 =	vsub.f32 v9, v18;
	v9 =	vadd.f32 v13, v17;
	v17 =	vmul.f32 v30, v15  }
0x28d: {  	v59 =	vld.idx.msk [tilespmem:v22+s4+$0x0], $0xffff;
	v35 =	vshrl.u32 v3, $0x1;
	v3 =	vmul.f32 $5.000000000e-01, v3;
	v13 =	vmul.f32 v7, v16  }
0x28e: {  	v7 =	vadd.f32 v23, v37;
	v23 =	vor.u32 $0x1, v20;
	v35 =	vsub.s32 $0x5F3759DF, v35  }
0x28f: {  	v4 =	vadd.f32 v27, v4;
	v29 =	vmul.f32 v5, v5;
	v3 =	vmul.f32 v35, v3  }
0x290: {  	v27 =	vsub.f32 v31, v43;
	v30 =	vmul.f32 v10, v16;
	v24 =	vmul.f32 v9, v9  }
0x291: {  	v10 =	vadd.f32 v36, v17;
	v17 =	vmul.f32 v4, v4;
	v3 =	vmul.f32 v35, v3  }
0x292: {  	v36 =	vand.u32 $0xFFFF0000, v59;
	v12 =	vadd.f32 v34, v13;
	v13 =	vmul.f32 v8, v8;
	v34 =	vld.idx.msk [tilespmem:v57+s4+$0x0], $0xffff  }
0x293: {  	v29 =	vadd.f32 v17, v29;
	v56 =	vmul.f32 v10, v10;
	v23 =	vld.idx.msk [tilespmem:v23+s4+$0x0], $0xffff;
	v3 =	vsub.f32 $1.500000000e+00, v3  }
0x294: {  	v24 =	vadd.f32 v13, v24;
	v13 =	vmul.f32 v25, v14;
	v25 =	vmul.f32 v27, v15  }
0x295: {  	v31 =	vld.idx.msk [tilespmem:v32+s4+$0x0], $0xffff;
	v27 =	vmul.f32 v12, v12;
	v29 =	vadd.f32 v56, v29;
	v3 =	vmul.f32 v35, v3  }
0x296: {  	v20 =	vld.idx.msk [tilespmem:v20+s4+$0x0], $0xffff;
	v28 =	vmul.f32 v7, v7;
	v17 =	vadd.f32 v41, v13;
	v13 =	vadd.f32 v43, v25  }
0x297: {  	v61 =	vld.idx.msk [tilespmem:v42+s4+$0x0], $0xffff;
	v24 =	vadd.f32 v27, v24;
	v35 =	vmul.f32 v3, v11;
	v11 =	vmul.f32 v38, v14  }
0x298: {  	v44 =	vshll.u32 v34, $0x10;
	v34 =	vand.u32 $0xFFFF0000, v34;
	v42 =	vshll.u32 v23, $0x10  }
0x299: {  	v54 =	vand.u32 $0xFFFF0000, v23;
	v11 =	vadd.f32 v18, v11;
	v18 =	vmul.f32 v6, v6  }
0x29a: {  	v37 =	vshll.u32 v31, $0x10;
	v34 =	vsub.f32 v34, v44;
	v43 =	vsub.f32 v54, v42  }
0x29b: {  	v50 =	vand.u32 $0xFFFF0000, v20;
	v28 =	vadd.f32 v18, v28;
	v18 =	vadd.f32 v39, v30  }
0x29c: {  	v33 =	vld.idx.msk [tilespmem:v33+s4+$0x0], $0xffff;
	v23 =	vshll.u32 v61, $0x10;
	v57 =	vmul.f32 v3, v26;
	v30 =	vmul.f32 v11, v11  }
0x29d: {  	v43 =	vmul.f32 v14, v43;
	v39 =	vand.u32 $0xFFFF0000, v61;
	v25 =	vmul.f32 v18, v18  }
0x29e: {  	v27 =	vadd.f32 v30, v28;
	v28 =	vmul.f32 v17, v17;
	v30 =	vmul.f32 v13, v13  }
0x29f: {  	v39 =	vsub.f32 v39, v23;
	v24 =	vadd.f32 v25, v24;
	v25 =	vor.u32 $0x1, v21  }
0x2a0: {  	v22 =	vadd.f32 v28, v27;
	v27 =	vadd.f32 v30, v29;
	v30 =	vand.u32 $0xFFFF0000, v31  }
0x2a1: {  	v28 =	vld.idx.msk [tilespmem:v40+s4+$0x0], $0xffff;
	v31 =	vshll.u32 v33, $0x10;
	v33 =	vand.u32 $0xFFFF0000, v33;
	v30 =	vsub.f32 v30, v37  }
0x2a2: {  	v21 =	vld.idx.msk [tilespmem:v21+s4+$0x0], $0xffff;
	v33 =	vsub.f32 v33, v31;
	v24 =	vmax.f32 v24, $1.000000020e-24;
	v22 =	vmax.f32 v22, $1.000000020e-24  }
0x2a3: {  	v27 =	vmax.f32 v27, $1.000000020e-24;
	v29 =	vshrl.u32 v24, $0x1;
	v24 =	vmul.f32 $5.000000000e-01, v24  }
0x2a4: {  	v60 =	vshrl.u32 v22, $0x1;
	v22 =	vmul.f32 $5.000000000e-01, v22;
	v33 =	vmul.f32 v33, v16  }
0x2a5: {  	v32 =	vld.idx.msk [tilespmem:v58+s4+$0x0], $0xffff;
	v62 =	vsub.s32 $0x5F3759DF, v29;
	v29 =	vshrl.u32 v27, $0x1;
	v27 =	vmul.f32 $5.000000000e-01, v27  }
0x2a6: {  	v38 =	vsub.s32 $0x5F3759DF, v60;
	v24 =	vmul.f32 v62, v24;
	v63 =	vsub.s32 $0x5F3759DF, v29  }
0x2a7: {  	v22 =	vmul.f32 v38, v22;
	v48 =	vand.u32 $0xFFFF0000, v28;
	v19 =	vshll.u32 v21, $0x10  }
0x2a8: {  	v25 =	vld.idx.msk [tilespmem:v25+s4+$0x0], $0xffff;
	v51 =	vand.u32 $0xFFFF0000, v21;
	v21 =	vshll.u32 v47, $0x10;
	v27 =	vmul.f32 v63, v27  }
0x2a9: {  	v31 =	vadd.f32 v31, v33;
	v24 =	vmul.f32 v62, v24;
	v45 =	vmul.f32 v38, v22  }
0x2aa: {  	v22 =	vshll.u32 v28, $0x10;
	v28 =	vshll.u32 v32, $0x10;
	v32 =	vand.u32 $0xFFFF0000, v32  }
0x2ab: {  	v33 =	vmul.f32 v39, v0;
	v46 =	vmul.f32 v63, v27;
	v32 =	vsub.f32 v32, v28  }
0x2ac: {  	v60 =	vsub.f32 v48, v22;
	v27 =	vsub.f32 $1.500000000e+00, v24;
	v24 =	vshll.u32 v20, $0x10  }
0x2ad: {  	v20 =	vsub.f32 $1.500000000e+00, v45;
	v29 =	vshll.u32 v25, $0x10;
	v49 =	vand.u32 $0xFFFF0000, v25  }
0x2ae: {  	v25 =	vshll.u32 v59, $0x10;
	v56 =	vsub.f32 $1.500000000e+00, v46;
	v59 =	vmul.f32 v16, v30  }
0x2af: {  	v61 =	vsub.f32 v50, v24;
	v30 =	vsub.f32 v55, v21;
	v27 =	vmul.f32 v62, v27  }
0x2b0: {  	v26 =	vmul.f32 v38, v20;
	v58 =	vsub.f32 v49, v29;
	v36 =	vsub.f32 v36, v25  }
0x2b1: {  	s12 =	simm.s32 $0x0;
	[tilespmem:s9+$0x1D3B0] =	vst v35;
	v62 =	vsub.f32 v51, v19;
	v20 =	vmul.f32 v63, v56;
	v63 =	vmul.f32 v34, v14  }
0x2b2: {  	s15 =	sand.u32 $0xFC0, s12;
	[tilespmem:s9+$0x173B0] =	vst v57;
	v37 =	vadd.f32 v37, v59;
	v34 =	vmul.f32 v32, v15;
	v32 =	vmul.f32 v0, v60  }
0x2b3: {  	[tilespmem:s15+$0x15380] =	vst v31;
	v35 =	vmul.f32 v15, v58;
	v16 =	vmul.f32 v16, v36;
	v36 =	vadd.f32 v42, v43  }
0x2b4: {  	s13 =	simm.s32 $0x0;
	s14 =	simm.s32 $0x100;
	s2 =	sshll.u32 s19, $0xD;
	v31 =	vmul.f32 v14, v61;
	v14 =	vmul.f32 v15, v62;
	[tilespmem:s15+$0x13380] =	vst v37;
	v37 =	vadd.f32 v44, v63  }
.LBB2_9:
0x2b5: {  	s16 =	sshra.s32 s14, $0x2;
	v9 =	vmul.f32 v27, v9;
	[tilespmem:s9+$0x13390] =	vst v36;
	v15 =	vadd.f32 v29, v35;
	v0 =	vmul.f32 v0, v30  }
0x2b6: {  	s13 =	sadd.s32 $0x4, s13;
	v8 =	vmul.f32 v27, v8;
	v12 =	vmul.f32 v27, v12;
	v28 =	vadd.f32 v28, v34;
	v29 =	vld [tilespmem:s16+$0x13B0];
	[tilespmem:s9+$0x15390] =	vst v37  }
0x2b7: {  	v7 =	vmul.f32 v26, v7;
	p3 =	slt.u32 s13, $0xFC;
	v30 =	vld [tilespmem:s16+$0x1380];
	[tilespmem:s15+$0x17380] =	vst v9;
	v9 =	vmul.f32 v27, v18;
	v18 =	vadd.f32 v22, v32  }
0x2b8: {  	v6 =	vmul.f32 v26, v6;
	v22 =	vld [tilespmem:s16+$0x1390];
	[tilespmem:s15+$0x19380] =	vst v8;
	v8 =	vmul.f32 v26, v11;
	v11 =	vadd.f32 v23, v33  }
0x2b9: {  	v16 =	vadd.f32 v25, v16;
	v5 =	vmul.f32 v20, v5;
	v23 =	vld [tilespmem:s16+$0x13A0];
	[tilespmem:s15+$0x1B380] =	vst v12;
	v12 =	vmul.f32 v26, v17  }
0x2ba: {  	v4 =	vmul.f32 v20, v4;
	v10 =	vmul.f32 v20, v10;
	[tilespmem:s15+$0x1D380] =	vst v9;
	v9 =	vadd.f32 v24, v31  }
0x2bb: {  	v13 =	vmul.f32 v20, v13;
	v17 =	vmul.f32 $9.900000000e+01, v29;
	[tilespmem:s9+$0x17390] =	vst v7;
	v7 =	vadd.f32 v19, v14  }
0x2bc: {  	v2 =	vmul.f32 v3, v2;
	v0 =	vadd.f32 v21, v0;
	v14 =	vmul.f32 $9.900000000e+01, v30;
	[tilespmem:s9+$0x19390] =	vst v6  }
0x2bd: {  	v6 =	vmul.f32 $9.900000000e+01, v22;
	v19 =	vtrunc.f32 v17;
	[tilespmem:s9+$0x1B390] =	vst v8  }
0x2be: {  	v8 =	vmul.f32 $9.900000000e+01, v23;
	v19 =	vcvt.f32.s32 v19;
	[tilespmem:s9+$0x1D390] =	vst v12  }
0x2bf: {  	v12 =	vtrunc.f32 v14;
	v20 =	vtrunc.f32 v6;
	[tilespmem:s9+$0x173A0] =	vst v5  }
0x2c0: {  	v5 =	vcvt.f32.s32 v12;
	v12 =	vtrunc.f32 v8;
	vm0 =	vgt.s32 v19, $0x0;
	[tilespmem:s9+$0x193A0] =	vst v4  }
0x2c1: {  	v20 =	vcvt.f32.s32 v20;
	v12 =	vcvt.f32.s32 v12;
	v4 =	vnsel vm0, $0x0, v19;
	[tilespmem:s9+$0x1B3A0] =	vst v10  }
0x2c2: {  	v1 =	vmul.f32 v3, v1;
	vm0 =	vgt.s32 v5, $0x0;
	v10 =	vmin.u32 v4, $0x62;
	[tilespmem:s9+$0x1D3A0] =	vst v13  }
0x2c3: {  	vm1 =	vgt.s32 v20, $0x0;
	vm2 =	vgt.s32 v12, $0x0;
	v4 =	vshll.u32 v10, $0x3;
	[tilespmem:s9+$0x193B0] =	vst v2  }
0x2c4: {  	v2 =	vnsel vm0, $0x0, v5;
	v3 =	vnsel vm1, $0x0, v20;
	v5 =	vor.u32 $0x3, v4;
	[tilespmem:s9+$0x1B3B0] =	vst v1  }
0x2c5: {  	v1 =	vmin.u32 v2, $0x62;
	v2 =	vnsel vm2, $0x0, v12;
	v12 =	vor.u32 $0x4, v4;
	[tilespmem:s9+$0x133A0] =	vst v15  }
0x2c6: {  	v3 =	vmin.u32 v3, $0x62;
	v2 =	vmin.u32 v2, $0x62;
	v15 =	vor.u32 $0x6, v4;
	[tilespmem:s9+$0x153A0] =	vst v28  }
0x2c7: {  	v20 =	vor.u32 $0x5, v4;
	v21 =	vshll.u32 v1, $0x3;
	v13 =	vshll.u32 v3, $0x3;
	[tilespmem:s9+$0x133B0] =	vst v18  }
0x2c8: {  	v22 =	vor.u32 $0x4, v21;
	v19 =	vshll.u32 v2, $0x3;
	v18 =	vor.u32 $0x3, v21;
	[tilespmem:s9+$0x153B0] =	vst v11  }
0x2c9: {  	v23 =	vor.u32 $0x4, v13;
	v24 =	vor.u32 $0x3, v19;
	v11 =	vor.u32 $0x3, v13;
	v5 =	vld.idx.msk [tilespmem:v5+s4+$0x0], $0xffff;
	[tilespmem:s15+$0x11380] =	vst v16  }
0x2ca: {  	v25 =	vor.u32 $0x5, v21;
	v26 =	vor.u32 $0x5, v13;
	v27 =	vor.u32 $0x4, v19;
	v12 =	vld.idx.msk [tilespmem:v12+s4+$0x0], $0xffff;
	[tilespmem:s9+$0x11390] =	vst v9  }
0x2cb: {  	v28 =	vor.u32 $0x6, v13;
	v29 =	vor.u32 $0x5, v19;
	v9 =	vor.u32 $0x6, v21;
	v30 =	vld.idx.msk [tilespmem:v15+s4+$0x0], $0xffff;
	[tilespmem:s9+$0x113A0] =	vst v7  }
0x2cc: {  	v1 =	vcvt.s32.f32 v1;
	v3 =	vcvt.s32.f32 v3;
	v7 =	vor.u32 $0x6, v19;
	v20 =	vld.idx.msk [tilespmem:v20+s4+$0x0], $0xffff;
	[tilespmem:s9+$0x113B0] =	vst v0;
	s9 =	smov.u32 s16  }
0x2cd: {  	v31 =	vor.u32 $0x1, v21;
	v0 =	vcvt.s32.f32 v2;
	v2 =	vcvt.s32.f32 v10;
	v18 =	vld.idx.msk [tilespmem:v18+s4+$0x0], $0xffff  }
0x2ce: {  	v16 =	vsub.f32 v14, v1;
	v14 =	vsub.f32 v6, v3;
	v10 =	vor.u32 $0x2, v21;
	v1 =	vld.idx.msk [tilespmem:v22+s4+$0x0], $0xffff  }
0x2cf: {  	v15 =	vsub.f32 v8, v0;
	v0 =	vsub.f32 v17, v2;
	v2 =	vshll.u32 v5, $0x10;
	v3 =	vld.idx.msk [tilespmem:v11+s4+$0x0], $0xffff  }
0x2d0: {  	v5 =	vand.u32 $0xFFFF0000, v5;
	v8 =	vshll.u32 v12, $0x10;
	v11 =	vand.u32 $0xFFFF0000, v12;
	v6 =	vld.idx.msk [tilespmem:v23+s4+$0x0], $0xffff  }
0x2d1: {  	v5 =	vsub.f32 v5, v2;
	v11 =	vsub.f32 v11, v8;
	v17 =	vshll.u32 v30, $0x10;
	v12 =	vld.idx.msk [tilespmem:v24+s4+$0x0], $0xffff  }
0x2d2: {  	v23 =	vand.u32 $0xFFFF0000, v30;
	v22 =	vshll.u32 v20, $0x10;
	v20 =	vand.u32 $0xFFFF0000, v20;
	v24 =	vld.idx.msk [tilespmem:v27+s4+$0x0], $0xffff  }
0x2d3: {  	v5 =	vmul.f32 v5, v0;
	v11 =	vmul.f32 v11, v0;
	v27 =	vsub.f32 v20, v22;
	v25 =	vld.idx.msk [tilespmem:v25+s4+$0x0], $0xffff  }
0x2d4: {  	v23 =	vsub.f32 v23, v17;
	v30 =	vshll.u32 v18, $0x10;
	v18 =	vand.u32 $0xFFFF0000, v18;
	v32 =	vld.idx.msk [tilespmem:v26+s4+$0x0], $0xffff  }
0x2d5: {  	v20 =	vadd.f32 v2, v5;
	v2 =	vadd.f32 v8, v11;
	v5 =	vmul.f32 v27, v0;
	v29 =	vld.idx.msk [tilespmem:v29+s4+$0x0], $0xffff  }
0x2d6: {  	v11 =	vshll.u32 v1, $0x10;
	v26 =	vmul.f32 v23, v0;
	v8 =	vld.idx.msk [tilespmem:v9+s4+$0x0], $0xffff;
	v9 =	vand.u32 $0xFFFF0000, v1  }
0x2d7: {  	v1 =	vadd.f32 v22, v5;
	v5 =	vmul.f32 v20, v20;
	v22 =	vmul.f32 v2, v2;
	v28 =	vld.idx.msk [tilespmem:v28+s4+$0x0], $0xffff  }
0x2d8: {  	v33 =	vshll.u32 v3, $0x10;
	v3 =	vand.u32 $0xFFFF0000, v3;
	v34 =	vshll.u32 v6, $0x10;
	v7 =	vld.idx.msk [tilespmem:v7+s4+$0x0], $0xffff  }
0x2d9: {  	v17 =	vadd.f32 v17, v26;
	v5 =	vadd.f32 v22, v5;
	v26 =	vmul.f32 v1, v1;
	v23 =	vld.idx.msk [tilespmem:v31+s4+$0x0], $0xffff  }
0x2da: {  	v6 =	vand.u32 $0xFFFF0000, v6;
	v22 =	vld.idx.msk [tilespmem:v10+s4+$0x0], $0xffff;
	v10 =	vshll.u32 v12, $0x10;
	v12 =	vand.u32 $0xFFFF0000, v12  }
0x2db: {  	v35 =	vmul.f32 v17, v17;
	v31 =	vshll.u32 v24, $0x10;
	v5 =	vadd.f32 v26, v5;
	v21 =	vld.idx.msk [tilespmem:v21+s4+$0x0], $0xffff  }
0x2dc: {  	v18 =	vsub.f32 v18, v30;
	v9 =	vsub.f32 v9, v11;
	v24 =	vand.u32 $0xFFFF0000, v24;
	v26 =	vld.idx.msk [tilespmem:v13+s4+$0x0], $0xffff  }
0x2dd: {  	v3 =	vsub.f32 v3, v33;
	v36 =	vshll.u32 v25, $0x10;
	v5 =	vadd.f32 v35, v5;
	v27 =	vld.idx.msk [tilespmem:v19+s4+$0x0], $0xffff  }
0x2de: {  	v6 =	vsub.f32 v6, v34;
	v25 =	vand.u32 $0xFFFF0000, v25;
	v12 =	vsub.f32 v12, v10  }
0x2df: {  	v24 =	vsub.f32 v24, v31;
	v35 =	vshll.u32 v32, $0x10;
	v5 =	vmax.f32 v5, $1.000000020e-24  }
0x2e0: {  	v32 =	vand.u32 $0xFFFF0000, v32;
	v37 =	vshrl.u32 v5, $0x1;
	v5 =	vmul.f32 $5.000000000e-01, v5  }
0x2e1: {  	v38 =	vshll.u32 v29, $0x10;
	v29 =	vand.u32 $0xFFFF0000, v29;
	v37 =	vsub.s32 $0x5F3759DF, v37  }
0x2e2: {  	v18 =	vmul.f32 v18, v16;
	v25 =	vsub.f32 v25, v36;
	v5 =	vmul.f32 v37, v5  }
0x2e3: {  	v40 =	vmul.f32 v3, v14;
	v39 =	vmul.f32 v9, v16;
	v32 =	vsub.f32 v32, v35  }
0x2e4: {  	v6 =	vmul.f32 v6, v14;
	v29 =	vsub.f32 v29, v38;
	v3 =	vmul.f32 v37, v5  }
0x2e5: {  	v41 =	vshll.u32 v8, $0x10;
	v5 =	vmul.f32 v12, v15;
	v12 =	vmul.f32 v24, v15  }
0x2e6: {  	v42 =	vor.u32 $0x1, v4;
	v24 =	vand.u32 $0xFFFF0000, v8;
	v3 =	vsub.f32 $1.500000000e+00, v3  }
0x2e7: {  	v44 =	vor.u32 $0x2, v4;
	v43 =	vshll.u32 v28, $0x10;
	v28 =	vand.u32 $0xFFFF0000, v28  }
0x2e8: {  	v45 =	vshll.u32 v7, $0x10;
	v46 =	vand.u32 $0xFFFF0000, v7;
	v3 =	vmul.f32 v37, v3  }
0x2e9: {  	v9 =	vadd.f32 v30, v18;
	v8 =	vadd.f32 v11, v39;
	v11 =	vmul.f32 v25, v16  }
0x2ea: {  	v6 =	vadd.f32 v34, v6;
	v7 =	vadd.f32 v33, v40;
	v17 =	vmul.f32 v3, v17;
	v30 =	vld.idx.msk [tilespmem:v4+s4+$0x0], $0xffff  }
0x2eb: {  	v18 =	vmul.f32 v32, v14;
	v5 =	vadd.f32 v10, v5;
	v4 =	vadd.f32 v31, v12;
	v25 =	vld.idx.msk [tilespmem:v42+s4+$0x0], $0xffff  }
0x2ec: {  	v29 =	vmul.f32 v29, v15;
	v10 =	vsub.f32 v24, v41;
	v24 =	vor.u32 $0x1, v13;
	v31 =	vld.idx.msk [tilespmem:v44+s4+$0x0], $0xffff;
	[tilespmem:s9+$0x1D3B0] =	vst v17  }
0x2ed: {  	v28 =	vsub.f32 v28, v43;
	v32 =	vsub.f32 v46, v45;
	v17 =	vmul.f32 v9, v9  }
0x2ee: {  	v34 =	vmul.f32 v7, v7;
	v33 =	vmul.f32 v8, v8;
	v12 =	vadd.f32 v36, v11  }
0x2ef: {  	v11 =	vadd.f32 v35, v18;
	v18 =	vmul.f32 v6, v6;
	v35 =	vmul.f32 v5, v5  }
0x2f0: {  	v36 =	vmul.f32 v10, v16;
	v10 =	vadd.f32 v38, v29;
	v29 =	vmul.f32 v4, v4  }
0x2f1: {  	v33 =	vadd.f32 v33, v17;
	v17 =	vmul.f32 v28, v14;
	v28 =	vmul.f32 v32, v15;
	v24 =	vld.idx.msk [tilespmem:v24+s4+$0x0], $0xffff  }
0x2f2: {  	v34 =	vadd.f32 v18, v34;
	v32 =	vmul.f32 v12, v12;
	v29 =	vadd.f32 v29, v35  }
0x2f3: {  	v18 =	vadd.f32 v41, v36;
	v36 =	vmul.f32 v10, v10;
	v35 =	vmul.f32 v11, v11  }
0x2f4: {  	v37 =	vor.u32 $0x2, v13;
	v17 =	vadd.f32 v43, v17;
	v13 =	vadd.f32 v45, v28  }
0x2f5: {  	v28 =	vadd.f32 v32, v33;
	v32 =	vmul.f32 v18, v18;
	v33 =	vadd.f32 v35, v34  }
0x2f6: {  	v29 =	vadd.f32 v36, v29;
	v34 =	vmul.f32 v17, v17;
	v35 =	vmul.f32 v13, v13  }
0x2f7: {  	v28 =	vadd.f32 v32, v28;
	v32 =	vor.u32 $0x1, v19;
	v19 =	vor.u32 $0x2, v19  }
0x2f8: {  	v36 =	vshll.u32 v23, $0x10;
	v33 =	vadd.f32 v34, v33;
	v29 =	vadd.f32 v35, v29  }
0x2f9: {  	v38 =	vshll.u32 v22, $0x10;
	v34 =	vand.u32 $0xFFFF0000, v23;
	v23 =	vmax.f32 v28, $1.000000020e-24;
	v28 =	vld.idx.msk [tilespmem:v37+s4+$0x0], $0xffff  }
0x2fa: {  	v35 =	vshrl.u32 v23, $0x1;
	v33 =	vmax.f32 v33, $1.000000020e-24;
	v29 =	vmax.f32 v29, $1.000000020e-24  }
0x2fb: {  	v23 =	vmul.f32 $5.000000000e-01, v23;
	v37 =	vshrl.u32 v33, $0x1;
	v33 =	vmul.f32 $5.000000000e-01, v33  }
0x2fc: {  	v35 =	vsub.s32 $0x5F3759DF, v35;
	v39 =	vshrl.u32 v29, $0x1;
	v29 =	vmul.f32 $5.000000000e-01, v29;
	v32 =	vld.idx.msk [tilespmem:v32+s4+$0x0], $0xffff  }
0x2fd: {  	v23 =	vmul.f32 v35, v23;
	v39 =	vsub.s32 $0x5F3759DF, v39;
	v37 =	vsub.s32 $0x5F3759DF, v37;
	v19 =	vld.idx.msk [tilespmem:v19+s4+$0x0], $0xffff  }
0x2fe: {  	v40 =	vand.u32 $0xFFFF0000, v22;
	v29 =	vmul.f32 v39, v29;
	v22 =	vmul.f32 v37, v33  }
0x2ff: {  	v41 =	vshll.u32 v24, $0x10;
	v42 =	vand.u32 $0xFFFF0000, v24;
	v33 =	vmul.f32 v35, v23  }
0x300: {  	v45 =	vmul.f32 v39, v29;
	v44 =	vmul.f32 v37, v22;
	v43 =	vshll.u32 v28, $0x10  }
0x301: {  	v47 =	vand.u32 $0xFFFF0000, v25;
	v22 =	vshll.u32 v25, $0x10;
	v46 =	vand.u32 $0xFFFF0000, v28  }
0x302: {  	v23 =	vshll.u32 v31, $0x10;
	v29 =	vshll.u32 v32, $0x10;
	v32 =	vand.u32 $0xFFFF0000, v32  }
0x303: {  	v31 =	vand.u32 $0xFFFF0000, v31;
	v28 =	vshll.u32 v19, $0x10;
	v48 =	vand.u32 $0xFFFF0000, v19  }
0x304: {  	v49 =	vand.u32 $0xFFFF0000, v21;
	v24 =	vshll.u32 v26, $0x10;
	v25 =	vshll.u32 v21, $0x10  }
0x305: {  	v50 =	vand.u32 $0xFFFF0000, v26;
	v51 =	vand.u32 $0xFFFF0000, v27;
	v19 =	vshll.u32 v27, $0x10  }
0x306: {  	v26 =	vsub.f32 $1.500000000e+00, v33;
	v21 =	vshll.u32 v30, $0x10;
	v30 =	vand.u32 $0xFFFF0000, v30  }
0x307: {  	v20 =	vmul.f32 v3, v20;
	v33 =	vsub.f32 $1.500000000e+00, v44;
	v44 =	vsub.f32 $1.500000000e+00, v45  }
0x308: {  	v40 =	vsub.f32 v40, v38;
	v34 =	vsub.f32 v34, v36;
	v27 =	vmul.f32 v35, v26  }
0x309: {  	v35 =	vsub.f32 v42, v41;
	v42 =	vsub.f32 v46, v43;
	v26 =	vmul.f32 v37, v33;
	[tilespmem:s9+$0x173B0] =	vst v20  }
0x30a: {  	v32 =	vsub.f32 v32, v29;
	v33 =	vsub.f32 v48, v28;
	v20 =	vmul.f32 v39, v44  }
0x30b: {  	v34 =	vmul.f32 v16, v34;
	v31 =	vsub.f32 v31, v23;
	v37 =	vsub.f32 v47, v22  }
0x30c: {  	v40 =	vmul.f32 v40, v16;
	v39 =	vsub.f32 v49, v25;
	v44 =	vsub.f32 v50, v24  }
.Ltmp5:
0x30d: {  	v30 =	vsub.f32 v30, v21;
	v46 =	vsub.f32 v51, v19;
	v45 =	vmul.f32 v14, v35;
	(pc) =	sbr.rel @p3 .LBB2_9-.Ltmp5, $4  }
0x30e: {  	s12 =	sadd.s32 $0x40, s12;
	v36 =	vadd.f32 v36, v34;
	v42 =	vmul.f32 v42, v14;
	v35 =	vmul.f32 v15, v32  }
0x30f: {  	s15 =	sand.u32 $0xFC0, s12;
	v38 =	vadd.f32 v38, v40;
	v32 =	vmul.f32 v0, v37;
	v34 =	vmul.f32 v33, v15  }
0x310: {  	v33 =	vmul.f32 v31, v0;
	v16 =	vmul.f32 v16, v39;
	[tilespmem:s15+$0x13380] =	vst v36;
	v36 =	vadd.f32 v41, v45  }
0x311: {  	s14 =	sadd.s32 $0x100, s14;
	v37 =	vadd.f32 v43, v42;
	v31 =	vmul.f32 v14, v44;
	v14 =	vmul.f32 v15, v46;
	[tilespmem:s15+$0x15380] =	vst v38  }
0x312: {  	v9 =	vmul.f32 v27, v9;
	[tilespmem:s9+$0x13390] =	vst v36  }
0x313: {  	v8 =	vmul.f32 v27, v8;
	[tilespmem:s9+$0x15390] =	vst v37  }
0x314: {  	v12 =	vmul.f32 v27, v12;
	[tilespmem:s15+$0x17380] =	vst v9  }
0x315: {  	v52 =	vmul.f32 v27, v18;
	[tilespmem:s15+$0x19380] =	vst v8  }
0x316: {  	v7 =	vmul.f32 v26, v7;
	[tilespmem:s15+$0x1B380] =	vst v12  }
0x317: {  	v6 =	vmul.f32 v26, v6;
	[tilespmem:s15+$0x1D380] =	vst v52  }
0x318: {  	v53 =	vmul.f32 v26, v11;
	[tilespmem:s9+$0x17390] =	vst v7  }
0x319: {  	v54 =	vmul.f32 v26, v17;
	[tilespmem:s9+$0x19390] =	vst v6  }
0x31a: {  	v5 =	vmul.f32 v20, v5;
	[tilespmem:s9+$0x1B390] =	vst v53  }
0x31b: {  	v4 =	vmul.f32 v20, v4;
	[tilespmem:s9+$0x1D390] =	vst v54  }
0x31c: {  	v55 =	vmul.f32 v20, v10;
	[tilespmem:s9+$0x173A0] =	vst v5  }
0x31d: {  	v56 =	vmul.f32 v20, v13;
	[tilespmem:s9+$0x193A0] =	vst v4  }
0x31e: {  	v2 =	vmul.f32 v3, v2;
	[tilespmem:s9+$0x1B3A0] =	vst v55  }
0x31f: {  	v1 =	vmul.f32 v3, v1;
	[tilespmem:s9+$0x1D3A0] =	vst v56  }
0x320: {  	v57 =	vadd.f32 v29, v35;
	[tilespmem:s9+$0x193B0] =	vst v2  }
0x321: {  	v58 =	vadd.f32 v28, v34;
	[tilespmem:s9+$0x1B3B0] =	vst v1  }
0x322: {  	v59 =	vadd.f32 v22, v32;
	[tilespmem:s9+$0x133A0] =	vst v57  }
0x323: {  	v60 =	vadd.f32 v23, v33;
	[tilespmem:s9+$0x153A0] =	vst v58  }
0x324: {  	v61 =	vadd.f32 v25, v16;
	[tilespmem:s9+$0x133B0] =	vst v59  }
0x325: {  	v0 =	vmul.f32 v0, v30;
	v62 =	vadd.f32 v24, v31;
	[tilespmem:s9+$0x153B0] =	vst v60  }
0x326: {  	v63 =	vadd.f32 v19, v14;
	[tilespmem:s15+$0x11380] =	vst v61  }
0x327: {  	s5 =	sadd.s32 @!p2 s5, s10;
	s12 =	simm.s32 @!p2 $0x1380;
	v0 =	vadd.f32 v21, v0;
	[tilespmem:s9+$0x11390] =	vst v62  }
0x328: {  	s14 =	sadd.s32 s3, s20;
	s16 =	sshrl.u32 s19, $0x1;
	s17 =	sshrl.u32 s2, $0x3;
	[tilespmem:s9+$0x113A0] =	vst v63  }
0x329: {  	s18 =	sshll.u32 s16, $0xE;
	s15 =	simm.s32 $0x10380;
	[tilespmem:s9+$0x113B0] =	vst v0;
	s9 =	simm.s32 @!p2 $0x0  }
0x32a: {  	[tilespmem:s12], [sflag:$0x2] =	stream.linear.gather @!p2 [hbm4b:s5+s9], $0x1000, $0x38;
	[tilespmem:$0x1E380] =	vst v63  }
0x32b: {  	s19 =	ssub.s32 s2, s18;
	s9 =	sadd.s32 s3, s17;
	s5 =	sshll.u32 s16, $0x10  }
0x32c: {  	[hbm4b:s14+s4] =	stream.linear.scatter [tilespmem:s15], [sflag:$0x4], $0x2000, $0x38;
	[tilespmem:$0x1E380] =	vst v63  }
0x32d: {  	s13 =	simm.s32 $0x12380;
	s20 =	sadd.s32 $0x64000, s9;
	s2 =	sadd.s32 s5, s19  }
0x32e: {  	[hbm4b:s20+s4] =	stream.linear.scatter [tilespmem:s13], [sflag:$0x4], $0x2000, $0x38;
	[tilespmem:$0x1E380] =	vst v63  }
0x32f: {  	s14 =	simm.s32 $0x14380;
	s2 =	sshrl.u32 s2, $0x3;
	s13 =	sadd.s32 $0xC8000, s9  }
0x330: {  	[hbm4b:s13+s4] =	stream.linear.scatter [tilespmem:s14], [sflag:$0x4], $0x2000, $0x38;
	[tilespmem:$0x1E380] =	vst v63  }
0x331: {  	s11 =	sadd.s32 $0x1, s11;
	s15 =	simm.s32 $0x16380;
	s2 =	sadd.s32 s6, s2  }
0x332: {  	[hbm4b:s2+s4] =	stream.linear.scatter [tilespmem:s15], [sflag:$0x4], $0x2000, $0x38;
	[tilespmem:$0x1E380] =	vst v63  }
0x333: {  	s17 =	simm.s32 $0x18380;
	p2 =	sne.s32 s11, $0x6;
	s16 =	sadd.s32 $0x800, s2  }
0x334: {  	[hbm4b:s16+s4] =	stream.linear.scatter [tilespmem:s17], [sflag:$0x4], $0x2000, $0x38;
	[tilespmem:$0x1E380] =	vst v63  }
.Ltmp6:
0x335: {  	_ = 	snop;
	(pc) =	sbr.rel @p2 .LBB2_2-.Ltmp6, $4  }
0x336: {  	s19 =	simm.s32 $0x1A380;
	s18 =	sadd.s32 $0x1000, s2  }
0x337: {  	[hbm4b:s18+s4] =	stream.linear.scatter [tilespmem:s19], [sflag:$0x4], $0x2000, $0x38;
	[tilespmem:$0x1E380] =	vst v63  }
0x338: {  	s20 =	simm.s32 $0x1C380;
	s2 =	sadd.s32 $0x1800, s2  }
0x339: {  	[hbm4b:s2+s4] =	stream.linear.scatter [tilespmem:s20], [sflag:$0x4], $0x2000, $0x38;
	[tilespmem:$0x1E380] =	vst v63  }
.Ltmp7:
0x33a: {  	(pc) =	sbr.rel @p1 .LBB2_17-.Ltmp7, $2  }
0x33b: {  	_ =	sdelay $0x2  }
0x33c: {  	s9 =	rddreg [dreg:$0xf]  }
0x33d: {  	s2 =	simm.s32 $0x3  }
0x33e: {  	_ =	swait.ge [sflag:s2], $0x2000  }
0x33f: {  	[sflag:s2] =	ssyncset.done $0x0  }
0x340: {  	[sflag:s2] =	ssyncadd.s32 $0xFFFFE000  }
0x341: {  	_ =	swait.ge [sflag:s2], $0x2000  }
0x342: {  	[sflag:s2] =	ssyncset.done $0x0  }
0x343: {  	[sflag:s2] =	ssyncadd.s32 $0xFFFFE000  }
0x344: {  	_ =	swait.ge [sflag:s2], $0x2000  }
0x345: {  	[sflag:s2] =	ssyncset.done $0x0  }
0x346: {  	[sflag:s2] =	ssyncadd.s32 $0xFFFFE000  }
0x347: {  	_ =	swait.ge [sflag:s2], $0x2000  }
0x348: {  	[sflag:s2] =	ssyncset.done $0x0  }
0x349: {  	[sflag:s2] =	ssyncadd.s32 $0xFFFFE000  }
0x34a: {  	_ =	swait.ge [sflag:s2], $0x2000  }
0x34b: {  	[sflag:s2] =	ssyncset.done $0x0  }
0x34c: {  	[sflag:s2] =	ssyncadd.s32 $0xFFFFE000  }
0x34d: {  	_ =	swait.ge [sflag:s2], $0x2000  }
0x34e: {  	[sflag:s2] =	ssyncset.done $0x0  }
0x34f: {  	[sflag:s2] =	ssyncadd.s32 $0xFFFFE000  }
0x350: {  	_ =	swait.ge [sflag:s2], $0x2000  }
0x351: {  	[sflag:s2] =	ssyncset.done $0x0  }
0x352: {  	[sflag:s2] =	ssyncadd.s32 $0xFFFFE000  }
0x353: {  	_ =	swait.ge [sflag:s23], $0x1000  }
0x354: {  	s5 =	simm.s32 $0x0;
	[sflag:s23] =	ssyncset.done $0x0  }
0x355: {  	s9 =	simm.s32 $0x0;
	s2 =	simm.s32 $0xFFFFFFFC;
	[sflag:s23] =	ssyncadd.s32 $0xFFFFF000  }
.LBB2_13:
0x356: {  	s11 =	sshra.s32 s9, $0x2  }
0x357: {  	v0 =	vld [tilespmem:s11+$0x380];
	_ =	sdelay $0x4  }
0x358: {  	v0 =	vmul.f32 $9.900000000e+01, v0;
	_ =	sdelay $0x1  }
0x359: {  	v1 =	vtrunc.f32 v0  }
0x35a: {  	v1 =	vcvt.f32.s32 v1;
	_ =	sdelay $0x1  }
0x35b: {  	vm0 =	vgt.s32 v1, $0x0  }
0x35c: {  	v1 =	vnsel vm0, $0x0, v1  }
0x35d: {  	v1 =	vmin.u32 v1, $0x62  }
0x35e: {  	v2 =	vshll.u32 v1, $0x3  }
0x35f: {  	v3 =	vor.u32 $0x3, v2  }
0x360: {  	v5 =	vor.u32 $0x5, v2  }
0x361: {  	v10 =	vld [tilespmem:s11+$0x390];
	v4 =	vor.u32 $0x4, v2  }
0x362: {  	v6 =	vor.u32 $0x6, v2  }
0x363: {  	v24 =	vor.u32 $0x1, v2;
	v28 =	vor.u32 $0x2, v2;
	v2 =	vld.idx.msk [tilespmem:v2+s4+$0x0], $0xffff  }
0x364: {  	v3 =	vld.idx.msk [tilespmem:v3+s4+$0x0], $0xffff  }
0x365: {  	v5 =	vld.idx.msk [tilespmem:v5+s4+$0x0], $0xffff  }
0x366: {  	v27 =	vmul.f32 $9.900000000e+01, v10;
	v1 =	vcvt.s32.f32 v1;
	v4 =	vld.idx.msk [tilespmem:v4+s4+$0x0], $0xffff  }
0x367: {  	v19 =	vld.idx.msk [tilespmem:v6+s4+$0x0], $0xffff  }
0x368: {  	v30 =	vtrunc.f32 v27;
	v0 =	vsub.f32 v0, v1  }
0x369: {  	v31 =	vld.idx.msk [tilespmem:v24+s4+$0x0], $0xffff;
	v34 =	vshll.u32 v2, $0x10;
	v2 =	vand.u32 $0xFFFF0000, v2;
	v20 =	vshll.u32 v3, $0x10  }
0x36a: {  	v3 =	vand.u32 $0xFFFF0000, v3;
	v8 =	vshll.u32 v5, $0x10;
	v5 =	vand.u32 $0xFFFF0000, v5  }
0x36b: {  	v7 =	vshll.u32 v4, $0x10;
	v4 =	vand.u32 $0xFFFF0000, v4;
	v5 =	vsub.f32 v5, v8  }
0x36c: {  	v9 =	vshll.u32 v19, $0x10;
	v3 =	vsub.f32 v3, v20;
	v4 =	vsub.f32 v4, v7  }
0x36d: {  	v1 =	vand.u32 $0xFFFF0000, v19;
	v2 =	vsub.f32 v2, v34;
	v21 =	vmul.f32 v5, v0  }
0x36e: {  	v15 =	vshll.u32 v31, $0x10;
	v3 =	vmul.f32 v3, v0;
	v4 =	vmul.f32 v4, v0  }
0x36f: {  	v1 =	vsub.f32 v1, v9;
	v12 =	vadd.f32 v8, v21;
	v8 =	vcvt.f32.s32 v30  }
0x370: {  	v2 =	vmul.f32 v0, v2;
	v11 =	vadd.f32 v20, v3;
	v4 =	vadd.f32 v7, v4  }
0x371: {  	v1 =	vmul.f32 v1, v0;
	v7 =	vld.idx.msk [tilespmem:v28+s4+$0x0], $0xffff;
	v3 =	vand.u32 $0xFFFF0000, v31;
	vm13 =	vgt.s32 v8, $0x0  }
0x372: {  	v22 =	vmul.f32 v11, v11;
	v23 =	vmul.f32 v4, v4;
	v32 =	vnsel vm13, $0x0, v8  }
0x373: {  	v9 =	vadd.f32 v9, v1;
	v21 =	vld [tilespmem:s11+$0x3A0];
	v3 =	vsub.f32 v3, v15;
	v6 =	vmin.u32 v32, $0x62  }
0x374: {  	v26 =	vmul.f32 v12, v12;
	v25 =	vadd.f32 v23, v22;
	v13 =	vshll.u32 v6, $0x3  }
0x375: {  	v29 =	vmul.f32 v9, v9;
	v3 =	vmul.f32 v0, v3;
	v14 =	vor.u32 $0x3, v13  }
0x376: {  	v17 =	vshll.u32 v7, $0x10;
	v1 =	vadd.f32 v26, v25;
	v16 =	vor.u32 $0x4, v13  }
0x377: {  	v7 =	vand.u32 $0xFFFF0000, v7;
	v36 =	vcvt.s32.f32 v6;
	v19 =	vor.u32 $0x5, v13;
	v26 =	vld [tilespmem:s11+$0x3B0]  }
0x378: {  	v6 =	vadd.f32 v15, v3;
	v45 =	vmul.f32 $9.900000000e+01, v21;
	v1 =	vadd.f32 v29, v1  }
0x379: {  	v7 =	vsub.f32 v7, v17;
	v35 =	vor.u32 $0x6, v13;
	v39 =	vor.u32 $0x1, v13;
	v18 =	vld.idx.msk [tilespmem:v13+s4+$0x0], $0xffff  }
0x37a: {  	v38 =	vsub.f32 v27, v36;
	v47 =	vtrunc.f32 v45;
	v1 =	vmax.f32 v1, $1.000000020e-24;
	v14 =	vld.idx.msk [tilespmem:v14+s4+$0x0], $0xffff  }
0x37b: {  	v0 =	vmul.f32 v7, v0;
	v33 =	vshrl.u32 v1, $0x1;
	v1 =	vmul.f32 $5.000000000e-01, v1;
	v37 =	vld.idx.msk [tilespmem:v16+s4+$0x0], $0xffff  }
0x37c: {  	v7 =	vadd.f32 v34, v2;
	v40 =	vld.idx.msk [tilespmem:v19+s4+$0x0], $0xffff;
	v19 =	vcvt.f32.s32 v47;
	v62 =	vmul.f32 $9.900000000e+01, v26  }
0x37d: {  	v3 =	vadd.f32 v17, v0;
	v13 =	vor.u32 $0x2, v13;
	v8 =	vsub.s32 $0x5F3759DF, v33  }
0x37e: {  	v22 =	vld.idx.msk [tilespmem:v39+s4+$0x0], $0xffff;
	v1 =	vmul.f32 v8, v1;
	vm14 =	vgt.s32 v19, $0x0;
	v34 =	vtrunc.f32 v62  }
0x37f: {  	v19 =	vnsel vm14, $0x0, v19;
	v41 =	vshll.u32 v18, $0x10;
	v42 =	vand.u32 $0xFFFF0000, v18  }
0x380: {  	v1 =	vmul.f32 v8, v1;
	v50 =	vmin.u32 v19, $0x62;
	v43 =	vsub.f32 v42, v41  }
0x381: {  	v44 =	vshll.u32 v14, $0x10;
	v14 =	vand.u32 $0xFFFF0000, v14;
	v46 =	vshll.u32 v37, $0x10  }
0x382: {  	v10 =	vand.u32 $0xFFFF0000, v37;
	v48 =	vshll.u32 v40, $0x10;
	v51 =	vshll.u32 v50, $0x3  }
0x383: {  	v13 =	vld.idx.msk [tilespmem:v13+s4+$0x0], $0xffff;
	v24 =	vshll.u32 v22, $0x10;
	v22 =	vand.u32 $0xFFFF0000, v22;
	v1 =	vsub.f32 $1.500000000e+00, v1  }
0x384: {  	v14 =	vsub.f32 v14, v44;
	v10 =	vsub.f32 v10, v46;
	v54 =	vor.u32 $0x3, v51  }
0x385: {  	v25 =	vor.u32 $0x4, v51;
	v22 =	vsub.f32 v22, v24;
	v16 =	vmul.f32 v38, v43  }
0x386: {  	v59 =	vor.u32 $0x5, v51;
	v20 =	vmul.f32 v8, v1;
	v14 =	vmul.f32 v14, v38  }
0x387: {  	v61 =	vor.u32 $0x6, v51;
	v10 =	vmul.f32 v10, v38;
	v57 =	vmul.f32 v38, v22  }
0x388: {  	v15 =	vadd.f32 v41, v16;
	v63 =	vshll.u32 v13, $0x10;
	v13 =	vand.u32 $0xFFFF0000, v13  }
0x389: {  	v41 =	vor.u32 $0x1, v51;
	v1 =	vmul.f32 v20, v11;
	v0 =	vmul.f32 v20, v4  }
0x38a: {  	v8 =	vld.idx.msk [tilespmem:v35+s4+$0x0], $0xffff;
	v4 =	vand.u32 $0xFFFF0000, v40;
	v5 =	vadd.f32 v44, v14;
	v2 =	vadd.f32 v46, v10  }
0x38b: {  	v12 =	vmul.f32 v20, v12;
	v9 =	vmul.f32 v20, v9;
	v16 =	vadd.f32 v24, v57  }
0x38c: {  	v10 =	vcvt.s32.f32 v50;
	v13 =	vsub.f32 v13, v63;
	v32 =	vld.idx.msk [tilespmem:v51+s4+$0x0], $0xffff;
	v14 =	vor.u32 $0x2, v51  }
0x38d: {  	v4 =	vsub.f32 v4, v48;
	v60 =	vld.idx.msk [tilespmem:v25+s4+$0x0], $0xffff;
	v25 =	vcvt.f32.s32 v34;
	v52 =	vmul.f32 v5, v5  }
0x38e: {  	v58 =	vld.idx.msk [tilespmem:v54+s4+$0x0], $0xffff;
	v53 =	vmul.f32 v2, v2;
	v10 =	vsub.f32 v45, v10;
	v11 =	vmul.f32 v13, v38  }
0x38f: {  	v36 =	vld.idx.msk [tilespmem:v59+s4+$0x0], $0xffff;
	v23 =	vshll.u32 v8, $0x10;
	v49 =	vand.u32 $0xFFFF0000, v8;
	v4 =	vmul.f32 v4, v38  }
0x390: {  	v22 =	vld.idx.msk [tilespmem:v61+s4+$0x0], $0xffff;
	vm15 =	vgt.s32 v25, $0x0;
	v8 =	vsub.f32 v49, v23;
	v18 =	vadd.f32 v53, v52  }
0x391: {  	v25 =	vnsel vm15, $0x0, v25;
	v11 =	vadd.f32 v63, v11;
	v4 =	vadd.f32 v48, v4  }
0x392: {  	v25 =	vmin.u32 v25, $0x62;
	v50 =	vshll.u32 v32, $0x10;
	v32 =	vand.u32 $0xFFFF0000, v32  }
0x393: {  	v8 =	vmul.f32 v8, v38;
	v37 =	vshll.u32 v58, $0x10;
	v20 =	vand.u32 $0xFFFF0000, v58  }
0x394: {  	v27 =	vshll.u32 v60, $0x10;
	v19 =	vand.u32 $0xFFFF0000, v60;
	v26 =	vshll.u32 v25, $0x3  }
0x395: {  	v28 =	vshll.u32 v36, $0x10;
	v17 =	vand.u32 $0xFFFF0000, v36;
	v30 =	vshll.u32 v22, $0x10  }
0x396: {  	v22 =	vand.u32 $0xFFFF0000, v22;
	v45 =	vcvt.s32.f32 v25;
	v51 =	vsub.f32 v32, v50  }
0x397: {  	v46 =	vld.idx.msk [tilespmem:v41+s4+$0x0], $0xffff;
	v55 =	vmul.f32 v4, v4;
	v20 =	vsub.f32 v20, v37;
	v19 =	vsub.f32 v19, v27  }
0x398: {  	v29 =	vor.u32 $0x3, v26;
	v17 =	vsub.f32 v17, v28;
	v39 =	vsub.f32 v22, v30  }
0x399: {  	v40 =	vor.u32 $0x4, v26;
	v43 =	vor.u32 $0x5, v26;
	v33 =	vor.u32 $0x6, v26  }
0x39a: {  	v14 =	vld.idx.msk [tilespmem:v14+s4+$0x0], $0xffff;
	v8 =	vadd.f32 v23, v8;
	v23 =	vsub.f32 v62, v45;
	v20 =	vmul.f32 v20, v10  }
0x39b: {  	v18 =	vadd.f32 v55, v18;
	v19 =	vmul.f32 v19, v10;
	v17 =	vmul.f32 v17, v10  }
0x39c: {  	v21 =	vmul.f32 v39, v10;
	v54 =	vshll.u32 v46, $0x10;
	v25 =	vand.u32 $0xFFFF0000, v46  }
0x39d: {  	v56 =	vmul.f32 v8, v8;
	v25 =	vsub.f32 v25, v54;
	v20 =	vadd.f32 v37, v20  }
0x39e: {  	v19 =	vadd.f32 v27, v19;
	v17 =	vadd.f32 v28, v17;
	v29 =	vld.idx.msk [tilespmem:v29+s4+$0x0], $0xffff  }
0x39f: {  	v58 =	vshll.u32 v14, $0x10;
	v21 =	vadd.f32 v30, v21;
	v18 =	vadd.f32 v56, v18;
	v22 =	vld.idx.msk [tilespmem:v40+s4+$0x0], $0xffff  }
0x3a0: {  	v37 =	vor.u32 $0x1, v26;
	v30 =	vld.idx.msk [tilespmem:v43+s4+$0x0], $0xffff;
	v42 =	vmul.f32 v20, v20;
	v31 =	vmul.f32 v19, v19  }
0x3a1: {  	v52 =	vld.idx.msk [tilespmem:v33+s4+$0x0], $0xffff;
	v40 =	vor.u32 $0x2, v26;
	v44 =	vmul.f32 v17, v17;
	v18 =	vmax.f32 v18, $1.000000020e-24  }
0x3a2: {  	v35 =	vshrl.u32 v18, $0x1;
	v18 =	vmul.f32 $5.000000000e-01, v18;
	v28 =	vadd.f32 v31, v42  }
0x3a3: {  	v41 =	vmul.f32 v10, v25;
	v48 =	vmul.f32 v21, v21;
	v38 =	vsub.s32 $0x5F3759DF, v35  }
0x3a4: {  	v18 =	vmul.f32 v38, v18;
	v47 =	vadd.f32 v44, v28;
	v49 =	vshll.u32 v29, $0x10  }
0x3a5: {  	v29 =	vand.u32 $0xFFFF0000, v29;
	v53 =	vshll.u32 v22, $0x10;
	v22 =	vand.u32 $0xFFFF0000, v22  }
0x3a6: {  	v55 =	vshll.u32 v30, $0x10;
	v30 =	vand.u32 $0xFFFF0000, v30;
	v57 =	vshll.u32 v52, $0x10  }
0x3a7: {  	s12 =	sand.u32 $0xFC0, s5;
	[tilespmem:s11+$0x2380] =	vst v7;
	v28 =	vand.u32 $0xFFFF0000, v52;
	v29 =	vsub.f32 v29, v49;
	v22 =	vsub.f32 v22, v53  }
0x3a8: {  	[tilespmem:s12+$0x4380] =	vst v6;
	v56 =	vsub.f32 v30, v55;
	v28 =	vsub.f32 v28, v57;
	v18 =	vmul.f32 v38, v18  }
0x3a9: {  	v44 =	vld.idx.msk [tilespmem:v26+s4+$0x0], $0xffff;
	v27 =	vadd.f32 v48, v47;
	v29 =	vmul.f32 v29, v23;
	v22 =	vmul.f32 v22, v23  }
0x3aa: {  	v45 =	vld.idx.msk [tilespmem:v37+s4+$0x0], $0xffff;
	v48 =	vadd.f32 v54, v41;
	v7 =	vmul.f32 v56, v23;
	v62 =	vmul.f32 v28, v23  }
0x3ab: {  	[tilespmem:s12+$0x6380] =	vst v3;
	v27 =	vmax.f32 v27, $1.000000020e-24;
	v24 =	vadd.f32 v49, v29;
	v3 =	vadd.f32 v53, v22  }
0x3ac: {  	[tilespmem:s11+$0x2390] =	vst v15;
	v18 =	vsub.f32 $1.500000000e+00, v18;
	v59 =	vshrl.u32 v27, $0x1;
	v61 =	vmul.f32 $5.000000000e-01, v27  }
0x3ad: {  	[tilespmem:s12+$0x8380] =	vst v1;
	v63 =	vadd.f32 v55, v7;
	v32 =	vmul.f32 v24, v24;
	v34 =	vmul.f32 v3, v3  }
0x3ae: {  	[tilespmem:s11+$0x6390] =	vst v11;
	v36 =	vadd.f32 v57, v62;
	v52 =	vshll.u32 v44, $0x10;
	v11 =	vand.u32 $0xFFFF0000, v44  }
0x3af: {  	[tilespmem:s12+$0xA380] =	vst v0;
	v53 =	vshll.u32 v45, $0x10;
	v39 =	vmul.f32 v63, v63;
	v7 =	vadd.f32 v34, v32  }
0x3b0: {  	[tilespmem:s12+$0xC380] =	vst v12;
	v13 =	vmul.f32 v38, v18;
	v18 =	vmul.f32 v10, v51;
	v60 =	vsub.s32 $0x5F3759DF, v59  }
0x3b1: {  	[tilespmem:s12+$0xE380] =	vst v9;
	v38 =	vand.u32 $0xFFFF0000, v14;
	v42 =	vmul.f32 v36, v36;
	v7 =	vadd.f32 v39, v7  }
0x3b2: {  	v49 =	vld.idx.msk [tilespmem:v40+s4+$0x0], $0xffff;
	v35 =	vmul.f32 v60, v61;
	v9 =	vsub.f32 v38, v58;
	v5 =	vmul.f32 v13, v5  }
0x3b3: {  	[tilespmem:s11+$0x4390] =	vst v16;
	v2 =	vmul.f32 v13, v2;
	v4 =	vmul.f32 v13, v4;
	v7 =	vadd.f32 v42, v7  }
0x3b4: {  	[tilespmem:s11+$0x43A0] =	vst v48;
	v11 =	vsub.f32 v11, v52;
	v46 =	vmul.f32 v13, v8;
	v12 =	vmul.f32 v60, v35  }
0x3b5: {  	v47 =	vadd.f32 v50, v18;
	v9 =	vmul.f32 v9, v10;
	[tilespmem:s11+$0x8390] =	vst v5;
	v7 =	vmax.f32 v7, $1.000000020e-24  }
0x3b6: {  	[tilespmem:s11+$0xA390] =	vst v2;
	v43 =	vsub.f32 $1.500000000e+00, v12;
	v51 =	vshrl.u32 v7, $0x1;
	v7 =	vmul.f32 $5.000000000e-01, v7  }
0x3b7: {  	v11 =	vmul.f32 v23, v11;
	[tilespmem:s11+$0xC390] =	vst v4;
	v55 =	vshll.u32 v49, $0x10;
	v10 =	vsub.s32 $0x5F3759DF, v51  }
0x3b8: {  	[tilespmem:s11+$0xE390] =	vst v46;
	v6 =	vadd.f32 v58, v9;
	v1 =	vmul.f32 v60, v43;
	v7 =	vmul.f32 v10, v7  }
0x3b9: {  	[tilespmem:s11+$0x23A0] =	vst v47;
	v12 =	vand.u32 $0xFFFF0000, v45;
	v9 =	vand.u32 $0xFFFF0000, v49;
	v58 =	vadd.f32 v52, v11  }
0x3ba: {  	v12 =	vsub.f32 v12, v53;
	[tilespmem:s11+$0x63A0] =	vst v6;
	v50 =	vmul.f32 v1, v20;
	v7 =	vmul.f32 v10, v7  }
0x3bb: {  	v9 =	vsub.f32 v9, v55;
	[tilespmem:s11+$0x23B0] =	vst v58;
	v54 =	vmul.f32 v1, v19  }
0x3bc: {  	v57 =	vmul.f32 v23, v12;
	v56 =	vmul.f32 v1, v17;
	[tilespmem:s11+$0x83A0] =	vst v50;
	v7 =	vsub.f32 $1.500000000e+00, v7  }
0x3bd: {  	v59 =	vmul.f32 v9, v23;
	v1 =	vmul.f32 v1, v21;
	[tilespmem:s11+$0xA3A0] =	vst v54  }
0x3be: {  	v60 =	vadd.f32 v53, v57;
	[tilespmem:s11+$0xC3A0] =	vst v56;
	v61 =	vmul.f32 v10, v7  }
0x3bf: {  	s2 =	sadd.s32 $0x4, s2;
	v5 =	vadd.f32 v55, v59;
	[tilespmem:s11+$0xE3A0] =	vst v1  }
0x3c0: {  	p2 =	slt.u32 s2, $0xFC;
	[tilespmem:s11+$0x43B0] =	vst v60;
	v62 =	vmul.f32 v61, v24  }
.Ltmp8:
0x3c1: {  	[tilespmem:s11+$0x63B0] =	vst v5;
	v3 =	vmul.f32 v61, v3;
	(pc) =	sbr.rel @p2 .LBB2_13-.Ltmp8, $4  }
0x3c2: {  	v0 =	vmul.f32 v61, v63;
	[tilespmem:s11+$0x83B0] =	vst v62  }
0x3c3: {  	v63 =	vmul.f32 v61, v36;
	[tilespmem:s11+$0xA3B0] =	vst v3  }
0x3c4: {  	[tilespmem:s11+$0xC3B0] =	vst v0  }
0x3c5: {  	s9 =	sadd.s32 $0x100, s9;
	s5 =	sadd.s32 $0x40, s5;
	[tilespmem:s11+$0xE3B0] =	vst v63  }
0x3c6: {  	_ =	swait.ge [sflag:s24], $0x1000  }
0x3c7: {  	[sflag:s24] =	ssyncset.done $0x0  }
0x3c8: {  	s2 =	simm.s32 $0x0;
	[sflag:s24] =	ssyncadd.s32 $0xFFFFF000  }
0x3c9: {  	v0 =	vld [tilespmem:s2+$0x13B0];
	_ =	sdelay $0x1  }
0x3ca: {  	v1 =	vld [tilespmem:s2+$0x1380]  }
0x3cb: {  	v2 =	vld [tilespmem:s2+$0x1390]  }
0x3cc: {  	v3 =	vld [tilespmem:s2+$0x13A0]  }
0x3cd: {  	v0 =	vmul.f32 $9.900000000e+01, v0;
	_ =	sdelay $0x1  }
0x3ce: {  	v4 =	vtrunc.f32 v0  }
0x3cf: {  	v1 =	vmul.f32 $9.900000000e+01, v1;
	v4 =	vcvt.f32.s32 v4  }
0x3d0: {  	v2 =	vmul.f32 $9.900000000e+01, v2;
	v3 =	vmul.f32 $9.900000000e+01, v3  }
0x3d1: {  	v5 =	vtrunc.f32 v1;
	vm0 =	vgt.s32 v4, $0x0  }
0x3d2: {  	v6 =	vtrunc.f32 v2;
	v7 =	vtrunc.f32 v3;
	v4 =	vnsel vm0, $0x0, v4  }
0x3d3: {  	v5 =	vcvt.f32.s32 v5;
	v6 =	vcvt.f32.s32 v6;
	v4 =	vmin.u32 v4, $0x62  }
0x3d4: {  	v7 =	vcvt.f32.s32 v7;
	v19 =	vshll.u32 v4, $0x3  }
0x3d5: {  	vm15 =	vgt.s32 v5, $0x0;
	vm1 =	vgt.s32 v6, $0x0;
	v8 =	vor.u32 $0x3, v19  }
0x3d6: {  	vm2 =	vgt.s32 v7, $0x0;
	v5 =	vnsel vm15, $0x0, v5;
	v9 =	vor.u32 $0x4, v19  }
0x3d7: {  	v6 =	vnsel vm1, $0x0, v6;
	v5 =	vmin.u32 v5, $0x62;
	v10 =	vor.u32 $0x6, v19  }
0x3d8: {  	v7 =	vnsel vm2, $0x0, v7;
	v22 =	vshll.u32 v5, $0x3;
	v11 =	vor.u32 $0x5, v19  }
0x3d9: {  	v6 =	vmin.u32 v6, $0x62;
	v7 =	vmin.u32 v7, $0x62;
	v12 =	vor.u32 $0x3, v22;
	v47 =	vld.idx.msk [tilespmem:v19+s4+$0x0], $0xffff  }
0x3da: {  	v20 =	vshll.u32 v6, $0x3;
	v21 =	vshll.u32 v7, $0x3;
	v13 =	vor.u32 $0x4, v22;
	v8 =	vld.idx.msk [tilespmem:v8+s4+$0x0], $0xffff  }
0x3db: {  	v5 =	vcvt.s32.f32 v5;
	v6 =	vcvt.s32.f32 v6;
	v18 =	vor.u32 $0x4, v20;
	v9 =	vld.idx.msk [tilespmem:v9+s4+$0x0], $0xffff  }
0x3dc: {  	v7 =	vcvt.s32.f32 v7;
	v4 =	vcvt.s32.f32 v4;
	v24 =	vor.u32 $0x5, v22;
	v10 =	vld.idx.msk [tilespmem:v10+s4+$0x0], $0xffff  }
0x3dd: {  	v17 =	vor.u32 $0x3, v20;
	v23 =	vor.u32 $0x3, v21;
	v30 =	vor.u32 $0x5, v21;
	v11 =	vld.idx.msk [tilespmem:v11+s4+$0x0], $0xffff  }
0x3de: {  	v25 =	vor.u32 $0x5, v20;
	v28 =	vor.u32 $0x6, v22;
	v16 =	vsub.f32 v1, v5;
	v1 =	vld.idx.msk [tilespmem:v12+s4+$0x0], $0xffff  }
0x3df: {  	v27 =	vor.u32 $0x4, v21;
	v29 =	vor.u32 $0x6, v20;
	v14 =	vsub.f32 v2, v6;
	v6 =	vld.idx.msk [tilespmem:v13+s4+$0x0], $0xffff  }
0x3e0: {  	v31 =	vor.u32 $0x6, v21;
	v32 =	vor.u32 $0x1, v22;
	v33 =	vor.u32 $0x2, v22;
	v12 =	vld.idx.msk [tilespmem:v18+s4+$0x0], $0xffff  }
0x3e1: {  	v40 =	vor.u32 $0x1, v19;
	v42 =	vor.u32 $0x2, v19;
	v57 =	vor.u32 $0x2, v20;
	v18 =	vld.idx.msk [tilespmem:v24+s4+$0x0], $0xffff  }
0x3e2: {  	v58 =	vor.u32 $0x2, v21;
	v15 =	vsub.f32 v3, v7;
	v0 =	vsub.f32 v0, v4;
	v30 =	vld.idx.msk [tilespmem:v30+s4+$0x0], $0xffff  }
0x3e3: {  	v28 =	vld.idx.msk [tilespmem:v28+s4+$0x0], $0xffff;
	v55 =	vand.u32 $0xFFFF0000, v47;
	v2 =	vshll.u32 v8, $0x10;
	v3 =	vand.u32 $0xFFFF0000, v8  }
0x3e4: {  	v29 =	vld.idx.msk [tilespmem:v29+s4+$0x0], $0xffff;
	v4 =	vshll.u32 v9, $0x10;
	v5 =	vand.u32 $0xFFFF0000, v9;
	v7 =	vshll.u32 v10, $0x10  }
0x3e5: {  	v31 =	vld.idx.msk [tilespmem:v31+s4+$0x0], $0xffff;
	v9 =	vshll.u32 v11, $0x10;
	v11 =	vand.u32 $0xFFFF0000, v11;
	v10 =	vand.u32 $0xFFFF0000, v10  }
0x3e6: {  	v8 =	vld.idx.msk [tilespmem:v17+s4+$0x0], $0xffff;
	v13 =	vshll.u32 v1, $0x10;
	v17 =	vand.u32 $0xFFFF0000, v1;
	v24 =	vshll.u32 v12, $0x10  }
0x3e7: {  	v12 =	vand.u32 $0xFFFF0000, v12;
	v34 =	vshll.u32 v18, $0x10;
	v36 =	vshll.u32 v30, $0x10  }
0x3e8: {  	v30 =	vand.u32 $0xFFFF0000, v30;
	v39 =	vshll.u32 v28, $0x10;
	v28 =	vand.u32 $0xFFFF0000, v28  }
0x3e9: {  	v41 =	vshll.u32 v29, $0x10;
	v29 =	vand.u32 $0xFFFF0000, v29;
	v3 =	vsub.f32 v3, v2  }
0x3ea: {  	v43 =	vshll.u32 v31, $0x10;
	v5 =	vsub.f32 v5, v4;
	v11 =	vsub.f32 v11, v9  }
0x3eb: {  	v31 =	vand.u32 $0xFFFF0000, v31;
	v17 =	vsub.f32 v17, v13;
	v12 =	vsub.f32 v12, v24  }
0x3ec: {  	v1 =	vsub.f32 v10, v7;
	v3 =	vmul.f32 v3, v0;
	v5 =	vmul.f32 v5, v0  }
0x3ed: {  	v30 =	vsub.f32 v30, v36;
	v17 =	vmul.f32 v17, v16;
	v12 =	vmul.f32 v12, v14  }
0x3ee: {  	v10 =	vld.idx.msk [tilespmem:v23+s4+$0x0], $0xffff;
	v26 =	vadd.f32 v2, v3;
	v2 =	vadd.f32 v4, v5;
	v3 =	vmul.f32 v11, v0  }
0x3ef: {  	v4 =	vld.idx.msk [tilespmem:v27+s4+$0x0], $0xffff;
	v5 =	vshll.u32 v6, $0x10;
	v6 =	vand.u32 $0xFFFF0000, v6;
	v11 =	vmul.f32 v1, v0  }
0x3f0: {  	v23 =	vshll.u32 v8, $0x10;
	v8 =	vand.u32 $0xFFFF0000, v8;
	v6 =	vsub.f32 v6, v5  }
0x3f1: {  	v1 =	vadd.f32 v9, v3;
	v3 =	vmul.f32 v26, v26;
	v9 =	vmul.f32 v2, v2  }
0x3f2: {  	v8 =	vsub.f32 v8, v23;
	v11 =	vadd.f32 v7, v11;
	v6 =	vmul.f32 v6, v16  }
0x3f3: {  	v3 =	vadd.f32 v9, v3;
	v7 =	vmul.f32 v1, v1;
	v9 =	vld.idx.msk [tilespmem:v25+s4+$0x0], $0xffff;
	v25 =	vshll.u32 v10, $0x10  }
0x3f4: {  	v10 =	vand.u32 $0xFFFF0000, v10;
	v27 =	vshll.u32 v4, $0x10;
	v4 =	vand.u32 $0xFFFF0000, v4  }
0x3f5: {  	v10 =	vsub.f32 v10, v25;
	v3 =	vadd.f32 v7, v3;
	v7 =	vmul.f32 v11, v11  }
0x3f6: {  	v37 =	vmul.f32 v8, v14;
	v8 =	vadd.f32 v5, v6;
	v4 =	vsub.f32 v4, v27  }
0x3f7: {  	v6 =	vadd.f32 v24, v12;
	v10 =	vmul.f32 v10, v15;
	v3 =	vadd.f32 v7, v3  }
0x3f8: {  	v7 =	vand.u32 $0xFFFF0000, v18;
	v4 =	vmul.f32 v4, v15;
	v18 =	vshll.u32 v9, $0x10  }
0x3f9: {  	v9 =	vand.u32 $0xFFFF0000, v9;
	v7 =	vsub.f32 v7, v34;
	v5 =	vadd.f32 v25, v10  }
0x3fa: {  	v10 =	vsub.f32 v28, v39;
	v25 =	vsub.f32 v29, v41;
	v3 =	vmax.f32 v3, $1.000000020e-24  }
0x3fb: {  	v38 =	vsub.f32 v9, v18;
	v9 =	vadd.f32 v13, v17;
	v17 =	vmul.f32 v30, v15  }
0x3fc: {  	v59 =	vld.idx.msk [tilespmem:v22+s4+$0x0], $0xffff;
	v35 =	vshrl.u32 v3, $0x1;
	v3 =	vmul.f32 $5.000000000e-01, v3;
	v13 =	vmul.f32 v7, v16  }
0x3fd: {  	v7 =	vadd.f32 v23, v37;
	v23 =	vor.u32 $0x1, v20;
	v35 =	vsub.s32 $0x5F3759DF, v35  }
0x3fe: {  	v4 =	vadd.f32 v27, v4;
	v29 =	vmul.f32 v5, v5;
	v3 =	vmul.f32 v35, v3  }
0x3ff: {  	v27 =	vsub.f32 v31, v43;
	v30 =	vmul.f32 v10, v16;
	v24 =	vmul.f32 v9, v9  }
0x400: {  	v10 =	vadd.f32 v36, v17;
	v17 =	vmul.f32 v4, v4;
	v3 =	vmul.f32 v35, v3  }
0x401: {  	v36 =	vand.u32 $0xFFFF0000, v59;
	v12 =	vadd.f32 v34, v13;
	v13 =	vmul.f32 v8, v8;
	v34 =	vld.idx.msk [tilespmem:v57+s4+$0x0], $0xffff  }
0x402: {  	v29 =	vadd.f32 v17, v29;
	v56 =	vmul.f32 v10, v10;
	v23 =	vld.idx.msk [tilespmem:v23+s4+$0x0], $0xffff;
	v3 =	vsub.f32 $1.500000000e+00, v3  }
0x403: {  	v24 =	vadd.f32 v13, v24;
	v13 =	vmul.f32 v25, v14;
	v25 =	vmul.f32 v27, v15  }
0x404: {  	v31 =	vld.idx.msk [tilespmem:v32+s4+$0x0], $0xffff;
	v27 =	vmul.f32 v12, v12;
	v29 =	vadd.f32 v56, v29;
	v3 =	vmul.f32 v35, v3  }
0x405: {  	v20 =	vld.idx.msk [tilespmem:v20+s4+$0x0], $0xffff;
	v28 =	vmul.f32 v7, v7;
	v17 =	vadd.f32 v41, v13;
	v13 =	vadd.f32 v43, v25  }
0x406: {  	v61 =	vld.idx.msk [tilespmem:v42+s4+$0x0], $0xffff;
	v24 =	vadd.f32 v27, v24;
	v35 =	vmul.f32 v3, v11;
	v11 =	vmul.f32 v38, v14  }
0x407: {  	v44 =	vshll.u32 v34, $0x10;
	v34 =	vand.u32 $0xFFFF0000, v34;
	v42 =	vshll.u32 v23, $0x10  }
0x408: {  	v54 =	vand.u32 $0xFFFF0000, v23;
	v11 =	vadd.f32 v18, v11;
	v18 =	vmul.f32 v6, v6  }
0x409: {  	v37 =	vshll.u32 v31, $0x10;
	v34 =	vsub.f32 v34, v44;
	v43 =	vsub.f32 v54, v42  }
0x40a: {  	v50 =	vand.u32 $0xFFFF0000, v20;
	v28 =	vadd.f32 v18, v28;
	v18 =	vadd.f32 v39, v30  }
0x40b: {  	v33 =	vld.idx.msk [tilespmem:v33+s4+$0x0], $0xffff;
	v23 =	vshll.u32 v61, $0x10;
	v57 =	vmul.f32 v3, v26;
	v30 =	vmul.f32 v11, v11  }
0x40c: {  	v43 =	vmul.f32 v14, v43;
	v39 =	vand.u32 $0xFFFF0000, v61;
	v25 =	vmul.f32 v18, v18  }
0x40d: {  	v27 =	vadd.f32 v30, v28;
	v28 =	vmul.f32 v17, v17;
	v30 =	vmul.f32 v13, v13  }
0x40e: {  	v39 =	vsub.f32 v39, v23;
	v24 =	vadd.f32 v25, v24;
	v25 =	vor.u32 $0x1, v21  }
0x40f: {  	v22 =	vadd.f32 v28, v27;
	v27 =	vadd.f32 v30, v29;
	v30 =	vand.u32 $0xFFFF0000, v31  }
0x410: {  	v28 =	vld.idx.msk [tilespmem:v40+s4+$0x0], $0xffff;
	v31 =	vshll.u32 v33, $0x10;
	v33 =	vand.u32 $0xFFFF0000, v33;
	v30 =	vsub.f32 v30, v37  }
0x411: {  	v21 =	vld.idx.msk [tilespmem:v21+s4+$0x0], $0xffff;
	v33 =	vsub.f32 v33, v31;
	v24 =	vmax.f32 v24, $1.000000020e-24;
	v22 =	vmax.f32 v22, $1.000000020e-24  }
0x412: {  	v27 =	vmax.f32 v27, $1.000000020e-24;
	v29 =	vshrl.u32 v24, $0x1;
	v24 =	vmul.f32 $5.000000000e-01, v24  }
0x413: {  	v60 =	vshrl.u32 v22, $0x1;
	v22 =	vmul.f32 $5.000000000e-01, v22;
	v33 =	vmul.f32 v33, v16  }
0x414: {  	v32 =	vld.idx.msk [tilespmem:v58+s4+$0x0], $0xffff;
	v62 =	vsub.s32 $0x5F3759DF, v29;
	v29 =	vshrl.u32 v27, $0x1;
	v27 =	vmul.f32 $5.000000000e-01, v27  }
0x415: {  	v38 =	vsub.s32 $0x5F3759DF, v60;
	v24 =	vmul.f32 v62, v24;
	v63 =	vsub.s32 $0x5F3759DF, v29  }
0x416: {  	v22 =	vmul.f32 v38, v22;
	v48 =	vand.u32 $0xFFFF0000, v28;
	v19 =	vshll.u32 v21, $0x10  }
0x417: {  	v25 =	vld.idx.msk [tilespmem:v25+s4+$0x0], $0xffff;
	v51 =	vand.u32 $0xFFFF0000, v21;
	v21 =	vshll.u32 v47, $0x10;
	v27 =	vmul.f32 v63, v27  }
0x418: {  	v31 =	vadd.f32 v31, v33;
	v24 =	vmul.f32 v62, v24;
	v45 =	vmul.f32 v38, v22  }
0x419: {  	v22 =	vshll.u32 v28, $0x10;
	v28 =	vshll.u32 v32, $0x10;
	v32 =	vand.u32 $0xFFFF0000, v32  }
0x41a: {  	v33 =	vmul.f32 v39, v0;
	v46 =	vmul.f32 v63, v27;
	v32 =	vsub.f32 v32, v28  }
0x41b: {  	v60 =	vsub.f32 v48, v22;
	v27 =	vsub.f32 $1.500000000e+00, v24;
	v24 =	vshll.u32 v20, $0x10  }
0x41c: {  	v20 =	vsub.f32 $1.500000000e+00, v45;
	v29 =	vshll.u32 v25, $0x10;
	v49 =	vand.u32 $0xFFFF0000, v25  }
0x41d: {  	v25 =	vshll.u32 v59, $0x10;
	v56 =	vsub.f32 $1.500000000e+00, v46;
	v59 =	vmul.f32 v16, v30  }
0x41e: {  	v61 =	vsub.f32 v50, v24;
	v30 =	vsub.f32 v55, v21;
	v27 =	vmul.f32 v62, v27  }
0x41f: {  	v26 =	vmul.f32 v38, v20;
	v58 =	vsub.f32 v49, v29;
	v36 =	vsub.f32 v36, v25  }
0x420: {  	s5 =	simm.s32 $0x0;
	[tilespmem:s2+$0xF3B0] =	vst v35;
	v62 =	vsub.f32 v51, v19;
	v20 =	vmul.f32 v63, v56;
	v63 =	vmul.f32 v34, v14  }
0x421: {  	s12 =	sand.u32 $0xFC0, s5;
	[tilespmem:s2+$0x93B0] =	vst v57;
	v37 =	vadd.f32 v37, v59;
	v34 =	vmul.f32 v32, v15;
	v32 =	vmul.f32 v0, v60  }
0x422: {  	[tilespmem:s12+$0x7380] =	vst v31;
	v35 =	vmul.f32 v15, v58;
	v16 =	vmul.f32 v16, v36;
	v36 =	vadd.f32 v42, v43  }
0x423: {  	s9 =	simm.s32 $0x0;
	s11 =	simm.s32 $0x100;
	v31 =	vmul.f32 v14, v61;
	v14 =	vmul.f32 v15, v62;
	[tilespmem:s12+$0x5380] =	vst v37;
	v37 =	vadd.f32 v44, v63  }
.LBB2_15:
0x424: {  	s13 =	sshra.s32 s11, $0x2;
	v9 =	vmul.f32 v27, v9;
	[tilespmem:s2+$0x5390] =	vst v36;
	v15 =	vadd.f32 v29, v35;
	v0 =	vmul.f32 v0, v30  }
0x425: {  	s9 =	sadd.s32 $0x4, s9;
	v8 =	vmul.f32 v27, v8;
	v12 =	vmul.f32 v27, v12;
	v28 =	vadd.f32 v28, v34;
	v29 =	vld [tilespmem:s13+$0x13B0];
	[tilespmem:s2+$0x7390] =	vst v37  }
0x426: {  	v7 =	vmul.f32 v26, v7;
	p2 =	slt.u32 s9, $0xFC;
	v30 =	vld [tilespmem:s13+$0x1380];
	[tilespmem:s12+$0x9380] =	vst v9;
	v9 =	vmul.f32 v27, v18;
	v18 =	vadd.f32 v22, v32  }
0x427: {  	v6 =	vmul.f32 v26, v6;
	v22 =	vld [tilespmem:s13+$0x1390];
	[tilespmem:s12+$0xB380] =	vst v8;
	v8 =	vmul.f32 v26, v11;
	v11 =	vadd.f32 v23, v33  }
0x428: {  	v16 =	vadd.f32 v25, v16;
	v5 =	vmul.f32 v20, v5;
	v23 =	vld [tilespmem:s13+$0x13A0];
	[tilespmem:s12+$0xD380] =	vst v12;
	v12 =	vmul.f32 v26, v17  }
0x429: {  	v4 =	vmul.f32 v20, v4;
	v10 =	vmul.f32 v20, v10;
	[tilespmem:s12+$0xF380] =	vst v9;
	v9 =	vadd.f32 v24, v31  }
0x42a: {  	v13 =	vmul.f32 v20, v13;
	v17 =	vmul.f32 $9.900000000e+01, v29;
	[tilespmem:s2+$0x9390] =	vst v7;
	v7 =	vadd.f32 v19, v14  }
0x42b: {  	v2 =	vmul.f32 v3, v2;
	v0 =	vadd.f32 v21, v0;
	v14 =	vmul.f32 $9.900000000e+01, v30;
	[tilespmem:s2+$0xB390] =	vst v6  }
0x42c: {  	v6 =	vmul.f32 $9.900000000e+01, v22;
	v19 =	vtrunc.f32 v17;
	[tilespmem:s2+$0xD390] =	vst v8  }
0x42d: {  	v8 =	vmul.f32 $9.900000000e+01, v23;
	v19 =	vcvt.f32.s32 v19;
	[tilespmem:s2+$0xF390] =	vst v12  }
0x42e: {  	v12 =	vtrunc.f32 v14;
	v20 =	vtrunc.f32 v6;
	[tilespmem:s2+$0x93A0] =	vst v5  }
0x42f: {  	v5 =	vcvt.f32.s32 v12;
	v12 =	vtrunc.f32 v8;
	vm0 =	vgt.s32 v19, $0x0;
	[tilespmem:s2+$0xB3A0] =	vst v4  }
0x430: {  	v20 =	vcvt.f32.s32 v20;
	v12 =	vcvt.f32.s32 v12;
	v4 =	vnsel vm0, $0x0, v19;
	[tilespmem:s2+$0xD3A0] =	vst v10  }
0x431: {  	v1 =	vmul.f32 v3, v1;
	vm0 =	vgt.s32 v5, $0x0;
	v10 =	vmin.u32 v4, $0x62;
	[tilespmem:s2+$0xF3A0] =	vst v13  }
0x432: {  	vm1 =	vgt.s32 v20, $0x0;
	vm2 =	vgt.s32 v12, $0x0;
	v4 =	vshll.u32 v10, $0x3;
	[tilespmem:s2+$0xB3B0] =	vst v2  }
0x433: {  	v2 =	vnsel vm0, $0x0, v5;
	v3 =	vnsel vm1, $0x0, v20;
	v5 =	vor.u32 $0x3, v4;
	[tilespmem:s2+$0xD3B0] =	vst v1  }
0x434: {  	v1 =	vmin.u32 v2, $0x62;
	v2 =	vnsel vm2, $0x0, v12;
	v12 =	vor.u32 $0x4, v4;
	[tilespmem:s2+$0x53A0] =	vst v15  }
0x435: {  	v3 =	vmin.u32 v3, $0x62;
	v2 =	vmin.u32 v2, $0x62;
	v15 =	vor.u32 $0x6, v4;
	[tilespmem:s2+$0x73A0] =	vst v28  }
0x436: {  	v20 =	vor.u32 $0x5, v4;
	v21 =	vshll.u32 v1, $0x3;
	v13 =	vshll.u32 v3, $0x3;
	[tilespmem:s2+$0x53B0] =	vst v18  }
0x437: {  	v22 =	vor.u32 $0x4, v21;
	v19 =	vshll.u32 v2, $0x3;
	v18 =	vor.u32 $0x3, v21;
	[tilespmem:s2+$0x73B0] =	vst v11  }
0x438: {  	v23 =	vor.u32 $0x4, v13;
	v24 =	vor.u32 $0x3, v19;
	v11 =	vor.u32 $0x3, v13;
	v5 =	vld.idx.msk [tilespmem:v5+s4+$0x0], $0xffff;
	[tilespmem:s12+$0x3380] =	vst v16  }
0x439: {  	v25 =	vor.u32 $0x5, v21;
	v26 =	vor.u32 $0x5, v13;
	v27 =	vor.u32 $0x4, v19;
	v12 =	vld.idx.msk [tilespmem:v12+s4+$0x0], $0xffff;
	[tilespmem:s2+$0x3390] =	vst v9  }
0x43a: {  	v28 =	vor.u32 $0x6, v13;
	v29 =	vor.u32 $0x5, v19;
	v9 =	vor.u32 $0x6, v21;
	v30 =	vld.idx.msk [tilespmem:v15+s4+$0x0], $0xffff;
	[tilespmem:s2+$0x33A0] =	vst v7  }
0x43b: {  	v1 =	vcvt.s32.f32 v1;
	v3 =	vcvt.s32.f32 v3;
	v7 =	vor.u32 $0x6, v19;
	v20 =	vld.idx.msk [tilespmem:v20+s4+$0x0], $0xffff;
	[tilespmem:s2+$0x33B0] =	vst v0;
	s2 =	smov.u32 s13  }
0x43c: {  	v31 =	vor.u32 $0x1, v21;
	v0 =	vcvt.s32.f32 v2;
	v2 =	vcvt.s32.f32 v10;
	v18 =	vld.idx.msk [tilespmem:v18+s4+$0x0], $0xffff  }
0x43d: {  	v16 =	vsub.f32 v14, v1;
	v14 =	vsub.f32 v6, v3;
	v10 =	vor.u32 $0x2, v21;
	v1 =	vld.idx.msk [tilespmem:v22+s4+$0x0], $0xffff  }
0x43e: {  	v15 =	vsub.f32 v8, v0;
	v0 =	vsub.f32 v17, v2;
	v2 =	vshll.u32 v5, $0x10;
	v3 =	vld.idx.msk [tilespmem:v11+s4+$0x0], $0xffff  }
0x43f: {  	v5 =	vand.u32 $0xFFFF0000, v5;
	v8 =	vshll.u32 v12, $0x10;
	v11 =	vand.u32 $0xFFFF0000, v12;
	v6 =	vld.idx.msk [tilespmem:v23+s4+$0x0], $0xffff  }
0x440: {  	v5 =	vsub.f32 v5, v2;
	v11 =	vsub.f32 v11, v8;
	v17 =	vshll.u32 v30, $0x10;
	v12 =	vld.idx.msk [tilespmem:v24+s4+$0x0], $0xffff  }
0x441: {  	v23 =	vand.u32 $0xFFFF0000, v30;
	v22 =	vshll.u32 v20, $0x10;
	v20 =	vand.u32 $0xFFFF0000, v20;
	v24 =	vld.idx.msk [tilespmem:v27+s4+$0x0], $0xffff  }
0x442: {  	v5 =	vmul.f32 v5, v0;
	v11 =	vmul.f32 v11, v0;
	v27 =	vsub.f32 v20, v22;
	v25 =	vld.idx.msk [tilespmem:v25+s4+$0x0], $0xffff  }
0x443: {  	v23 =	vsub.f32 v23, v17;
	v30 =	vshll.u32 v18, $0x10;
	v18 =	vand.u32 $0xFFFF0000, v18;
	v32 =	vld.idx.msk [tilespmem:v26+s4+$0x0], $0xffff  }
0x444: {  	v20 =	vadd.f32 v2, v5;
	v2 =	vadd.f32 v8, v11;
	v5 =	vmul.f32 v27, v0;
	v29 =	vld.idx.msk [tilespmem:v29+s4+$0x0], $0xffff  }
0x445: {  	v11 =	vshll.u32 v1, $0x10;
	v26 =	vmul.f32 v23, v0;
	v8 =	vld.idx.msk [tilespmem:v9+s4+$0x0], $0xffff;
	v9 =	vand.u32 $0xFFFF0000, v1  }
0x446: {  	v1 =	vadd.f32 v22, v5;
	v5 =	vmul.f32 v20, v20;
	v22 =	vmul.f32 v2, v2;
	v28 =	vld.idx.msk [tilespmem:v28+s4+$0x0], $0xffff  }
0x447: {  	v33 =	vshll.u32 v3, $0x10;
	v3 =	vand.u32 $0xFFFF0000, v3;
	v34 =	vshll.u32 v6, $0x10;
	v7 =	vld.idx.msk [tilespmem:v7+s4+$0x0], $0xffff  }
0x448: {  	v17 =	vadd.f32 v17, v26;
	v5 =	vadd.f32 v22, v5;
	v26 =	vmul.f32 v1, v1;
	v23 =	vld.idx.msk [tilespmem:v31+s4+$0x0], $0xffff  }
0x449: {  	v6 =	vand.u32 $0xFFFF0000, v6;
	v22 =	vld.idx.msk [tilespmem:v10+s4+$0x0], $0xffff;
	v10 =	vshll.u32 v12, $0x10;
	v12 =	vand.u32 $0xFFFF0000, v12  }
0x44a: {  	v35 =	vmul.f32 v17, v17;
	v31 =	vshll.u32 v24, $0x10;
	v5 =	vadd.f32 v26, v5;
	v21 =	vld.idx.msk [tilespmem:v21+s4+$0x0], $0xffff  }
0x44b: {  	v18 =	vsub.f32 v18, v30;
	v9 =	vsub.f32 v9, v11;
	v24 =	vand.u32 $0xFFFF0000, v24;
	v26 =	vld.idx.msk [tilespmem:v13+s4+$0x0], $0xffff  }
0x44c: {  	v3 =	vsub.f32 v3, v33;
	v36 =	vshll.u32 v25, $0x10;
	v5 =	vadd.f32 v35, v5;
	v27 =	vld.idx.msk [tilespmem:v19+s4+$0x0], $0xffff  }
0x44d: {  	v6 =	vsub.f32 v6, v34;
	v25 =	vand.u32 $0xFFFF0000, v25;
	v12 =	vsub.f32 v12, v10  }
0x44e: {  	v24 =	vsub.f32 v24, v31;
	v35 =	vshll.u32 v32, $0x10;
	v5 =	vmax.f32 v5, $1.000000020e-24  }
0x44f: {  	v32 =	vand.u32 $0xFFFF0000, v32;
	v37 =	vshrl.u32 v5, $0x1;
	v5 =	vmul.f32 $5.000000000e-01, v5  }
0x450: {  	v38 =	vshll.u32 v29, $0x10;
	v29 =	vand.u32 $0xFFFF0000, v29;
	v37 =	vsub.s32 $0x5F3759DF, v37  }
0x451: {  	v18 =	vmul.f32 v18, v16;
	v25 =	vsub.f32 v25, v36;
	v5 =	vmul.f32 v37, v5  }
0x452: {  	v40 =	vmul.f32 v3, v14;
	v39 =	vmul.f32 v9, v16;
	v32 =	vsub.f32 v32, v35  }
0x453: {  	v6 =	vmul.f32 v6, v14;
	v29 =	vsub.f32 v29, v38;
	v3 =	vmul.f32 v37, v5  }
0x454: {  	v41 =	vshll.u32 v8, $0x10;
	v5 =	vmul.f32 v12, v15;
	v12 =	vmul.f32 v24, v15  }
0x455: {  	v42 =	vor.u32 $0x1, v4;
	v24 =	vand.u32 $0xFFFF0000, v8;
	v3 =	vsub.f32 $1.500000000e+00, v3  }
0x456: {  	v44 =	vor.u32 $0x2, v4;
	v43 =	vshll.u32 v28, $0x10;
	v28 =	vand.u32 $0xFFFF0000, v28  }
0x457: {  	v45 =	vshll.u32 v7, $0x10;
	v46 =	vand.u32 $0xFFFF0000, v7;
	v3 =	vmul.f32 v37, v3  }
0x458: {  	v9 =	vadd.f32 v30, v18;
	v8 =	vadd.f32 v11, v39;
	v11 =	vmul.f32 v25, v16  }
0x459: {  	v6 =	vadd.f32 v34, v6;
	v7 =	vadd.f32 v33, v40;
	v17 =	vmul.f32 v3, v17;
	v30 =	vld.idx.msk [tilespmem:v4+s4+$0x0], $0xffff  }
0x45a: {  	v18 =	vmul.f32 v32, v14;
	v5 =	vadd.f32 v10, v5;
	v4 =	vadd.f32 v31, v12;
	v25 =	vld.idx.msk [tilespmem:v42+s4+$0x0], $0xffff  }
0x45b: {  	v29 =	vmul.f32 v29, v15;
	v10 =	vsub.f32 v24, v41;
	v24 =	vor.u32 $0x1, v13;
	v31 =	vld.idx.msk [tilespmem:v44+s4+$0x0], $0xffff;
	[tilespmem:s2+$0xF3B0] =	vst v17  }
0x45c: {  	v28 =	vsub.f32 v28, v43;
	v32 =	vsub.f32 v46, v45;
	v17 =	vmul.f32 v9, v9  }
0x45d: {  	v34 =	vmul.f32 v7, v7;
	v33 =	vmul.f32 v8, v8;
	v12 =	vadd.f32 v36, v11  }
0x45e: {  	v11 =	vadd.f32 v35, v18;
	v18 =	vmul.f32 v6, v6;
	v35 =	vmul.f32 v5, v5  }
0x45f: {  	v36 =	vmul.f32 v10, v16;
	v10 =	vadd.f32 v38, v29;
	v29 =	vmul.f32 v4, v4  }
0x460: {  	v33 =	vadd.f32 v33, v17;
	v17 =	vmul.f32 v28, v14;
	v28 =	vmul.f32 v32, v15;
	v24 =	vld.idx.msk [tilespmem:v24+s4+$0x0], $0xffff  }
0x461: {  	v34 =	vadd.f32 v18, v34;
	v32 =	vmul.f32 v12, v12;
	v29 =	vadd.f32 v29, v35  }
0x462: {  	v18 =	vadd.f32 v41, v36;
	v36 =	vmul.f32 v10, v10;
	v35 =	vmul.f32 v11, v11  }
0x463: {  	v37 =	vor.u32 $0x2, v13;
	v17 =	vadd.f32 v43, v17;
	v13 =	vadd.f32 v45, v28  }
0x464: {  	v28 =	vadd.f32 v32, v33;
	v32 =	vmul.f32 v18, v18;
	v33 =	vadd.f32 v35, v34  }
0x465: {  	v29 =	vadd.f32 v36, v29;
	v34 =	vmul.f32 v17, v17;
	v35 =	vmul.f32 v13, v13  }
0x466: {  	v28 =	vadd.f32 v32, v28;
	v32 =	vor.u32 $0x1, v19;
	v19 =	vor.u32 $0x2, v19  }
0x467: {  	v36 =	vshll.u32 v23, $0x10;
	v33 =	vadd.f32 v34, v33;
	v29 =	vadd.f32 v35, v29  }
0x468: {  	v38 =	vshll.u32 v22, $0x10;
	v34 =	vand.u32 $0xFFFF0000, v23;
	v23 =	vmax.f32 v28, $1.000000020e-24;
	v28 =	vld.idx.msk [tilespmem:v37+s4+$0x0], $0xffff  }
0x469: {  	v35 =	vshrl.u32 v23, $0x1;
	v33 =	vmax.f32 v33, $1.000000020e-24;
	v29 =	vmax.f32 v29, $1.000000020e-24  }
0x46a: {  	v23 =	vmul.f32 $5.000000000e-01, v23;
	v37 =	vshrl.u32 v33, $0x1;
	v33 =	vmul.f32 $5.000000000e-01, v33  }
0x46b: {  	v35 =	vsub.s32 $0x5F3759DF, v35;
	v39 =	vshrl.u32 v29, $0x1;
	v29 =	vmul.f32 $5.000000000e-01, v29;
	v32 =	vld.idx.msk [tilespmem:v32+s4+$0x0], $0xffff  }
0x46c: {  	v23 =	vmul.f32 v35, v23;
	v39 =	vsub.s32 $0x5F3759DF, v39;
	v37 =	vsub.s32 $0x5F3759DF, v37;
	v19 =	vld.idx.msk [tilespmem:v19+s4+$0x0], $0xffff  }
0x46d: {  	v40 =	vand.u32 $0xFFFF0000, v22;
	v29 =	vmul.f32 v39, v29;
	v22 =	vmul.f32 v37, v33  }
0x46e: {  	v41 =	vshll.u32 v24, $0x10;
	v42 =	vand.u32 $0xFFFF0000, v24;
	v33 =	vmul.f32 v35, v23  }
0x46f: {  	v45 =	vmul.f32 v39, v29;
	v44 =	vmul.f32 v37, v22;
	v43 =	vshll.u32 v28, $0x10  }
0x470: {  	v47 =	vand.u32 $0xFFFF0000, v25;
	v22 =	vshll.u32 v25, $0x10;
	v46 =	vand.u32 $0xFFFF0000, v28  }
0x471: {  	v23 =	vshll.u32 v31, $0x10;
	v29 =	vshll.u32 v32, $0x10;
	v32 =	vand.u32 $0xFFFF0000, v32  }
0x472: {  	v31 =	vand.u32 $0xFFFF0000, v31;
	v28 =	vshll.u32 v19, $0x10;
	v48 =	vand.u32 $0xFFFF0000, v19  }
0x473: {  	v49 =	vand.u32 $0xFFFF0000, v21;
	v24 =	vshll.u32 v26, $0x10;
	v25 =	vshll.u32 v21, $0x10  }
0x474: {  	v50 =	vand.u32 $0xFFFF0000, v26;
	v51 =	vand.u32 $0xFFFF0000, v27;
	v19 =	vshll.u32 v27, $0x10  }
0x475: {  	v26 =	vsub.f32 $1.500000000e+00, v33;
	v21 =	vshll.u32 v30, $0x10;
	v30 =	vand.u32 $0xFFFF0000, v30  }
0x476: {  	v20 =	vmul.f32 v3, v20;
	v33 =	vsub.f32 $1.500000000e+00, v44;
	v44 =	vsub.f32 $1.500000000e+00, v45  }
0x477: {  	v40 =	vsub.f32 v40, v38;
	v34 =	vsub.f32 v34, v36;
	v27 =	vmul.f32 v35, v26  }
0x478: {  	v35 =	vsub.f32 v42, v41;
	v42 =	vsub.f32 v46, v43;
	v26 =	vmul.f32 v37, v33;
	[tilespmem:s2+$0x93B0] =	vst v20  }
0x479: {  	v32 =	vsub.f32 v32, v29;
	v33 =	vsub.f32 v48, v28;
	v20 =	vmul.f32 v39, v44  }
0x47a: {  	v34 =	vmul.f32 v16, v34;
	v31 =	vsub.f32 v31, v23;
	v37 =	vsub.f32 v47, v22  }
0x47b: {  	v40 =	vmul.f32 v40, v16;
	v39 =	vsub.f32 v49, v25;
	v44 =	vsub.f32 v50, v24  }
.Ltmp9:
0x47c: {  	v30 =	vsub.f32 v30, v21;
	v46 =	vsub.f32 v51, v19;
	v45 =	vmul.f32 v14, v35;
	(pc) =	sbr.rel @p2 .LBB2_15-.Ltmp9, $4  }
0x47d: {  	s5 =	sadd.s32 $0x40, s5;
	v36 =	vadd.f32 v36, v34;
	v42 =	vmul.f32 v42, v14;
	v35 =	vmul.f32 v15, v32  }
0x47e: {  	s12 =	sand.u32 $0xFC0, s5;
	v38 =	vadd.f32 v38, v40;
	v32 =	vmul.f32 v0, v37;
	v34 =	vmul.f32 v33, v15  }
0x47f: {  	v33 =	vmul.f32 v31, v0;
	v16 =	vmul.f32 v16, v39;
	[tilespmem:s12+$0x5380] =	vst v36;
	v36 =	vadd.f32 v41, v45  }
0x480: {  	s11 =	sadd.s32 $0x100, s11;
	v37 =	vadd.f32 v43, v42;
	v31 =	vmul.f32 v14, v44;
	v14 =	vmul.f32 v15, v46;
	[tilespmem:s12+$0x7380] =	vst v38  }
0x481: {  	v9 =	vmul.f32 v27, v9;
	[tilespmem:s2+$0x5390] =	vst v36  }
0x482: {  	v8 =	vmul.f32 v27, v8;
	[tilespmem:s2+$0x7390] =	vst v37  }
0x483: {  	v12 =	vmul.f32 v27, v12;
	[tilespmem:s12+$0x9380] =	vst v9  }
0x484: {  	v52 =	vmul.f32 v27, v18;
	[tilespmem:s12+$0xB380] =	vst v8  }
0x485: {  	v7 =	vmul.f32 v26, v7;
	[tilespmem:s12+$0xD380] =	vst v12  }
0x486: {  	v6 =	vmul.f32 v26, v6;
	[tilespmem:s12+$0xF380] =	vst v52  }
0x487: {  	v53 =	vmul.f32 v26, v11;
	[tilespmem:s2+$0x9390] =	vst v7  }
0x488: {  	v54 =	vmul.f32 v26, v17;
	[tilespmem:s2+$0xB390] =	vst v6  }
0x489: {  	v5 =	vmul.f32 v20, v5;
	[tilespmem:s2+$0xD390] =	vst v53  }
0x48a: {  	v4 =	vmul.f32 v20, v4;
	[tilespmem:s2+$0xF390] =	vst v54  }
0x48b: {  	v55 =	vmul.f32 v20, v10;
	[tilespmem:s2+$0x93A0] =	vst v5  }
0x48c: {  	v56 =	vmul.f32 v20, v13;
	[tilespmem:s2+$0xB3A0] =	vst v4  }
0x48d: {  	v2 =	vmul.f32 v3, v2;
	[tilespmem:s2+$0xD3A0] =	vst v55  }
0x48e: {  	v1 =	vmul.f32 v3, v1;
	[tilespmem:s2+$0xF3A0] =	vst v56  }
0x48f: {  	v57 =	vadd.f32 v29, v35;
	[tilespmem:s2+$0xB3B0] =	vst v2  }
0x490: {  	v58 =	vadd.f32 v28, v34;
	[tilespmem:s2+$0xD3B0] =	vst v1  }
0x491: {  	v59 =	vadd.f32 v22, v32;
	[tilespmem:s2+$0x53A0] =	vst v57  }
0x492: {  	v60 =	vadd.f32 v23, v33;
	[tilespmem:s2+$0x73A0] =	vst v58  }
0x493: {  	v61 =	vadd.f32 v25, v16;
	[tilespmem:s2+$0x53B0] =	vst v59  }
0x494: {  	v0 =	vmul.f32 v0, v30;
	v62 =	vadd.f32 v24, v31;
	[tilespmem:s2+$0x73B0] =	vst v60  }
0x495: {  	v63 =	vadd.f32 v19, v14;
	[tilespmem:s12+$0x3380] =	vst v61  }
0x496: {  	v0 =	vadd.f32 v21, v0;
	[tilespmem:s2+$0x3390] =	vst v62  }
0x497: {  	[tilespmem:s2+$0x33A0] =	vst v63  }
0x498: {  	[tilespmem:s2+$0x33B0] =	vst v0  }
0x499: {  	s2 =	rddreg [dreg:$0x7]  }
0x49a: {  	[hbm4b:s2+s4] =	stream.linear.scatter [tilespmem:s25], [sflag:$0x3], $0x2000, $0x38;
	[tilespmem:$0x1E380] =	vst v63  }
0x49b: {  	s15 =	rddreg [dreg:$0x8]  }
0x49c: {  	[hbm4b:s15+s4] =	stream.linear.scatter [tilespmem:s26], [sflag:$0x3], $0x2000, $0x38;
	[tilespmem:$0x1E380] =	vst v63  }
0x49d: {  	s16 =	rddreg [dreg:$0x9]  }
0x49e: {  	[hbm4b:s16+s4] =	stream.linear.scatter [tilespmem:s28], [sflag:$0x3], $0x2000, $0x38;
	[tilespmem:$0x1E380] =	vst v63  }
0x49f: {  	s17 =	rddreg [dreg:$0xa]  }
0x4a0: {  	[hbm4b:s17+s4] =	stream.linear.scatter [tilespmem:s29], [sflag:$0x3], $0x2000, $0x38;
	[tilespmem:$0x1E380] =	vst v63  }
0x4a1: {  	s18 =	rddreg [dreg:$0xb]  }
0x4a2: {  	[hbm4b:s18+s4] =	stream.linear.scatter [tilespmem:s30], [sflag:$0x3], $0x2000, $0x38;
	[tilespmem:$0x1E380] =	vst v63  }
.Ltmp10:
0x4a3: {  	s19 =	rddreg [dreg:$0xc];
	(pc) =	sbr.rel .LBB2_17-.Ltmp10, $4  }
0x4a4: {  	s20 =	rddreg [dreg:$0xd]  }
0x4a5: {  	[hbm4b:s19+s4] =	stream.linear.scatter [tilespmem:s31], [sflag:$0x3], $0x2000, $0x38;
	[tilespmem:$0x1E380] =	vst v63  }
0x4a6: {  	s9 =	rddreg [dreg:$0xf]  }
0x4a7: {  	[hbm4b:s20+s4] =	stream.linear.scatter [tilespmem:s0], [sflag:$0x3], $0x2000, $0x38;
	[tilespmem:$0x1E380] =	vst v63  }
.LBB2_18:
0x4a8: {  	_ =	sfence.sel $0x180000  }
0x4a9: {  	[bflag:$0x0] =	sbarrier.arrive $0xFFFF  }
0x4aa: {  	_ =	strace $0x90000047  }
0x4ab: {  	s0 =	stileid.u32;
	[bflag:$0x2] =	sbarrier.arrive $0xFFFF  }
0x4ac: {  	p0 =	sne.s32 s0, $0x0;
	s0 =	rddreg [dreg:$0x3]  }
0x4ad: {  	s0 =	sadd.s32 @!p0 $0x100000, s0  }
0x4ae: {  	[sflag:s0] =	ssyncadd.tile.s32 @!p0 $0x1;
	_ =	shalt  }
.Lfunc_end2:
_tile_overlayer_lowered:
.L_overlay_start_2:
0x4af: {  	(tag) =	ssettag $0x2  }
0x4b0: {  	s0 =	rddreg [dreg:$0x0];
	s2 =	stileid.u32  }
0x4b1: {  	s1 =	rddreg [dreg:$0x1];
	p0 =	sne.s32 s2, $0x0  }
0x4b2: {  	s3 =	rddreg [dreg:$0x2];
	[bflag:$0x3] =	sbarrier.arrive $0xFFFF;
	s2 =	simm.s32 @!p0 $0x1C05  }
0x4b3: {  	[timem:s3], [sflag:s2] =	dma.local @!p0 [hbm:s0], s1  }
0x4b4: {  	s0 =	simm.s32 @!p0 $0x5  }
0x4b5: {  	_ =	swait.ge @!p0 [sflag:s0], s1  }
0x4b6: {  	s1 =	ssub.s32 @!p0 $0x0, s1;
	[sflag:s0] =	ssyncset.done @!p0 $0x0  }
0x4b7: {  	[sflag:s0] =	ssyncadd.s32 @!p0 s1  }
0x4b8: {  	[bflag:$0x3] =	sbarrier.arrive $0xFFFF  }
0x4b9: {  	_ =	shalt  }

</sc_bundles>
